<compile_context>
chip_gen: v7x
topology: tpu7x:2x2x1
jax: 0.10.2.dev20260603
libtpu: 0.0.44.dev20260713+nightly
codegen_flags: <defaults>
</compile_context>

<pallas_src>
import functools

import jax
import jax.numpy as jnp
from jax import lax
from jax.experimental import pallas as pl
from jax.experimental.pallas import tpu as pltpu
from jax.experimental.pallas import tpu_sc as plsc

N = 10000
NPAD = 10240
IN_DIM = 256
NC, NS = 2, 16
NW = NC * NS
ROWS_PER_TILE = NPAD // NS
E = 160000
B = 128
NCH0 = 62
NCH1 = 17
NCHM = max(NCH0, NCH1)
E0 = NS * B * NCH0
CAP1 = NS * B * NCH1
DEG_W = 16
_f32 = jnp.float32

@functools.cache
def _get_mesh():
    return plsc.VectorSubcoreMesh(core_axis_name="c", subcore_axis_name="s")


def _core_loop(c, step):
    @pl.when(c == 0)
    def _():
        lax.fori_loop(0, NCH0, step, 0)

    @pl.when(c != 0)
    def _():
        lax.fori_loop(0, NCH1, step, 0)


def _deg_body(dsts, ones, out, dst_v, ones_v, accum):
    c = lax.axis_index("c")
    s = lax.axis_index("s")
    pltpu.sync_copy(dsts.at[c, s], dst_v)
    pltpu.sync_copy(ones.at[pl.ds(0, B)], ones_v)
    r0 = s * ROWS_PER_TILE
    pltpu.sync_copy(ones.at[pl.ds(r0, ROWS_PER_TILE)],
                    accum.at[pl.ds(r0, ROWS_PER_TILE)])
    plsc.subcore_barrier()

    def step(j, carry):
        pltpu.sync_copy(ones_v, accum.at[dst_v.at[j]], add=True)
        return carry

    _core_loop(c, step)
    plsc.subcore_barrier()
    pltpu.sync_copy(accum.at[pl.ds(r0, ROWS_PER_TILE)],
                    out.at[c, pl.ds(r0, ROWS_PER_TILE)])


@functools.cache
def _deg_call():
    return pl.kernel(
        _deg_body,
        out_type=jax.ShapeDtypeStruct((NC, NPAD, DEG_W), _f32),
        mesh=_get_mesh(),
        scratch_types=[
            pltpu.VMEM((NCHM, B), jnp.int32),
            pltpu.VMEM((B, DEG_W), _f32),
            pltpu.VMEM_SHARED((NPAD, DEG_W), _f32),
        ],
    )


@functools.cache
def _agg_call(d):
    def body(table, srcs, dsts, out, src_v, dst_v, m0, m1, accum, g0, g1):
        c = lax.axis_index("c")
        s = lax.axis_index("s")
        pltpu.sync_copy(srcs.at[c, s], src_v)
        pltpu.sync_copy(dsts.at[c, s], dst_v)
        r0 = s * ROWS_PER_TILE
        pltpu.sync_copy(table.at[pl.ds(r0, ROWS_PER_TILE)],
                        accum.at[pl.ds(r0, ROWS_PER_TILE)])
        pltpu.async_copy(table.at[src_v.at[0]], m0, g0)
        plsc.subcore_barrier()

        def make_pair(nch):
            def pair(i, carry):
                j = 2 * i

                @pl.when(j + 1 < nch)
                def _():
                    pltpu.async_copy(table.at[src_v.at[j + 1]], m1, g1)

                pltpu.make_async_copy(table.at[src_v.at[j]], m0, g0).wait()
                pltpu.sync_copy(m0, accum.at[dst_v.at[j]], add=True)

                @pl.when(j + 2 < nch)
                def _():
                    pltpu.async_copy(table.at[src_v.at[j + 2]], m0, g0)

                @pl.when(j + 1 < nch)
                def _():
                    pltpu.make_async_copy(
                        table.at[src_v.at[j + 1]], m1, g1).wait()
                    pltpu.sync_copy(m1, accum.at[dst_v.at[j + 1]], add=True)

                return carry

            return pair

        @pl.when(c == 0)
        def _():
            lax.fori_loop(0, (NCH0 + 1) // 2, make_pair(NCH0), 0)

        @pl.when(c != 0)
        def _():
            lax.fori_loop(0, (NCH1 + 1) // 2, make_pair(NCH1), 0)

        plsc.subcore_barrier()
        pltpu.sync_copy(accum.at[pl.ds(r0, ROWS_PER_TILE)],
                        out.at[c, pl.ds(r0, ROWS_PER_TILE)])

    return pl.kernel(
        body,
        out_type=jax.ShapeDtypeStruct((NC, NPAD, d), _f32),
        mesh=_get_mesh(),
        scratch_types=[
            pltpu.VMEM((NCHM, B), jnp.int32),
            pltpu.VMEM((NCHM, B), jnp.int32),
            pltpu.VMEM((B, d), _f32),
            pltpu.VMEM((B, d), _f32),
            pltpu.VMEM_SHARED((NPAD, d), _f32),
            pltpu.SemaphoreType.DMA,
            pltpu.SemaphoreType.DMA,
        ],
    )


def _rows_mask():
    return lax.broadcasted_iota(jnp.int32, (NPAD, 1), 0) < N


def _stage0_body(x_ref, w_ref, pdeg_ref, h_ref, dinv_ref):
    deg = pdeg_ref[0, :, 0:1] + pdeg_ref[1, :, 0:1] - 1.0
    dinv = jnp.where(_rows_mask(), lax.rsqrt(deg), 0.0)
    h = jnp.dot(x_ref[...], w_ref[...], preferred_element_type=_f32)
    h_ref[...] = h * dinv
    dinv_ref[...] = dinv


def _stage_bn_body(p_ref, hprev_ref, dinv_ref, b_ref, g_ref, be_ref, w_ref,
                   out_ref):
    s = p_ref[0] + p_ref[1] - hprev_ref[...]
    dinv = dinv_ref[...]
    u = s * dinv + b_ref[...]
    us = jnp.where(_rows_mask(), u, 0.0)
    m = jnp.sum(us, axis=0, keepdims=True) / N
    v = jnp.sum(us * us, axis=0, keepdims=True) / N - m * m
    y = jnp.maximum((u - m) * lax.rsqrt(v + 1e-5) * g_ref[...] + be_ref[...],
                    0.0)
    out_ref[...] = jnp.dot(y, w_ref[...], preferred_element_type=_f32) * dinv


def _stage3_body(p_ref, hprev_ref, dinv_ref, b_ref, out_ref):
    s = p_ref[0] + p_ref[1] - hprev_ref[...]
    dinv = dinv_ref[...]
    y = jnp.maximum(s * dinv + b_ref[...], 0.0)
    out_ref[...] = y * dinv


def _stage4_body(p_ref, hprev_ref, dinv_ref, w_ref, b_ref, out_ref):
    s = p_ref[0] + p_ref[1] - hprev_ref[...]
    z = jnp.dot(s * dinv_ref[...], w_ref[...],
                preferred_element_type=_f32) + b_ref[...]
    zm = z - jnp.max(z, axis=1, keepdims=True)
    ls = zm - jnp.log(jnp.sum(jnp.exp(zm), axis=1, keepdims=True))
    out_ref[...] = ls[0:N]


def _tc(body, out_shape):
    return pl.pallas_call(body, out_shape=out_shape)


def _padcols(a, cols):
    return jnp.zeros((a.shape[0], cols), _f32).at[:, : a.shape[1]].set(a)


def _padrow(v, cols):
    return jnp.zeros((1, cols), _f32).at[0, : v.shape[0]].set(v)


def kernel(x, edge_index, W1, b1, g1, be1, W2, b2, g2, be2, W3, b3, W4, b4):
    src = edge_index[0]
    dst = edge_index[1]

    def _split(idx):
        a = idx[:E0].reshape(NS, NCH0, B)
        b = jnp.concatenate(
            [idx[E0:], jnp.full((CAP1 - (E - E0),), N, jnp.int32)]
        ).reshape(NS, NCH1, B)
        b = jnp.concatenate(
            [b, jnp.full((NS, NCHM - NCH1, B), N, jnp.int32)], axis=1)
        return jnp.stack([a, b])

    srcs = _split(src)
    dsts = _split(dst)
    ones = jnp.ones((NPAD, DEG_W), _f32)
    x_pad = jnp.zeros((NPAD, IN_DIM), _f32).at[:N].set(x)
    D = 128
    W2p = _padcols(W2, D)
    W3p = _padcols(jnp.zeros((D, W3.shape[1]), _f32).at[:64].set(W3), D)
    W4p = jnp.zeros((D, 2), _f32).at[:32].set(W4)
    b1r, g1r, be1r = _padrow(b1, D), _padrow(g1, D), _padrow(be1, D)
    b2r, g2r, be2r = _padrow(b2, D), _padrow(g2, D), _padrow(be2, D)
    b3r, b4r = _padrow(b3, D), b4.reshape(1, -1)

    pdeg = _deg_call()(dsts, ones)
    h1, dinv = _tc(_stage0_body,
                   (jax.ShapeDtypeStruct((NPAD, D), _f32),
                    jax.ShapeDtypeStruct((NPAD, 1), _f32)))(x_pad, W1, pdeg)
    p1 = _agg_call(D)(h1, srcs, dsts)
    h2 = _tc(_stage_bn_body, jax.ShapeDtypeStruct((NPAD, D), _f32))(
        p1, h1, dinv, b1r, g1r, be1r, W2p)
    p2 = _agg_call(D)(h2, srcs, dsts)
    h3 = _tc(_stage_bn_body, jax.ShapeDtypeStruct((NPAD, D), _f32))(
        p2, h2, dinv, b2r, g2r, be2r, W3p)
    p3 = _agg_call(D)(h3, srcs, dsts)
    h4 = _tc(_stage3_body, jax.ShapeDtypeStruct((NPAD, D), _f32))(
        p3, h3, dinv, b3r)
    p4 = _agg_call(D)(h4, srcs, dsts)
    out = _tc(_stage4_body, jax.ShapeDtypeStruct((N, 2), _f32))(
        p4, h4, dinv, W4p, b4r)
    return out

# --- scband reference (transcript-rebuilt; emitter-appended) ---
"""Pipeline reference for scband-fraud-gnn-83468394430773 (READ-ONLY COPY).

The authoritative reference and input builder live on the scoring server;
editing this copy changes nothing except your own understanding.
"""

import jax, jax.numpy as jnp
import numpy as np

N = 10000
E = 160000
IN = 256


def _glorot(key, shape):
    fan = shape[0] + shape[1]
    lim = jnp.sqrt(6.0 / fan)
    return jax.random.uniform(key, shape, dtype=jnp.float32, minval=-lim, maxval=lim)


def setup_inputs(seed: int = 0):
    key = jax.random.key(seed)
    ks = jax.random.split(key, 8)
    x = jax.random.normal(ks[0], (N, IN), dtype=jnp.float32)
    edge_index = jax.random.randint(ks[1], (2, E), 0, N, dtype=jnp.int32)
    return {
        "x": x,
        "edge_index": edge_index,
        "W1": _glorot(ks[2], (IN, 128)),
        "b1": jnp.zeros((128,), jnp.float32),
        "g1": jnp.ones((128,), jnp.float32),
        "be1": jnp.zeros((128,), jnp.float32),
        "W2": _glorot(ks[3], (128, 64)),
        "b2": jnp.zeros((64,), jnp.float32),
        "g2": jnp.ones((64,), jnp.float32),
        "be2": jnp.zeros((64,), jnp.float32),
        "W3": _glorot(ks[4], (64, 32)),
        "b3": jnp.zeros((32,), jnp.float32),
        "W4": _glorot(ks[5], (32, 2)),
        "b4": jnp.zeros((2,), jnp.float32),
    }


def _gcn_conv(x, src, dst, W, b, n):
    # GCNConv: symmetric normalization with self-loops already appended to src/dst
    h = x @ W
    deg = jnp.zeros((n,), h.dtype).at[dst].add(1.0)
    dinv = jnp.where(deg > 0, 1.0 / jnp.sqrt(deg), 0.0)
    norm = dinv[src] * dinv[dst]
    msg = h[src] * norm[:, None]
    out = jnp.zeros((n, h.shape[1]), h.dtype).at[dst].add(msg)
    return out + b


def _bn(x, g, b, eps=1e-5):
    # BatchNorm1d in training mode: batch statistics, biased variance
    m = jnp.mean(x, axis=0)
    v = jnp.var(x, axis=0)
    return (x - m) / jnp.sqrt(v + eps) * g + b


def reference(x, edge_index, W1, b1, g1, be1, W2, b2, g2, be2, W3, b3, W4, b4):
    n = x.shape[0]
    loop = jnp.arange(n, dtype=edge_index.dtype)
    src = jnp.concatenate([edge_index[0], loop])
    dst = jnp.concatenate([edge_index[1], loop])
    # dropout treated as identity (eval mode) for a deterministic reference
    h = jax.nn.relu(_bn(_gcn_conv(x, src, dst, W1, b1, n), g1, be1))
    h = jax.nn.relu(_bn(_gcn_conv(h, src, dst, W2, b2, n), g2, be2))
    h = jax.nn.relu(_gcn_conv(h, src, dst, W3, b3, n))
    h = _gcn_conv(h, src, dst, W4, b4, n)
    return jax.nn.log_softmax(h, axis=1)

if __name__ == "__main__":
    import jax
    _d = setup_inputs()
    print(jax.jit(kernel)(*tuple(_d.values())))

</pallas_src>

<mosaic_0001>
#map = affine_map<(d0, d1) -> (0, 0, 0, 0)>
#map1 = affine_map<(d0, d1) -> (0, 0)>
#map2 = affine_map<(d0, d1) -> (0, 0, 0)>
module attributes {stable_mosaic.version = 14 : i64} {
  func.func @_deg_body(%arg0: i32, %arg1: i32, %arg2: memref<2x16x62x128xi32, #tpu.memory_space<hbm>>, %arg3: memref<10240x16xf32, #tpu.memory_space<hbm>>, %arg4: memref<2x10240x16xf32, #tpu.memory_space<hbm>>, %arg5: memref<62x128xi32, #tpu.memory_space<vmem>>, %arg6: memref<128x16xf32, #tpu.memory_space<vmem>>, %arg7: memref<10240x16xf32, #tpu.memory_space<vmem_shared>>) attributes {dimension_semantics = [#tpu.dimension_semantics<core_parallel>, #tpu.dimension_semantics<subcore_parallel>], iteration_bounds = array<i64: 2, 16>, scalar_prefetch = 0 : i64, scratch_operands = 3 : i64, tpu.core_type = #tpu.core_type<sc_vector_subcore>, window_params = [{transform_indices = #map}, {transform_indices = #map1}, {transform_indices = #map2}]} {
    "tpu.region"() ({
      %run_scoped3A = tpu.sem_alloc : memref<!tpu.dma_semaphore, #tpu.memory_space<semaphore_mem>>
      %dma_start3A = arith.constant 0 : i32
      %dma_start3A_8 = arith.constant 0 : i32
      %dma_start3A_9 = tpu.memref_slice %arg2[%arg0, %arg1, %dma_start3A, %dma_start3A_8] : memref<2x16x62x128xi32, #tpu.memory_space<hbm>> -> memref<1x1x62x128xi32, #tpu.memory_space<hbm>>
      %dma_start3A_10 = tpu.memref_squeeze %dma_start3A_9 : memref<1x1x62x128xi32, #tpu.memory_space<hbm>> -> memref<62x128xi32, #tpu.memory_space<hbm>>
      %dma_start3A_11 = arith.constant 0 : i32
      %dma_start3A_12 = arith.constant 0 : i32
      %dma_start3A_13 = tpu.memref_slice %arg2[%arg0, %arg1, %dma_start3A_11, %dma_start3A_12] : memref<2x16x62x128xi32, #tpu.memory_space<hbm>> -> memref<1x1x62x128xi32, #tpu.memory_space<hbm>>
      %dma_start3A_14 = tpu.memref_squeeze %dma_start3A_13 : memref<1x1x62x128xi32, #tpu.memory_space<hbm>> -> memref<62x128xi32, #tpu.memory_space<hbm>>
      tpu.enqueue_dma source(%dma_start3A_14 : memref<62x128xi32, #tpu.memory_space<hbm>>) target(%arg5 : memref<62x128xi32, #tpu.memory_space<vmem>>) target_semaphore(%run_scoped3A : memref<!tpu.dma_semaphore, #tpu.memory_space<semaphore_mem>>)
      %dma_wait3A = arith.constant 0 : i32
      %dma_wait3A_15 = arith.constant 0 : i32
      %dma_wait3A_16 = tpu.memref_slice %arg2[%arg0, %arg1, %dma_wait3A, %dma_wait3A_15] : memref<2x16x62x128xi32, #tpu.memory_space<hbm>> -> memref<1x1x62x128xi32, #tpu.memory_space<hbm>>
      %dma_wait3A_17 = tpu.memref_squeeze %dma_wait3A_16 : memref<1x1x62x128xi32, #tpu.memory_space<hbm>> -> memref<62x128xi32, #tpu.memory_space<hbm>>
      %dma_wait3A_18 = arith.constant 0 : i32
      %dma_wait3A_19 = arith.constant 0 : i32
      %dma_wait3A_20 = tpu.memref_slice %arg2[%arg0, %arg1, %dma_wait3A_18, %dma_wait3A_19] : memref<2x16x62x128xi32, #tpu.memory_space<hbm>> -> memref<1x1x62x128xi32, #tpu.memory_space<hbm>>
      %dma_wait3A_21 = tpu.memref_squeeze %dma_wait3A_20 : memref<1x1x62x128xi32, #tpu.memory_space<hbm>> -> memref<62x128xi32, #tpu.memory_space<hbm>>
      tpu.wait_dma2 semaphore(%run_scoped3A : memref<!tpu.dma_semaphore, #tpu.memory_space<semaphore_mem>>) src(%dma_wait3A_21 : memref<62x128xi32, #tpu.memory_space<hbm>>) dst(%arg5 : memref<62x128xi32, #tpu.memory_space<vmem>>)
      tpu.yield
    }) : () -> ()
    "tpu.region"() ({
      %run_scoped3A = tpu.sem_alloc : memref<!tpu.dma_semaphore, #tpu.memory_space<semaphore_mem>>
      %dma_start3A = arith.constant 0 : i32
      %dma_start3A_8 = arith.constant 0 : i32
      %dma_start3A_9 = tpu.memref_slice %arg3[%dma_start3A, %dma_start3A_8] : memref<10240x16xf32, #tpu.memory_space<hbm>> -> memref<128x16xf32, #tpu.memory_space<hbm>>
      %dma_start3A_10 = arith.constant 0 : i32
      %dma_start3A_11 = arith.constant 0 : i32
      %dma_start3A_12 = tpu.memref_slice %arg3[%dma_start3A_10, %dma_start3A_11] : memref<10240x16xf32, #tpu.memory_space<hbm>> -> memref<128x16xf32, #tpu.memory_space<hbm>>
      tpu.enqueue_dma source(%dma_start3A_12 : memref<128x16xf32, #tpu.memory_space<hbm>>) target(%arg6 : memref<128x16xf32, #tpu.memory_space<vmem>>) target_semaphore(%run_scoped3A : memref<!tpu.dma_semaphore, #tpu.memory_space<semaphore_mem>>)
      %dma_wait3A = arith.constant 0 : i32
      %dma_wait3A_13 = arith.constant 0 : i32
      %dma_wait3A_14 = tpu.memref_slice %arg3[%dma_wait3A, %dma_wait3A_13] : memref<10240x16xf32, #tpu.memory_space<hbm>> -> memref<128x16xf32, #tpu.memory_space<hbm>>
      %dma_wait3A_15 = arith.constant 0 : i32
      %dma_wait3A_16 = arith.constant 0 : i32
      %dma_wait3A_17 = tpu.memref_slice %arg3[%dma_wait3A_15, %dma_wait3A_16] : memref<10240x16xf32, #tpu.memory_space<hbm>> -> memref<128x16xf32, #tpu.memory_space<hbm>>
      tpu.wait_dma2 semaphore(%run_scoped3A : memref<!tpu.dma_semaphore, #tpu.memory_space<semaphore_mem>>) src(%dma_wait3A_17 : memref<128x16xf32, #tpu.memory_space<hbm>>) dst(%arg6 : memref<128x16xf32, #tpu.memory_space<vmem>>)
      tpu.yield
    }) : () -> ()
    %mul3A = arith.constant 640 : i32
    %mul3A_0 = arith.muli %arg1, %mul3A : i32
    "tpu.region"() ({
      %run_scoped3A = tpu.sem_alloc : memref<!tpu.dma_semaphore, #tpu.memory_space<semaphore_mem>>
      %dma_start3A = arith.constant 0 : i32
      %dma_start3A_8 = tpu.memref_slice %arg7[%mul3A_0, %dma_start3A] : memref<10240x16xf32, #tpu.memory_space<vmem_shared>> -> memref<640x16xf32, #tpu.memory_space<vmem_shared>>
      %dma_start3A_9 = arith.constant 0 : i32
      %dma_start3A_10 = tpu.memref_slice %arg3[%mul3A_0, %dma_start3A_9] : memref<10240x16xf32, #tpu.memory_space<hbm>> -> memref<640x16xf32, #tpu.memory_space<hbm>>
      tpu.enqueue_dma source(%dma_start3A_10 : memref<640x16xf32, #tpu.memory_space<hbm>>) target(%dma_start3A_8 : memref<640x16xf32, #tpu.memory_space<vmem_shared>>) target_semaphore(%run_scoped3A : memref<!tpu.dma_semaphore, #tpu.memory_space<semaphore_mem>>)
      %dma_wait3A = arith.constant 0 : i32
      %dma_wait3A_11 = tpu.memref_slice %arg7[%mul3A_0, %dma_wait3A] : memref<10240x16xf32, #tpu.memory_space<vmem_shared>> -> memref<640x16xf32, #tpu.memory_space<vmem_shared>>
      %dma_wait3A_12 = arith.constant 0 : i32
      %dma_wait3A_13 = tpu.memref_slice %arg3[%mul3A_0, %dma_wait3A_12] : memref<10240x16xf32, #tpu.memory_space<hbm>> -> memref<640x16xf32, #tpu.memory_space<hbm>>
      tpu.wait_dma2 semaphore(%run_scoped3A : memref<!tpu.dma_semaphore, #tpu.memory_space<semaphore_mem>>) src(%dma_wait3A_13 : memref<640x16xf32, #tpu.memory_space<hbm>>) dst(%dma_wait3A_11 : memref<640x16xf32, #tpu.memory_space<vmem_shared>>)
      tpu.yield
    }) : () -> ()
    %barrier3A = arith.constant 0 : index
    tpu.barrier barrier_id(%barrier3A)
    %eq3A = arith.constant 0 : i32
    %eq3A_1 = arith.cmpi eq, %arg0, %eq3A : i32
    %convert_element_type3A = arith.extui %eq3A_1 : i1 to i32
    %cond3A = arith.constant 0 : i32
    %cond3A_2 = arith.cmpi ne, %convert_element_type3A, %cond3A : i32
    scf.if %cond3A_2 {
      %scan3A = arith.constant 0 : i32
      %scan3A_8 = arith.constant 0 : i32
      %scan3A_9 = arith.constant 62 : i32
      %scan3A_10 = arith.addi %scan3A_8, %scan3A_9 : i32
      %scan3A_11 = arith.constant 1 : i32
      scf.for %scan3A_13 = %scan3A_8 to %scan3A_10 step %scan3A_11  : i32 {
        "tpu.region"() ({
          %run_scoped3A = tpu.sem_alloc : memref<!tpu.dma_semaphore, #tpu.memory_space<semaphore_mem>>
          %dma_start3A = arith.constant 0 : i32
          %dma_start3A_14 = tpu.memref_slice %arg5[%scan3A_13, %dma_start3A] : memref<62x128xi32, #tpu.memory_space<vmem>> -> memref<1x128xi32, #tpu.memory_space<vmem>>
          %dma_start3A_15 = tpu.memref_squeeze %dma_start3A_14 : memref<1x128xi32, #tpu.memory_space<vmem>> -> memref<128xi32, #tpu.memory_space<vmem>>
          %dma_start3A_16 = arith.constant 0 : i32
          %dma_start3A_17 = arith.constant 0 : i32
          %dma_start3A_18 = tpu.memref_slice %arg7[%dma_start3A_16, %dma_start3A_17] : memref<10240x16xf32, #tpu.memory_space<vmem_shared>> -> memref<10240x16xf32, #tpu.memory_space<vmem_shared>>
          tpu.enqueue_indirect_dma source(%arg6 : memref<128x16xf32, #tpu.memory_space<vmem>>) target(%dma_start3A_18 : memref<10240x16xf32, #tpu.memory_space<vmem_shared>>) offsets(%dma_start3A_15 : memref<128xi32, #tpu.memory_space<vmem>>) semaphore(%run_scoped3A : memref<!tpu.dma_semaphore, #tpu.memory_space<semaphore_mem>>) {add = true}
          %dma_wait3A = arith.constant 0 : i32
          %dma_wait3A_19 = tpu.memref_slice %arg5[%scan3A_13, %dma_wait3A] : memref<62x128xi32, #tpu.memory_space<vmem>> -> memref<1x128xi32, #tpu.memory_space<vmem>>
          %dma_wait3A_20 = tpu.memref_squeeze %dma_wait3A_19 : memref<1x128xi32, #tpu.memory_space<vmem>> -> memref<128xi32, #tpu.memory_space<vmem>>
          %dma_wait3A_21 = arith.constant 0 : i32
          %dma_wait3A_22 = arith.constant 0 : i32
          %dma_wait3A_23 = tpu.memref_slice %arg7[%dma_wait3A_21, %dma_wait3A_22] : memref<10240x16xf32, #tpu.memory_space<vmem_shared>> -> memref<10240x16xf32, #tpu.memory_space<vmem_shared>>
          tpu.wait_indirect_dma semaphore(%run_scoped3A : memref<!tpu.dma_semaphore, #tpu.memory_space<semaphore_mem>>) src(%arg6 : memref<128x16xf32, #tpu.memory_space<vmem>>) dst(%dma_wait3A_23 : memref<10240x16xf32, #tpu.memory_space<vmem_shared>>)
          tpu.yield
        }) : () -> ()
      }
      %scan3A_12 = arith.constant 62 : i32
    } else {
    }
    %ne3A = arith.constant 0 : i32
    %ne3A_3 = arith.cmpi ne, %arg0, %ne3A : i32
    %convert_element_type3A_4 = arith.extui %ne3A_3 : i1 to i32
    %cond3A_5 = arith.constant 0 : i32
    %cond3A_6 = arith.cmpi ne, %convert_element_type3A_4, %cond3A_5 : i32
    scf.if %cond3A_6 {
      %scan3A = arith.constant 0 : i32
      %scan3A_8 = arith.constant 0 : i32
      %scan3A_9 = arith.constant 17 : i32
      %scan3A_10 = arith.addi %scan3A_8, %scan3A_9 : i32
      %scan3A_11 = arith.constant 1 : i32
      scf.for %scan3A_13 = %scan3A_8 to %scan3A_10 step %scan3A_11  : i32 {
        "tpu.region"() ({
          %run_scoped3A = tpu.sem_alloc : memref<!tpu.dma_semaphore, #tpu.memory_space<semaphore_mem>>
          %dma_start3A = arith.constant 0 : i32
          %dma_start3A_14 = tpu.memref_slice %arg5[%scan3A_13, %dma_start3A] : memref<62x128xi32, #tpu.memory_space<vmem>> -> memref<1x128xi32, #tpu.memory_space<vmem>>
          %dma_start3A_15 = tpu.memref_squeeze %dma_start3A_14 : memref<1x128xi32, #tpu.memory_space<vmem>> -> memref<128xi32, #tpu.memory_space<vmem>>
          %dma_start3A_16 = arith.constant 0 : i32
          %dma_start3A_17 = arith.constant 0 : i32
          %dma_start3A_18 = tpu.memref_slice %arg7[%dma_start3A_16, %dma_start3A_17] : memref<10240x16xf32, #tpu.memory_space<vmem_shared>> -> memref<10240x16xf32, #tpu.memory_space<vmem_shared>>
          tpu.enqueue_indirect_dma source(%arg6 : memref<128x16xf32, #tpu.memory_space<vmem>>) target(%dma_start3A_18 : memref<10240x16xf32, #tpu.memory_space<vmem_shared>>) offsets(%dma_start3A_15 : memref<128xi32, #tpu.memory_space<vmem>>) semaphore(%run_scoped3A : memref<!tpu.dma_semaphore, #tpu.memory_space<semaphore_mem>>) {add = true}
          %dma_wait3A = arith.constant 0 : i32
          %dma_wait3A_19 = tpu.memref_slice %arg5[%scan3A_13, %dma_wait3A] : memref<62x128xi32, #tpu.memory_space<vmem>> -> memref<1x128xi32, #tpu.memory_space<vmem>>
          %dma_wait3A_20 = tpu.memref_squeeze %dma_wait3A_19 : memref<1x128xi32, #tpu.memory_space<vmem>> -> memref<128xi32, #tpu.memory_space<vmem>>
          %dma_wait3A_21 = arith.constant 0 : i32
          %dma_wait3A_22 = arith.constant 0 : i32
          %dma_wait3A_23 = tpu.memref_slice %arg7[%dma_wait3A_21, %dma_wait3A_22] : memref<10240x16xf32, #tpu.memory_space<vmem_shared>> -> memref<10240x16xf32, #tpu.memory_space<vmem_shared>>
          tpu.wait_indirect_dma semaphore(%run_scoped3A : memref<!tpu.dma_semaphore, #tpu.memory_space<semaphore_mem>>) src(%arg6 : memref<128x16xf32, #tpu.memory_space<vmem>>) dst(%dma_wait3A_23 : memref<10240x16xf32, #tpu.memory_space<vmem_shared>>)
          tpu.yield
        }) : () -> ()
      }
      %scan3A_12 = arith.constant 17 : i32
    } else {
    }
    %barrier3A_7 = arith.constant 0 : index
    tpu.barrier barrier_id(%barrier3A_7)
    "tpu.region"() ({
      %run_scoped3A = tpu.sem_alloc : memref<!tpu.dma_semaphore, #tpu.memory_space<semaphore_mem>>
      %dma_start3A = arith.constant 0 : i32
      %dma_start3A_8 = tpu.memref_slice %arg4[%arg0, %mul3A_0, %dma_start3A] : memref<2x10240x16xf32, #tpu.memory_space<hbm>> -> memref<1x640x16xf32, #tpu.memory_space<hbm>>
      %dma_start3A_9 = tpu.memref_squeeze %dma_start3A_8 : memref<1x640x16xf32, #tpu.memory_space<hbm>> -> memref<640x16xf32, #tpu.memory_space<hbm>>
      %dma_start3A_10 = arith.constant 0 : i32
      %dma_start3A_11 = tpu.memref_slice %arg7[%mul3A_0, %dma_start3A_10] : memref<10240x16xf32, #tpu.memory_space<vmem_shared>> -> memref<640x16xf32, #tpu.memory_space<vmem_shared>>
      tpu.enqueue_dma source(%dma_start3A_11 : memref<640x16xf32, #tpu.memory_space<vmem_shared>>) target(%dma_start3A_9 : memref<640x16xf32, #tpu.memory_space<hbm>>) target_semaphore(%run_scoped3A : memref<!tpu.dma_semaphore, #tpu.memory_space<semaphore_mem>>)
      %dma_wait3A = arith.constant 0 : i32
      %dma_wait3A_12 = tpu.memref_slice %arg4[%arg0, %mul3A_0, %dma_wait3A] : memref<2x10240x16xf32, #tpu.memory_space<hbm>> -> memref<1x640x16xf32, #tpu.memory_space<hbm>>
      %dma_wait3A_13 = tpu.memref_squeeze %dma_wait3A_12 : memref<1x640x16xf32, #tpu.memory_space<hbm>> -> memref<640x16xf32, #tpu.memory_space<hbm>>
      %dma_wait3A_14 = arith.constant 0 : i32
      %dma_wait3A_15 = tpu.memref_slice %arg7[%mul3A_0, %dma_wait3A_14] : memref<10240x16xf32, #tpu.memory_space<vmem_shared>> -> memref<640x16xf32, #tpu.memory_space<vmem_shared>>
      tpu.wait_dma2 semaphore(%run_scoped3A : memref<!tpu.dma_semaphore, #tpu.memory_space<semaphore_mem>>) src(%dma_wait3A_15 : memref<640x16xf32, #tpu.memory_space<vmem_shared>>) dst(%dma_wait3A_13 : memref<640x16xf32, #tpu.memory_space<hbm>>)
      tpu.yield
    }) : () -> ()
    return
  }
}

#map = affine_map<(d0, d1) -> (0, 0)>
#map1 = affine_map<(d0, d1) -> (0, 0, 0, 0)>
#map2 = affine_map<(d0, d1) -> (0, 0, 0)>
module attributes {stable_mosaic.version = 14 : i64} {
  func.func @body(%arg0: i32, %arg1: i32, %arg2: memref<10240x128xf32, #tpu.memory_space<hbm>>, %arg3: memref<2x16x62x128xi32, #tpu.memory_space<hbm>>, %arg4: memref<2x16x62x128xi32, #tpu.memory_space<hbm>>, %arg5: memref<2x10240x128xf32, #tpu.memory_space<hbm>>, %arg6: memref<62x128xi32, #tpu.memory_space<vmem>>, %arg7: memref<62x128xi32, #tpu.memory_space<vmem>>, %arg8: memref<128x128xf32, #tpu.memory_space<vmem>>, %arg9: memref<128x128xf32, #tpu.memory_space<vmem>>, %arg10: memref<10240x128xf32, #tpu.memory_space<vmem_shared>>, %arg11: memref<!tpu.dma_semaphore, #tpu.memory_space<semaphore_mem>>, %arg12: memref<!tpu.dma_semaphore, #tpu.memory_space<semaphore_mem>>) attributes {dimension_semantics = [#tpu.dimension_semantics<core_parallel>, #tpu.dimension_semantics<subcore_parallel>], iteration_bounds = array<i64: 2, 16>, scalar_prefetch = 0 : i64, scratch_operands = 7 : i64, tpu.core_type = #tpu.core_type<sc_vector_subcore>, window_params = [{transform_indices = #map}, {transform_indices = #map1}, {transform_indices = #map1}, {transform_indices = #map2}]} {
    "tpu.region"() ({
      %run_scoped3A = tpu.sem_alloc : memref<!tpu.dma_semaphore, #tpu.memory_space<semaphore_mem>>
      %dma_start3A_14 = arith.constant 0 : i32
      %dma_start3A_15 = arith.constant 0 : i32
      %dma_start3A_16 = tpu.memref_slice %arg3[%arg0, %arg1, %dma_start3A_14, %dma_start3A_15] : memref<2x16x62x128xi32, #tpu.memory_space<hbm>> -> memref<1x1x62x128xi32, #tpu.memory_space<hbm>>
      %dma_start3A_17 = tpu.memref_squeeze %dma_start3A_16 : memref<1x1x62x128xi32, #tpu.memory_space<hbm>> -> memref<62x128xi32, #tpu.memory_space<hbm>>
      %dma_start3A_18 = arith.constant 0 : i32
      %dma_start3A_19 = arith.constant 0 : i32
      %dma_start3A_20 = tpu.memref_slice %arg3[%arg0, %arg1, %dma_start3A_18, %dma_start3A_19] : memref<2x16x62x128xi32, #tpu.memory_space<hbm>> -> memref<1x1x62x128xi32, #tpu.memory_space<hbm>>
      %dma_start3A_21 = tpu.memref_squeeze %dma_start3A_20 : memref<1x1x62x128xi32, #tpu.memory_space<hbm>> -> memref<62x128xi32, #tpu.memory_space<hbm>>
      tpu.enqueue_dma source(%dma_start3A_21 : memref<62x128xi32, #tpu.memory_space<hbm>>) target(%arg6 : memref<62x128xi32, #tpu.memory_space<vmem>>) target_semaphore(%run_scoped3A : memref<!tpu.dma_semaphore, #tpu.memory_space<semaphore_mem>>)
      %dma_wait3A = arith.constant 0 : i32
      %dma_wait3A_22 = arith.constant 0 : i32
      %dma_wait3A_23 = tpu.memref_slice %arg3[%arg0, %arg1, %dma_wait3A, %dma_wait3A_22] : memref<2x16x62x128xi32, #tpu.memory_space<hbm>> -> memref<1x1x62x128xi32, #tpu.memory_space<hbm>>
      %dma_wait3A_24 = tpu.memref_squeeze %dma_wait3A_23 : memref<1x1x62x128xi32, #tpu.memory_space<hbm>> -> memref<62x128xi32, #tpu.memory_space<hbm>>
      %dma_wait3A_25 = arith.constant 0 : i32
      %dma_wait3A_26 = arith.constant 0 : i32
      %dma_wait3A_27 = tpu.memref_slice %arg3[%arg0, %arg1, %dma_wait3A_25, %dma_wait3A_26] : memref<2x16x62x128xi32, #tpu.memory_space<hbm>> -> memref<1x1x62x128xi32, #tpu.memory_space<hbm>>
      %dma_wait3A_28 = tpu.memref_squeeze %dma_wait3A_27 : memref<1x1x62x128xi32, #tpu.memory_space<hbm>> -> memref<62x128xi32, #tpu.memory_space<hbm>>
      tpu.wait_dma2 semaphore(%run_scoped3A : memref<!tpu.dma_semaphore, #tpu.memory_space<semaphore_mem>>) src(%dma_wait3A_28 : memref<62x128xi32, #tpu.memory_space<hbm>>) dst(%arg6 : memref<62x128xi32, #tpu.memory_space<vmem>>)
      tpu.yield
    }) : () -> ()
    "tpu.region"() ({
      %run_scoped3A = tpu.sem_alloc : memref<!tpu.dma_semaphore, #tpu.memory_space<semaphore_mem>>
      %dma_start3A_14 = arith.constant 0 : i32
      %dma_start3A_15 = arith.constant 0 : i32
      %dma_start3A_16 = tpu.memref_slice %arg4[%arg0, %arg1, %dma_start3A_14, %dma_start3A_15] : memref<2x16x62x128xi32, #tpu.memory_space<hbm>> -> memref<1x1x62x128xi32, #tpu.memory_space<hbm>>
      %dma_start3A_17 = tpu.memref_squeeze %dma_start3A_16 : memref<1x1x62x128xi32, #tpu.memory_space<hbm>> -> memref<62x128xi32, #tpu.memory_space<hbm>>
      %dma_start3A_18 = arith.constant 0 : i32
      %dma_start3A_19 = arith.constant 0 : i32
      %dma_start3A_20 = tpu.memref_slice %arg4[%arg0, %arg1, %dma_start3A_18, %dma_start3A_19] : memref<2x16x62x128xi32, #tpu.memory_space<hbm>> -> memref<1x1x62x128xi32, #tpu.memory_space<hbm>>
      %dma_start3A_21 = tpu.memref_squeeze %dma_start3A_20 : memref<1x1x62x128xi32, #tpu.memory_space<hbm>> -> memref<62x128xi32, #tpu.memory_space<hbm>>
      tpu.enqueue_dma source(%dma_start3A_21 : memref<62x128xi32, #tpu.memory_space<hbm>>) target(%arg7 : memref<62x128xi32, #tpu.memory_space<vmem>>) target_semaphore(%run_scoped3A : memref<!tpu.dma_semaphore, #tpu.memory_space<semaphore_mem>>)
      %dma_wait3A = arith.constant 0 : i32
      %dma_wait3A_22 = arith.constant 0 : i32
      %dma_wait3A_23 = tpu.memref_slice %arg4[%arg0, %arg1, %dma_wait3A, %dma_wait3A_22] : memref<2x16x62x128xi32, #tpu.memory_space<hbm>> -> memref<1x1x62x128xi32, #tpu.memory_space<hbm>>
      %dma_wait3A_24 = tpu.memref_squeeze %dma_wait3A_23 : memref<1x1x62x128xi32, #tpu.memory_space<hbm>> -> memref<62x128xi32, #tpu.memory_space<hbm>>
      %dma_wait3A_25 = arith.constant 0 : i32
      %dma_wait3A_26 = arith.constant 0 : i32
      %dma_wait3A_27 = tpu.memref_slice %arg4[%arg0, %arg1, %dma_wait3A_25, %dma_wait3A_26] : memref<2x16x62x128xi32, #tpu.memory_space<hbm>> -> memref<1x1x62x128xi32, #tpu.memory_space<hbm>>
      %dma_wait3A_28 = tpu.memref_squeeze %dma_wait3A_27 : memref<1x1x62x128xi32, #tpu.memory_space<hbm>> -> memref<62x128xi32, #tpu.memory_space<hbm>>
      tpu.wait_dma2 semaphore(%run_scoped3A : memref<!tpu.dma_semaphore, #tpu.memory_space<semaphore_mem>>) src(%dma_wait3A_28 : memref<62x128xi32, #tpu.memory_space<hbm>>) dst(%arg7 : memref<62x128xi32, #tpu.memory_space<vmem>>)
      tpu.yield
    }) : () -> ()
    %mul3A = arith.constant 640 : i32
    %mul3A_0 = arith.muli %arg1, %mul3A : i32
    "tpu.region"() ({
      %run_scoped3A = tpu.sem_alloc : memref<!tpu.dma_semaphore, #tpu.memory_space<semaphore_mem>>
      %dma_start3A_14 = arith.constant 0 : i32
      %dma_start3A_15 = tpu.memref_slice %arg10[%mul3A_0, %dma_start3A_14] : memref<10240x128xf32, #tpu.memory_space<vmem_shared>> -> memref<640x128xf32, #tpu.memory_space<vmem_shared>>
      %dma_start3A_16 = arith.constant 0 : i32
      %dma_start3A_17 = tpu.memref_slice %arg2[%mul3A_0, %dma_start3A_16] : memref<10240x128xf32, #tpu.memory_space<hbm>> -> memref<640x128xf32, #tpu.memory_space<hbm>>
      tpu.enqueue_dma source(%dma_start3A_17 : memref<640x128xf32, #tpu.memory_space<hbm>>) target(%dma_start3A_15 : memref<640x128xf32, #tpu.memory_space<vmem_shared>>) target_semaphore(%run_scoped3A : memref<!tpu.dma_semaphore, #tpu.memory_space<semaphore_mem>>)
      %dma_wait3A = arith.constant 0 : i32
      %dma_wait3A_18 = tpu.memref_slice %arg10[%mul3A_0, %dma_wait3A] : memref<10240x128xf32, #tpu.memory_space<vmem_shared>> -> memref<640x128xf32, #tpu.memory_space<vmem_shared>>
      %dma_wait3A_19 = arith.constant 0 : i32
      %dma_wait3A_20 = tpu.memref_slice %arg2[%mul3A_0, %dma_wait3A_19] : memref<10240x128xf32, #tpu.memory_space<hbm>> -> memref<640x128xf32, #tpu.memory_space<hbm>>
      tpu.wait_dma2 semaphore(%run_scoped3A : memref<!tpu.dma_semaphore, #tpu.memory_space<semaphore_mem>>) src(%dma_wait3A_20 : memref<640x128xf32, #tpu.memory_space<hbm>>) dst(%dma_wait3A_18 : memref<640x128xf32, #tpu.memory_space<vmem_shared>>)
      tpu.yield
    }) : () -> ()
    %dma_start3A = arith.constant 0 : i32
    %dma_start3A_1 = arith.constant 0 : i32
    %dma_start3A_2 = tpu.memref_slice %arg6[%dma_start3A, %dma_start3A_1] : memref<62x128xi32, #tpu.memory_space<vmem>> -> memref<1x128xi32, #tpu.memory_space<vmem>>
    %dma_start3A_3 = tpu.memref_squeeze %dma_start3A_2 : memref<1x128xi32, #tpu.memory_space<vmem>> -> memref<128xi32, #tpu.memory_space<vmem>>
    %dma_start3A_4 = arith.constant 0 : i32
    %dma_start3A_5 = arith.constant 0 : i32
    %dma_start3A_6 = tpu.memref_slice %arg2[%dma_start3A_4, %dma_start3A_5] : memref<10240x128xf32, #tpu.memory_space<hbm>> -> memref<10240x128xf32, #tpu.memory_space<hbm>>
    tpu.enqueue_indirect_dma source(%dma_start3A_6 : memref<10240x128xf32, #tpu.memory_space<hbm>>) target(%arg8 : memref<128x128xf32, #tpu.memory_space<vmem>>) offsets(%dma_start3A_3 : memref<128xi32, #tpu.memory_space<vmem>>) semaphore(%arg11 : memref<!tpu.dma_semaphore, #tpu.memory_space<semaphore_mem>>)
    %barrier3A = arith.constant 0 : index
    tpu.barrier barrier_id(%barrier3A)
    %eq3A = arith.constant 0 : i32
    %eq3A_7 = arith.cmpi eq, %arg0, %eq3A : i32
    %convert_element_type3A = arith.extui %eq3A_7 : i1 to i32
    %cond3A = arith.constant 0 : i32
    %cond3A_8 = arith.cmpi ne, %convert_element_type3A, %cond3A : i32
    scf.if %cond3A_8 {
      %scan3A = arith.constant 0 : i32
      %scan3A_14 = arith.constant 0 : i32
      %scan3A_15 = arith.constant 31 : i32
      %scan3A_16 = arith.addi %scan3A_14, %scan3A_15 : i32
      %scan3A_17 = arith.constant 1 : i32
      scf.for %scan3A_19 = %scan3A_14 to %scan3A_16 step %scan3A_17  : i32 {
        %mul3A_20 = arith.constant 2 : i32
        %mul3A_21 = arith.muli %mul3A_20, %scan3A_19 : i32
        %add3A = arith.constant 1 : i32
        %add3A_22 = arith.addi %mul3A_21, %add3A : i32
        %lt3A = arith.constant 62 : i32
        %lt3A_23 = arith.cmpi slt, %add3A_22, %lt3A : i32
        %convert_element_type3A_24 = arith.extui %lt3A_23 : i1 to i32
        %cond3A_25 = arith.constant 0 : i32
        %cond3A_26 = arith.cmpi ne, %convert_element_type3A_24, %cond3A_25 : i32
        scf.if %cond3A_26 {
          %add3A_46 = arith.constant 1 : i32
          %add3A_47 = arith.addi %mul3A_21, %add3A_46 : i32
          %dma_start3A_48 = arith.constant 0 : i32
          %dma_start3A_49 = tpu.memref_slice %arg6[%add3A_47, %dma_start3A_48] : memref<62x128xi32, #tpu.memory_space<vmem>> -> memref<1x128xi32, #tpu.memory_space<vmem>>
          %dma_start3A_50 = tpu.memref_squeeze %dma_start3A_49 : memref<1x128xi32, #tpu.memory_space<vmem>> -> memref<128xi32, #tpu.memory_space<vmem>>
          %dma_start3A_51 = arith.constant 0 : i32
          %dma_start3A_52 = arith.constant 0 : i32
          %dma_start3A_53 = tpu.memref_slice %arg2[%dma_start3A_51, %dma_start3A_52] : memref<10240x128xf32, #tpu.memory_space<hbm>> -> memref<10240x128xf32, #tpu.memory_space<hbm>>
          tpu.enqueue_indirect_dma source(%dma_start3A_53 : memref<10240x128xf32, #tpu.memory_space<hbm>>) target(%arg9 : memref<128x128xf32, #tpu.memory_space<vmem>>) offsets(%dma_start3A_50 : memref<128xi32, #tpu.memory_space<vmem>>) semaphore(%arg12 : memref<!tpu.dma_semaphore, #tpu.memory_space<semaphore_mem>>)
        } else {
        }
        %dma_wait3A = arith.constant 0 : i32
        %dma_wait3A_27 = tpu.memref_slice %arg6[%mul3A_21, %dma_wait3A] : memref<62x128xi32, #tpu.memory_space<vmem>> -> memref<1x128xi32, #tpu.memory_space<vmem>>
        %dma_wait3A_28 = tpu.memref_squeeze %dma_wait3A_27 : memref<1x128xi32, #tpu.memory_space<vmem>> -> memref<128xi32, #tpu.memory_space<vmem>>
        %dma_wait3A_29 = arith.constant 0 : i32
        %dma_wait3A_30 = arith.constant 0 : i32
        %dma_wait3A_31 = tpu.memref_slice %arg2[%dma_wait3A_29, %dma_wait3A_30] : memref<10240x128xf32, #tpu.memory_space<hbm>> -> memref<10240x128xf32, #tpu.memory_space<hbm>>
        tpu.wait_indirect_dma semaphore(%arg11 : memref<!tpu.dma_semaphore, #tpu.memory_space<semaphore_mem>>) src(%dma_wait3A_31 : memref<10240x128xf32, #tpu.memory_space<hbm>>) dst(%arg8 : memref<128x128xf32, #tpu.memory_space<vmem>>)
        "tpu.region"() ({
          %run_scoped3A = tpu.sem_alloc : memref<!tpu.dma_semaphore, #tpu.memory_space<semaphore_mem>>
          %dma_start3A_46 = arith.constant 0 : i32
          %dma_start3A_47 = tpu.memref_slice %arg7[%mul3A_21, %dma_start3A_46] : memref<62x128xi32, #tpu.memory_space<vmem>> -> memref<1x128xi32, #tpu.memory_space<vmem>>
          %dma_start3A_48 = tpu.memref_squeeze %dma_start3A_47 : memref<1x128xi32, #tpu.memory_space<vmem>> -> memref<128xi32, #tpu.memory_space<vmem>>
          %dma_start3A_49 = arith.constant 0 : i32
          %dma_start3A_50 = arith.constant 0 : i32
          %dma_start3A_51 = tpu.memref_slice %arg10[%dma_start3A_49, %dma_start3A_50] : memref<10240x128xf32, #tpu.memory_space<vmem_shared>> -> memref<10240x128xf32, #tpu.memory_space<vmem_shared>>
          tpu.enqueue_indirect_dma source(%arg8 : memref<128x128xf32, #tpu.memory_space<vmem>>) target(%dma_start3A_51 : memref<10240x128xf32, #tpu.memory_space<vmem_shared>>) offsets(%dma_start3A_48 : memref<128xi32, #tpu.memory_space<vmem>>) semaphore(%run_scoped3A : memref<!tpu.dma_semaphore, #tpu.memory_space<semaphore_mem>>) {add = true}
          %dma_wait3A_52 = arith.constant 0 : i32
          %dma_wait3A_53 = tpu.memref_slice %arg7[%mul3A_21, %dma_wait3A_52] : memref<62x128xi32, #tpu.memory_space<vmem>> -> memref<1x128xi32, #tpu.memory_space<vmem>>
          %dma_wait3A_54 = tpu.memref_squeeze %dma_wait3A_53 : memref<1x128xi32, #tpu.memory_space<vmem>> -> memref<128xi32, #tpu.memory_space<vmem>>
          %dma_wait3A_55 = arith.constant 0 : i32
          %dma_wait3A_56 = arith.constant 0 : i32
          %dma_wait3A_57 = tpu.memref_slice %arg10[%dma_wait3A_55, %dma_wait3A_56] : memref<10240x128xf32, #tpu.memory_space<vmem_shared>> -> memref<10240x128xf32, #tpu.memory_space<vmem_shared>>
          tpu.wait_indirect_dma semaphore(%run_scoped3A : memref<!tpu.dma_semaphore, #tpu.memory_space<semaphore_mem>>) src(%arg8 : memref<128x128xf32, #tpu.memory_space<vmem>>) dst(%dma_wait3A_57 : memref<10240x128xf32, #tpu.memory_space<vmem_shared>>)
          tpu.yield
        }) : () -> ()
        %add3A_32 = arith.constant 2 : i32
        %add3A_33 = arith.addi %mul3A_21, %add3A_32 : i32
        %lt3A_34 = arith.constant 62 : i32
        %lt3A_35 = arith.cmpi slt, %add3A_33, %lt3A_34 : i32
        %convert_element_type3A_36 = arith.extui %lt3A_35 : i1 to i32
        %cond3A_37 = arith.constant 0 : i32
        %cond3A_38 = arith.cmpi ne, %convert_element_type3A_36, %cond3A_37 : i32
        scf.if %cond3A_38 {
          %add3A_46 = arith.constant 2 : i32
          %add3A_47 = arith.addi %mul3A_21, %add3A_46 : i32
          %dma_start3A_48 = arith.constant 0 : i32
          %dma_start3A_49 = tpu.memref_slice %arg6[%add3A_47, %dma_start3A_48] : memref<62x128xi32, #tpu.memory_space<vmem>> -> memref<1x128xi32, #tpu.memory_space<vmem>>
          %dma_start3A_50 = tpu.memref_squeeze %dma_start3A_49 : memref<1x128xi32, #tpu.memory_space<vmem>> -> memref<128xi32, #tpu.memory_space<vmem>>
          %dma_start3A_51 = arith.constant 0 : i32
          %dma_start3A_52 = arith.constant 0 : i32
          %dma_start3A_53 = tpu.memref_slice %arg2[%dma_start3A_51, %dma_start3A_52] : memref<10240x128xf32, #tpu.memory_space<hbm>> -> memref<10240x128xf32, #tpu.memory_space<hbm>>
          tpu.enqueue_indirect_dma source(%dma_start3A_53 : memref<10240x128xf32, #tpu.memory_space<hbm>>) target(%arg8 : memref<128x128xf32, #tpu.memory_space<vmem>>) offsets(%dma_start3A_50 : memref<128xi32, #tpu.memory_space<vmem>>) semaphore(%arg11 : memref<!tpu.dma_semaphore, #tpu.memory_space<semaphore_mem>>)
        } else {
        }
        %add3A_39 = arith.constant 1 : i32
        %add3A_40 = arith.addi %mul3A_21, %add3A_39 : i32
        %lt3A_41 = arith.constant 62 : i32
        %lt3A_42 = arith.cmpi slt, %add3A_40, %lt3A_41 : i32
        %convert_element_type3A_43 = arith.extui %lt3A_42 : i1 to i32
        %cond3A_44 = arith.constant 0 : i32
        %cond3A_45 = arith.cmpi ne, %convert_element_type3A_43, %cond3A_44 : i32
        scf.if %cond3A_45 {
          %add3A_46 = arith.constant 1 : i32
          %add3A_47 = arith.addi %mul3A_21, %add3A_46 : i32
          %dma_wait3A_48 = arith.constant 0 : i32
          %dma_wait3A_49 = tpu.memref_slice %arg6[%add3A_47, %dma_wait3A_48] : memref<62x128xi32, #tpu.memory_space<vmem>> -> memref<1x128xi32, #tpu.memory_space<vmem>>
          %dma_wait3A_50 = tpu.memref_squeeze %dma_wait3A_49 : memref<1x128xi32, #tpu.memory_space<vmem>> -> memref<128xi32, #tpu.memory_space<vmem>>
          %dma_wait3A_51 = arith.constant 0 : i32
          %dma_wait3A_52 = arith.constant 0 : i32
          %dma_wait3A_53 = tpu.memref_slice %arg2[%dma_wait3A_51, %dma_wait3A_52] : memref<10240x128xf32, #tpu.memory_space<hbm>> -> memref<10240x128xf32, #tpu.memory_space<hbm>>
          tpu.wait_indirect_dma semaphore(%arg12 : memref<!tpu.dma_semaphore, #tpu.memory_space<semaphore_mem>>) src(%dma_wait3A_53 : memref<10240x128xf32, #tpu.memory_space<hbm>>) dst(%arg9 : memref<128x128xf32, #tpu.memory_space<vmem>>)
          %add3A_54 = arith.constant 1 : i32
          %add3A_55 = arith.addi %mul3A_21, %add3A_54 : i32
          "tpu.region"() ({
            %run_scoped3A = tpu.sem_alloc : memref<!tpu.dma_semaphore, #tpu.memory_space<semaphore_mem>>
            %dma_start3A_56 = arith.constant 0 : i32
            %dma_start3A_57 = tpu.memref_slice %arg7[%add3A_55, %dma_start3A_56] : memref<62x128xi32, #tpu.memory_space<vmem>> -> memref<1x128xi32, #tpu.memory_space<vmem>>
            %dma_start3A_58 = tpu.memref_squeeze %dma_start3A_57 : memref<1x128xi32, #tpu.memory_space<vmem>> -> memref<128xi32, #tpu.memory_space<vmem>>
            %dma_start3A_59 = arith.constant 0 : i32
            %dma_start3A_60 = arith.constant 0 : i32
            %dma_start3A_61 = tpu.memref_slice %arg10[%dma_start3A_59, %dma_start3A_60] : memref<10240x128xf32, #tpu.memory_space<vmem_shared>> -> memref<10240x128xf32, #tpu.memory_space<vmem_shared>>
            tpu.enqueue_indirect_dma source(%arg9 : memref<128x128xf32, #tpu.memory_space<vmem>>) target(%dma_start3A_61 : memref<10240x128xf32, #tpu.memory_space<vmem_shared>>) offsets(%dma_start3A_58 : memref<128xi32, #tpu.memory_space<vmem>>) semaphore(%run_scoped3A : memref<!tpu.dma_semaphore, #tpu.memory_space<semaphore_mem>>) {add = true}
            %dma_wait3A_62 = arith.constant 0 : i32
            %dma_wait3A_63 = tpu.memref_slice %arg7[%add3A_55, %dma_wait3A_62] : memref<62x128xi32, #tpu.memory_space<vmem>> -> memref<1x128xi32, #tpu.memory_space<vmem>>
            %dma_wait3A_64 = tpu.memref_squeeze %dma_wait3A_63 : memref<1x128xi32, #tpu.memory_space<vmem>> -> memref<128xi32, #tpu.memory_space<vmem>>
            %dma_wait3A_65 = arith.constant 0 : i32
            %dma_wait3A_66 = arith.constant 0 : i32
            %dma_wait3A_67 = tpu.memref_slice %arg10[%dma_wait3A_65, %dma_wait3A_66] : memref<10240x128xf32, #tpu.memory_space<vmem_shared>> -> memref<10240x128xf32, #tpu.memory_space<vmem_shared>>
            tpu.wait_indirect_dma semaphore(%run_scoped3A : memref<!tpu.dma_semaphore, #tpu.memory_space<semaphore_mem>>) src(%arg9 : memref<128x128xf32, #tpu.memory_space<vmem>>) dst(%dma_wait3A_67 : memref<10240x128xf32, #tpu.memory_space<vmem_shared>>)
            tpu.yield
          }) : () -> ()
        } else {
        }
      }
      %scan3A_18 = arith.constant 31 : i32
    } else {
    }
    %ne3A = arith.constant 0 : i32
    %ne3A_9 = arith.cmpi ne, %arg0, %ne3A : i32
    %convert_element_type3A_10 = arith.extui %ne3A_9 : i1 to i32
    %cond3A_11 = arith.constant 0 : i32
    %cond3A_12 = arith.cmpi ne, %convert_element_type3A_10, %cond3A_11 : i32
    scf.if %cond3A_12 {
      %scan3A = arith.constant 0 : i32
      %scan3A_14 = arith.constant 0 : i32
      %scan3A_15 = arith.constant 9 : i32
      %scan3A_16 = arith.addi %scan3A_14, %scan3A_15 : i32
      %scan3A_17 = arith.constant 1 : i32
      scf.for %scan3A_19 = %scan3A_14 to %scan3A_16 step %scan3A_17  : i32 {
        %mul3A_20 = arith.constant 2 : i32
        %mul3A_21 = arith.muli %mul3A_20, %scan3A_19 : i32
        %add3A = arith.constant 1 : i32
        %add3A_22 = arith.addi %mul3A_21, %add3A : i32
        %lt3A = arith.constant 17 : i32
        %lt3A_23 = arith.cmpi slt, %add3A_22, %lt3A : i32
        %convert_element_type3A_24 = arith.extui %lt3A_23 : i1 to i32
        %cond3A_25 = arith.constant 0 : i32
        %cond3A_26 = arith.cmpi ne, %convert_element_type3A_24, %cond3A_25 : i32
        scf.if %cond3A_26 {
          %add3A_46 = arith.constant 1 : i32
          %add3A_47 = arith.addi %mul3A_21, %add3A_46 : i32
          %dma_start3A_48 = arith.constant 0 : i32
          %dma_start3A_49 = tpu.memref_slice %arg6[%add3A_47, %dma_start3A_48] : memref<62x128xi32, #tpu.memory_space<vmem>> -> memref<1x128xi32, #tpu.memory_space<vmem>>
          %dma_start3A_50 = tpu.memref_squeeze %dma_start3A_49 : memref<1x128xi32, #tpu.memory_space<vmem>> -> memref<128xi32, #tpu.memory_space<vmem>>
          %dma_start3A_51 = arith.constant 0 : i32
          %dma_start3A_52 = arith.constant 0 : i32
          %dma_start3A_53 = tpu.memref_slice %arg2[%dma_start3A_51, %dma_start3A_52] : memref<10240x128xf32, #tpu.memory_space<hbm>> -> memref<10240x128xf32, #tpu.memory_space<hbm>>
          tpu.enqueue_indirect_dma source(%dma_start3A_53 : memref<10240x128xf32, #tpu.memory_space<hbm>>) target(%arg9 : memref<128x128xf32, #tpu.memory_space<vmem>>) offsets(%dma_start3A_50 : memref<128xi32, #tpu.memory_space<vmem>>) semaphore(%arg12 : memref<!tpu.dma_semaphore, #tpu.memory_space<semaphore_mem>>)
        } else {
        }
        %dma_wait3A = arith.constant 0 : i32
        %dma_wait3A_27 = tpu.memref_slice %arg6[%mul3A_21, %dma_wait3A] : memref<62x128xi32, #tpu.memory_space<vmem>> -> memref<1x128xi32, #tpu.memory_space<vmem>>
        %dma_wait3A_28 = tpu.memref_squeeze %dma_wait3A_27 : memref<1x128xi32, #tpu.memory_space<vmem>> -> memref<128xi32, #tpu.memory_space<vmem>>
        %dma_wait3A_29 = arith.constant 0 : i32
        %dma_wait3A_30 = arith.constant 0 : i32
        %dma_wait3A_31 = tpu.memref_slice %arg2[%dma_wait3A_29, %dma_wait3A_30] : memref<10240x128xf32, #tpu.memory_space<hbm>> -> memref<10240x128xf32, #tpu.memory_space<hbm>>
        tpu.wait_indirect_dma semaphore(%arg11 : memref<!tpu.dma_semaphore, #tpu.memory_space<semaphore_mem>>) src(%dma_wait3A_31 : memref<10240x128xf32, #tpu.memory_space<hbm>>) dst(%arg8 : memref<128x128xf32, #tpu.memory_space<vmem>>)
        "tpu.region"() ({
          %run_scoped3A = tpu.sem_alloc : memref<!tpu.dma_semaphore, #tpu.memory_space<semaphore_mem>>
          %dma_start3A_46 = arith.constant 0 : i32
          %dma_start3A_47 = tpu.memref_slice %arg7[%mul3A_21, %dma_start3A_46] : memref<62x128xi32, #tpu.memory_space<vmem>> -> memref<1x128xi32, #tpu.memory_space<vmem>>
          %dma_start3A_48 = tpu.memref_squeeze %dma_start3A_47 : memref<1x128xi32, #tpu.memory_space<vmem>> -> memref<128xi32, #tpu.memory_space<vmem>>
          %dma_start3A_49 = arith.constant 0 : i32
          %dma_start3A_50 = arith.constant 0 : i32
          %dma_start3A_51 = tpu.memref_slice %arg10[%dma_start3A_49, %dma_start3A_50] : memref<10240x128xf32, #tpu.memory_space<vmem_shared>> -> memref<10240x128xf32, #tpu.memory_space<vmem_shared>>
          tpu.enqueue_indirect_dma source(%arg8 : memref<128x128xf32, #tpu.memory_space<vmem>>) target(%dma_start3A_51 : memref<10240x128xf32, #tpu.memory_space<vmem_shared>>) offsets(%dma_start3A_48 : memref<128xi32, #tpu.memory_space<vmem>>) semaphore(%run_scoped3A : memref<!tpu.dma_semaphore, #tpu.memory_space<semaphore_mem>>) {add = true}
          %dma_wait3A_52 = arith.constant 0 : i32
          %dma_wait3A_53 = tpu.memref_slice %arg7[%mul3A_21, %dma_wait3A_52] : memref<62x128xi32, #tpu.memory_space<vmem>> -> memref<1x128xi32, #tpu.memory_space<vmem>>
          %dma_wait3A_54 = tpu.memref_squeeze %dma_wait3A_53 : memref<1x128xi32, #tpu.memory_space<vmem>> -> memref<128xi32, #tpu.memory_space<vmem>>
          %dma_wait3A_55 = arith.constant 0 : i32
          %dma_wait3A_56 = arith.constant 0 : i32
          %dma_wait3A_57 = tpu.memref_slice %arg10[%dma_wait3A_55, %dma_wait3A_56] : memref<10240x128xf32, #tpu.memory_space<vmem_shared>> -> memref<10240x128xf32, #tpu.memory_space<vmem_shared>>
          tpu.wait_indirect_dma semaphore(%run_scoped3A : memref<!tpu.dma_semaphore, #tpu.memory_space<semaphore_mem>>) src(%arg8 : memref<128x128xf32, #tpu.memory_space<vmem>>) dst(%dma_wait3A_57 : memref<10240x128xf32, #tpu.memory_space<vmem_shared>>)
          tpu.yield
        }) : () -> ()
        %add3A_32 = arith.constant 2 : i32
        %add3A_33 = arith.addi %mul3A_21, %add3A_32 : i32
        %lt3A_34 = arith.constant 17 : i32
        %lt3A_35 = arith.cmpi slt, %add3A_33, %lt3A_34 : i32
        %convert_element_type3A_36 = arith.extui %lt3A_35 : i1 to i32
        %cond3A_37 = arith.constant 0 : i32
        %cond3A_38 = arith.cmpi ne, %convert_element_type3A_36, %cond3A_37 : i32
        scf.if %cond3A_38 {
          %add3A_46 = arith.constant 2 : i32
          %add3A_47 = arith.addi %mul3A_21, %add3A_46 : i32
          %dma_start3A_48 = arith.constant 0 : i32
          %dma_start3A_49 = tpu.memref_slice %arg6[%add3A_47, %dma_start3A_48] : memref<62x128xi32, #tpu.memory_space<vmem>> -> memref<1x128xi32, #tpu.memory_space<vmem>>
          %dma_start3A_50 = tpu.memref_squeeze %dma_start3A_49 : memref<1x128xi32, #tpu.memory_space<vmem>> -> memref<128xi32, #tpu.memory_space<vmem>>
          %dma_start3A_51 = arith.constant 0 : i32
          %dma_start3A_52 = arith.constant 0 : i32
          %dma_start3A_53 = tpu.memref_slice %arg2[%dma_start3A_51, %dma_start3A_52] : memref<10240x128xf32, #tpu.memory_space<hbm>> -> memref<10240x128xf32, #tpu.memory_space<hbm>>
          tpu.enqueue_indirect_dma source(%dma_start3A_53 : memref<10240x128xf32, #tpu.memory_space<hbm>>) target(%arg8 : memref<128x128xf32, #tpu.memory_space<vmem>>) offsets(%dma_start3A_50 : memref<128xi32, #tpu.memory_space<vmem>>) semaphore(%arg11 : memref<!tpu.dma_semaphore, #tpu.memory_space<semaphore_mem>>)
        } else {
        }
        %add3A_39 = arith.constant 1 : i32
        %add3A_40 = arith.addi %mul3A_21, %add3A_39 : i32
        %lt3A_41 = arith.constant 17 : i32
        %lt3A_42 = arith.cmpi slt, %add3A_40, %lt3A_41 : i32
        %convert_element_type3A_43 = arith.extui %lt3A_42 : i1 to i32
        %cond3A_44 = arith.constant 0 : i32
        %cond3A_45 = arith.cmpi ne, %convert_element_type3A_43, %cond3A_44 : i32
        scf.if %cond3A_45 {
          %add3A_46 = arith.constant 1 : i32
          %add3A_47 = arith.addi %mul3A_21, %add3A_46 : i32
          %dma_wait3A_48 = arith.constant 0 : i32
          %dma_wait3A_49 = tpu.memref_slice %arg6[%add3A_47, %dma_wait3A_48] : memref<62x128xi32, #tpu.memory_space<vmem>> -> memref<1x128xi32, #tpu.memory_space<vmem>>
          %dma_wait3A_50 = tpu.memref_squeeze %dma_wait3A_49 : memref<1x128xi32, #tpu.memory_space<vmem>> -> memref<128xi32, #tpu.memory_space<vmem>>
          %dma_wait3A_51 = arith.constant 0 : i32
          %dma_wait3A_52 = arith.constant 0 : i32
          %dma_wait3A_53 = tpu.memref_slice %arg2[%dma_wait3A_51, %dma_wait3A_52] : memref<10240x128xf32, #tpu.memory_space<hbm>> -> memref<10240x128xf32, #tpu.memory_space<hbm>>
          tpu.wait_indirect_dma semaphore(%arg12 : memref<!tpu.dma_semaphore, #tpu.memory_space<semaphore_mem>>) src(%dma_wait3A_53 : memref<10240x128xf32, #tpu.memory_space<hbm>>) dst(%arg9 : memref<128x128xf32, #tpu.memory_space<vmem>>)
          %add3A_54 = arith.constant 1 : i32
          %add3A_55 = arith.addi %mul3A_21, %add3A_54 : i32
          "tpu.region"() ({
            %run_scoped3A = tpu.sem_alloc : memref<!tpu.dma_semaphore, #tpu.memory_space<semaphore_mem>>
            %dma_start3A_56 = arith.constant 0 : i32
            %dma_start3A_57 = tpu.memref_slice %arg7[%add3A_55, %dma_start3A_56] : memref<62x128xi32, #tpu.memory_space<vmem>> -> memref<1x128xi32, #tpu.memory_space<vmem>>
            %dma_start3A_58 = tpu.memref_squeeze %dma_start3A_57 : memref<1x128xi32, #tpu.memory_space<vmem>> -> memref<128xi32, #tpu.memory_space<vmem>>
            %dma_start3A_59 = arith.constant 0 : i32
            %dma_start3A_60 = arith.constant 0 : i32
            %dma_start3A_61 = tpu.memref_slice %arg10[%dma_start3A_59, %dma_start3A_60] : memref<10240x128xf32, #tpu.memory_space<vmem_shared>> -> memref<10240x128xf32, #tpu.memory_space<vmem_shared>>
            tpu.enqueue_indirect_dma source(%arg9 : memref<128x128xf32, #tpu.memory_space<vmem>>) target(%dma_start3A_61 : memref<10240x128xf32, #tpu.memory_space<vmem_shared>>) offsets(%dma_start3A_58 : memref<128xi32, #tpu.memory_space<vmem>>) semaphore(%run_scoped3A : memref<!tpu.dma_semaphore, #tpu.memory_space<semaphore_mem>>) {add = true}
            %dma_wait3A_62 = arith.constant 0 : i32
            %dma_wait3A_63 = tpu.memref_slice %arg7[%add3A_55, %dma_wait3A_62] : memref<62x128xi32, #tpu.memory_space<vmem>> -> memref<1x128xi32, #tpu.memory_space<vmem>>
            %dma_wait3A_64 = tpu.memref_squeeze %dma_wait3A_63 : memref<1x128xi32, #tpu.memory_space<vmem>> -> memref<128xi32, #tpu.memory_space<vmem>>
            %dma_wait3A_65 = arith.constant 0 : i32
            %dma_wait3A_66 = arith.constant 0 : i32
            %dma_wait3A_67 = tpu.memref_slice %arg10[%dma_wait3A_65, %dma_wait3A_66] : memref<10240x128xf32, #tpu.memory_space<vmem_shared>> -> memref<10240x128xf32, #tpu.memory_space<vmem_shared>>
            tpu.wait_indirect_dma semaphore(%run_scoped3A : memref<!tpu.dma_semaphore, #tpu.memory_space<semaphore_mem>>) src(%arg9 : memref<128x128xf32, #tpu.memory_space<vmem>>) dst(%dma_wait3A_67 : memref<10240x128xf32, #tpu.memory_space<vmem_shared>>)
            tpu.yield
          }) : () -> ()
        } else {
        }
      }
      %scan3A_18 = arith.constant 9 : i32
    } else {
    }
    %barrier3A_13 = arith.constant 0 : index
    tpu.barrier barrier_id(%barrier3A_13)
    "tpu.region"() ({
      %run_scoped3A = tpu.sem_alloc : memref<!tpu.dma_semaphore, #tpu.memory_space<semaphore_mem>>
      %dma_start3A_14 = arith.constant 0 : i32
      %dma_start3A_15 = tpu.memref_slice %arg5[%arg0, %mul3A_0, %dma_start3A_14] : memref<2x10240x128xf32, #tpu.memory_space<hbm>> -> memref<1x640x128xf32, #tpu.memory_space<hbm>>
      %dma_start3A_16 = tpu.memref_squeeze %dma_start3A_15 : memref<1x640x128xf32, #tpu.memory_space<hbm>> -> memref<640x128xf32, #tpu.memory_space<hbm>>
      %dma_start3A_17 = arith.constant 0 : i32
      %dma_start3A_18 = tpu.memref_slice %arg10[%mul3A_0, %dma_start3A_17] : memref<10240x128xf32, #tpu.memory_space<vmem_shared>> -> memref<640x128xf32, #tpu.memory_space<vmem_shared>>
      tpu.enqueue_dma source(%dma_start3A_18 : memref<640x128xf32, #tpu.memory_space<vmem_shared>>) target(%dma_start3A_16 : memref<640x128xf32, #tpu.memory_space<hbm>>) target_semaphore(%run_scoped3A : memref<!tpu.dma_semaphore, #tpu.memory_space<semaphore_mem>>)
      %dma_wait3A = arith.constant 0 : i32
      %dma_wait3A_19 = tpu.memref_slice %arg5[%arg0, %mul3A_0, %dma_wait3A] : memref<2x10240x128xf32, #tpu.memory_space<hbm>> -> memref<1x640x128xf32, #tpu.memory_space<hbm>>
      %dma_wait3A_20 = tpu.memref_squeeze %dma_wait3A_19 : memref<1x640x128xf32, #tpu.memory_space<hbm>> -> memref<640x128xf32, #tpu.memory_space<hbm>>
      %dma_wait3A_21 = arith.constant 0 : i32
      %dma_wait3A_22 = tpu.memref_slice %arg10[%mul3A_0, %dma_wait3A_21] : memref<10240x128xf32, #tpu.memory_space<vmem_shared>> -> memref<640x128xf32, #tpu.memory_space<vmem_shared>>
      tpu.wait_dma2 semaphore(%run_scoped3A : memref<!tpu.dma_semaphore, #tpu.memory_space<semaphore_mem>>) src(%dma_wait3A_22 : memref<640x128xf32, #tpu.memory_space<vmem_shared>>) dst(%dma_wait3A_20 : memref<640x128xf32, #tpu.memory_space<hbm>>)
      tpu.yield
    }) : () -> ()
    return
  }
}

#map = affine_map<(d0, d1) -> (0, 0)>
#map1 = affine_map<(d0, d1) -> (0, 0, 0, 0)>
#map2 = affine_map<(d0, d1) -> (0, 0, 0)>
module attributes {stable_mosaic.version = 14 : i64} {
  func.func @body(%arg0: i32, %arg1: i32, %arg2: memref<10240x128xf32, #tpu.memory_space<hbm>>, %arg3: memref<2x16x62x128xi32, #tpu.memory_space<hbm>>, %arg4: memref<2x16x62x128xi32, #tpu.memory_space<hbm>>, %arg5: memref<2x10240x128xf32, #tpu.memory_space<hbm>>, %arg6: memref<62x128xi32, #tpu.memory_space<vmem>>, %arg7: memref<62x128xi32, #tpu.memory_space<vmem>>, %arg8: memref<128x128xf32, #tpu.memory_space<vmem>>, %arg9: memref<128x128xf32, #tpu.memory_space<vmem>>, %arg10: memref<10240x128xf32, #tpu.memory_space<vmem_shared>>, %arg11: memref<!tpu.dma_semaphore, #tpu.memory_space<semaphore_mem>>, %arg12: memref<!tpu.dma_semaphore, #tpu.memory_space<semaphore_mem>>) attributes {dimension_semantics = [#tpu.dimension_semantics<core_parallel>, #tpu.dimension_semantics<subcore_parallel>], iteration_bounds = array<i64: 2, 16>, scalar_prefetch = 0 : i64, scratch_operands = 7 : i64, tpu.core_type = #tpu.core_type<sc_vector_subcore>, window_params = [{transform_indices = #map}, {transform_indices = #map1}, {transform_indices = #map1}, {transform_indices = #map2}]} {
    "tpu.region"() ({
      %run_scoped3A = tpu.sem_alloc : memref<!tpu.dma_semaphore, #tpu.memory_space<semaphore_mem>>
      %dma_start3A_14 = arith.constant 0 : i32
      %dma_start3A_15 = arith.constant 0 : i32
      %dma_start3A_16 = tpu.memref_slice %arg3[%arg0, %arg1, %dma_start3A_14, %dma_start3A_15] : memref<2x16x62x128xi32, #tpu.memory_space<hbm>> -> memref<1x1x62x128xi32, #tpu.memory_space<hbm>>
      %dma_start3A_17 = tpu.memref_squeeze %dma_start3A_16 : memref<1x1x62x128xi32, #tpu.memory_space<hbm>> -> memref<62x128xi32, #tpu.memory_space<hbm>>
      %dma_start3A_18 = arith.constant 0 : i32
      %dma_start3A_19 = arith.constant 0 : i32
      %dma_start3A_20 = tpu.memref_slice %arg3[%arg0, %arg1, %dma_start3A_18, %dma_start3A_19] : memref<2x16x62x128xi32, #tpu.memory_space<hbm>> -> memref<1x1x62x128xi32, #tpu.memory_space<hbm>>
      %dma_start3A_21 = tpu.memref_squeeze %dma_start3A_20 : memref<1x1x62x128xi32, #tpu.memory_space<hbm>> -> memref<62x128xi32, #tpu.memory_space<hbm>>
      tpu.enqueue_dma source(%dma_start3A_21 : memref<62x128xi32, #tpu.memory_space<hbm>>) target(%arg6 : memref<62x128xi32, #tpu.memory_space<vmem>>) target_semaphore(%run_scoped3A : memref<!tpu.dma_semaphore, #tpu.memory_space<semaphore_mem>>)
      %dma_wait3A = arith.constant 0 : i32
      %dma_wait3A_22 = arith.constant 0 : i32
      %dma_wait3A_23 = tpu.memref_slice %arg3[%arg0, %arg1, %dma_wait3A, %dma_wait3A_22] : memref<2x16x62x128xi32, #tpu.memory_space<hbm>> -> memref<1x1x62x128xi32, #tpu.memory_space<hbm>>
      %dma_wait3A_24 = tpu.memref_squeeze %dma_wait3A_23 : memref<1x1x62x128xi32, #tpu.memory_space<hbm>> -> memref<62x128xi32, #tpu.memory_space<hbm>>
      %dma_wait3A_25 = arith.constant 0 : i32
      %dma_wait3A_26 = arith.constant 0 : i32
      %dma_wait3A_27 = tpu.memref_slice %arg3[%arg0, %arg1, %dma_wait3A_25, %dma_wait3A_26] : memref<2x16x62x128xi32, #tpu.memory_space<hbm>> -> memref<1x1x62x128xi32, #tpu.memory_space<hbm>>
      %dma_wait3A_28 = tpu.memref_squeeze %dma_wait3A_27 : memref<1x1x62x128xi32, #tpu.memory_space<hbm>> -> memref<62x128xi32, #tpu.memory_space<hbm>>
      tpu.wait_dma2 semaphore(%run_scoped3A : memref<!tpu.dma_semaphore, #tpu.memory_space<semaphore_mem>>) src(%dma_wait3A_28 : memref<62x128xi32, #tpu.memory_space<hbm>>) dst(%arg6 : memref<62x128xi32, #tpu.memory_space<vmem>>)
      tpu.yield
    }) : () -> ()
    "tpu.region"() ({
      %run_scoped3A = tpu.sem_alloc : memref<!tpu.dma_semaphore, #tpu.memory_space<semaphore_mem>>
      %dma_start3A_14 = arith.constant 0 : i32
      %dma_start3A_15 = arith.constant 0 : i32
      %dma_start3A_16 = tpu.memref_slice %arg4[%arg0, %arg1, %dma_start3A_14, %dma_start3A_15] : memref<2x16x62x128xi32, #tpu.memory_space<hbm>> -> memref<1x1x62x128xi32, #tpu.memory_space<hbm>>
      %dma_start3A_17 = tpu.memref_squeeze %dma_start3A_16 : memref<1x1x62x128xi32, #tpu.memory_space<hbm>> -> memref<62x128xi32, #tpu.memory_space<hbm>>
      %dma_start3A_18 = arith.constant 0 : i32
      %dma_start3A_19 = arith.constant 0 : i32
      %dma_start3A_20 = tpu.memref_slice %arg4[%arg0, %arg1, %dma_start3A_18, %dma_start3A_19] : memref<2x16x62x128xi32, #tpu.memory_space<hbm>> -> memref<1x1x62x128xi32, #tpu.memory_space<hbm>>
      %dma_start3A_21 = tpu.memref_squeeze %dma_start3A_20 : memref<1x1x62x128xi32, #tpu.memory_space<hbm>> -> memref<62x128xi32, #tpu.memory_space<hbm>>
      tpu.enqueue_dma source(%dma_start3A_21 : memref<62x128xi32, #tpu.memory_space<hbm>>) target(%arg7 : memref<62x128xi32, #tpu.memory_space<vmem>>) target_semaphore(%run_scoped3A : memref<!tpu.dma_semaphore, #tpu.memory_space<semaphore_mem>>)
      %dma_wait3A = arith.constant 0 : i32
      %dma_wait3A_22 = arith.constant 0 : i32
      %dma_wait3A_23 = tpu.memref_slice %arg4[%arg0, %arg1, %dma_wait3A, %dma_wait3A_22] : memref<2x16x62x128xi32, #tpu.memory_space<hbm>> -> memref<1x1x62x128xi32, #tpu.memory_space<hbm>>
      %dma_wait3A_24 = tpu.memref_squeeze %dma_wait3A_23 : memref<1x1x62x128xi32, #tpu.memory_space<hbm>> -> memref<62x128xi32, #tpu.memory_space<hbm>>
      %dma_wait3A_25 = arith.constant 0 : i32
      %dma_wait3A_26 = arith.constant 0 : i32
      %dma_wait3A_27 = tpu.memref_slice %arg4[%arg0, %arg1, %dma_wait3A_25, %dma_wait3A_26] : memref<2x16x62x128xi32, #tpu.memory_space<hbm>> -> memref<1x1x62x128xi32, #tpu.memory_space<hbm>>
      %dma_wait3A_28 = tpu.memref_squeeze %dma_wait3A_27 : memref<1x1x62x128xi32, #tpu.memory_space<hbm>> -> memref<62x128xi32, #tpu.memory_space<hbm>>
      tpu.wait_dma2 semaphore(%run_scoped3A : memref<!tpu.dma_semaphore, #tpu.memory_space<semaphore_mem>>) src(%dma_wait3A_28 : memref<62x128xi32, #tpu.memory_space<hbm>>) dst(%arg7 : memref<62x128xi32, #tpu.memory_space<vmem>>)
      tpu.yield
    }) : () -> ()
    %mul3A = arith.constant 640 : i32
    %mul3A_0 = arith.muli %arg1, %mul3A : i32
    "tpu.region"() ({
      %run_scoped3A = tpu.sem_alloc : memref<!tpu.dma_semaphore, #tpu.memory_space<semaphore_mem>>
      %dma_start3A_14 = arith.constant 0 : i32
      %dma_start3A_15 = tpu.memref_slice %arg10[%mul3A_0, %dma_start3A_14] : memref<10240x128xf32, #tpu.memory_space<vmem_shared>> -> memref<640x128xf32, #tpu.memory_space<vmem_shared>>
      %dma_start3A_16 = arith.constant 0 : i32
      %dma_start3A_17 = tpu.memref_slice %arg2[%mul3A_0, %dma_start3A_16] : memref<10240x128xf32, #tpu.memory_space<hbm>> -> memref<640x128xf32, #tpu.memory_space<hbm>>
      tpu.enqueue_dma source(%dma_start3A_17 : memref<640x128xf32, #tpu.memory_space<hbm>>) target(%dma_start3A_15 : memref<640x128xf32, #tpu.memory_space<vmem_shared>>) target_semaphore(%run_scoped3A : memref<!tpu.dma_semaphore, #tpu.memory_space<semaphore_mem>>)
      %dma_wait3A = arith.constant 0 : i32
      %dma_wait3A_18 = tpu.memref_slice %arg10[%mul3A_0, %dma_wait3A] : memref<10240x128xf32, #tpu.memory_space<vmem_shared>> -> memref<640x128xf32, #tpu.memory_space<vmem_shared>>
      %dma_wait3A_19 = arith.constant 0 : i32
      %dma_wait3A_20 = tpu.memref_slice %arg2[%mul3A_0, %dma_wait3A_19] : memref<10240x128xf32, #tpu.memory_space<hbm>> -> memref<640x128xf32, #tpu.memory_space<hbm>>
      tpu.wait_dma2 semaphore(%run_scoped3A : memref<!tpu.dma_semaphore, #tpu.memory_space<semaphore_mem>>) src(%dma_wait3A_20 : memref<640x128xf32, #tpu.memory_space<hbm>>) dst(%dma_wait3A_18 : memref<640x128xf32, #tpu.memory_space<vmem_shared>>)
      tpu.yield
    }) : () -> ()
    %dma_start3A = arith.constant 0 : i32
    %dma_start3A_1 = arith.constant 0 : i32
    %dma_start3A_2 = tpu.memref_slice %arg6[%dma_start3A, %dma_start3A_1] : memref<62x128xi32, #tpu.memory_space<vmem>> -> memref<1x128xi32, #tpu.memory_space<vmem>>
    %dma_start3A_3 = tpu.memref_squeeze %dma_start3A_2 : memref<1x128xi32, #tpu.memory_space<vmem>> -> memref<128xi32, #tpu.memory_space<vmem>>
    %dma_start3A_4 = arith.constant 0 : i32
    %dma_start3A_5 = arith.constant 0 : i32
    %dma_start3A_6 = tpu.memref_slice %arg2[%dma_start3A_4, %dma_start3A_5] : memref<10240x128xf32, #tpu.memory_space<hbm>> -> memref<10240x128xf32, #tpu.memory_space<hbm>>
    tpu.enqueue_indirect_dma source(%dma_start3A_6 : memref<10240x128xf32, #tpu.memory_space<hbm>>) target(%arg8 : memref<128x128xf32, #tpu.memory_space<vmem>>) offsets(%dma_start3A_3 : memref<128xi32, #tpu.memory_space<vmem>>) semaphore(%arg11 : memref<!tpu.dma_semaphore, #tpu.memory_space<semaphore_mem>>)
    %barrier3A = arith.constant 0 : index
    tpu.barrier barrier_id(%barrier3A)
    %eq3A = arith.constant 0 : i32
    %eq3A_7 = arith.cmpi eq, %arg0, %eq3A : i32
    %convert_element_type3A = arith.extui %eq3A_7 : i1 to i32
    %cond3A = arith.constant 0 : i32
    %cond3A_8 = arith.cmpi ne, %convert_element_type3A, %cond3A : i32
    scf.if %cond3A_8 {
      %scan3A = arith.constant 0 : i32
      %scan3A_14 = arith.constant 0 : i32
      %scan3A_15 = arith.constant 31 : i32
      %scan3A_16 = arith.addi %scan3A_14, %scan3A_15 : i32
      %scan3A_17 = arith.constant 1 : i32
      scf.for %scan3A_19 = %scan3A_14 to %scan3A_16 step %scan3A_17  : i32 {
        %mul3A_20 = arith.constant 2 : i32
        %mul3A_21 = arith.muli %mul3A_20, %scan3A_19 : i32
        %add3A = arith.constant 1 : i32
        %add3A_22 = arith.addi %mul3A_21, %add3A : i32
        %lt3A = arith.constant 62 : i32
        %lt3A_23 = arith.cmpi slt, %add3A_22, %lt3A : i32
        %convert_element_type3A_24 = arith.extui %lt3A_23 : i1 to i32
        %cond3A_25 = arith.constant 0 : i32
        %cond3A_26 = arith.cmpi ne, %convert_element_type3A_24, %cond3A_25 : i32
        scf.if %cond3A_26 {
          %add3A_46 = arith.constant 1 : i32
          %add3A_47 = arith.addi %mul3A_21, %add3A_46 : i32
          %dma_start3A_48 = arith.constant 0 : i32
          %dma_start3A_49 = tpu.memref_slice %arg6[%add3A_47, %dma_start3A_48] : memref<62x128xi32, #tpu.memory_space<vmem>> -> memref<1x128xi32, #tpu.memory_space<vmem>>
          %dma_start3A_50 = tpu.memref_squeeze %dma_start3A_49 : memref<1x128xi32, #tpu.memory_space<vmem>> -> memref<128xi32, #tpu.memory_space<vmem>>
          %dma_start3A_51 = arith.constant 0 : i32
          %dma_start3A_52 = arith.constant 0 : i32
          %dma_start3A_53 = tpu.memref_slice %arg2[%dma_start3A_51, %dma_start3A_52] : memref<10240x128xf32, #tpu.memory_space<hbm>> -> memref<10240x128xf32, #tpu.memory_space<hbm>>
          tpu.enqueue_indirect_dma source(%dma_start3A_53 : memref<10240x128xf32, #tpu.memory_space<hbm>>) target(%arg9 : memref<128x128xf32, #tpu.memory_space<vmem>>) offsets(%dma_start3A_50 : memref<128xi32, #tpu.memory_space<vmem>>) semaphore(%arg12 : memref<!tpu.dma_semaphore, #tpu.memory_space<semaphore_mem>>)
        } else {
        }
        %dma_wait3A = arith.constant 0 : i32
        %dma_wait3A_27 = tpu.memref_slice %arg6[%mul3A_21, %dma_wait3A] : memref<62x128xi32, #tpu.memory_space<vmem>> -> memref<1x128xi32, #tpu.memory_space<vmem>>
        %dma_wait3A_28 = tpu.memref_squeeze %dma_wait3A_27 : memref<1x128xi32, #tpu.memory_space<vmem>> -> memref<128xi32, #tpu.memory_space<vmem>>
        %dma_wait3A_29 = arith.constant 0 : i32
        %dma_wait3A_30 = arith.constant 0 : i32
        %dma_wait3A_31 = tpu.memref_slice %arg2[%dma_wait3A_29, %dma_wait3A_30] : memref<10240x128xf32, #tpu.memory_space<hbm>> -> memref<10240x128xf32, #tpu.memory_space<hbm>>
        tpu.wait_indirect_dma semaphore(%arg11 : memref<!tpu.dma_semaphore, #tpu.memory_space<semaphore_mem>>) src(%dma_wait3A_31 : memref<10240x128xf32, #tpu.memory_space<hbm>>) dst(%arg8 : memref<128x128xf32, #tpu.memory_space<vmem>>)
        "tpu.region"() ({
          %run_scoped3A = tpu.sem_alloc : memref<!tpu.dma_semaphore, #tpu.memory_space<semaphore_mem>>
          %dma_start3A_46 = arith.constant 0 : i32
          %dma_start3A_47 = tpu.memref_slice %arg7[%mul3A_21, %dma_start3A_46] : memref<62x128xi32, #tpu.memory_space<vmem>> -> memref<1x128xi32, #tpu.memory_space<vmem>>
          %dma_start3A_48 = tpu.memref_squeeze %dma_start3A_47 : memref<1x128xi32, #tpu.memory_space<vmem>> -> memref<128xi32, #tpu.memory_space<vmem>>
          %dma_start3A_49 = arith.constant 0 : i32
          %dma_start3A_50 = arith.constant 0 : i32
          %dma_start3A_51 = tpu.memref_slice %arg10[%dma_start3A_49, %dma_start3A_50] : memref<10240x128xf32, #tpu.memory_space<vmem_shared>> -> memref<10240x128xf32, #tpu.memory_space<vmem_shared>>
          tpu.enqueue_indirect_dma source(%arg8 : memref<128x128xf32, #tpu.memory_space<vmem>>) target(%dma_start3A_51 : memref<10240x128xf32, #tpu.memory_space<vmem_shared>>) offsets(%dma_start3A_48 : memref<128xi32, #tpu.memory_space<vmem>>) semaphore(%run_scoped3A : memref<!tpu.dma_semaphore, #tpu.memory_space<semaphore_mem>>) {add = true}
          %dma_wait3A_52 = arith.constant 0 : i32
          %dma_wait3A_53 = tpu.memref_slice %arg7[%mul3A_21, %dma_wait3A_52] : memref<62x128xi32, #tpu.memory_space<vmem>> -> memref<1x128xi32, #tpu.memory_space<vmem>>
          %dma_wait3A_54 = tpu.memref_squeeze %dma_wait3A_53 : memref<1x128xi32, #tpu.memory_space<vmem>> -> memref<128xi32, #tpu.memory_space<vmem>>
          %dma_wait3A_55 = arith.constant 0 : i32
          %dma_wait3A_56 = arith.constant 0 : i32
          %dma_wait3A_57 = tpu.memref_slice %arg10[%dma_wait3A_55, %dma_wait3A_56] : memref<10240x128xf32, #tpu.memory_space<vmem_shared>> -> memref<10240x128xf32, #tpu.memory_space<vmem_shared>>
          tpu.wait_indirect_dma semaphore(%run_scoped3A : memref<!tpu.dma_semaphore, #tpu.memory_space<semaphore_mem>>) src(%arg8 : memref<128x128xf32, #tpu.memory_space<vmem>>) dst(%dma_wait3A_57 : memref<10240x128xf32, #tpu.memory_space<vmem_shared>>)
          tpu.yield
        }) : () -> ()
        %add3A_32 = arith.constant 2 : i32
        %add3A_33 = arith.addi %mul3A_21, %add3A_32 : i32
        %lt3A_34 = arith.constant 62 : i32
        %lt3A_35 = arith.cmpi slt, %add3A_33, %lt3A_34 : i32
        %convert_element_type3A_36 = arith.extui %lt3A_35 : i1 to i32
        %cond3A_37 = arith.constant 0 : i32
        %cond3A_38 = arith.cmpi ne, %convert_element_type3A_36, %cond3A_37 : i32
        scf.if %cond3A_38 {
          %add3A_46 = arith.constant 2 : i32
          %add3A_47 = arith.addi %mul3A_21, %add3A_46 : i32
          %dma_start3A_48 = arith.constant 0 : i32
          %dma_start3A_49 = tpu.memref_slice %arg6[%add3A_47, %dma_start3A_48] : memref<62x128xi32, #tpu.memory_space<vmem>> -> memref<1x128xi32, #tpu.memory_space<vmem>>
          %dma_start3A_50 = tpu.memref_squeeze %dma_start3A_49 : memref<1x128xi32, #tpu.memory_space<vmem>> -> memref<128xi32, #tpu.memory_space<vmem>>
          %dma_start3A_51 = arith.constant 0 : i32
          %dma_start3A_52 = arith.constant 0 : i32
          %dma_start3A_53 = tpu.memref_slice %arg2[%dma_start3A_51, %dma_start3A_52] : memref<10240x128xf32, #tpu.memory_space<hbm>> -> memref<10240x128xf32, #tpu.memory_space<hbm>>
          tpu.enqueue_indirect_dma source(%dma_start3A_53 : memref<10240x128xf32, #tpu.memory_space<hbm>>) target(%arg8 : memref<128x128xf32, #tpu.memory_space<vmem>>) offsets(%dma_start3A_50 : memref<128xi32, #tpu.memory_space<vmem>>) semaphore(%arg11 : memref<!tpu.dma_semaphore, #tpu.memory_space<semaphore_mem>>)
        } else {
        }
        %add3A_39 = arith.constant 1 : i32
        %add3A_40 = arith.addi %mul3A_21, %add3A_39 : i32
        %lt3A_41 = arith.constant 62 : i32
        %lt3A_42 = arith.cmpi slt, %add3A_40, %lt3A_41 : i32
        %convert_element_type3A_43 = arith.extui %lt3A_42 : i1 to i32
        %cond3A_44 = arith.constant 0 : i32
        %cond3A_45 = arith.cmpi ne, %convert_element_type3A_43, %cond3A_44 : i32
        scf.if %cond3A_45 {
          %add3A_46 = arith.constant 1 : i32
          %add3A_47 = arith.addi %mul3A_21, %add3A_46 : i32
          %dma_wait3A_48 = arith.constant 0 : i32
          %dma_wait3A_49 = tpu.memref_slice %arg6[%add3A_47, %dma_wait3A_48] : memref<62x128xi32, #tpu.memory_space<vmem>> -> memref<1x128xi32, #tpu.memory_space<vmem>>
          %dma_wait3A_50 = tpu.memref_squeeze %dma_wait3A_49 : memref<1x128xi32, #tpu.memory_space<vmem>> -> memref<128xi32, #tpu.memory_space<vmem>>
          %dma_wait3A_51 = arith.constant 0 : i32
          %dma_wait3A_52 = arith.constant 0 : i32
          %dma_wait3A_53 = tpu.memref_slice %arg2[%dma_wait3A_51, %dma_wait3A_52] : memref<10240x128xf32, #tpu.memory_space<hbm>> -> memref<10240x128xf32, #tpu.memory_space<hbm>>
          tpu.wait_indirect_dma semaphore(%arg12 : memref<!tpu.dma_semaphore, #tpu.memory_space<semaphore_mem>>) src(%dma_wait3A_53 : memref<10240x128xf32, #tpu.memory_space<hbm>>) dst(%arg9 : memref<128x128xf32, #tpu.memory_space<vmem>>)
          %add3A_54 = arith.constant 1 : i32
          %add3A_55 = arith.addi %mul3A_21, %add3A_54 : i32
          "tpu.region"() ({
            %run_scoped3A = tpu.sem_alloc : memref<!tpu.dma_semaphore, #tpu.memory_space<semaphore_mem>>
            %dma_start3A_56 = arith.constant 0 : i32
            %dma_start3A_57 = tpu.memref_slice %arg7[%add3A_55, %dma_start3A_56] : memref<62x128xi32, #tpu.memory_space<vmem>> -> memref<1x128xi32, #tpu.memory_space<vmem>>
            %dma_start3A_58 = tpu.memref_squeeze %dma_start3A_57 : memref<1x128xi32, #tpu.memory_space<vmem>> -> memref<128xi32, #tpu.memory_space<vmem>>
            %dma_start3A_59 = arith.constant 0 : i32
            %dma_start3A_60 = arith.constant 0 : i32
            %dma_start3A_61 = tpu.memref_slice %arg10[%dma_start3A_59, %dma_start3A_60] : memref<10240x128xf32, #tpu.memory_space<vmem_shared>> -> memref<10240x128xf32, #tpu.memory_space<vmem_shared>>
            tpu.enqueue_indirect_dma source(%arg9 : memref<128x128xf32, #tpu.memory_space<vmem>>) target(%dma_start3A_61 : memref<10240x128xf32, #tpu.memory_space<vmem_shared>>) offsets(%dma_start3A_58 : memref<128xi32, #tpu.memory_space<vmem>>) semaphore(%run_scoped3A : memref<!tpu.dma_semaphore, #tpu.memory_space<semaphore_mem>>) {add = true}
            %dma_wait3A_62 = arith.constant 0 : i32
            %dma_wait3A_63 = tpu.memref_slice %arg7[%add3A_55, %dma_wait3A_62] : memref<62x128xi32, #tpu.memory_space<vmem>> -> memref<1x128xi32, #tpu.memory_space<vmem>>
            %dma_wait3A_64 = tpu.memref_squeeze %dma_wait3A_63 : memref<1x128xi32, #tpu.memory_space<vmem>> -> memref<128xi32, #tpu.memory_space<vmem>>
            %dma_wait3A_65 = arith.constant 0 : i32
            %dma_wait3A_66 = arith.constant 0 : i32
            %dma_wait3A_67 = tpu.memref_slice %arg10[%dma_wait3A_65, %dma_wait3A_66] : memref<10240x128xf32, #tpu.memory_space<vmem_shared>> -> memref<10240x128xf32, #tpu.memory_space<vmem_shared>>
            tpu.wait_indirect_dma semaphore(%run_scoped3A : memref<!tpu.dma_semaphore, #tpu.memory_space<semaphore_mem>>) src(%arg9 : memref<128x128xf32, #tpu.memory_space<vmem>>) dst(%dma_wait3A_67 : memref<10240x128xf32, #tpu.memory_space<vmem_shared>>)
            tpu.yield
          }) : () -> ()
        } else {
        }
      }
      %scan3A_18 = arith.constant 31 : i32
    } else {
    }
    %ne3A = arith.constant 0 : i32
    %ne3A_9 = arith.cmpi ne, %arg0, %ne3A : i32
    %convert_element_type3A_10 = arith.extui %ne3A_9 : i1 to i32
    %cond3A_11 = arith.constant 0 : i32
    %cond3A_12 = arith.cmpi ne, %convert_element_type3A_10, %cond3A_11 : i32
    scf.if %cond3A_12 {
      %scan3A = arith.constant 0 : i32
      %scan3A_14 = arith.constant 0 : i32
      %scan3A_15 = arith.constant 9 : i32
      %scan3A_16 = arith.addi %scan3A_14, %scan3A_15 : i32
      %scan3A_17 = arith.constant 1 : i32
      scf.for %scan3A_19 = %scan3A_14 to %scan3A_16 step %scan3A_17  : i32 {
        %mul3A_20 = arith.constant 2 : i32
        %mul3A_21 = arith.muli %mul3A_20, %scan3A_19 : i32
        %add3A = arith.constant 1 : i32
        %add3A_22 = arith.addi %mul3A_21, %add3A : i32
        %lt3A = arith.constant 17 : i32
        %lt3A_23 = arith.cmpi slt, %add3A_22, %lt3A : i32
        %convert_element_type3A_24 = arith.extui %lt3A_23 : i1 to i32
        %cond3A_25 = arith.constant 0 : i32
        %cond3A_26 = arith.cmpi ne, %convert_element_type3A_24, %cond3A_25 : i32
        scf.if %cond3A_26 {
          %add3A_46 = arith.constant 1 : i32
          %add3A_47 = arith.addi %mul3A_21, %add3A_46 : i32
          %dma_start3A_48 = arith.constant 0 : i32
          %dma_start3A_49 = tpu.memref_slice %arg6[%add3A_47, %dma_start3A_48] : memref<62x128xi32, #tpu.memory_space<vmem>> -> memref<1x128xi32, #tpu.memory_space<vmem>>
          %dma_start3A_50 = tpu.memref_squeeze %dma_start3A_49 : memref<1x128xi32, #tpu.memory_space<vmem>> -> memref<128xi32, #tpu.memory_space<vmem>>
          %dma_start3A_51 = arith.constant 0 : i32
          %dma_start3A_52 = arith.constant 0 : i32
          %dma_start3A_53 = tpu.memref_slice %arg2[%dma_start3A_51, %dma_start3A_52] : memref<10240x128xf32, #tpu.memory_space<hbm>> -> memref<10240x128xf32, #tpu.memory_space<hbm>>
          tpu.enqueue_indirect_dma source(%dma_start3A_53 : memref<10240x128xf32, #tpu.memory_space<hbm>>) target(%arg9 : memref<128x128xf32, #tpu.memory_space<vmem>>) offsets(%dma_start3A_50 : memref<128xi32, #tpu.memory_space<vmem>>) semaphore(%arg12 : memref<!tpu.dma_semaphore, #tpu.memory_space<semaphore_mem>>)
        } else {
        }
        %dma_wait3A = arith.constant 0 : i32
        %dma_wait3A_27 = tpu.memref_slice %arg6[%mul3A_21, %dma_wait3A] : memref<62x128xi32, #tpu.memory_space<vmem>> -> memref<1x128xi32, #tpu.memory_space<vmem>>
        %dma_wait3A_28 = tpu.memref_squeeze %dma_wait3A_27 : memref<1x128xi32, #tpu.memory_space<vmem>> -> memref<128xi32, #tpu.memory_space<vmem>>
        %dma_wait3A_29 = arith.constant 0 : i32
        %dma_wait3A_30 = arith.constant 0 : i32
        %dma_wait3A_31 = tpu.memref_slice %arg2[%dma_wait3A_29, %dma_wait3A_30] : memref<10240x128xf32, #tpu.memory_space<hbm>> -> memref<10240x128xf32, #tpu.memory_space<hbm>>
        tpu.wait_indirect_dma semaphore(%arg11 : memref<!tpu.dma_semaphore, #tpu.memory_space<semaphore_mem>>) src(%dma_wait3A_31 : memref<10240x128xf32, #tpu.memory_space<hbm>>) dst(%arg8 : memref<128x128xf32, #tpu.memory_space<vmem>>)
        "tpu.region"() ({
          %run_scoped3A = tpu.sem_alloc : memref<!tpu.dma_semaphore, #tpu.memory_space<semaphore_mem>>
          %dma_start3A_46 = arith.constant 0 : i32
          %dma_start3A_47 = tpu.memref_slice %arg7[%mul3A_21, %dma_start3A_46] : memref<62x128xi32, #tpu.memory_space<vmem>> -> memref<1x128xi32, #tpu.memory_space<vmem>>
          %dma_start3A_48 = tpu.memref_squeeze %dma_start3A_47 : memref<1x128xi32, #tpu.memory_space<vmem>> -> memref<128xi32, #tpu.memory_space<vmem>>
          %dma_start3A_49 = arith.constant 0 : i32
          %dma_start3A_50 = arith.constant 0 : i32
          %dma_start3A_51 = tpu.memref_slice %arg10[%dma_start3A_49, %dma_start3A_50] : memref<10240x128xf32, #tpu.memory_space<vmem_shared>> -> memref<10240x128xf32, #tpu.memory_space<vmem_shared>>
          tpu.enqueue_indirect_dma source(%arg8 : memref<128x128xf32, #tpu.memory_space<vmem>>) target(%dma_start3A_51 : memref<10240x128xf32, #tpu.memory_space<vmem_shared>>) offsets(%dma_start3A_48 : memref<128xi32, #tpu.memory_space<vmem>>) semaphore(%run_scoped3A : memref<!tpu.dma_semaphore, #tpu.memory_space<semaphore_mem>>) {add = true}
          %dma_wait3A_52 = arith.constant 0 : i32
          %dma_wait3A_53 = tpu.memref_slice %arg7[%mul3A_21, %dma_wait3A_52] : memref<62x128xi32, #tpu.memory_space<vmem>> -> memref<1x128xi32, #tpu.memory_space<vmem>>
          %dma_wait3A_54 = tpu.memref_squeeze %dma_wait3A_53 : memref<1x128xi32, #tpu.memory_space<vmem>> -> memref<128xi32, #tpu.memory_space<vmem>>
          %dma_wait3A_55 = arith.constant 0 : i32
          %dma_wait3A_56 = arith.constant 0 : i32
          %dma_wait3A_57 = tpu.memref_slice %arg10[%dma_wait3A_55, %dma_wait3A_56] : memref<10240x128xf32, #tpu.memory_space<vmem_shared>> -> memref<10240x128xf32, #tpu.memory_space<vmem_shared>>
          tpu.wait_indirect_dma semaphore(%run_scoped3A : memref<!tpu.dma_semaphore, #tpu.memory_space<semaphore_mem>>) src(%arg8 : memref<128x128xf32, #tpu.memory_space<vmem>>) dst(%dma_wait3A_57 : memref<10240x128xf32, #tpu.memory_space<vmem_shared>>)
          tpu.yield
        }) : () -> ()
        %add3A_32 = arith.constant 2 : i32
        %add3A_33 = arith.addi %mul3A_21, %add3A_32 : i32
        %lt3A_34 = arith.constant 17 : i32
        %lt3A_35 = arith.cmpi slt, %add3A_33, %lt3A_34 : i32
        %convert_element_type3A_36 = arith.extui %lt3A_35 : i1 to i32
        %cond3A_37 = arith.constant 0 : i32
        %cond3A_38 = arith.cmpi ne, %convert_element_type3A_36, %cond3A_37 : i32
        scf.if %cond3A_38 {
          %add3A_46 = arith.constant 2 : i32
          %add3A_47 = arith.addi %mul3A_21, %add3A_46 : i32
          %dma_start3A_48 = arith.constant 0 : i32
          %dma_start3A_49 = tpu.memref_slice %arg6[%add3A_47, %dma_start3A_48] : memref<62x128xi32, #tpu.memory_space<vmem>> -> memref<1x128xi32, #tpu.memory_space<vmem>>
          %dma_start3A_50 = tpu.memref_squeeze %dma_start3A_49 : memref<1x128xi32, #tpu.memory_space<vmem>> -> memref<128xi32, #tpu.memory_space<vmem>>
          %dma_start3A_51 = arith.constant 0 : i32
          %dma_start3A_52 = arith.constant 0 : i32
          %dma_start3A_53 = tpu.memref_slice %arg2[%dma_start3A_51, %dma_start3A_52] : memref<10240x128xf32, #tpu.memory_space<hbm>> -> memref<10240x128xf32, #tpu.memory_space<hbm>>
          tpu.enqueue_indirect_dma source(%dma_start3A_53 : memref<10240x128xf32, #tpu.memory_space<hbm>>) target(%arg8 : memref<128x128xf32, #tpu.memory_space<vmem>>) offsets(%dma_start3A_50 : memref<128xi32, #tpu.memory_space<vmem>>) semaphore(%arg11 : memref<!tpu.dma_semaphore, #tpu.memory_space<semaphore_mem>>)
        } else {
        }
        %add3A_39 = arith.constant 1 : i32
        %add3A_40 = arith.addi %mul3A_21, %add3A_39 : i32
        %lt3A_41 = arith.constant 17 : i32
        %lt3A_42 = arith.cmpi slt, %add3A_40, %lt3A_41 : i32
        %convert_element_type3A_43 = arith.extui %lt3A_42 : i1 to i32
        %cond3A_44 = arith.constant 0 : i32
        %cond3A_45 = arith.cmpi ne, %convert_element_type3A_43, %cond3A_44 : i32
        scf.if %cond3A_45 {
          %add3A_46 = arith.constant 1 : i32
          %add3A_47 = arith.addi %mul3A_21, %add3A_46 : i32
          %dma_wait3A_48 = arith.constant 0 : i32
          %dma_wait3A_49 = tpu.memref_slice %arg6[%add3A_47, %dma_wait3A_48] : memref<62x128xi32, #tpu.memory_space<vmem>> -> memref<1x128xi32, #tpu.memory_space<vmem>>
          %dma_wait3A_50 = tpu.memref_squeeze %dma_wait3A_49 : memref<1x128xi32, #tpu.memory_space<vmem>> -> memref<128xi32, #tpu.memory_space<vmem>>
          %dma_wait3A_51 = arith.constant 0 : i32
          %dma_wait3A_52 = arith.constant 0 : i32
          %dma_wait3A_53 = tpu.memref_slice %arg2[%dma_wait3A_51, %dma_wait3A_52] : memref<10240x128xf32, #tpu.memory_space<hbm>> -> memref<10240x128xf32, #tpu.memory_space<hbm>>
          tpu.wait_indirect_dma semaphore(%arg12 : memref<!tpu.dma_semaphore, #tpu.memory_space<semaphore_mem>>) src(%dma_wait3A_53 : memref<10240x128xf32, #tpu.memory_space<hbm>>) dst(%arg9 : memref<128x128xf32, #tpu.memory_space<vmem>>)
          %add3A_54 = arith.constant 1 : i32
          %add3A_55 = arith.addi %mul3A_21, %add3A_54 : i32
          "tpu.region"() ({
            %run_scoped3A = tpu.sem_alloc : memref<!tpu.dma_semaphore, #tpu.memory_space<semaphore_mem>>
            %dma_start3A_56 = arith.constant 0 : i32
            %dma_start3A_57 = tpu.memref_slice %arg7[%add3A_55, %dma_start3A_56] : memref<62x128xi32, #tpu.memory_space<vmem>> -> memref<1x128xi32, #tpu.memory_space<vmem>>
            %dma_start3A_58 = tpu.memref_squeeze %dma_start3A_57 : memref<1x128xi32, #tpu.memory_space<vmem>> -> memref<128xi32, #tpu.memory_space<vmem>>
            %dma_start3A_59 = arith.constant 0 : i32
            %dma_start3A_60 = arith.constant 0 : i32
            %dma_start3A_61 = tpu.memref_slice %arg10[%dma_start3A_59, %dma_start3A_60] : memref<10240x128xf32, #tpu.memory_space<vmem_shared>> -> memref<10240x128xf32, #tpu.memory_space<vmem_shared>>
            tpu.enqueue_indirect_dma source(%arg9 : memref<128x128xf32, #tpu.memory_space<vmem>>) target(%dma_start3A_61 : memref<10240x128xf32, #tpu.memory_space<vmem_shared>>) offsets(%dma_start3A_58 : memref<128xi32, #tpu.memory_space<vmem>>) semaphore(%run_scoped3A : memref<!tpu.dma_semaphore, #tpu.memory_space<semaphore_mem>>) {add = true}
            %dma_wait3A_62 = arith.constant 0 : i32
            %dma_wait3A_63 = tpu.memref_slice %arg7[%add3A_55, %dma_wait3A_62] : memref<62x128xi32, #tpu.memory_space<vmem>> -> memref<1x128xi32, #tpu.memory_space<vmem>>
            %dma_wait3A_64 = tpu.memref_squeeze %dma_wait3A_63 : memref<1x128xi32, #tpu.memory_space<vmem>> -> memref<128xi32, #tpu.memory_space<vmem>>
            %dma_wait3A_65 = arith.constant 0 : i32
            %dma_wait3A_66 = arith.constant 0 : i32
            %dma_wait3A_67 = tpu.memref_slice %arg10[%dma_wait3A_65, %dma_wait3A_66] : memref<10240x128xf32, #tpu.memory_space<vmem_shared>> -> memref<10240x128xf32, #tpu.memory_space<vmem_shared>>
            tpu.wait_indirect_dma semaphore(%run_scoped3A : memref<!tpu.dma_semaphore, #tpu.memory_space<semaphore_mem>>) src(%arg9 : memref<128x128xf32, #tpu.memory_space<vmem>>) dst(%dma_wait3A_67 : memref<10240x128xf32, #tpu.memory_space<vmem_shared>>)
            tpu.yield
          }) : () -> ()
        } else {
        }
      }
      %scan3A_18 = arith.constant 9 : i32
    } else {
    }
    %barrier3A_13 = arith.constant 0 : index
    tpu.barrier barrier_id(%barrier3A_13)
    "tpu.region"() ({
      %run_scoped3A = tpu.sem_alloc : memref<!tpu.dma_semaphore, #tpu.memory_space<semaphore_mem>>
      %dma_start3A_14 = arith.constant 0 : i32
      %dma_start3A_15 = tpu.memref_slice %arg5[%arg0, %mul3A_0, %dma_start3A_14] : memref<2x10240x128xf32, #tpu.memory_space<hbm>> -> memref<1x640x128xf32, #tpu.memory_space<hbm>>
      %dma_start3A_16 = tpu.memref_squeeze %dma_start3A_15 : memref<1x640x128xf32, #tpu.memory_space<hbm>> -> memref<640x128xf32, #tpu.memory_space<hbm>>
      %dma_start3A_17 = arith.constant 0 : i32
      %dma_start3A_18 = tpu.memref_slice %arg10[%mul3A_0, %dma_start3A_17] : memref<10240x128xf32, #tpu.memory_space<vmem_shared>> -> memref<640x128xf32, #tpu.memory_space<vmem_shared>>
      tpu.enqueue_dma source(%dma_start3A_18 : memref<640x128xf32, #tpu.memory_space<vmem_shared>>) target(%dma_start3A_16 : memref<640x128xf32, #tpu.memory_space<hbm>>) target_semaphore(%run_scoped3A : memref<!tpu.dma_semaphore, #tpu.memory_space<semaphore_mem>>)
      %dma_wait3A = arith.constant 0 : i32
      %dma_wait3A_19 = tpu.memref_slice %arg5[%arg0, %mul3A_0, %dma_wait3A] : memref<2x10240x128xf32, #tpu.memory_space<hbm>> -> memref<1x640x128xf32, #tpu.memory_space<hbm>>
      %dma_wait3A_20 = tpu.memref_squeeze %dma_wait3A_19 : memref<1x640x128xf32, #tpu.memory_space<hbm>> -> memref<640x128xf32, #tpu.memory_space<hbm>>
      %dma_wait3A_21 = arith.constant 0 : i32
      %dma_wait3A_22 = tpu.memref_slice %arg10[%mul3A_0, %dma_wait3A_21] : memref<10240x128xf32, #tpu.memory_space<vmem_shared>> -> memref<640x128xf32, #tpu.memory_space<vmem_shared>>
      tpu.wait_dma2 semaphore(%run_scoped3A : memref<!tpu.dma_semaphore, #tpu.memory_space<semaphore_mem>>) src(%dma_wait3A_22 : memref<640x128xf32, #tpu.memory_space<vmem_shared>>) dst(%dma_wait3A_20 : memref<640x128xf32, #tpu.memory_space<hbm>>)
      tpu.yield
    }) : () -> ()
    return
  }
}

#map = affine_map<(d0, d1) -> (0, 0)>
#map1 = affine_map<(d0, d1) -> (0, 0, 0, 0)>
#map2 = affine_map<(d0, d1) -> (0, 0, 0)>
module attributes {stable_mosaic.version = 14 : i64} {
  func.func @body(%arg0: i32, %arg1: i32, %arg2: memref<10240x128xf32, #tpu.memory_space<hbm>>, %arg3: memref<2x16x62x128xi32, #tpu.memory_space<hbm>>, %arg4: memref<2x16x62x128xi32, #tpu.memory_space<hbm>>, %arg5: memref<2x10240x128xf32, #tpu.memory_space<hbm>>, %arg6: memref<62x128xi32, #tpu.memory_space<vmem>>, %arg7: memref<62x128xi32, #tpu.memory_space<vmem>>, %arg8: memref<128x128xf32, #tpu.memory_space<vmem>>, %arg9: memref<128x128xf32, #tpu.memory_space<vmem>>, %arg10: memref<10240x128xf32, #tpu.memory_space<vmem_shared>>, %arg11: memref<!tpu.dma_semaphore, #tpu.memory_space<semaphore_mem>>, %arg12: memref<!tpu.dma_semaphore, #tpu.memory_space<semaphore_mem>>) attributes {dimension_semantics = [#tpu.dimension_semantics<core_parallel>, #tpu.dimension_semantics<subcore_parallel>], iteration_bounds = array<i64: 2, 16>, scalar_prefetch = 0 : i64, scratch_operands = 7 : i64, tpu.core_type = #tpu.core_type<sc_vector_subcore>, window_params = [{transform_indices = #map}, {transform_indices = #map1}, {transform_indices = #map1}, {transform_indices = #map2}]} {
    "tpu.region"() ({
      %run_scoped3A = tpu.sem_alloc : memref<!tpu.dma_semaphore, #tpu.memory_space<semaphore_mem>>
      %dma_start3A_14 = arith.constant 0 : i32
      %dma_start3A_15 = arith.constant 0 : i32
      %dma_start3A_16 = tpu.memref_slice %arg3[%arg0, %arg1, %dma_start3A_14, %dma_start3A_15] : memref<2x16x62x128xi32, #tpu.memory_space<hbm>> -> memref<1x1x62x128xi32, #tpu.memory_space<hbm>>
      %dma_start3A_17 = tpu.memref_squeeze %dma_start3A_16 : memref<1x1x62x128xi32, #tpu.memory_space<hbm>> -> memref<62x128xi32, #tpu.memory_space<hbm>>
      %dma_start3A_18 = arith.constant 0 : i32
      %dma_start3A_19 = arith.constant 0 : i32
      %dma_start3A_20 = tpu.memref_slice %arg3[%arg0, %arg1, %dma_start3A_18, %dma_start3A_19] : memref<2x16x62x128xi32, #tpu.memory_space<hbm>> -> memref<1x1x62x128xi32, #tpu.memory_space<hbm>>
      %dma_start3A_21 = tpu.memref_squeeze %dma_start3A_20 : memref<1x1x62x128xi32, #tpu.memory_space<hbm>> -> memref<62x128xi32, #tpu.memory_space<hbm>>
      tpu.enqueue_dma source(%dma_start3A_21 : memref<62x128xi32, #tpu.memory_space<hbm>>) target(%arg6 : memref<62x128xi32, #tpu.memory_space<vmem>>) target_semaphore(%run_scoped3A : memref<!tpu.dma_semaphore, #tpu.memory_space<semaphore_mem>>)
      %dma_wait3A = arith.constant 0 : i32
      %dma_wait3A_22 = arith.constant 0 : i32
      %dma_wait3A_23 = tpu.memref_slice %arg3[%arg0, %arg1, %dma_wait3A, %dma_wait3A_22] : memref<2x16x62x128xi32, #tpu.memory_space<hbm>> -> memref<1x1x62x128xi32, #tpu.memory_space<hbm>>
      %dma_wait3A_24 = tpu.memref_squeeze %dma_wait3A_23 : memref<1x1x62x128xi32, #tpu.memory_space<hbm>> -> memref<62x128xi32, #tpu.memory_space<hbm>>
      %dma_wait3A_25 = arith.constant 0 : i32
      %dma_wait3A_26 = arith.constant 0 : i32
      %dma_wait3A_27 = tpu.memref_slice %arg3[%arg0, %arg1, %dma_wait3A_25, %dma_wait3A_26] : memref<2x16x62x128xi32, #tpu.memory_space<hbm>> -> memref<1x1x62x128xi32, #tpu.memory_space<hbm>>
      %dma_wait3A_28 = tpu.memref_squeeze %dma_wait3A_27 : memref<1x1x62x128xi32, #tpu.memory_space<hbm>> -> memref<62x128xi32, #tpu.memory_space<hbm>>
      tpu.wait_dma2 semaphore(%run_scoped3A : memref<!tpu.dma_semaphore, #tpu.memory_space<semaphore_mem>>) src(%dma_wait3A_28 : memref<62x128xi32, #tpu.memory_space<hbm>>) dst(%arg6 : memref<62x128xi32, #tpu.memory_space<vmem>>)
      tpu.yield
    }) : () -> ()
    "tpu.region"() ({
      %run_scoped3A = tpu.sem_alloc : memref<!tpu.dma_semaphore, #tpu.memory_space<semaphore_mem>>
      %dma_start3A_14 = arith.constant 0 : i32
      %dma_start3A_15 = arith.constant 0 : i32
      %dma_start3A_16 = tpu.memref_slice %arg4[%arg0, %arg1, %dma_start3A_14, %dma_start3A_15] : memref<2x16x62x128xi32, #tpu.memory_space<hbm>> -> memref<1x1x62x128xi32, #tpu.memory_space<hbm>>
      %dma_start3A_17 = tpu.memref_squeeze %dma_start3A_16 : memref<1x1x62x128xi32, #tpu.memory_space<hbm>> -> memref<62x128xi32, #tpu.memory_space<hbm>>
      %dma_start3A_18 = arith.constant 0 : i32
      %dma_start3A_19 = arith.constant 0 : i32
      %dma_start3A_20 = tpu.memref_slice %arg4[%arg0, %arg1, %dma_start3A_18, %dma_start3A_19] : memref<2x16x62x128xi32, #tpu.memory_space<hbm>> -> memref<1x1x62x128xi32, #tpu.memory_space<hbm>>
      %dma_start3A_21 = tpu.memref_squeeze %dma_start3A_20 : memref<1x1x62x128xi32, #tpu.memory_space<hbm>> -> memref<62x128xi32, #tpu.memory_space<hbm>>
      tpu.enqueue_dma source(%dma_start3A_21 : memref<62x128xi32, #tpu.memory_space<hbm>>) target(%arg7 : memref<62x128xi32, #tpu.memory_space<vmem>>) target_semaphore(%run_scoped3A : memref<!tpu.dma_semaphore, #tpu.memory_space<semaphore_mem>>)
      %dma_wait3A = arith.constant 0 : i32
      %dma_wait3A_22 = arith.constant 0 : i32
      %dma_wait3A_23 = tpu.memref_slice %arg4[%arg0, %arg1, %dma_wait3A, %dma_wait3A_22] : memref<2x16x62x128xi32, #tpu.memory_space<hbm>> -> memref<1x1x62x128xi32, #tpu.memory_space<hbm>>
      %dma_wait3A_24 = tpu.memref_squeeze %dma_wait3A_23 : memref<1x1x62x128xi32, #tpu.memory_space<hbm>> -> memref<62x128xi32, #tpu.memory_space<hbm>>
      %dma_wait3A_25 = arith.constant 0 : i32
      %dma_wait3A_26 = arith.constant 0 : i32
      %dma_wait3A_27 = tpu.memref_slice %arg4[%arg0, %arg1, %dma_wait3A_25, %dma_wait3A_26] : memref<2x16x62x128xi32, #tpu.memory_space<hbm>> -> memref<1x1x62x128xi32, #tpu.memory_space<hbm>>
      %dma_wait3A_28 = tpu.memref_squeeze %dma_wait3A_27 : memref<1x1x62x128xi32, #tpu.memory_space<hbm>> -> memref<62x128xi32, #tpu.memory_space<hbm>>
      tpu.wait_dma2 semaphore(%run_scoped3A : memref<!tpu.dma_semaphore, #tpu.memory_space<semaphore_mem>>) src(%dma_wait3A_28 : memref<62x128xi32, #tpu.memory_space<hbm>>) dst(%arg7 : memref<62x128xi32, #tpu.memory_space<vmem>>)
      tpu.yield
    }) : () -> ()
    %mul3A = arith.constant 640 : i32
    %mul3A_0 = arith.muli %arg1, %mul3A : i32
    "tpu.region"() ({
      %run_scoped3A = tpu.sem_alloc : memref<!tpu.dma_semaphore, #tpu.memory_space<semaphore_mem>>
      %dma_start3A_14 = arith.constant 0 : i32
      %dma_start3A_15 = tpu.memref_slice %arg10[%mul3A_0, %dma_start3A_14] : memref<10240x128xf32, #tpu.memory_space<vmem_shared>> -> memref<640x128xf32, #tpu.memory_space<vmem_shared>>
      %dma_start3A_16 = arith.constant 0 : i32
      %dma_start3A_17 = tpu.memref_slice %arg2[%mul3A_0, %dma_start3A_16] : memref<10240x128xf32, #tpu.memory_space<hbm>> -> memref<640x128xf32, #tpu.memory_space<hbm>>
      tpu.enqueue_dma source(%dma_start3A_17 : memref<640x128xf32, #tpu.memory_space<hbm>>) target(%dma_start3A_15 : memref<640x128xf32, #tpu.memory_space<vmem_shared>>) target_semaphore(%run_scoped3A : memref<!tpu.dma_semaphore, #tpu.memory_space<semaphore_mem>>)
      %dma_wait3A = arith.constant 0 : i32
      %dma_wait3A_18 = tpu.memref_slice %arg10[%mul3A_0, %dma_wait3A] : memref<10240x128xf32, #tpu.memory_space<vmem_shared>> -> memref<640x128xf32, #tpu.memory_space<vmem_shared>>
      %dma_wait3A_19 = arith.constant 0 : i32
      %dma_wait3A_20 = tpu.memref_slice %arg2[%mul3A_0, %dma_wait3A_19] : memref<10240x128xf32, #tpu.memory_space<hbm>> -> memref<640x128xf32, #tpu.memory_space<hbm>>
      tpu.wait_dma2 semaphore(%run_scoped3A : memref<!tpu.dma_semaphore, #tpu.memory_space<semaphore_mem>>) src(%dma_wait3A_20 : memref<640x128xf32, #tpu.memory_space<hbm>>) dst(%dma_wait3A_18 : memref<640x128xf32, #tpu.memory_space<vmem_shared>>)
      tpu.yield
    }) : () -> ()
    %dma_start3A = arith.constant 0 : i32
    %dma_start3A_1 = arith.constant 0 : i32
    %dma_start3A_2 = tpu.memref_slice %arg6[%dma_start3A, %dma_start3A_1] : memref<62x128xi32, #tpu.memory_space<vmem>> -> memref<1x128xi32, #tpu.memory_space<vmem>>
    %dma_start3A_3 = tpu.memref_squeeze %dma_start3A_2 : memref<1x128xi32, #tpu.memory_space<vmem>> -> memref<128xi32, #tpu.memory_space<vmem>>
    %dma_start3A_4 = arith.constant 0 : i32
    %dma_start3A_5 = arith.constant 0 : i32
    %dma_start3A_6 = tpu.memref_slice %arg2[%dma_start3A_4, %dma_start3A_5] : memref<10240x128xf32, #tpu.memory_space<hbm>> -> memref<10240x128xf32, #tpu.memory_space<hbm>>
    tpu.enqueue_indirect_dma source(%dma_start3A_6 : memref<10240x128xf32, #tpu.memory_space<hbm>>) target(%arg8 : memref<128x128xf32, #tpu.memory_space<vmem>>) offsets(%dma_start3A_3 : memref<128xi32, #tpu.memory_space<vmem>>) semaphore(%arg11 : memref<!tpu.dma_semaphore, #tpu.memory_space<semaphore_mem>>)
    %barrier3A = arith.constant 0 : index
    tpu.barrier barrier_id(%barrier3A)
    %eq3A = arith.constant 0 : i32
    %eq3A_7 = arith.cmpi eq, %arg0, %eq3A : i32
    %convert_element_type3A = arith.extui %eq3A_7 : i1 to i32
    %cond3A = arith.constant 0 : i32
    %cond3A_8 = arith.cmpi ne, %convert_element_type3A, %cond3A : i32
    scf.if %cond3A_8 {
      %scan3A = arith.constant 0 : i32
      %scan3A_14 = arith.constant 0 : i32
      %scan3A_15 = arith.constant 31 : i32
      %scan3A_16 = arith.addi %scan3A_14, %scan3A_15 : i32
      %scan3A_17 = arith.constant 1 : i32
      scf.for %scan3A_19 = %scan3A_14 to %scan3A_16 step %scan3A_17  : i32 {
        %mul3A_20 = arith.constant 2 : i32
        %mul3A_21 = arith.muli %mul3A_20, %scan3A_19 : i32
        %add3A = arith.constant 1 : i32
        %add3A_22 = arith.addi %mul3A_21, %add3A : i32
        %lt3A = arith.constant 62 : i32
        %lt3A_23 = arith.cmpi slt, %add3A_22, %lt3A : i32
        %convert_element_type3A_24 = arith.extui %lt3A_23 : i1 to i32
        %cond3A_25 = arith.constant 0 : i32
        %cond3A_26 = arith.cmpi ne, %convert_element_type3A_24, %cond3A_25 : i32
        scf.if %cond3A_26 {
          %add3A_46 = arith.constant 1 : i32
          %add3A_47 = arith.addi %mul3A_21, %add3A_46 : i32
          %dma_start3A_48 = arith.constant 0 : i32
          %dma_start3A_49 = tpu.memref_slice %arg6[%add3A_47, %dma_start3A_48] : memref<62x128xi32, #tpu.memory_space<vmem>> -> memref<1x128xi32, #tpu.memory_space<vmem>>
          %dma_start3A_50 = tpu.memref_squeeze %dma_start3A_49 : memref<1x128xi32, #tpu.memory_space<vmem>> -> memref<128xi32, #tpu.memory_space<vmem>>
          %dma_start3A_51 = arith.constant 0 : i32
          %dma_start3A_52 = arith.constant 0 : i32
          %dma_start3A_53 = tpu.memref_slice %arg2[%dma_start3A_51, %dma_start3A_52] : memref<10240x128xf32, #tpu.memory_space<hbm>> -> memref<10240x128xf32, #tpu.memory_space<hbm>>
          tpu.enqueue_indirect_dma source(%dma_start3A_53 : memref<10240x128xf32, #tpu.memory_space<hbm>>) target(%arg9 : memref<128x128xf32, #tpu.memory_space<vmem>>) offsets(%dma_start3A_50 : memref<128xi32, #tpu.memory_space<vmem>>) semaphore(%arg12 : memref<!tpu.dma_semaphore, #tpu.memory_space<semaphore_mem>>)
        } else {
        }
        %dma_wait3A = arith.constant 0 : i32
        %dma_wait3A_27 = tpu.memref_slice %arg6[%mul3A_21, %dma_wait3A] : memref<62x128xi32, #tpu.memory_space<vmem>> -> memref<1x128xi32, #tpu.memory_space<vmem>>
        %dma_wait3A_28 = tpu.memref_squeeze %dma_wait3A_27 : memref<1x128xi32, #tpu.memory_space<vmem>> -> memref<128xi32, #tpu.memory_space<vmem>>
        %dma_wait3A_29 = arith.constant 0 : i32
        %dma_wait3A_30 = arith.constant 0 : i32
        %dma_wait3A_31 = tpu.memref_slice %arg2[%dma_wait3A_29, %dma_wait3A_30] : memref<10240x128xf32, #tpu.memory_space<hbm>> -> memref<10240x128xf32, #tpu.memory_space<hbm>>
        tpu.wait_indirect_dma semaphore(%arg11 : memref<!tpu.dma_semaphore, #tpu.memory_space<semaphore_mem>>) src(%dma_wait3A_31 : memref<10240x128xf32, #tpu.memory_space<hbm>>) dst(%arg8 : memref<128x128xf32, #tpu.memory_space<vmem>>)
        "tpu.region"() ({
          %run_scoped3A = tpu.sem_alloc : memref<!tpu.dma_semaphore, #tpu.memory_space<semaphore_mem>>
          %dma_start3A_46 = arith.constant 0 : i32
          %dma_start3A_47 = tpu.memref_slice %arg7[%mul3A_21, %dma_start3A_46] : memref<62x128xi32, #tpu.memory_space<vmem>> -> memref<1x128xi32, #tpu.memory_space<vmem>>
          %dma_start3A_48 = tpu.memref_squeeze %dma_start3A_47 : memref<1x128xi32, #tpu.memory_space<vmem>> -> memref<128xi32, #tpu.memory_space<vmem>>
          %dma_start3A_49 = arith.constant 0 : i32
          %dma_start3A_50 = arith.constant 0 : i32
          %dma_start3A_51 = tpu.memref_slice %arg10[%dma_start3A_49, %dma_start3A_50] : memref<10240x128xf32, #tpu.memory_space<vmem_shared>> -> memref<10240x128xf32, #tpu.memory_space<vmem_shared>>
          tpu.enqueue_indirect_dma source(%arg8 : memref<128x128xf32, #tpu.memory_space<vmem>>) target(%dma_start3A_51 : memref<10240x128xf32, #tpu.memory_space<vmem_shared>>) offsets(%dma_start3A_48 : memref<128xi32, #tpu.memory_space<vmem>>) semaphore(%run_scoped3A : memref<!tpu.dma_semaphore, #tpu.memory_space<semaphore_mem>>) {add = true}
          %dma_wait3A_52 = arith.constant 0 : i32
          %dma_wait3A_53 = tpu.memref_slice %arg7[%mul3A_21, %dma_wait3A_52] : memref<62x128xi32, #tpu.memory_space<vmem>> -> memref<1x128xi32, #tpu.memory_space<vmem>>
          %dma_wait3A_54 = tpu.memref_squeeze %dma_wait3A_53 : memref<1x128xi32, #tpu.memory_space<vmem>> -> memref<128xi32, #tpu.memory_space<vmem>>
          %dma_wait3A_55 = arith.constant 0 : i32
          %dma_wait3A_56 = arith.constant 0 : i32
          %dma_wait3A_57 = tpu.memref_slice %arg10[%dma_wait3A_55, %dma_wait3A_56] : memref<10240x128xf32, #tpu.memory_space<vmem_shared>> -> memref<10240x128xf32, #tpu.memory_space<vmem_shared>>
          tpu.wait_indirect_dma semaphore(%run_scoped3A : memref<!tpu.dma_semaphore, #tpu.memory_space<semaphore_mem>>) src(%arg8 : memref<128x128xf32, #tpu.memory_space<vmem>>) dst(%dma_wait3A_57 : memref<10240x128xf32, #tpu.memory_space<vmem_shared>>)
          tpu.yield
        }) : () -> ()
        %add3A_32 = arith.constant 2 : i32
        %add3A_33 = arith.addi %mul3A_21, %add3A_32 : i32
        %lt3A_34 = arith.constant 62 : i32
        %lt3A_35 = arith.cmpi slt, %add3A_33, %lt3A_34 : i32
        %convert_element_type3A_36 = arith.extui %lt3A_35 : i1 to i32
        %cond3A_37 = arith.constant 0 : i32
        %cond3A_38 = arith.cmpi ne, %convert_element_type3A_36, %cond3A_37 : i32
        scf.if %cond3A_38 {
          %add3A_46 = arith.constant 2 : i32
          %add3A_47 = arith.addi %mul3A_21, %add3A_46 : i32
          %dma_start3A_48 = arith.constant 0 : i32
          %dma_start3A_49 = tpu.memref_slice %arg6[%add3A_47, %dma_start3A_48] : memref<62x128xi32, #tpu.memory_space<vmem>> -> memref<1x128xi32, #tpu.memory_space<vmem>>
          %dma_start3A_50 = tpu.memref_squeeze %dma_start3A_49 : memref<1x128xi32, #tpu.memory_space<vmem>> -> memref<128xi32, #tpu.memory_space<vmem>>
          %dma_start3A_51 = arith.constant 0 : i32
          %dma_start3A_52 = arith.constant 0 : i32
          %dma_start3A_53 = tpu.memref_slice %arg2[%dma_start3A_51, %dma_start3A_52] : memref<10240x128xf32, #tpu.memory_space<hbm>> -> memref<10240x128xf32, #tpu.memory_space<hbm>>
          tpu.enqueue_indirect_dma source(%dma_start3A_53 : memref<10240x128xf32, #tpu.memory_space<hbm>>) target(%arg8 : memref<128x128xf32, #tpu.memory_space<vmem>>) offsets(%dma_start3A_50 : memref<128xi32, #tpu.memory_space<vmem>>) semaphore(%arg11 : memref<!tpu.dma_semaphore, #tpu.memory_space<semaphore_mem>>)
        } else {
        }
        %add3A_39 = arith.constant 1 : i32
        %add3A_40 = arith.addi %mul3A_21, %add3A_39 : i32
        %lt3A_41 = arith.constant 62 : i32
        %lt3A_42 = arith.cmpi slt, %add3A_40, %lt3A_41 : i32
        %convert_element_type3A_43 = arith.extui %lt3A_42 : i1 to i32
        %cond3A_44 = arith.constant 0 : i32
        %cond3A_45 = arith.cmpi ne, %convert_element_type3A_43, %cond3A_44 : i32
        scf.if %cond3A_45 {
          %add3A_46 = arith.constant 1 : i32
          %add3A_47 = arith.addi %mul3A_21, %add3A_46 : i32
          %dma_wait3A_48 = arith.constant 0 : i32
          %dma_wait3A_49 = tpu.memref_slice %arg6[%add3A_47, %dma_wait3A_48] : memref<62x128xi32, #tpu.memory_space<vmem>> -> memref<1x128xi32, #tpu.memory_space<vmem>>
          %dma_wait3A_50 = tpu.memref_squeeze %dma_wait3A_49 : memref<1x128xi32, #tpu.memory_space<vmem>> -> memref<128xi32, #tpu.memory_space<vmem>>
          %dma_wait3A_51 = arith.constant 0 : i32
          %dma_wait3A_52 = arith.constant 0 : i32
          %dma_wait3A_53 = tpu.memref_slice %arg2[%dma_wait3A_51, %dma_wait3A_52] : memref<10240x128xf32, #tpu.memory_space<hbm>> -> memref<10240x128xf32, #tpu.memory_space<hbm>>
          tpu.wait_indirect_dma semaphore(%arg12 : memref<!tpu.dma_semaphore, #tpu.memory_space<semaphore_mem>>) src(%dma_wait3A_53 : memref<10240x128xf32, #tpu.memory_space<hbm>>) dst(%arg9 : memref<128x128xf32, #tpu.memory_space<vmem>>)
          %add3A_54 = arith.constant 1 : i32
          %add3A_55 = arith.addi %mul3A_21, %add3A_54 : i32
          "tpu.region"() ({
            %run_scoped3A = tpu.sem_alloc : memref<!tpu.dma_semaphore, #tpu.memory_space<semaphore_mem>>
            %dma_start3A_56 = arith.constant 0 : i32
            %dma_start3A_57 = tpu.memref_slice %arg7[%add3A_55, %dma_start3A_56] : memref<62x128xi32, #tpu.memory_space<vmem>> -> memref<1x128xi32, #tpu.memory_space<vmem>>
            %dma_start3A_58 = tpu.memref_squeeze %dma_start3A_57 : memref<1x128xi32, #tpu.memory_space<vmem>> -> memref<128xi32, #tpu.memory_space<vmem>>
            %dma_start3A_59 = arith.constant 0 : i32
            %dma_start3A_60 = arith.constant 0 : i32
            %dma_start3A_61 = tpu.memref_slice %arg10[%dma_start3A_59, %dma_start3A_60] : memref<10240x128xf32, #tpu.memory_space<vmem_shared>> -> memref<10240x128xf32, #tpu.memory_space<vmem_shared>>
            tpu.enqueue_indirect_dma source(%arg9 : memref<128x128xf32, #tpu.memory_space<vmem>>) target(%dma_start3A_61 : memref<10240x128xf32, #tpu.memory_space<vmem_shared>>) offsets(%dma_start3A_58 : memref<128xi32, #tpu.memory_space<vmem>>) semaphore(%run_scoped3A : memref<!tpu.dma_semaphore, #tpu.memory_space<semaphore_mem>>) {add = true}
            %dma_wait3A_62 = arith.constant 0 : i32
            %dma_wait3A_63 = tpu.memref_slice %arg7[%add3A_55, %dma_wait3A_62] : memref<62x128xi32, #tpu.memory_space<vmem>> -> memref<1x128xi32, #tpu.memory_space<vmem>>
            %dma_wait3A_64 = tpu.memref_squeeze %dma_wait3A_63 : memref<1x128xi32, #tpu.memory_space<vmem>> -> memref<128xi32, #tpu.memory_space<vmem>>
            %dma_wait3A_65 = arith.constant 0 : i32
            %dma_wait3A_66 = arith.constant 0 : i32
            %dma_wait3A_67 = tpu.memref_slice %arg10[%dma_wait3A_65, %dma_wait3A_66] : memref<10240x128xf32, #tpu.memory_space<vmem_shared>> -> memref<10240x128xf32, #tpu.memory_space<vmem_shared>>
            tpu.wait_indirect_dma semaphore(%run_scoped3A : memref<!tpu.dma_semaphore, #tpu.memory_space<semaphore_mem>>) src(%arg9 : memref<128x128xf32, #tpu.memory_space<vmem>>) dst(%dma_wait3A_67 : memref<10240x128xf32, #tpu.memory_space<vmem_shared>>)
            tpu.yield
          }) : () -> ()
        } else {
        }
      }
      %scan3A_18 = arith.constant 31 : i32
    } else {
    }
    %ne3A = arith.constant 0 : i32
    %ne3A_9 = arith.cmpi ne, %arg0, %ne3A : i32
    %convert_element_type3A_10 = arith.extui %ne3A_9 : i1 to i32
    %cond3A_11 = arith.constant 0 : i32
    %cond3A_12 = arith.cmpi ne, %convert_element_type3A_10, %cond3A_11 : i32
    scf.if %cond3A_12 {
      %scan3A = arith.constant 0 : i32
      %scan3A_14 = arith.constant 0 : i32
      %scan3A_15 = arith.constant 9 : i32
      %scan3A_16 = arith.addi %scan3A_14, %scan3A_15 : i32
      %scan3A_17 = arith.constant 1 : i32
      scf.for %scan3A_19 = %scan3A_14 to %scan3A_16 step %scan3A_17  : i32 {
        %mul3A_20 = arith.constant 2 : i32
        %mul3A_21 = arith.muli %mul3A_20, %scan3A_19 : i32
        %add3A = arith.constant 1 : i32
        %add3A_22 = arith.addi %mul3A_21, %add3A : i32
        %lt3A = arith.constant 17 : i32
        %lt3A_23 = arith.cmpi slt, %add3A_22, %lt3A : i32
        %convert_element_type3A_24 = arith.extui %lt3A_23 : i1 to i32
        %cond3A_25 = arith.constant 0 : i32
        %cond3A_26 = arith.cmpi ne, %convert_element_type3A_24, %cond3A_25 : i32
        scf.if %cond3A_26 {
          %add3A_46 = arith.constant 1 : i32
          %add3A_47 = arith.addi %mul3A_21, %add3A_46 : i32
          %dma_start3A_48 = arith.constant 0 : i32
          %dma_start3A_49 = tpu.memref_slice %arg6[%add3A_47, %dma_start3A_48] : memref<62x128xi32, #tpu.memory_space<vmem>> -> memref<1x128xi32, #tpu.memory_space<vmem>>
          %dma_start3A_50 = tpu.memref_squeeze %dma_start3A_49 : memref<1x128xi32, #tpu.memory_space<vmem>> -> memref<128xi32, #tpu.memory_space<vmem>>
          %dma_start3A_51 = arith.constant 0 : i32
          %dma_start3A_52 = arith.constant 0 : i32
          %dma_start3A_53 = tpu.memref_slice %arg2[%dma_start3A_51, %dma_start3A_52] : memref<10240x128xf32, #tpu.memory_space<hbm>> -> memref<10240x128xf32, #tpu.memory_space<hbm>>
          tpu.enqueue_indirect_dma source(%dma_start3A_53 : memref<10240x128xf32, #tpu.memory_space<hbm>>) target(%arg9 : memref<128x128xf32, #tpu.memory_space<vmem>>) offsets(%dma_start3A_50 : memref<128xi32, #tpu.memory_space<vmem>>) semaphore(%arg12 : memref<!tpu.dma_semaphore, #tpu.memory_space<semaphore_mem>>)
        } else {
        }
        %dma_wait3A = arith.constant 0 : i32
        %dma_wait3A_27 = tpu.memref_slice %arg6[%mul3A_21, %dma_wait3A] : memref<62x128xi32, #tpu.memory_space<vmem>> -> memref<1x128xi32, #tpu.memory_space<vmem>>
        %dma_wait3A_28 = tpu.memref_squeeze %dma_wait3A_27 : memref<1x128xi32, #tpu.memory_space<vmem>> -> memref<128xi32, #tpu.memory_space<vmem>>
        %dma_wait3A_29 = arith.constant 0 : i32
        %dma_wait3A_30 = arith.constant 0 : i32
        %dma_wait3A_31 = tpu.memref_slice %arg2[%dma_wait3A_29, %dma_wait3A_30] : memref<10240x128xf32, #tpu.memory_space<hbm>> -> memref<10240x128xf32, #tpu.memory_space<hbm>>
        tpu.wait_indirect_dma semaphore(%arg11 : memref<!tpu.dma_semaphore, #tpu.memory_space<semaphore_mem>>) src(%dma_wait3A_31 : memref<10240x128xf32, #tpu.memory_space<hbm>>) dst(%arg8 : memref<128x128xf32, #tpu.memory_space<vmem>>)
        "tpu.region"() ({
          %run_scoped3A = tpu.sem_alloc : memref<!tpu.dma_semaphore, #tpu.memory_space<semaphore_mem>>
          %dma_start3A_46 = arith.constant 0 : i32
          %dma_start3A_47 = tpu.memref_slice %arg7[%mul3A_21, %dma_start3A_46] : memref<62x128xi32, #tpu.memory_space<vmem>> -> memref<1x128xi32, #tpu.memory_space<vmem>>
          %dma_start3A_48 = tpu.memref_squeeze %dma_start3A_47 : memref<1x128xi32, #tpu.memory_space<vmem>> -> memref<128xi32, #tpu.memory_space<vmem>>
          %dma_start3A_49 = arith.constant 0 : i32
          %dma_start3A_50 = arith.constant 0 : i32
          %dma_start3A_51 = tpu.memref_slice %arg10[%dma_start3A_49, %dma_start3A_50] : memref<10240x128xf32, #tpu.memory_space<vmem_shared>> -> memref<10240x128xf32, #tpu.memory_space<vmem_shared>>
          tpu.enqueue_indirect_dma source(%arg8 : memref<128x128xf32, #tpu.memory_space<vmem>>) target(%dma_start3A_51 : memref<10240x128xf32, #tpu.memory_space<vmem_shared>>) offsets(%dma_start3A_48 : memref<128xi32, #tpu.memory_space<vmem>>) semaphore(%run_scoped3A : memref<!tpu.dma_semaphore, #tpu.memory_space<semaphore_mem>>) {add = true}
          %dma_wait3A_52 = arith.constant 0 : i32
          %dma_wait3A_53 = tpu.memref_slice %arg7[%mul3A_21, %dma_wait3A_52] : memref<62x128xi32, #tpu.memory_space<vmem>> -> memref<1x128xi32, #tpu.memory_space<vmem>>
          %dma_wait3A_54 = tpu.memref_squeeze %dma_wait3A_53 : memref<1x128xi32, #tpu.memory_space<vmem>> -> memref<128xi32, #tpu.memory_space<vmem>>
          %dma_wait3A_55 = arith.constant 0 : i32
          %dma_wait3A_56 = arith.constant 0 : i32
          %dma_wait3A_57 = tpu.memref_slice %arg10[%dma_wait3A_55, %dma_wait3A_56] : memref<10240x128xf32, #tpu.memory_space<vmem_shared>> -> memref<10240x128xf32, #tpu.memory_space<vmem_shared>>
          tpu.wait_indirect_dma semaphore(%run_scoped3A : memref<!tpu.dma_semaphore, #tpu.memory_space<semaphore_mem>>) src(%arg8 : memref<128x128xf32, #tpu.memory_space<vmem>>) dst(%dma_wait3A_57 : memref<10240x128xf32, #tpu.memory_space<vmem_shared>>)
          tpu.yield
        }) : () -> ()
        %add3A_32 = arith.constant 2 : i32
        %add3A_33 = arith.addi %mul3A_21, %add3A_32 : i32
        %lt3A_34 = arith.constant 17 : i32
        %lt3A_35 = arith.cmpi slt, %add3A_33, %lt3A_34 : i32
        %convert_element_type3A_36 = arith.extui %lt3A_35 : i1 to i32
        %cond3A_37 = arith.constant 0 : i32
        %cond3A_38 = arith.cmpi ne, %convert_element_type3A_36, %cond3A_37 : i32
        scf.if %cond3A_38 {
          %add3A_46 = arith.constant 2 : i32
          %add3A_47 = arith.addi %mul3A_21, %add3A_46 : i32
          %dma_start3A_48 = arith.constant 0 : i32
          %dma_start3A_49 = tpu.memref_slice %arg6[%add3A_47, %dma_start3A_48] : memref<62x128xi32, #tpu.memory_space<vmem>> -> memref<1x128xi32, #tpu.memory_space<vmem>>
          %dma_start3A_50 = tpu.memref_squeeze %dma_start3A_49 : memref<1x128xi32, #tpu.memory_space<vmem>> -> memref<128xi32, #tpu.memory_space<vmem>>
          %dma_start3A_51 = arith.constant 0 : i32
          %dma_start3A_52 = arith.constant 0 : i32
          %dma_start3A_53 = tpu.memref_slice %arg2[%dma_start3A_51, %dma_start3A_52] : memref<10240x128xf32, #tpu.memory_space<hbm>> -> memref<10240x128xf32, #tpu.memory_space<hbm>>
          tpu.enqueue_indirect_dma source(%dma_start3A_53 : memref<10240x128xf32, #tpu.memory_space<hbm>>) target(%arg8 : memref<128x128xf32, #tpu.memory_space<vmem>>) offsets(%dma_start3A_50 : memref<128xi32, #tpu.memory_space<vmem>>) semaphore(%arg11 : memref<!tpu.dma_semaphore, #tpu.memory_space<semaphore_mem>>)
        } else {
        }
        %add3A_39 = arith.constant 1 : i32
        %add3A_40 = arith.addi %mul3A_21, %add3A_39 : i32
        %lt3A_41 = arith.constant 17 : i32
        %lt3A_42 = arith.cmpi slt, %add3A_40, %lt3A_41 : i32
        %convert_element_type3A_43 = arith.extui %lt3A_42 : i1 to i32
        %cond3A_44 = arith.constant 0 : i32
        %cond3A_45 = arith.cmpi ne, %convert_element_type3A_43, %cond3A_44 : i32
        scf.if %cond3A_45 {
          %add3A_46 = arith.constant 1 : i32
          %add3A_47 = arith.addi %mul3A_21, %add3A_46 : i32
          %dma_wait3A_48 = arith.constant 0 : i32
          %dma_wait3A_49 = tpu.memref_slice %arg6[%add3A_47, %dma_wait3A_48] : memref<62x128xi32, #tpu.memory_space<vmem>> -> memref<1x128xi32, #tpu.memory_space<vmem>>
          %dma_wait3A_50 = tpu.memref_squeeze %dma_wait3A_49 : memref<1x128xi32, #tpu.memory_space<vmem>> -> memref<128xi32, #tpu.memory_space<vmem>>
          %dma_wait3A_51 = arith.constant 0 : i32
          %dma_wait3A_52 = arith.constant 0 : i32
          %dma_wait3A_53 = tpu.memref_slice %arg2[%dma_wait3A_51, %dma_wait3A_52] : memref<10240x128xf32, #tpu.memory_space<hbm>> -> memref<10240x128xf32, #tpu.memory_space<hbm>>
          tpu.wait_indirect_dma semaphore(%arg12 : memref<!tpu.dma_semaphore, #tpu.memory_space<semaphore_mem>>) src(%dma_wait3A_53 : memref<10240x128xf32, #tpu.memory_space<hbm>>) dst(%arg9 : memref<128x128xf32, #tpu.memory_space<vmem>>)
          %add3A_54 = arith.constant 1 : i32
          %add3A_55 = arith.addi %mul3A_21, %add3A_54 : i32
          "tpu.region"() ({
            %run_scoped3A = tpu.sem_alloc : memref<!tpu.dma_semaphore, #tpu.memory_space<semaphore_mem>>
            %dma_start3A_56 = arith.constant 0 : i32
            %dma_start3A_57 = tpu.memref_slice %arg7[%add3A_55, %dma_start3A_56] : memref<62x128xi32, #tpu.memory_space<vmem>> -> memref<1x128xi32, #tpu.memory_space<vmem>>
            %dma_start3A_58 = tpu.memref_squeeze %dma_start3A_57 : memref<1x128xi32, #tpu.memory_space<vmem>> -> memref<128xi32, #tpu.memory_space<vmem>>
            %dma_start3A_59 = arith.constant 0 : i32
            %dma_start3A_60 = arith.constant 0 : i32
            %dma_start3A_61 = tpu.memref_slice %arg10[%dma_start3A_59, %dma_start3A_60] : memref<10240x128xf32, #tpu.memory_space<vmem_shared>> -> memref<10240x128xf32, #tpu.memory_space<vmem_shared>>
            tpu.enqueue_indirect_dma source(%arg9 : memref<128x128xf32, #tpu.memory_space<vmem>>) target(%dma_start3A_61 : memref<10240x128xf32, #tpu.memory_space<vmem_shared>>) offsets(%dma_start3A_58 : memref<128xi32, #tpu.memory_space<vmem>>) semaphore(%run_scoped3A : memref<!tpu.dma_semaphore, #tpu.memory_space<semaphore_mem>>) {add = true}
            %dma_wait3A_62 = arith.constant 0 : i32
            %dma_wait3A_63 = tpu.memref_slice %arg7[%add3A_55, %dma_wait3A_62] : memref<62x128xi32, #tpu.memory_space<vmem>> -> memref<1x128xi32, #tpu.memory_space<vmem>>
            %dma_wait3A_64 = tpu.memref_squeeze %dma_wait3A_63 : memref<1x128xi32, #tpu.memory_space<vmem>> -> memref<128xi32, #tpu.memory_space<vmem>>
            %dma_wait3A_65 = arith.constant 0 : i32
            %dma_wait3A_66 = arith.constant 0 : i32
            %dma_wait3A_67 = tpu.memref_slice %arg10[%dma_wait3A_65, %dma_wait3A_66] : memref<10240x128xf32, #tpu.memory_space<vmem_shared>> -> memref<10240x128xf32, #tpu.memory_space<vmem_shared>>
            tpu.wait_indirect_dma semaphore(%run_scoped3A : memref<!tpu.dma_semaphore, #tpu.memory_space<semaphore_mem>>) src(%arg9 : memref<128x128xf32, #tpu.memory_space<vmem>>) dst(%dma_wait3A_67 : memref<10240x128xf32, #tpu.memory_space<vmem_shared>>)
            tpu.yield
          }) : () -> ()
        } else {
        }
      }
      %scan3A_18 = arith.constant 9 : i32
    } else {
    }
    %barrier3A_13 = arith.constant 0 : index
    tpu.barrier barrier_id(%barrier3A_13)
    "tpu.region"() ({
      %run_scoped3A = tpu.sem_alloc : memref<!tpu.dma_semaphore, #tpu.memory_space<semaphore_mem>>
      %dma_start3A_14 = arith.constant 0 : i32
      %dma_start3A_15 = tpu.memref_slice %arg5[%arg0, %mul3A_0, %dma_start3A_14] : memref<2x10240x128xf32, #tpu.memory_space<hbm>> -> memref<1x640x128xf32, #tpu.memory_space<hbm>>
      %dma_start3A_16 = tpu.memref_squeeze %dma_start3A_15 : memref<1x640x128xf32, #tpu.memory_space<hbm>> -> memref<640x128xf32, #tpu.memory_space<hbm>>
      %dma_start3A_17 = arith.constant 0 : i32
      %dma_start3A_18 = tpu.memref_slice %arg10[%mul3A_0, %dma_start3A_17] : memref<10240x128xf32, #tpu.memory_space<vmem_shared>> -> memref<640x128xf32, #tpu.memory_space<vmem_shared>>
      tpu.enqueue_dma source(%dma_start3A_18 : memref<640x128xf32, #tpu.memory_space<vmem_shared>>) target(%dma_start3A_16 : memref<640x128xf32, #tpu.memory_space<hbm>>) target_semaphore(%run_scoped3A : memref<!tpu.dma_semaphore, #tpu.memory_space<semaphore_mem>>)
      %dma_wait3A = arith.constant 0 : i32
      %dma_wait3A_19 = tpu.memref_slice %arg5[%arg0, %mul3A_0, %dma_wait3A] : memref<2x10240x128xf32, #tpu.memory_space<hbm>> -> memref<1x640x128xf32, #tpu.memory_space<hbm>>
      %dma_wait3A_20 = tpu.memref_squeeze %dma_wait3A_19 : memref<1x640x128xf32, #tpu.memory_space<hbm>> -> memref<640x128xf32, #tpu.memory_space<hbm>>
      %dma_wait3A_21 = arith.constant 0 : i32
      %dma_wait3A_22 = tpu.memref_slice %arg10[%mul3A_0, %dma_wait3A_21] : memref<10240x128xf32, #tpu.memory_space<vmem_shared>> -> memref<640x128xf32, #tpu.memory_space<vmem_shared>>
      tpu.wait_dma2 semaphore(%run_scoped3A : memref<!tpu.dma_semaphore, #tpu.memory_space<semaphore_mem>>) src(%dma_wait3A_22 : memref<640x128xf32, #tpu.memory_space<vmem_shared>>) dst(%dma_wait3A_20 : memref<640x128xf32, #tpu.memory_space<hbm>>)
      tpu.yield
    }) : () -> ()
    return
  }
}

#map = affine_map<(d0, d1) -> (0, 0)>
#map1 = affine_map<(d0, d1) -> (0, 0, 0, 0)>
#map2 = affine_map<(d0, d1) -> (0, 0, 0)>
module attributes {stable_mosaic.version = 14 : i64} {
  func.func @body(%arg0: i32, %arg1: i32, %arg2: memref<10240x128xf32, #tpu.memory_space<hbm>>, %arg3: memref<2x16x62x128xi32, #tpu.memory_space<hbm>>, %arg4: memref<2x16x62x128xi32, #tpu.memory_space<hbm>>, %arg5: memref<2x10240x128xf32, #tpu.memory_space<hbm>>, %arg6: memref<62x128xi32, #tpu.memory_space<vmem>>, %arg7: memref<62x128xi32, #tpu.memory_space<vmem>>, %arg8: memref<128x128xf32, #tpu.memory_space<vmem>>, %arg9: memref<128x128xf32, #tpu.memory_space<vmem>>, %arg10: memref<10240x128xf32, #tpu.memory_space<vmem_shared>>, %arg11: memref<!tpu.dma_semaphore, #tpu.memory_space<semaphore_mem>>, %arg12: memref<!tpu.dma_semaphore, #tpu.memory_space<semaphore_mem>>) attributes {dimension_semantics = [#tpu.dimension_semantics<core_parallel>, #tpu.dimension_semantics<subcore_parallel>], iteration_bounds = array<i64: 2, 16>, scalar_prefetch = 0 : i64, scratch_operands = 7 : i64, tpu.core_type = #tpu.core_type<sc_vector_subcore>, window_params = [{transform_indices = #map}, {transform_indices = #map1}, {transform_indices = #map1}, {transform_indices = #map2}]} {
    "tpu.region"() ({
      %run_scoped3A = tpu.sem_alloc : memref<!tpu.dma_semaphore, #tpu.memory_space<semaphore_mem>>
      %dma_start3A_14 = arith.constant 0 : i32
      %dma_start3A_15 = arith.constant 0 : i32
      %dma_start3A_16 = tpu.memref_slice %arg3[%arg0, %arg1, %dma_start3A_14, %dma_start3A_15] : memref<2x16x62x128xi32, #tpu.memory_space<hbm>> -> memref<1x1x62x128xi32, #tpu.memory_space<hbm>>
      %dma_start3A_17 = tpu.memref_squeeze %dma_start3A_16 : memref<1x1x62x128xi32, #tpu.memory_space<hbm>> -> memref<62x128xi32, #tpu.memory_space<hbm>>
      %dma_start3A_18 = arith.constant 0 : i32
      %dma_start3A_19 = arith.constant 0 : i32
      %dma_start3A_20 = tpu.memref_slice %arg3[%arg0, %arg1, %dma_start3A_18, %dma_start3A_19] : memref<2x16x62x128xi32, #tpu.memory_space<hbm>> -> memref<1x1x62x128xi32, #tpu.memory_space<hbm>>
      %dma_start3A_21 = tpu.memref_squeeze %dma_start3A_20 : memref<1x1x62x128xi32, #tpu.memory_space<hbm>> -> memref<62x128xi32, #tpu.memory_space<hbm>>
      tpu.enqueue_dma source(%dma_start3A_21 : memref<62x128xi32, #tpu.memory_space<hbm>>) target(%arg6 : memref<62x128xi32, #tpu.memory_space<vmem>>) target_semaphore(%run_scoped3A : memref<!tpu.dma_semaphore, #tpu.memory_space<semaphore_mem>>)
      %dma_wait3A = arith.constant 0 : i32
      %dma_wait3A_22 = arith.constant 0 : i32
      %dma_wait3A_23 = tpu.memref_slice %arg3[%arg0, %arg1, %dma_wait3A, %dma_wait3A_22] : memref<2x16x62x128xi32, #tpu.memory_space<hbm>> -> memref<1x1x62x128xi32, #tpu.memory_space<hbm>>
      %dma_wait3A_24 = tpu.memref_squeeze %dma_wait3A_23 : memref<1x1x62x128xi32, #tpu.memory_space<hbm>> -> memref<62x128xi32, #tpu.memory_space<hbm>>
      %dma_wait3A_25 = arith.constant 0 : i32
      %dma_wait3A_26 = arith.constant 0 : i32
      %dma_wait3A_27 = tpu.memref_slice %arg3[%arg0, %arg1, %dma_wait3A_25, %dma_wait3A_26] : memref<2x16x62x128xi32, #tpu.memory_space<hbm>> -> memref<1x1x62x128xi32, #tpu.memory_space<hbm>>
      %dma_wait3A_28 = tpu.memref_squeeze %dma_wait3A_27 : memref<1x1x62x128xi32, #tpu.memory_space<hbm>> -> memref<62x128xi32, #tpu.memory_space<hbm>>
      tpu.wait_dma2 semaphore(%run_scoped3A : memref<!tpu.dma_semaphore, #tpu.memory_space<semaphore_mem>>) src(%dma_wait3A_28 : memref<62x128xi32, #tpu.memory_space<hbm>>) dst(%arg6 : memref<62x128xi32, #tpu.memory_space<vmem>>)
      tpu.yield
    }) : () -> ()
    "tpu.region"() ({
      %run_scoped3A = tpu.sem_alloc : memref<!tpu.dma_semaphore, #tpu.memory_space<semaphore_mem>>
      %dma_start3A_14 = arith.constant 0 : i32
      %dma_start3A_15 = arith.constant 0 : i32
      %dma_start3A_16 = tpu.memref_slice %arg4[%arg0, %arg1, %dma_start3A_14, %dma_start3A_15] : memref<2x16x62x128xi32, #tpu.memory_space<hbm>> -> memref<1x1x62x128xi32, #tpu.memory_space<hbm>>
      %dma_start3A_17 = tpu.memref_squeeze %dma_start3A_16 : memref<1x1x62x128xi32, #tpu.memory_space<hbm>> -> memref<62x128xi32, #tpu.memory_space<hbm>>
      %dma_start3A_18 = arith.constant 0 : i32
      %dma_start3A_19 = arith.constant 0 : i32
      %dma_start3A_20 = tpu.memref_slice %arg4[%arg0, %arg1, %dma_start3A_18, %dma_start3A_19] : memref<2x16x62x128xi32, #tpu.memory_space<hbm>> -> memref<1x1x62x128xi32, #tpu.memory_space<hbm>>
      %dma_start3A_21 = tpu.memref_squeeze %dma_start3A_20 : memref<1x1x62x128xi32, #tpu.memory_space<hbm>> -> memref<62x128xi32, #tpu.memory_space<hbm>>
      tpu.enqueue_dma source(%dma_start3A_21 : memref<62x128xi32, #tpu.memory_space<hbm>>) target(%arg7 : memref<62x128xi32, #tpu.memory_space<vmem>>) target_semaphore(%run_scoped3A : memref<!tpu.dma_semaphore, #tpu.memory_space<semaphore_mem>>)
      %dma_wait3A = arith.constant 0 : i32
      %dma_wait3A_22 = arith.constant 0 : i32
      %dma_wait3A_23 = tpu.memref_slice %arg4[%arg0, %arg1, %dma_wait3A, %dma_wait3A_22] : memref<2x16x62x128xi32, #tpu.memory_space<hbm>> -> memref<1x1x62x128xi32, #tpu.memory_space<hbm>>
      %dma_wait3A_24 = tpu.memref_squeeze %dma_wait3A_23 : memref<1x1x62x128xi32, #tpu.memory_space<hbm>> -> memref<62x128xi32, #tpu.memory_space<hbm>>
      %dma_wait3A_25 = arith.constant 0 : i32
      %dma_wait3A_26 = arith.constant 0 : i32
      %dma_wait3A_27 = tpu.memref_slice %arg4[%arg0, %arg1, %dma_wait3A_25, %dma_wait3A_26] : memref<2x16x62x128xi32, #tpu.memory_space<hbm>> -> memref<1x1x62x128xi32, #tpu.memory_space<hbm>>
      %dma_wait3A_28 = tpu.memref_squeeze %dma_wait3A_27 : memref<1x1x62x128xi32, #tpu.memory_space<hbm>> -> memref<62x128xi32, #tpu.memory_space<hbm>>
      tpu.wait_dma2 semaphore(%run_scoped3A : memref<!tpu.dma_semaphore, #tpu.memory_space<semaphore_mem>>) src(%dma_wait3A_28 : memref<62x128xi32, #tpu.memory_space<hbm>>) dst(%arg7 : memref<62x128xi32, #tpu.memory_space<vmem>>)
      tpu.yield
    }) : () -> ()
    %mul3A = arith.constant 640 : i32
    %mul3A_0 = arith.muli %arg1, %mul3A : i32
    "tpu.region"() ({
      %run_scoped3A = tpu.sem_alloc : memref<!tpu.dma_semaphore, #tpu.memory_space<semaphore_mem>>
      %dma_start3A_14 = arith.constant 0 : i32
      %dma_start3A_15 = tpu.memref_slice %arg10[%mul3A_0, %dma_start3A_14] : memref<10240x128xf32, #tpu.memory_space<vmem_shared>> -> memref<640x128xf32, #tpu.memory_space<vmem_shared>>
      %dma_start3A_16 = arith.constant 0 : i32
      %dma_start3A_17 = tpu.memref_slice %arg2[%mul3A_0, %dma_start3A_16] : memref<10240x128xf32, #tpu.memory_space<hbm>> -> memref<640x128xf32, #tpu.memory_space<hbm>>
      tpu.enqueue_dma source(%dma_start3A_17 : memref<640x128xf32, #tpu.memory_space<hbm>>) target(%dma_start3A_15 : memref<640x128xf32, #tpu.memory_space<vmem_shared>>) target_semaphore(%run_scoped3A : memref<!tpu.dma_semaphore, #tpu.memory_space<semaphore_mem>>)
      %dma_wait3A = arith.constant 0 : i32
      %dma_wait3A_18 = tpu.memref_slice %arg10[%mul3A_0, %dma_wait3A] : memref<10240x128xf32, #tpu.memory_space<vmem_shared>> -> memref<640x128xf32, #tpu.memory_space<vmem_shared>>
      %dma_wait3A_19 = arith.constant 0 : i32
      %dma_wait3A_20 = tpu.memref_slice %arg2[%mul3A_0, %dma_wait3A_19] : memref<10240x128xf32, #tpu.memory_space<hbm>> -> memref<640x128xf32, #tpu.memory_space<hbm>>
      tpu.wait_dma2 semaphore(%run_scoped3A : memref<!tpu.dma_semaphore, #tpu.memory_space<semaphore_mem>>) src(%dma_wait3A_20 : memref<640x128xf32, #tpu.memory_space<hbm>>) dst(%dma_wait3A_18 : memref<640x128xf32, #tpu.memory_space<vmem_shared>>)
      tpu.yield
    }) : () -> ()
    %dma_start3A = arith.constant 0 : i32
    %dma_start3A_1 = arith.constant 0 : i32
    %dma_start3A_2 = tpu.memref_slice %arg6[%dma_start3A, %dma_start3A_1] : memref<62x128xi32, #tpu.memory_space<vmem>> -> memref<1x128xi32, #tpu.memory_space<vmem>>
    %dma_start3A_3 = tpu.memref_squeeze %dma_start3A_2 : memref<1x128xi32, #tpu.memory_space<vmem>> -> memref<128xi32, #tpu.memory_space<vmem>>
    %dma_start3A_4 = arith.constant 0 : i32
    %dma_start3A_5 = arith.constant 0 : i32
    %dma_start3A_6 = tpu.memref_slice %arg2[%dma_start3A_4, %dma_start3A_5] : memref<10240x128xf32, #tpu.memory_space<hbm>> -> memref<10240x128xf32, #tpu.memory_space<hbm>>
    tpu.enqueue_indirect_dma source(%dma_start3A_6 : memref<10240x128xf32, #tpu.memory_space<hbm>>) target(%arg8 : memref<128x128xf32, #tpu.memory_space<vmem>>) offsets(%dma_start3A_3 : memref<128xi32, #tpu.memory_space<vmem>>) semaphore(%arg11 : memref<!tpu.dma_semaphore, #tpu.memory_space<semaphore_mem>>)
    %barrier3A = arith.constant 0 : index
    tpu.barrier barrier_id(%barrier3A)
    %eq3A = arith.constant 0 : i32
    %eq3A_7 = arith.cmpi eq, %arg0, %eq3A : i32
    %convert_element_type3A = arith.extui %eq3A_7 : i1 to i32
    %cond3A = arith.constant 0 : i32
    %cond3A_8 = arith.cmpi ne, %convert_element_type3A, %cond3A : i32
    scf.if %cond3A_8 {
      %scan3A = arith.constant 0 : i32
      %scan3A_14 = arith.constant 0 : i32
      %scan3A_15 = arith.constant 31 : i32
      %scan3A_16 = arith.addi %scan3A_14, %scan3A_15 : i32
      %scan3A_17 = arith.constant 1 : i32
      scf.for %scan3A_19 = %scan3A_14 to %scan3A_16 step %scan3A_17  : i32 {
        %mul3A_20 = arith.constant 2 : i32
        %mul3A_21 = arith.muli %mul3A_20, %scan3A_19 : i32
        %add3A = arith.constant 1 : i32
        %add3A_22 = arith.addi %mul3A_21, %add3A : i32
        %lt3A = arith.constant 62 : i32
        %lt3A_23 = arith.cmpi slt, %add3A_22, %lt3A : i32
        %convert_element_type3A_24 = arith.extui %lt3A_23 : i1 to i32
        %cond3A_25 = arith.constant 0 : i32
        %cond3A_26 = arith.cmpi ne, %convert_element_type3A_24, %cond3A_25 : i32
        scf.if %cond3A_26 {
          %add3A_46 = arith.constant 1 : i32
          %add3A_47 = arith.addi %mul3A_21, %add3A_46 : i32
          %dma_start3A_48 = arith.constant 0 : i32
          %dma_start3A_49 = tpu.memref_slice %arg6[%add3A_47, %dma_start3A_48] : memref<62x128xi32, #tpu.memory_space<vmem>> -> memref<1x128xi32, #tpu.memory_space<vmem>>
          %dma_start3A_50 = tpu.memref_squeeze %dma_start3A_49 : memref<1x128xi32, #tpu.memory_space<vmem>> -> memref<128xi32, #tpu.memory_space<vmem>>
          %dma_start3A_51 = arith.constant 0 : i32
          %dma_start3A_52 = arith.constant 0 : i32
          %dma_start3A_53 = tpu.memref_slice %arg2[%dma_start3A_51, %dma_start3A_52] : memref<10240x128xf32, #tpu.memory_space<hbm>> -> memref<10240x128xf32, #tpu.memory_space<hbm>>
          tpu.enqueue_indirect_dma source(%dma_start3A_53 : memref<10240x128xf32, #tpu.memory_space<hbm>>) target(%arg9 : memref<128x128xf32, #tpu.memory_space<vmem>>) offsets(%dma_start3A_50 : memref<128xi32, #tpu.memory_space<vmem>>) semaphore(%arg12 : memref<!tpu.dma_semaphore, #tpu.memory_space<semaphore_mem>>)
        } else {
        }
        %dma_wait3A = arith.constant 0 : i32
        %dma_wait3A_27 = tpu.memref_slice %arg6[%mul3A_21, %dma_wait3A] : memref<62x128xi32, #tpu.memory_space<vmem>> -> memref<1x128xi32, #tpu.memory_space<vmem>>
        %dma_wait3A_28 = tpu.memref_squeeze %dma_wait3A_27 : memref<1x128xi32, #tpu.memory_space<vmem>> -> memref<128xi32, #tpu.memory_space<vmem>>
        %dma_wait3A_29 = arith.constant 0 : i32
        %dma_wait3A_30 = arith.constant 0 : i32
        %dma_wait3A_31 = tpu.memref_slice %arg2[%dma_wait3A_29, %dma_wait3A_30] : memref<10240x128xf32, #tpu.memory_space<hbm>> -> memref<10240x128xf32, #tpu.memory_space<hbm>>
        tpu.wait_indirect_dma semaphore(%arg11 : memref<!tpu.dma_semaphore, #tpu.memory_space<semaphore_mem>>) src(%dma_wait3A_31 : memref<10240x128xf32, #tpu.memory_space<hbm>>) dst(%arg8 : memref<128x128xf32, #tpu.memory_space<vmem>>)
        "tpu.region"() ({
          %run_scoped3A = tpu.sem_alloc : memref<!tpu.dma_semaphore, #tpu.memory_space<semaphore_mem>>
          %dma_start3A_46 = arith.constant 0 : i32
          %dma_start3A_47 = tpu.memref_slice %arg7[%mul3A_21, %dma_start3A_46] : memref<62x128xi32, #tpu.memory_space<vmem>> -> memref<1x128xi32, #tpu.memory_space<vmem>>
          %dma_start3A_48 = tpu.memref_squeeze %dma_start3A_47 : memref<1x128xi32, #tpu.memory_space<vmem>> -> memref<128xi32, #tpu.memory_space<vmem>>
          %dma_start3A_49 = arith.constant 0 : i32
          %dma_start3A_50 = arith.constant 0 : i32
          %dma_start3A_51 = tpu.memref_slice %arg10[%dma_start3A_49, %dma_start3A_50] : memref<10240x128xf32, #tpu.memory_space<vmem_shared>> -> memref<10240x128xf32, #tpu.memory_space<vmem_shared>>
          tpu.enqueue_indirect_dma source(%arg8 : memref<128x128xf32, #tpu.memory_space<vmem>>) target(%dma_start3A_51 : memref<10240x128xf32, #tpu.memory_space<vmem_shared>>) offsets(%dma_start3A_48 : memref<128xi32, #tpu.memory_space<vmem>>) semaphore(%run_scoped3A : memref<!tpu.dma_semaphore, #tpu.memory_space<semaphore_mem>>) {add = true}
          %dma_wait3A_52 = arith.constant 0 : i32
          %dma_wait3A_53 = tpu.memref_slice %arg7[%mul3A_21, %dma_wait3A_52] : memref<62x128xi32, #tpu.memory_space<vmem>> -> memref<1x128xi32, #tpu.memory_space<vmem>>
          %dma_wait3A_54 = tpu.memref_squeeze %dma_wait3A_53 : memref<1x128xi32, #tpu.memory_space<vmem>> -> memref<128xi32, #tpu.memory_space<vmem>>
          %dma_wait3A_55 = arith.constant 0 : i32
          %dma_wait3A_56 = arith.constant 0 : i32
          %dma_wait3A_57 = tpu.memref_slice %arg10[%dma_wait3A_55, %dma_wait3A_56] : memref<10240x128xf32, #tpu.memory_space<vmem_shared>> -> memref<10240x128xf32, #tpu.memory_space<vmem_shared>>
          tpu.wait_indirect_dma semaphore(%run_scoped3A : memref<!tpu.dma_semaphore, #tpu.memory_space<semaphore_mem>>) src(%arg8 : memref<128x128xf32, #tpu.memory_space<vmem>>) dst(%dma_wait3A_57 : memref<10240x128xf32, #tpu.memory_space<vmem_shared>>)
          tpu.yield
        }) : () -> ()
        %add3A_32 = arith.constant 2 : i32
        %add3A_33 = arith.addi %mul3A_21, %add3A_32 : i32
        %lt3A_34 = arith.constant 62 : i32
        %lt3A_35 = arith.cmpi slt, %add3A_33, %lt3A_34 : i32
        %convert_element_type3A_36 = arith.extui %lt3A_35 : i1 to i32
        %cond3A_37 = arith.constant 0 : i32
        %cond3A_38 = arith.cmpi ne, %convert_element_type3A_36, %cond3A_37 : i32
        scf.if %cond3A_38 {
          %add3A_46 = arith.constant 2 : i32
          %add3A_47 = arith.addi %mul3A_21, %add3A_46 : i32
          %dma_start3A_48 = arith.constant 0 : i32
          %dma_start3A_49 = tpu.memref_slice %arg6[%add3A_47, %dma_start3A_48] : memref<62x128xi32, #tpu.memory_space<vmem>> -> memref<1x128xi32, #tpu.memory_space<vmem>>
          %dma_start3A_50 = tpu.memref_squeeze %dma_start3A_49 : memref<1x128xi32, #tpu.memory_space<vmem>> -> memref<128xi32, #tpu.memory_space<vmem>>
          %dma_start3A_51 = arith.constant 0 : i32
          %dma_start3A_52 = arith.constant 0 : i32
          %dma_start3A_53 = tpu.memref_slice %arg2[%dma_start3A_51, %dma_start3A_52] : memref<10240x128xf32, #tpu.memory_space<hbm>> -> memref<10240x128xf32, #tpu.memory_space<hbm>>
          tpu.enqueue_indirect_dma source(%dma_start3A_53 : memref<10240x128xf32, #tpu.memory_space<hbm>>) target(%arg8 : memref<128x128xf32, #tpu.memory_space<vmem>>) offsets(%dma_start3A_50 : memref<128xi32, #tpu.memory_space<vmem>>) semaphore(%arg11 : memref<!tpu.dma_semaphore, #tpu.memory_space<semaphore_mem>>)
        } else {
        }
        %add3A_39 = arith.constant 1 : i32
        %add3A_40 = arith.addi %mul3A_21, %add3A_39 : i32
        %lt3A_41 = arith.constant 62 : i32
        %lt3A_42 = arith.cmpi slt, %add3A_40, %lt3A_41 : i32
        %convert_element_type3A_43 = arith.extui %lt3A_42 : i1 to i32
        %cond3A_44 = arith.constant 0 : i32
        %cond3A_45 = arith.cmpi ne, %convert_element_type3A_43, %cond3A_44 : i32
        scf.if %cond3A_45 {
          %add3A_46 = arith.constant 1 : i32
          %add3A_47 = arith.addi %mul3A_21, %add3A_46 : i32
          %dma_wait3A_48 = arith.constant 0 : i32
          %dma_wait3A_49 = tpu.memref_slice %arg6[%add3A_47, %dma_wait3A_48] : memref<62x128xi32, #tpu.memory_space<vmem>> -> memref<1x128xi32, #tpu.memory_space<vmem>>
          %dma_wait3A_50 = tpu.memref_squeeze %dma_wait3A_49 : memref<1x128xi32, #tpu.memory_space<vmem>> -> memref<128xi32, #tpu.memory_space<vmem>>
          %dma_wait3A_51 = arith.constant 0 : i32
          %dma_wait3A_52 = arith.constant 0 : i32
          %dma_wait3A_53 = tpu.memref_slice %arg2[%dma_wait3A_51, %dma_wait3A_52] : memref<10240x128xf32, #tpu.memory_space<hbm>> -> memref<10240x128xf32, #tpu.memory_space<hbm>>
          tpu.wait_indirect_dma semaphore(%arg12 : memref<!tpu.dma_semaphore, #tpu.memory_space<semaphore_mem>>) src(%dma_wait3A_53 : memref<10240x128xf32, #tpu.memory_space<hbm>>) dst(%arg9 : memref<128x128xf32, #tpu.memory_space<vmem>>)
          %add3A_54 = arith.constant 1 : i32
          %add3A_55 = arith.addi %mul3A_21, %add3A_54 : i32
          "tpu.region"() ({
            %run_scoped3A = tpu.sem_alloc : memref<!tpu.dma_semaphore, #tpu.memory_space<semaphore_mem>>
            %dma_start3A_56 = arith.constant 0 : i32
            %dma_start3A_57 = tpu.memref_slice %arg7[%add3A_55, %dma_start3A_56] : memref<62x128xi32, #tpu.memory_space<vmem>> -> memref<1x128xi32, #tpu.memory_space<vmem>>
            %dma_start3A_58 = tpu.memref_squeeze %dma_start3A_57 : memref<1x128xi32, #tpu.memory_space<vmem>> -> memref<128xi32, #tpu.memory_space<vmem>>
            %dma_start3A_59 = arith.constant 0 : i32
            %dma_start3A_60 = arith.constant 0 : i32
            %dma_start3A_61 = tpu.memref_slice %arg10[%dma_start3A_59, %dma_start3A_60] : memref<10240x128xf32, #tpu.memory_space<vmem_shared>> -> memref<10240x128xf32, #tpu.memory_space<vmem_shared>>
            tpu.enqueue_indirect_dma source(%arg9 : memref<128x128xf32, #tpu.memory_space<vmem>>) target(%dma_start3A_61 : memref<10240x128xf32, #tpu.memory_space<vmem_shared>>) offsets(%dma_start3A_58 : memref<128xi32, #tpu.memory_space<vmem>>) semaphore(%run_scoped3A : memref<!tpu.dma_semaphore, #tpu.memory_space<semaphore_mem>>) {add = true}
            %dma_wait3A_62 = arith.constant 0 : i32
            %dma_wait3A_63 = tpu.memref_slice %arg7[%add3A_55, %dma_wait3A_62] : memref<62x128xi32, #tpu.memory_space<vmem>> -> memref<1x128xi32, #tpu.memory_space<vmem>>
            %dma_wait3A_64 = tpu.memref_squeeze %dma_wait3A_63 : memref<1x128xi32, #tpu.memory_space<vmem>> -> memref<128xi32, #tpu.memory_space<vmem>>
            %dma_wait3A_65 = arith.constant 0 : i32
            %dma_wait3A_66 = arith.constant 0 : i32
            %dma_wait3A_67 = tpu.memref_slice %arg10[%dma_wait3A_65, %dma_wait3A_66] : memref<10240x128xf32, #tpu.memory_space<vmem_shared>> -> memref<10240x128xf32, #tpu.memory_space<vmem_shared>>
            tpu.wait_indirect_dma semaphore(%run_scoped3A : memref<!tpu.dma_semaphore, #tpu.memory_space<semaphore_mem>>) src(%arg9 : memref<128x128xf32, #tpu.memory_space<vmem>>) dst(%dma_wait3A_67 : memref<10240x128xf32, #tpu.memory_space<vmem_shared>>)
            tpu.yield
          }) : () -> ()
        } else {
        }
      }
      %scan3A_18 = arith.constant 31 : i32
    } else {
    }
    %ne3A = arith.constant 0 : i32
    %ne3A_9 = arith.cmpi ne, %arg0, %ne3A : i32
    %convert_element_type3A_10 = arith.extui %ne3A_9 : i1 to i32
    %cond3A_11 = arith.constant 0 : i32
    %cond3A_12 = arith.cmpi ne, %convert_element_type3A_10, %cond3A_11 : i32
    scf.if %cond3A_12 {
      %scan3A = arith.constant 0 : i32
      %scan3A_14 = arith.constant 0 : i32
      %scan3A_15 = arith.constant 9 : i32
      %scan3A_16 = arith.addi %scan3A_14, %scan3A_15 : i32
      %scan3A_17 = arith.constant 1 : i32
      scf.for %scan3A_19 = %scan3A_14 to %scan3A_16 step %scan3A_17  : i32 {
        %mul3A_20 = arith.constant 2 : i32
        %mul3A_21 = arith.muli %mul3A_20, %scan3A_19 : i32
        %add3A = arith.constant 1 : i32
        %add3A_22 = arith.addi %mul3A_21, %add3A : i32
        %lt3A = arith.constant 17 : i32
        %lt3A_23 = arith.cmpi slt, %add3A_22, %lt3A : i32
        %convert_element_type3A_24 = arith.extui %lt3A_23 : i1 to i32
        %cond3A_25 = arith.constant 0 : i32
        %cond3A_26 = arith.cmpi ne, %convert_element_type3A_24, %cond3A_25 : i32
        scf.if %cond3A_26 {
          %add3A_46 = arith.constant 1 : i32
          %add3A_47 = arith.addi %mul3A_21, %add3A_46 : i32
          %dma_start3A_48 = arith.constant 0 : i32
          %dma_start3A_49 = tpu.memref_slice %arg6[%add3A_47, %dma_start3A_48] : memref<62x128xi32, #tpu.memory_space<vmem>> -> memref<1x128xi32, #tpu.memory_space<vmem>>
          %dma_start3A_50 = tpu.memref_squeeze %dma_start3A_49 : memref<1x128xi32, #tpu.memory_space<vmem>> -> memref<128xi32, #tpu.memory_space<vmem>>
          %dma_start3A_51 = arith.constant 0 : i32
          %dma_start3A_52 = arith.constant 0 : i32
          %dma_start3A_53 = tpu.memref_slice %arg2[%dma_start3A_51, %dma_start3A_52] : memref<10240x128xf32, #tpu.memory_space<hbm>> -> memref<10240x128xf32, #tpu.memory_space<hbm>>
          tpu.enqueue_indirect_dma source(%dma_start3A_53 : memref<10240x128xf32, #tpu.memory_space<hbm>>) target(%arg9 : memref<128x128xf32, #tpu.memory_space<vmem>>) offsets(%dma_start3A_50 : memref<128xi32, #tpu.memory_space<vmem>>) semaphore(%arg12 : memref<!tpu.dma_semaphore, #tpu.memory_space<semaphore_mem>>)
        } else {
        }
        %dma_wait3A = arith.constant 0 : i32
        %dma_wait3A_27 = tpu.memref_slice %arg6[%mul3A_21, %dma_wait3A] : memref<62x128xi32, #tpu.memory_space<vmem>> -> memref<1x128xi32, #tpu.memory_space<vmem>>
        %dma_wait3A_28 = tpu.memref_squeeze %dma_wait3A_27 : memref<1x128xi32, #tpu.memory_space<vmem>> -> memref<128xi32, #tpu.memory_space<vmem>>
        %dma_wait3A_29 = arith.constant 0 : i32
        %dma_wait3A_30 = arith.constant 0 : i32
        %dma_wait3A_31 = tpu.memref_slice %arg2[%dma_wait3A_29, %dma_wait3A_30] : memref<10240x128xf32, #tpu.memory_space<hbm>> -> memref<10240x128xf32, #tpu.memory_space<hbm>>
        tpu.wait_indirect_dma semaphore(%arg11 : memref<!tpu.dma_semaphore, #tpu.memory_space<semaphore_mem>>) src(%dma_wait3A_31 : memref<10240x128xf32, #tpu.memory_space<hbm>>) dst(%arg8 : memref<128x128xf32, #tpu.memory_space<vmem>>)
        "tpu.region"() ({
          %run_scoped3A = tpu.sem_alloc : memref<!tpu.dma_semaphore, #tpu.memory_space<semaphore_mem>>
          %dma_start3A_46 = arith.constant 0 : i32
          %dma_start3A_47 = tpu.memref_slice %arg7[%mul3A_21, %dma_start3A_46] : memref<62x128xi32, #tpu.memory_space<vmem>> -> memref<1x128xi32, #tpu.memory_space<vmem>>
          %dma_start3A_48 = tpu.memref_squeeze %dma_start3A_47 : memref<1x128xi32, #tpu.memory_space<vmem>> -> memref<128xi32, #tpu.memory_space<vmem>>
          %dma_start3A_49 = arith.constant 0 : i32
          %dma_start3A_50 = arith.constant 0 : i32
          %dma_start3A_51 = tpu.memref_slice %arg10[%dma_start3A_49, %dma_start3A_50] : memref<10240x128xf32, #tpu.memory_space<vmem_shared>> -> memref<10240x128xf32, #tpu.memory_space<vmem_shared>>
          tpu.enqueue_indirect_dma source(%arg8 : memref<128x128xf32, #tpu.memory_space<vmem>>) target(%dma_start3A_51 : memref<10240x128xf32, #tpu.memory_space<vmem_shared>>) offsets(%dma_start3A_48 : memref<128xi32, #tpu.memory_space<vmem>>) semaphore(%run_scoped3A : memref<!tpu.dma_semaphore, #tpu.memory_space<semaphore_mem>>) {add = true}
          %dma_wait3A_52 = arith.constant 0 : i32
          %dma_wait3A_53 = tpu.memref_slice %arg7[%mul3A_21, %dma_wait3A_52] : memref<62x128xi32, #tpu.memory_space<vmem>> -> memref<1x128xi32, #tpu.memory_space<vmem>>
          %dma_wait3A_54 = tpu.memref_squeeze %dma_wait3A_53 : memref<1x128xi32, #tpu.memory_space<vmem>> -> memref<128xi32, #tpu.memory_space<vmem>>
          %dma_wait3A_55 = arith.constant 0 : i32
          %dma_wait3A_56 = arith.constant 0 : i32
          %dma_wait3A_57 = tpu.memref_slice %arg10[%dma_wait3A_55, %dma_wait3A_56] : memref<10240x128xf32, #tpu.memory_space<vmem_shared>> -> memref<10240x128xf32, #tpu.memory_space<vmem_shared>>
          tpu.wait_indirect_dma semaphore(%run_scoped3A : memref<!tpu.dma_semaphore, #tpu.memory_space<semaphore_mem>>) src(%arg8 : memref<128x128xf32, #tpu.memory_space<vmem>>) dst(%dma_wait3A_57 : memref<10240x128xf32, #tpu.memory_space<vmem_shared>>)
          tpu.yield
        }) : () -> ()
        %add3A_32 = arith.constant 2 : i32
        %add3A_33 = arith.addi %mul3A_21, %add3A_32 : i32
        %lt3A_34 = arith.constant 17 : i32
        %lt3A_35 = arith.cmpi slt, %add3A_33, %lt3A_34 : i32
        %convert_element_type3A_36 = arith.extui %lt3A_35 : i1 to i32
        %cond3A_37 = arith.constant 0 : i32
        %cond3A_38 = arith.cmpi ne, %convert_element_type3A_36, %cond3A_37 : i32
        scf.if %cond3A_38 {
          %add3A_46 = arith.constant 2 : i32
          %add3A_47 = arith.addi %mul3A_21, %add3A_46 : i32
          %dma_start3A_48 = arith.constant 0 : i32
          %dma_start3A_49 = tpu.memref_slice %arg6[%add3A_47, %dma_start3A_48] : memref<62x128xi32, #tpu.memory_space<vmem>> -> memref<1x128xi32, #tpu.memory_space<vmem>>
          %dma_start3A_50 = tpu.memref_squeeze %dma_start3A_49 : memref<1x128xi32, #tpu.memory_space<vmem>> -> memref<128xi32, #tpu.memory_space<vmem>>
          %dma_start3A_51 = arith.constant 0 : i32
          %dma_start3A_52 = arith.constant 0 : i32
          %dma_start3A_53 = tpu.memref_slice %arg2[%dma_start3A_51, %dma_start3A_52] : memref<10240x128xf32, #tpu.memory_space<hbm>> -> memref<10240x128xf32, #tpu.memory_space<hbm>>
          tpu.enqueue_indirect_dma source(%dma_start3A_53 : memref<10240x128xf32, #tpu.memory_space<hbm>>) target(%arg8 : memref<128x128xf32, #tpu.memory_space<vmem>>) offsets(%dma_start3A_50 : memref<128xi32, #tpu.memory_space<vmem>>) semaphore(%arg11 : memref<!tpu.dma_semaphore, #tpu.memory_space<semaphore_mem>>)
        } else {
        }
        %add3A_39 = arith.constant 1 : i32
        %add3A_40 = arith.addi %mul3A_21, %add3A_39 : i32
        %lt3A_41 = arith.constant 17 : i32
        %lt3A_42 = arith.cmpi slt, %add3A_40, %lt3A_41 : i32
        %convert_element_type3A_43 = arith.extui %lt3A_42 : i1 to i32
        %cond3A_44 = arith.constant 0 : i32
        %cond3A_45 = arith.cmpi ne, %convert_element_type3A_43, %cond3A_44 : i32
        scf.if %cond3A_45 {
          %add3A_46 = arith.constant 1 : i32
          %add3A_47 = arith.addi %mul3A_21, %add3A_46 : i32
          %dma_wait3A_48 = arith.constant 0 : i32
          %dma_wait3A_49 = tpu.memref_slice %arg6[%add3A_47, %dma_wait3A_48] : memref<62x128xi32, #tpu.memory_space<vmem>> -> memref<1x128xi32, #tpu.memory_space<vmem>>
          %dma_wait3A_50 = tpu.memref_squeeze %dma_wait3A_49 : memref<1x128xi32, #tpu.memory_space<vmem>> -> memref<128xi32, #tpu.memory_space<vmem>>
          %dma_wait3A_51 = arith.constant 0 : i32
          %dma_wait3A_52 = arith.constant 0 : i32
          %dma_wait3A_53 = tpu.memref_slice %arg2[%dma_wait3A_51, %dma_wait3A_52] : memref<10240x128xf32, #tpu.memory_space<hbm>> -> memref<10240x128xf32, #tpu.memory_space<hbm>>
          tpu.wait_indirect_dma semaphore(%arg12 : memref<!tpu.dma_semaphore, #tpu.memory_space<semaphore_mem>>) src(%dma_wait3A_53 : memref<10240x128xf32, #tpu.memory_space<hbm>>) dst(%arg9 : memref<128x128xf32, #tpu.memory_space<vmem>>)
          %add3A_54 = arith.constant 1 : i32
          %add3A_55 = arith.addi %mul3A_21, %add3A_54 : i32
          "tpu.region"() ({
            %run_scoped3A = tpu.sem_alloc : memref<!tpu.dma_semaphore, #tpu.memory_space<semaphore_mem>>
            %dma_start3A_56 = arith.constant 0 : i32
            %dma_start3A_57 = tpu.memref_slice %arg7[%add3A_55, %dma_start3A_56] : memref<62x128xi32, #tpu.memory_space<vmem>> -> memref<1x128xi32, #tpu.memory_space<vmem>>
            %dma_start3A_58 = tpu.memref_squeeze %dma_start3A_57 : memref<1x128xi32, #tpu.memory_space<vmem>> -> memref<128xi32, #tpu.memory_space<vmem>>
            %dma_start3A_59 = arith.constant 0 : i32
            %dma_start3A_60 = arith.constant 0 : i32
            %dma_start3A_61 = tpu.memref_slice %arg10[%dma_start3A_59, %dma_start3A_60] : memref<10240x128xf32, #tpu.memory_space<vmem_shared>> -> memref<10240x128xf32, #tpu.memory_space<vmem_shared>>
            tpu.enqueue_indirect_dma source(%arg9 : memref<128x128xf32, #tpu.memory_space<vmem>>) target(%dma_start3A_61 : memref<10240x128xf32, #tpu.memory_space<vmem_shared>>) offsets(%dma_start3A_58 : memref<128xi32, #tpu.memory_space<vmem>>) semaphore(%run_scoped3A : memref<!tpu.dma_semaphore, #tpu.memory_space<semaphore_mem>>) {add = true}
            %dma_wait3A_62 = arith.constant 0 : i32
            %dma_wait3A_63 = tpu.memref_slice %arg7[%add3A_55, %dma_wait3A_62] : memref<62x128xi32, #tpu.memory_space<vmem>> -> memref<1x128xi32, #tpu.memory_space<vmem>>
            %dma_wait3A_64 = tpu.memref_squeeze %dma_wait3A_63 : memref<1x128xi32, #tpu.memory_space<vmem>> -> memref<128xi32, #tpu.memory_space<vmem>>
            %dma_wait3A_65 = arith.constant 0 : i32
            %dma_wait3A_66 = arith.constant 0 : i32
            %dma_wait3A_67 = tpu.memref_slice %arg10[%dma_wait3A_65, %dma_wait3A_66] : memref<10240x128xf32, #tpu.memory_space<vmem_shared>> -> memref<10240x128xf32, #tpu.memory_space<vmem_shared>>
            tpu.wait_indirect_dma semaphore(%run_scoped3A : memref<!tpu.dma_semaphore, #tpu.memory_space<semaphore_mem>>) src(%arg9 : memref<128x128xf32, #tpu.memory_space<vmem>>) dst(%dma_wait3A_67 : memref<10240x128xf32, #tpu.memory_space<vmem_shared>>)
            tpu.yield
          }) : () -> ()
        } else {
        }
      }
      %scan3A_18 = arith.constant 9 : i32
    } else {
    }
    %barrier3A_13 = arith.constant 0 : index
    tpu.barrier barrier_id(%barrier3A_13)
    "tpu.region"() ({
      %run_scoped3A = tpu.sem_alloc : memref<!tpu.dma_semaphore, #tpu.memory_space<semaphore_mem>>
      %dma_start3A_14 = arith.constant 0 : i32
      %dma_start3A_15 = tpu.memref_slice %arg5[%arg0, %mul3A_0, %dma_start3A_14] : memref<2x10240x128xf32, #tpu.memory_space<hbm>> -> memref<1x640x128xf32, #tpu.memory_space<hbm>>
      %dma_start3A_16 = tpu.memref_squeeze %dma_start3A_15 : memref<1x640x128xf32, #tpu.memory_space<hbm>> -> memref<640x128xf32, #tpu.memory_space<hbm>>
      %dma_start3A_17 = arith.constant 0 : i32
      %dma_start3A_18 = tpu.memref_slice %arg10[%mul3A_0, %dma_start3A_17] : memref<10240x128xf32, #tpu.memory_space<vmem_shared>> -> memref<640x128xf32, #tpu.memory_space<vmem_shared>>
      tpu.enqueue_dma source(%dma_start3A_18 : memref<640x128xf32, #tpu.memory_space<vmem_shared>>) target(%dma_start3A_16 : memref<640x128xf32, #tpu.memory_space<hbm>>) target_semaphore(%run_scoped3A : memref<!tpu.dma_semaphore, #tpu.memory_space<semaphore_mem>>)
      %dma_wait3A = arith.constant 0 : i32
      %dma_wait3A_19 = tpu.memref_slice %arg5[%arg0, %mul3A_0, %dma_wait3A] : memref<2x10240x128xf32, #tpu.memory_space<hbm>> -> memref<1x640x128xf32, #tpu.memory_space<hbm>>
      %dma_wait3A_20 = tpu.memref_squeeze %dma_wait3A_19 : memref<1x640x128xf32, #tpu.memory_space<hbm>> -> memref<640x128xf32, #tpu.memory_space<hbm>>
      %dma_wait3A_21 = arith.constant 0 : i32
      %dma_wait3A_22 = tpu.memref_slice %arg10[%mul3A_0, %dma_wait3A_21] : memref<10240x128xf32, #tpu.memory_space<vmem_shared>> -> memref<640x128xf32, #tpu.memory_space<vmem_shared>>
      tpu.wait_dma2 semaphore(%run_scoped3A : memref<!tpu.dma_semaphore, #tpu.memory_space<semaphore_mem>>) src(%dma_wait3A_22 : memref<640x128xf32, #tpu.memory_space<vmem_shared>>) dst(%dma_wait3A_20 : memref<640x128xf32, #tpu.memory_space<hbm>>)
      tpu.yield
    }) : () -> ()
    return
  }
}

module attributes {stable_mosaic.version = 14 : i64} {
  func.func @_stage0_body(%arg0: memref<10240x256xf32, #tpu.memory_space<vmem>>, %arg1: memref<256x128xf32, #tpu.memory_space<vmem>>, %arg2: memref<2x10240x16xf32, #tpu.memory_space<vmem>>, %arg3: memref<10240x128xf32, #tpu.memory_space<vmem>>, %arg4: memref<10240x1xf32, #tpu.memory_space<vmem>>) attributes {dimension_semantics = [], scalar_prefetch = 0 : i64, scratch_operands = 0 : i64, tpu.core_type = #tpu.core_type<tc>} {
    %get3A = arith.constant 0 : index
    %get3A_0 = arith.constant 0 : index
    %get3A_1 = arith.constant 0 : index
    %get3A_2 = vector.load %arg2[%get3A, %get3A_0, %get3A_1] : memref<2x10240x16xf32, #tpu.memory_space<vmem>>, vector<1x10240x1xf32>
    %get3A_3 = vector.shape_cast %get3A_2 : vector<1x10240x1xf32> to vector<10240x1xf32>
    %get3A_4 = arith.constant 1 : index
    %get3A_5 = arith.constant 0 : index
    %get3A_6 = arith.constant 0 : index
    %get3A_7 = vector.load %arg2[%get3A_4, %get3A_5, %get3A_6] : memref<2x10240x16xf32, #tpu.memory_space<vmem>>, vector<1x10240x1xf32>
    %get3A_8 = vector.shape_cast %get3A_7 : vector<1x10240x1xf32> to vector<10240x1xf32>
    %add3A = arith.addf %get3A_3, %get3A_8 : vector<10240x1xf32>
    %sub3A = arith.constant 1.000000e+00 : f32
    %sub3A_9 = vector.broadcast %sub3A : f32 to vector<10240x1xf32>
    %sub3A_10 = arith.subf %add3A, %sub3A_9 : vector<10240x1xf32>
    %iota3A = tpu.iota {dimensions = array<i32: 0>} : vector<10240x1xi32>
    %lt3A = arith.constant 10000 : i32
    %lt3A_11 = vector.broadcast %lt3A : i32 to vector<10240x1xi32>
    %lt3A_12 = arith.cmpi slt, %iota3A, %lt3A_11 : vector<10240x1xi32>
    %rsqrt3A = math.rsqrt %sub3A_10 : vector<10240x1xf32>
    %jit3A = arith.constant 0.000000e+00 : f32
    %broadcast_in_dim3A = vector.broadcast %jit3A : f32 to vector<10240x1xf32>
    %select_n3A = arith.select %lt3A_12, %rsqrt3A, %broadcast_in_dim3A : vector<10240x1xi1>, vector<10240x1xf32>
    %get3A_13 = arith.constant 0 : index
    %get3A_14 = arith.constant 0 : index
    %get3A_15 = vector.load %arg0[%get3A_13, %get3A_14] : memref<10240x256xf32, #tpu.memory_space<vmem>>, vector<10240x256xf32>
    %get3A_16 = arith.constant 0 : index
    %get3A_17 = arith.constant 0 : index
    %get3A_18 = vector.load %arg1[%get3A_16, %get3A_17] : memref<256x128xf32, #tpu.memory_space<vmem>>, vector<256x128xf32>
    %dot_general3A = arith.constant dense<0.000000e+00> : vector<10240x128xf32>
    %dot_general3A_19 = tpu.matmul %get3A_15, %get3A_18, %dot_general3A {dimension_numbers = #tpu.dot_dimension_numbers<[1], [0], [0], [1], [0, 0, 1, 1], [], []>, transpose_lhs_hint = false} : vector<10240x256xf32>, vector<256x128xf32>, vector<10240x128xf32> -> vector<10240x128xf32>
    %mul3A = vector.broadcast %select_n3A : vector<10240x1xf32> to vector<10240x128xf32>
    %mul3A_20 = arith.mulf %dot_general3A_19, %mul3A : vector<10240x128xf32>
    %swap3A = arith.constant 0 : index
    %swap3A_21 = arith.constant 0 : index
    %swap3A_22 = vector.load %arg3[%swap3A, %swap3A_21] : memref<10240x128xf32, #tpu.memory_space<vmem>>, vector<10240x128xf32>
    tpu.vector_store %arg3[%swap3A, %swap3A_21], %mul3A_20 {strides = array<i32>} : memref<10240x128xf32, #tpu.memory_space<vmem>>, vector<10240x128xf32>,
    %swap3A_23 = arith.constant 0 : index
    %swap3A_24 = arith.constant 0 : index
    %swap3A_25 = vector.load %arg4[%swap3A_23, %swap3A_24] : memref<10240x1xf32, #tpu.memory_space<vmem>>, vector<10240x1xf32>
    tpu.vector_store %arg4[%swap3A_23, %swap3A_24], %select_n3A {strides = array<i32>} : memref<10240x1xf32, #tpu.memory_space<vmem>>, vector<10240x1xf32>,
    return
  }
}

module attributes {stable_mosaic.version = 14 : i64} {
  func.func @_stage_bn_body(%arg0: memref<2x10240x128xf32, #tpu.memory_space<vmem>>, %arg1: memref<10240x128xf32, #tpu.memory_space<vmem>>, %arg2: memref<10240x1xf32, #tpu.memory_space<vmem>>, %arg3: memref<1x128xf32, #tpu.memory_space<vmem>>, %arg4: memref<1x128xf32, #tpu.memory_space<vmem>>, %arg5: memref<1x128xf32, #tpu.memory_space<vmem>>, %arg6: memref<128x128xf32, #tpu.memory_space<vmem>>, %arg7: memref<10240x128xf32, #tpu.memory_space<vmem>>) attributes {dimension_semantics = [], scalar_prefetch = 0 : i64, scratch_operands = 0 : i64, tpu.core_type = #tpu.core_type<tc>} {
    %get3A = arith.constant 0 : index
    %get3A_0 = arith.constant 0 : index
    %get3A_1 = arith.constant 0 : index
    %get3A_2 = vector.load %arg0[%get3A, %get3A_0, %get3A_1] : memref<2x10240x128xf32, #tpu.memory_space<vmem>>, vector<1x10240x128xf32>
    %get3A_3 = vector.shape_cast %get3A_2 : vector<1x10240x128xf32> to vector<10240x128xf32>
    %get3A_4 = arith.constant 1 : index
    %get3A_5 = arith.constant 0 : index
    %get3A_6 = arith.constant 0 : index
    %get3A_7 = vector.load %arg0[%get3A_4, %get3A_5, %get3A_6] : memref<2x10240x128xf32, #tpu.memory_space<vmem>>, vector<1x10240x128xf32>
    %get3A_8 = vector.shape_cast %get3A_7 : vector<1x10240x128xf32> to vector<10240x128xf32>
    %add3A = arith.addf %get3A_3, %get3A_8 : vector<10240x128xf32>
    %get3A_9 = arith.constant 0 : index
    %get3A_10 = arith.constant 0 : index
    %get3A_11 = vector.load %arg1[%get3A_9, %get3A_10] : memref<10240x128xf32, #tpu.memory_space<vmem>>, vector<10240x128xf32>
    %sub3A = arith.subf %add3A, %get3A_11 : vector<10240x128xf32>
    %get3A_12 = arith.constant 0 : index
    %get3A_13 = arith.constant 0 : index
    %get3A_14 = vector.load %arg2[%get3A_12, %get3A_13] : memref<10240x1xf32, #tpu.memory_space<vmem>>, vector<10240x1xf32>
    %mul3A = vector.broadcast %get3A_14 : vector<10240x1xf32> to vector<10240x128xf32>
    %mul3A_15 = arith.mulf %sub3A, %mul3A : vector<10240x128xf32>
    %get3A_16 = arith.constant 0 : index
    %get3A_17 = arith.constant 0 : index
    %get3A_18 = vector.load %arg3[%get3A_16, %get3A_17] : memref<1x128xf32, #tpu.memory_space<vmem>>, vector<1x128xf32>
    %add3A_19 = vector.broadcast %get3A_18 : vector<1x128xf32> to vector<10240x128xf32>
    %add3A_20 = arith.addf %mul3A_15, %add3A_19 : vector<10240x128xf32>
    %iota3A = tpu.iota {dimensions = array<i32: 0>} : vector<10240x1xi32>
    %lt3A = arith.constant 10000 : i32
    %lt3A_21 = vector.broadcast %lt3A : i32 to vector<10240x1xi32>
    %lt3A_22 = arith.cmpi slt, %iota3A, %lt3A_21 : vector<10240x1xi32>
    %jit3A = arith.constant 0.000000e+00 : f32
    %broadcast_in_dim3A = vector.shape_cast %lt3A_22 : vector<10240x1xi1> to vector<10240x1xi1>
    %broadcast_in_dim3A_23 = vector.broadcast %broadcast_in_dim3A : vector<10240x1xi1> to vector<10240x128xi1>
    %broadcast_in_dim3A_24 = vector.broadcast %jit3A : f32 to vector<10240x128xf32>
    %select_n3A = arith.select %broadcast_in_dim3A_23, %add3A_20, %broadcast_in_dim3A_24 : vector<10240x128xi1>, vector<10240x128xf32>
    %reduce_sum3A = arith.constant dense<0.000000e+00> : vector<128xf32>
    %reduce_sum3A_25 = vector.multi_reduction <add>, %select_n3A, %reduce_sum3A [0] : vector<10240x128xf32> to vector<128xf32>
    %broadcast_in_dim3A_26 = vector.shape_cast %reduce_sum3A_25 : vector<128xf32> to vector<1x128xf32>
    %div3A = arith.constant 1.000000e+04 : f32
    %div3A_27 = vector.broadcast %div3A : f32 to vector<1x128xf32>
    %div3A_28 = arith.divf %broadcast_in_dim3A_26, %div3A_27 : vector<1x128xf32>
    %mul3A_29 = arith.mulf %select_n3A, %select_n3A : vector<10240x128xf32>
    %reduce_sum3A_30 = arith.constant dense<0.000000e+00> : vector<128xf32>
    %reduce_sum3A_31 = vector.multi_reduction <add>, %mul3A_29, %reduce_sum3A_30 [0] : vector<10240x128xf32> to vector<128xf32>
    %broadcast_in_dim3A_32 = vector.shape_cast %reduce_sum3A_31 : vector<128xf32> to vector<1x128xf32>
    %div3A_33 = arith.constant 1.000000e+04 : f32
    %div3A_34 = vector.broadcast %div3A_33 : f32 to vector<1x128xf32>
    %div3A_35 = arith.divf %broadcast_in_dim3A_32, %div3A_34 : vector<1x128xf32>
    %mul3A_36 = arith.mulf %div3A_28, %div3A_28 : vector<1x128xf32>
    %sub3A_37 = arith.subf %div3A_35, %mul3A_36 : vector<1x128xf32>
    %sub3A_38 = vector.broadcast %div3A_28 : vector<1x128xf32> to vector<10240x128xf32>
    %sub3A_39 = arith.subf %add3A_20, %sub3A_38 : vector<10240x128xf32>
    %add3A_40 = arith.constant 9.99999974E-6 : f32
    %add3A_41 = vector.broadcast %add3A_40 : f32 to vector<1x128xf32>
    %add3A_42 = arith.addf %sub3A_37, %add3A_41 : vector<1x128xf32>
    %rsqrt3A = math.rsqrt %add3A_42 : vector<1x128xf32>
    %mul3A_43 = vector.broadcast %rsqrt3A : vector<1x128xf32> to vector<10240x128xf32>
    %mul3A_44 = arith.mulf %sub3A_39, %mul3A_43 : vector<10240x128xf32>
    %get3A_45 = arith.constant 0 : index
    %get3A_46 = arith.constant 0 : index
    %get3A_47 = vector.load %arg4[%get3A_45, %get3A_46] : memref<1x128xf32, #tpu.memory_space<vmem>>, vector<1x128xf32>
    %mul3A_48 = vector.broadcast %get3A_47 : vector<1x128xf32> to vector<10240x128xf32>
    %mul3A_49 = arith.mulf %mul3A_44, %mul3A_48 : vector<10240x128xf32>
    %get3A_50 = arith.constant 0 : index
    %get3A_51 = arith.constant 0 : index
    %get3A_52 = vector.load %arg5[%get3A_50, %get3A_51] : memref<1x128xf32, #tpu.memory_space<vmem>>, vector<1x128xf32>
    %add3A_53 = vector.broadcast %get3A_52 : vector<1x128xf32> to vector<10240x128xf32>
    %add3A_54 = arith.addf %mul3A_49, %add3A_53 : vector<10240x128xf32>
    %max3A = arith.constant 0.000000e+00 : f32
    %max3A_55 = vector.broadcast %max3A : f32 to vector<10240x128xf32>
    %max3A_56 = arith.maximumf %add3A_54, %max3A_55 : vector<10240x128xf32>
    %get3A_57 = arith.constant 0 : index
    %get3A_58 = arith.constant 0 : index
    %get3A_59 = vector.load %arg6[%get3A_57, %get3A_58] : memref<128x128xf32, #tpu.memory_space<vmem>>, vector<128x128xf32>
    %dot_general3A = arith.constant dense<0.000000e+00> : vector<10240x128xf32>
    %dot_general3A_60 = tpu.matmul %max3A_56, %get3A_59, %dot_general3A {dimension_numbers = #tpu.dot_dimension_numbers<[1], [0], [0], [1], [0, 0, 1, 1], [], []>, transpose_lhs_hint = false} : vector<10240x128xf32>, vector<128x128xf32>, vector<10240x128xf32> -> vector<10240x128xf32>
    %mul3A_61 = vector.broadcast %get3A_14 : vector<10240x1xf32> to vector<10240x128xf32>
    %mul3A_62 = arith.mulf %dot_general3A_60, %mul3A_61 : vector<10240x128xf32>
    %swap3A = arith.constant 0 : index
    %swap3A_63 = arith.constant 0 : index
    %swap3A_64 = vector.load %arg7[%swap3A, %swap3A_63] : memref<10240x128xf32, #tpu.memory_space<vmem>>, vector<10240x128xf32>
    tpu.vector_store %arg7[%swap3A, %swap3A_63], %mul3A_62 {strides = array<i32>} : memref<10240x128xf32, #tpu.memory_space<vmem>>, vector<10240x128xf32>,
    return
  }
}

module attributes {stable_mosaic.version = 14 : i64} {
  func.func @_stage3_body(%arg0: memref<2x10240x128xf32, #tpu.memory_space<vmem>>, %arg1: memref<10240x128xf32, #tpu.memory_space<vmem>>, %arg2: memref<10240x1xf32, #tpu.memory_space<vmem>>, %arg3: memref<1x128xf32, #tpu.memory_space<vmem>>, %arg4: memref<10240x128xf32, #tpu.memory_space<vmem>>) attributes {dimension_semantics = [], scalar_prefetch = 0 : i64, scratch_operands = 0 : i64, tpu.core_type = #tpu.core_type<tc>} {
    %get3A = arith.constant 0 : index
    %get3A_0 = arith.constant 0 : index
    %get3A_1 = arith.constant 0 : index
    %get3A_2 = vector.load %arg0[%get3A, %get3A_0, %get3A_1] : memref<2x10240x128xf32, #tpu.memory_space<vmem>>, vector<1x10240x128xf32>
    %get3A_3 = vector.shape_cast %get3A_2 : vector<1x10240x128xf32> to vector<10240x128xf32>
    %get3A_4 = arith.constant 1 : index
    %get3A_5 = arith.constant 0 : index
    %get3A_6 = arith.constant 0 : index
    %get3A_7 = vector.load %arg0[%get3A_4, %get3A_5, %get3A_6] : memref<2x10240x128xf32, #tpu.memory_space<vmem>>, vector<1x10240x128xf32>
    %get3A_8 = vector.shape_cast %get3A_7 : vector<1x10240x128xf32> to vector<10240x128xf32>
    %add3A = arith.addf %get3A_3, %get3A_8 : vector<10240x128xf32>
    %get3A_9 = arith.constant 0 : index
    %get3A_10 = arith.constant 0 : index
    %get3A_11 = vector.load %arg1[%get3A_9, %get3A_10] : memref<10240x128xf32, #tpu.memory_space<vmem>>, vector<10240x128xf32>
    %sub3A = arith.subf %add3A, %get3A_11 : vector<10240x128xf32>
    %get3A_12 = arith.constant 0 : index
    %get3A_13 = arith.constant 0 : index
    %get3A_14 = vector.load %arg2[%get3A_12, %get3A_13] : memref<10240x1xf32, #tpu.memory_space<vmem>>, vector<10240x1xf32>
    %mul3A = vector.broadcast %get3A_14 : vector<10240x1xf32> to vector<10240x128xf32>
    %mul3A_15 = arith.mulf %sub3A, %mul3A : vector<10240x128xf32>
    %get3A_16 = arith.constant 0 : index
    %get3A_17 = arith.constant 0 : index
    %get3A_18 = vector.load %arg3[%get3A_16, %get3A_17] : memref<1x128xf32, #tpu.memory_space<vmem>>, vector<1x128xf32>
    %add3A_19 = vector.broadcast %get3A_18 : vector<1x128xf32> to vector<10240x128xf32>
    %add3A_20 = arith.addf %mul3A_15, %add3A_19 : vector<10240x128xf32>
    %max3A = arith.constant 0.000000e+00 : f32
    %max3A_21 = vector.broadcast %max3A : f32 to vector<10240x128xf32>
    %max3A_22 = arith.maximumf %add3A_20, %max3A_21 : vector<10240x128xf32>
    %mul3A_23 = vector.broadcast %get3A_14 : vector<10240x1xf32> to vector<10240x128xf32>
    %mul3A_24 = arith.mulf %max3A_22, %mul3A_23 : vector<10240x128xf32>
    %swap3A = arith.constant 0 : index
    %swap3A_25 = arith.constant 0 : index
    %swap3A_26 = vector.load %arg4[%swap3A, %swap3A_25] : memref<10240x128xf32, #tpu.memory_space<vmem>>, vector<10240x128xf32>
    tpu.vector_store %arg4[%swap3A, %swap3A_25], %mul3A_24 {strides = array<i32>} : memref<10240x128xf32, #tpu.memory_space<vmem>>, vector<10240x128xf32>,
    return
  }
}

module attributes {stable_mosaic.version = 14 : i64} {
  func.func @_stage4_body(%arg0: memref<2x10240x128xf32, #tpu.memory_space<vmem>>, %arg1: memref<10240x128xf32, #tpu.memory_space<vmem>>, %arg2: memref<10240x1xf32, #tpu.memory_space<vmem>>, %arg3: memref<128x2xf32, #tpu.memory_space<vmem>>, %arg4: memref<1x2xf32, #tpu.memory_space<vmem>>, %arg5: memref<10000x2xf32, #tpu.memory_space<vmem>>) attributes {dimension_semantics = [], scalar_prefetch = 0 : i64, scratch_operands = 0 : i64, tpu.core_type = #tpu.core_type<tc>} {
    %get3A = arith.constant 0 : index
    %get3A_0 = arith.constant 0 : index
    %get3A_1 = arith.constant 0 : index
    %get3A_2 = vector.load %arg0[%get3A, %get3A_0, %get3A_1] : memref<2x10240x128xf32, #tpu.memory_space<vmem>>, vector<1x10240x128xf32>
    %get3A_3 = vector.shape_cast %get3A_2 : vector<1x10240x128xf32> to vector<10240x128xf32>
    %get3A_4 = arith.constant 1 : index
    %get3A_5 = arith.constant 0 : index
    %get3A_6 = arith.constant 0 : index
    %get3A_7 = vector.load %arg0[%get3A_4, %get3A_5, %get3A_6] : memref<2x10240x128xf32, #tpu.memory_space<vmem>>, vector<1x10240x128xf32>
    %get3A_8 = vector.shape_cast %get3A_7 : vector<1x10240x128xf32> to vector<10240x128xf32>
    %add3A = arith.addf %get3A_3, %get3A_8 : vector<10240x128xf32>
    %get3A_9 = arith.constant 0 : index
    %get3A_10 = arith.constant 0 : index
    %get3A_11 = vector.load %arg1[%get3A_9, %get3A_10] : memref<10240x128xf32, #tpu.memory_space<vmem>>, vector<10240x128xf32>
    %sub3A = arith.subf %add3A, %get3A_11 : vector<10240x128xf32>
    %get3A_12 = arith.constant 0 : index
    %get3A_13 = arith.constant 0 : index
    %get3A_14 = vector.load %arg2[%get3A_12, %get3A_13] : memref<10240x1xf32, #tpu.memory_space<vmem>>, vector<10240x1xf32>
    %mul3A = vector.broadcast %get3A_14 : vector<10240x1xf32> to vector<10240x128xf32>
    %mul3A_15 = arith.mulf %sub3A, %mul3A : vector<10240x128xf32>
    %get3A_16 = arith.constant 0 : index
    %get3A_17 = arith.constant 0 : index
    %get3A_18 = vector.load %arg3[%get3A_16, %get3A_17] : memref<128x2xf32, #tpu.memory_space<vmem>>, vector<128x2xf32>
    %dot_general3A = arith.constant dense<0.000000e+00> : vector<10240x2xf32>
    %dot_general3A_19 = tpu.matmul %mul3A_15, %get3A_18, %dot_general3A {dimension_numbers = #tpu.dot_dimension_numbers<[1], [0], [0], [1], [0, 0, 1, 1], [], []>, transpose_lhs_hint = false} : vector<10240x128xf32>, vector<128x2xf32>, vector<10240x2xf32> -> vector<10240x2xf32>
    %get3A_20 = arith.constant 0 : index
    %get3A_21 = arith.constant 0 : index
    %get3A_22 = vector.load %arg4[%get3A_20, %get3A_21] : memref<1x2xf32, #tpu.memory_space<vmem>>, vector<1x2xf32>
    %add3A_23 = vector.broadcast %get3A_22 : vector<1x2xf32> to vector<10240x2xf32>
    %add3A_24 = arith.addf %dot_general3A_19, %add3A_23 : vector<10240x2xf32>
    %reduce_max3A = arith.constant dense<0xFF800000> : vector<10240xf32>
    %reduce_max3A_25 = vector.multi_reduction <maximumf>, %add3A_24, %reduce_max3A [1] : vector<10240x2xf32> to vector<10240xf32>
    %broadcast_in_dim3A = vector.shape_cast %reduce_max3A_25 : vector<10240xf32> to vector<10240x1xf32>
    %sub3A_26 = vector.broadcast %broadcast_in_dim3A : vector<10240x1xf32> to vector<10240x2xf32>
    %sub3A_27 = arith.subf %add3A_24, %sub3A_26 : vector<10240x2xf32>
    %exp3A = math.exp %sub3A_27 : vector<10240x2xf32>
    %reduce_sum3A = arith.constant dense<0.000000e+00> : vector<10240xf32>
    %reduce_sum3A_28 = vector.multi_reduction <add>, %exp3A, %reduce_sum3A [1] : vector<10240x2xf32> to vector<10240xf32>
    %broadcast_in_dim3A_29 = vector.shape_cast %reduce_sum3A_28 : vector<10240xf32> to vector<10240x1xf32>
    %log3A = math.log %broadcast_in_dim3A_29 : vector<10240x1xf32>
    %sub3A_30 = vector.broadcast %log3A : vector<10240x1xf32> to vector<10240x2xf32>
    %sub3A_31 = arith.subf %sub3A_27, %sub3A_30 : vector<10240x2xf32>
    %slice3A = vector.extract_strided_slice %sub3A_31 {offsets = [0, 0], sizes = [10000, 2], strides = [1, 1]} : vector<10240x2xf32> to vector<10000x2xf32>
    %swap3A = arith.constant 0 : index
    %swap3A_32 = arith.constant 0 : index
    %swap3A_33 = vector.load %arg5[%swap3A, %swap3A_32] : memref<10000x2xf32, #tpu.memory_space<vmem>>, vector<10000x2xf32>
    tpu.vector_store %arg5[%swap3A, %swap3A_32], %slice3A {strides = array<i32>} : memref<10000x2xf32, #tpu.memory_space<vmem>>, vector<10000x2xf32>,
    return
  }
}

</mosaic_0001>

<sc_bundles>
// kernel: kernel.12.cloned.1.call-start
scs
__scs_entry_jumppad:
0x0: {  	(pc) =	sbr.rel $0x88, $3  }
0x1: {  	(tag) =	ssettag $0x0;
	lr =	simm.s32 $0x1  }
0x2: {  	[smem:$0x3F93] =	sst lr;
	_ =	strace $0xD0000000  }
0x3: {  	_ = 	snop  }
0x4: {  	_ = 	snop  }
0x5: {  	_ = 	snop  }
0x6: {  	_ = 	snop  }
0x7: {  	_ = 	snop  }
__scs_overlays_trampoline_lowered:
0x8: {  	[smem:$0x3FA2] =	sst s0  }
0x9: {  	[smem:$0x3FA3] =	sst s1  }
0xa: {  	[smem:$0x3FA4] =	sst s2  }
0xb: {  	[smem:$0x3FA5] =	sst s3  }
0xc: {  	[smem:$0x3FA6] =	sst s4  }
0xd: {  	[smem:$0x3FA7] =	sst s5  }
0xe: {  	[smem:$0x3FA8] =	sst s6  }
0xf: {  	[smem:$0x3FA9] =	sst s7  }
0x10: {  	[smem:$0x3FAA] =	sst s8  }
0x11: {  	[smem:$0x3FAB] =	sst s9;
	s0 =	simm.s32 @!p0 $0x0  }
0x12: {  	s1 =	sld [smem:$0x3F91];
	s0 =	simm.s32 @p0 $0x1  }
0x13: {  	[smem:$0x3FAC] =	sst s0;
	s0 =	simm.s32 @!p1 $0x0  }
0x14: {  	s2 =	sld [smem:$0x3F90];
	s0 =	simm.s32 @p1 $0x1  }
0x15: {  	[smem:$0x3FAD] =	sst s0;
	s0 =	simm.s32 @!p2 $0x0  }
0x16: {  	s3 =	sld [smem:$0x3FDB];
	s0 =	simm.s32 @p2 $0x1  }
0x17: {  	s4 =	simm.s32 $0x1BF5;
	[smem:$0x3FAF] =	sst s0  }
0x18: {  	s0 =	sld [smem:$0x3F92];
	_ =	swait.ge [sflag:s4], $0x0  }
0x19: {  	s7 =	sld [smem:$0x3F93]  }
0x1a: {  	s8 =	sadd.s32 $0xFFFFE003, lr  }
0x1b: {  	s9 =	sadd.s32 $0xFFFFFEF7, lr;
	s5 =	simm.s32 $0xFFFFFFFF;
	p2 =	slt.u32 s8, $0xFFFFF086  }
0x1c: {  	p1 =	slt.u32 s9, $0xF7A;
	s5 =	simm.s32 @!p2 $0x0  }
0x1d: {  	s5 =	simm.s32 @p1 $0x1;
	p0 =	seq.s32 s7, s2  }
0x1e: {  	s7 =	smul.u32 @!p0 $0xF7A, s2;
	p2 =	seq.s32 @!p0 s5, $0x0  }
0x1f: {  	s9 =	smul.u32 $0xF7A, s1;
	s8 =	simm.s32 @!p0 $0x1BF5;
	p2 =	por !p2, p0  }
0x20: {  	[sflag:s8] =	ssyncset.s32 @!p0 $0xFFFFF086;
	s6 =	sadd.s32 @!p0 s3, s7;
	s7 =	simm.s32 @!p0 $0x108  }
0x21: {  	s3 =	sadd.s32 s3, s9;
	s6 =	sadd.s32 @!p0 $0x88, s6;
	s7 =	simm.s32 @p2 $0x1082  }
0x22: {  	[simem:s7], [sflag:s8] =	dma.local @!p0 [hbm:s6], $0xF7A  }
0x23: {  	s9 =	sor.u32 $0xD0000000, s2;
	s6 =	simm.s32 $0x108;
	_ =	swait.ge @!p0 [sflag:s8], $0x0  }
0x24: {  	s3 =	sadd.s32 $0x88, s3;
	s6 =	simm.s32 @!p1 $0x1082;
	[sflag:s4] =	ssyncset.s32 $0xFFFFF086  }
0x25: {  	[simem:s6], [sflag:s4] =	dma.local [hbm:s3], $0xF7A  }
0x26: {  	[smem:$0x3F93] =	sst s1;
	(tag) =	ssettag s2;
	_ =	strace s9  }
0x27: {  	s1 =	sld [smem:$0x3FA3]  }
0x28: {  	s2 =	sld [smem:$0x3FA4]  }
0x29: {  	s4 =	sld [smem:$0x3FA6]  }
0x2a: {  	p0 =	seq.s32 s5, $0x0;
	s5 =	sld [smem:$0x3FA7]  }
0x2b: {  	s6 =	sld [smem:$0x3FA8]  }
0x2c: {  	s7 =	sld [smem:$0x3FA9]  }
0x2d: {  	s3 =	simm.s32 $0x108;
	s8 =	sld [smem:$0x3FAA]  }
0x2e: {  	s3 =	simm.s32 @!p0 $0x1082;
	s9 =	sld [smem:$0x3FAB]  }
0x2f: {  	lr =	sadd.s32 s0, s3;
	s0 =	sld [smem:$0x3FA2]  }
0x30: {  	s3 =	sld [smem:$0x3FA5]  }
0x31: {  	[smem:$0x3FAE] =	sst s10  }
0x32: {  	s10 =	sld [smem:$0x3FAC];
	_ =	sdelay $0x3  }
0x33: {  	p0 =	seq.s32 s10, $0x1;
	s10 =	sld [smem:$0x3FAE];
	_ =	sdelay $0x3  }
0x34: {  	[smem:$0x3FAE] =	sst s10  }
0x35: {  	s10 =	sld [smem:$0x3FAD];
	_ =	sdelay $0x3  }
0x36: {  	p1 =	seq.s32 s10, $0x1;
	s10 =	sld [smem:$0x3FAE];
	_ =	sdelay $0x3  }
0x37: {  	[smem:$0x3FAE] =	sst s10  }
0x38: {  	s10 =	sld [smem:$0x3FAF]  }
0x39: {  	_ = 	snop;
	(pc) =	sbr.ind lr, $3  }
0x3a: {  	_ = 	snop  }
0x3b: {  	_ = 	snop  }
0x3c: {  	p2 =	seq.s32 s10, $0x1;
	s10 =	sld [smem:$0x3FAE]  }
0x3d: {  	_ =	shalt  }
0x3e: {  	_ =	shalt  }
0x3f: {  	_ =	shalt  }
0x40: {  	_ =	shalt  }
0x41: {  	_ =	shalt  }
0x42: {  	_ =	shalt  }
0x43: {  	_ =	shalt  }
0x44: {  	_ =	shalt  }
0x45: {  	_ =	shalt  }
0x46: {  	_ =	shalt  }
0x47: {  	_ =	shalt  }
0x48: {  	_ =	shalt  }
0x49: {  	_ =	shalt  }
0x4a: {  	_ =	shalt  }
0x4b: {  	_ =	shalt  }
0x4c: {  	_ =	shalt  }
0x4d: {  	_ =	shalt  }
0x4e: {  	_ =	shalt  }
0x4f: {  	_ =	shalt  }
0x50: {  	_ =	shalt  }
0x51: {  	_ =	shalt  }
0x52: {  	_ =	shalt  }
0x53: {  	_ =	shalt  }
0x54: {  	_ =	shalt  }
0x55: {  	_ =	shalt  }
0x56: {  	_ =	shalt  }
0x57: {  	_ =	shalt  }
0x58: {  	_ =	shalt  }
0x59: {  	_ =	shalt  }
0x5a: {  	_ =	shalt  }
0x5b: {  	_ =	shalt  }
0x5c: {  	_ =	shalt  }
0x5d: {  	_ =	shalt  }
0x5e: {  	_ =	shalt  }
0x5f: {  	_ =	shalt  }
0x60: {  	_ =	shalt  }
0x61: {  	_ =	shalt  }
0x62: {  	_ =	shalt  }
0x63: {  	_ =	shalt  }
0x64: {  	_ =	shalt  }
0x65: {  	_ =	shalt  }
0x66: {  	_ =	shalt  }
0x67: {  	_ =	shalt  }
0x68: {  	_ =	shalt  }
0x69: {  	_ =	shalt  }
0x6a: {  	_ =	shalt  }
0x6b: {  	_ =	shalt  }
0x6c: {  	_ =	shalt  }
0x6d: {  	_ =	shalt  }
0x6e: {  	_ =	shalt  }
0x6f: {  	_ =	shalt  }
0x70: {  	_ =	shalt  }
0x71: {  	_ =	shalt  }
0x72: {  	_ =	shalt  }
0x73: {  	_ =	shalt  }
0x74: {  	_ =	shalt  }
0x75: {  	_ =	shalt  }
0x76: {  	_ =	shalt  }
0x77: {  	_ =	shalt  }
0x78: {  	_ =	shalt  }
0x79: {  	_ =	shalt  }
0x7a: {  	_ =	shalt  }
0x7b: {  	_ =	shalt  }
0x7c: {  	_ =	shalt  }
0x7d: {  	_ =	shalt  }
0x7e: {  	_ =	shalt  }
0x7f: {  	_ =	shalt  }
0x80: {  	_ =	shalt  }
0x81: {  	_ =	shalt  }
0x82: {  	_ =	shalt  }
0x83: {  	_ =	shalt  }
0x84: {  	_ =	shalt  }
0x85: {  	_ =	shalt  }
0x86: {  	_ =	shalt  }
0x87: {  	_ =	shalt  }
.Lfunc_end0:
.L_simem_size_0:
called_computation_lowered:
.L_overlay_start_0:
0x88: {  	s2 =	sld [smem:$0x3FD9]  }
0x89: {  	s3 =	sld [smem:$0x3FFE];
	_ =	sdelay $0x1  }
0x8a: {  	s1 =	srdreg.scid  }
0x8b: {  	s0 =	sand.u32 $0x1, s1  }
0x8c: {  	s16 =	sshll.u32 s0, $0xA;
	s2 =	sadd.s32 s3, s2  }
0x8d: {  	s2 =	sadd.s32 s2, s16  }
0x8e: {  	[smem:$0x3FBA] =	sst s2  }
0x8f: {  	_ = 	snop  }
0x90: {  	(tm) =	ssettm $0x1  }
0x91: {  	s17 =	sld [smem:$0x3FFB];
	_ =	sdelay $0x3  }
0x92: {  	_ =	strace s17  }
0x93: {  	s2 =	sld [smem:$0x3FFC];
	_ =	sdelay $0x3  }
0x94: {  	_ =	strace s2  }
0x95: {  	s2 =	sld [smem:$0x3FFD];
	_ =	sdelay $0x3  }
0x96: {  	_ =	strace s2  }
0x97: {  	_ =	strace $0x8FFFFFFF  }
0x98: {  	s18 =	sld [smem:$0x3FDB];
	_ =	sdelay $0x1  }
0x99: {  	s19 =	simm.s32 $_scs_section_size  }
0x9a: {  	s4 =	simm.s32 $_size__tile_overlayer_lowered;
	s5 =	simm.s32 $_tile_overlayer_lowered  }
0x9b: {  	s22 =	simm.s32 $0x1BFF;
	s21 =	sshll.u32 s5, $0x1;
	s2 =	sadd.s32 s19, s18  }
0x9c: {  	s6 =	simm.s32 $0x0;
	s20 =	sshll.u32 s4, $0x1;
	s4 =	sadd.s32 s21, s2  }
0x9d: {  	[timem:s6], [sflag:s22] =	dma.local [hbm:s4], s20  }
0x9e: {  	_ =	swait.ge [sflag:s22], s20  }
0x9f: {  	s3 =	ssub.s32 $0x0, s20;
	[sflag:s22] =	ssyncset.done $0x0  }
0xa0: {  	[sflag:s22] =	ssyncadd.s32 s3;
	_ =	sdelay $0x1  }
0xa1: {  	s23 =	simm.s32 $0x1B8B  }
0xa2: {  	_ =	swait.ge [sflag:s23], $0x1  }
0xa3: {  	[sflag:s23] =	ssyncset.done $0x0  }
0xa4: {  	s25 =	simm.s32 $0x1B8E;
	s24 =	sld [smem:$0x3FFE];
	[sflag:s23] =	ssyncadd.s32 $0xFFFFFFFF  }
0xa5: {  	s26 =	simm.s32 $execute0_lowered;
	[smem:$0x3FD2] =	sst s25  }
0xa6: {  	s4 =	sshll.u32 s26, $0x1;
	_ =	strace $0x80000046;
	[dreg:$0x1] =	wrdreg $0xFFFFFFFF  }
0xa7: {  	s28 =	simm.s32 $_size_execute0_lowered;
	s2 =	sadd.s32 s2, s4;
	[dreg:$0x0] =	wrdreg $0x0  }
0xa8: {  	s4 =	sshll.u32 s28, $0x1;
	[dreg:$0x2] =	wrdreg s2  }
0xa9: {  	[dreg:$0x3] =	wrdreg s4  }
0xaa: {  	[dreg:$0x4] =	wrdreg $0xC0  }
0xab: {  	_ =	task [dreg:s6], $0x5FFFF  }
0xac: {  	[dreg:$0x1] =	wrdreg $0xFFFFFFFF  }
0xad: {  	[dreg:$0x0] =	wrdreg $0x60  }
0xae: {  	[dreg:$0x2] =	wrdreg s24  }
0xaf: {  	[dreg:$0x3] =	wrdreg $0x60000  }
0xb0: {  	[dreg:$0x4] =	wrdreg $0x9  }
0xb1: {  	_ =	task.clear_ibuf [dreg:s6], $0x5FFFF;
	_ =	strace $0x90000046  }
0xb2: {  	s29 =	simm.s32 $0x9;
	_ =	strace $0x80000048  }
0xb3: {  	_ =	swait.ge [sflag:s29], $0x1  }
0xb4: {  	[sflag:s29] =	ssyncadd.s32 $0xFFFFFFFF  }
0xb5: {  	_ =	strace $0x90000048  }
0xb6: {  	_ =	sfence  }
0xb7: {  	s30 =	sld [smem:$0x0];
	_ =	sdelay $0x2  }
0xb8: {  	s31 =	sshll.u32 s1, $0xD;
	s1 =	sshrl.u32 s1, $0x2  }
0xb9: {  	s3 =	sand.u32 $0x4000, s31;
	s1 =	sadd.s32 s1, s30  }
0xba: {  	s0 =	sor.u32 s3, s0;
	s1 =	sshll.u32 s1, $0x11  }
0xbb: {  	s0 =	sor.u32 s1, s0  }
0xbc: {  	s0 =	sadd.s32 $0x8F2B, s0  }
0xbd: {  	[sflag:s0] =	ssyncadd.remote.s32 $0x1  }
0xbe: {  	_ =	sfence.sel $0xFFFF  }
0xbf: {  	[dreg:$0x0] =	wrdreg $0xFFFFFFFF;
	(pc) =	sbr.abs _section_cstart, $3  }
0xc0: {  	[dreg:$0x1] =	wrdreg $0xFFFFFFFF  }
0xc1: {  	_ =	task.clear_ibuf [dreg:s6], $0x2FFFF;
	_ =	strace $0x9FFFFFFF  }
0xc2: {  	(tm) =	ssettm $0x7FFFFFFF  }
0xc3: {  	_ =	shalt  }
tec
execute0_lowered:
.L_overlay_start_1:
0x0: {  	(tag) =	ssettag $0x1  }
0x1: {  	s5 =	rddreg [dreg:$0x0];
	s0 =	stileid.u32  }
0x2: {  	s1 =	srdreg.scid;
	s2 =	rddreg [dreg:$0x1];
	s3 =	simm.s32 $0x0  }
0x3: {  	s14 =	simm.s32 $0x100;
	s15 =	simm.s32 $0x180;
	s16 =	simm.s32 $0x200  }
0x4: {  	s17 =	simm.s32 $0x280;
	s18 =	simm.s32 $0x300;
	s19 =	simm.s32 $0x380  }
0x5: {  	s20 =	simm.s32 $0x400;
	s21 =	simm.s32 $0x480;
	s22 =	simm.s32 $0x500  }
0x6: {  	s23 =	simm.s32 $0x580;
	s28 =	simm.s32 $0x780;
	s29 =	simm.s32 $0x800  }
0x7: {  	s30 =	simm.s32 $0x0;
	s9 =	sand.u32 $0x1, s1;
	s6 =	smul.u32 $0x14000, s0  }
0x8: {  	[smem:$0x7FF] =	sst s3;
	s7 =	sshll.u32 s0, $0xA;
	s13 =	smul.u32 $0x50000, s0  }
0x9: {  	s31 =	sshll.u32 s0, $0x6;
	s4 =	smul.u32 $0x140000, s9;
	_ =	strace $0x80000047  }
0xa: {  	s7 =	sadd.s32 s7, s5;
	s10 =	ssub.s32 $0x2, s9;
	s12 =	sshll.u32 s9, $0xE  }
0xb: {  	p0 =	seq.s32 s9, $0x0;
	s9 =	simm.s32 $0x1;
	s11 =	sshrl.u32 s10, $0x1  }
0xc: {  	s24 =	sadd.s32 s12, s7;
	s25 =	sshrl.u32 s13, $0x2;
	s13 =	simm.s32 $0x80  }
0xd: {  	s8 =	sadd.s32 s6, s4;
	s4 =	sadd.s32 $0x13000, s5;
	s10 =	ssub.s32 s10, s11  }
.Ltmp0:
0xe: {  	s6 =	sshrl.u32 s6, $0x3;
	s26 =	sadd.s32 s25, s2;
	(pc) =	sbr.rel .LBB2_1-.Ltmp0, $4  }
0xf: {  	s11 =	sor.u32 $0x1C01, s31;
	s25 =	simm.s32 $0x680;
	s8 =	sshrl.u32 s8, $0x3  }
0x10: {  	s6 =	sadd.s32 s4, s6;
	s12 =	sshrl.u32 s26, $0x3;
	s26 =	simm.s32 $0x700  }
0x11: {  	s8 =	sadd.s32 s8, s5;
	s5 =	sadd.s32 $0x3000, s24;
	s24 =	simm.s32 $0x600  }
0x12: {  	s7 =	sadd.s32 $0x3B000, s8;
	s8 =	smax.u32 s10, $0x1;
	s10 =	simm.s32 $0x2000  }
.LBB2_2:
0x13: {  	[spmem:s2] =	stream.indirect.scatter.add.f32 [tilespmem:s10], [sflag:$0x1], $0x10, s3, s13, $0xb8;
	[tilespmem:$0x8800] =	vst v63  }
0x14: {  	_ =	swait.ge [sflag:s9], $0x800  }
0x15: {  	[sflag:s9] =	ssyncset.done $0x0  }
0x16: {  	[sflag:s9] =	ssyncadd.s32 $0xFFFFF800  }
0x17: {  	[spmem:s2] =	stream.indirect.scatter.add.f32 [tilespmem:s10], [sflag:$0x1], $0x10, s13, s13, $0xb8;
	[tilespmem:$0x8800] =	vst v63  }
0x18: {  	_ =	swait.ge [sflag:s9], $0x800  }
0x19: {  	[sflag:s9] =	ssyncset.done $0x0  }
0x1a: {  	[sflag:s9] =	ssyncadd.s32 $0xFFFFF800  }
0x1b: {  	[spmem:s2] =	stream.indirect.scatter.add.f32 [tilespmem:s10], [sflag:$0x1], $0x10, s14, s13, $0xb8;
	[tilespmem:$0x8800] =	vst v63  }
0x1c: {  	_ =	swait.ge [sflag:s9], $0x800  }
0x1d: {  	[sflag:s9] =	ssyncset.done $0x0  }
0x1e: {  	[sflag:s9] =	ssyncadd.s32 $0xFFFFF800  }
0x1f: {  	[spmem:s2] =	stream.indirect.scatter.add.f32 [tilespmem:s10], [sflag:$0x1], $0x10, s15, s13, $0xb8;
	[tilespmem:$0x8800] =	vst v63  }
0x20: {  	_ =	swait.ge [sflag:s9], $0x800  }
0x21: {  	[sflag:s9] =	ssyncset.done $0x0  }
0x22: {  	[sflag:s9] =	ssyncadd.s32 $0xFFFFF800  }
0x23: {  	[spmem:s2] =	stream.indirect.scatter.add.f32 [tilespmem:s10], [sflag:$0x1], $0x10, s16, s13, $0xb8;
	[tilespmem:$0x8800] =	vst v63  }
0x24: {  	_ =	swait.ge [sflag:s9], $0x800  }
0x25: {  	[sflag:s9] =	ssyncset.done $0x0  }
0x26: {  	[sflag:s9] =	ssyncadd.s32 $0xFFFFF800  }
0x27: {  	[spmem:s2] =	stream.indirect.scatter.add.f32 [tilespmem:s10], [sflag:$0x1], $0x10, s17, s13, $0xb8;
	[tilespmem:$0x8800] =	vst v63  }
0x28: {  	_ =	swait.ge [sflag:s9], $0x800  }
0x29: {  	[sflag:s9] =	ssyncset.done $0x0  }
0x2a: {  	[sflag:s9] =	ssyncadd.s32 $0xFFFFF800  }
0x2b: {  	[spmem:s2] =	stream.indirect.scatter.add.f32 [tilespmem:s10], [sflag:$0x1], $0x10, s18, s13, $0xb8;
	[tilespmem:$0x8800] =	vst v63  }
0x2c: {  	_ =	swait.ge [sflag:s9], $0x800  }
0x2d: {  	[sflag:s9] =	ssyncset.done $0x0  }
0x2e: {  	[sflag:s9] =	ssyncadd.s32 $0xFFFFF800  }
0x2f: {  	[spmem:s2] =	stream.indirect.scatter.add.f32 [tilespmem:s10], [sflag:$0x1], $0x10, s19, s13, $0xb8;
	[tilespmem:$0x8800] =	vst v63  }
0x30: {  	_ =	swait.ge [sflag:s9], $0x800  }
0x31: {  	[sflag:s9] =	ssyncset.done $0x0  }
0x32: {  	[sflag:s9] =	ssyncadd.s32 $0xFFFFF800  }
0x33: {  	[spmem:s2] =	stream.indirect.scatter.add.f32 [tilespmem:s10], [sflag:$0x1], $0x10, s20, s13, $0xb8;
	[tilespmem:$0x8800] =	vst v63  }
0x34: {  	_ =	swait.ge [sflag:s9], $0x800  }
0x35: {  	[sflag:s9] =	ssyncset.done $0x0  }
0x36: {  	[sflag:s9] =	ssyncadd.s32 $0xFFFFF800  }
0x37: {  	[spmem:s2] =	stream.indirect.scatter.add.f32 [tilespmem:s10], [sflag:$0x1], $0x10, s21, s13, $0xb8;
	[tilespmem:$0x8800] =	vst v63  }
0x38: {  	_ =	swait.ge [sflag:s9], $0x800  }
0x39: {  	[sflag:s9] =	ssyncset.done $0x0  }
0x3a: {  	[sflag:s9] =	ssyncadd.s32 $0xFFFFF800  }
0x3b: {  	[spmem:s2] =	stream.indirect.scatter.add.f32 [tilespmem:s10], [sflag:$0x1], $0x10, s22, s13, $0xb8;
	[tilespmem:$0x8800] =	vst v63  }
0x3c: {  	_ =	swait.ge [sflag:s9], $0x800  }
0x3d: {  	[sflag:s9] =	ssyncset.done $0x0  }
0x3e: {  	[sflag:s9] =	ssyncadd.s32 $0xFFFFF800  }
0x3f: {  	[spmem:s2] =	stream.indirect.scatter.add.f32 [tilespmem:s10], [sflag:$0x1], $0x10, s23, s13, $0xb8;
	[tilespmem:$0x8800] =	vst v63  }
0x40: {  	_ =	swait.ge [sflag:s9], $0x800  }
0x41: {  	[sflag:s9] =	ssyncset.done $0x0  }
0x42: {  	[sflag:s9] =	ssyncadd.s32 $0xFFFFF800  }
0x43: {  	[spmem:s2] =	stream.indirect.scatter.add.f32 [tilespmem:s10], [sflag:$0x1], $0x10, s24, s13, $0xb8;
	[tilespmem:$0x8800] =	vst v63  }
0x44: {  	_ =	swait.ge [sflag:s9], $0x800  }
0x45: {  	[sflag:s9] =	ssyncset.done $0x0  }
0x46: {  	[sflag:s9] =	ssyncadd.s32 $0xFFFFF800  }
0x47: {  	[spmem:s2] =	stream.indirect.scatter.add.f32 [tilespmem:s10], [sflag:$0x1], $0x10, s25, s13, $0xb8;
	[tilespmem:$0x8800] =	vst v63  }
0x48: {  	_ =	swait.ge [sflag:s9], $0x800  }
0x49: {  	[sflag:s9] =	ssyncset.done $0x0  }
0x4a: {  	[sflag:s9] =	ssyncadd.s32 $0xFFFFF800  }
0x4b: {  	[spmem:s2] =	stream.indirect.scatter.add.f32 [tilespmem:s10], [sflag:$0x1], $0x10, s26, s13, $0xb8;
	[tilespmem:$0x8800] =	vst v63  }
0x4c: {  	_ =	swait.ge [sflag:s9], $0x800  }
0x4d: {  	[sflag:s9] =	ssyncset.done $0x0  }
0x4e: {  	[sflag:s9] =	ssyncadd.s32 $0xFFFFF800  }
0x4f: {  	[spmem:s2] =	stream.indirect.scatter.add.f32 [tilespmem:s10], [sflag:$0x1], $0x10, s28, s13, $0xb8;
	[tilespmem:$0x8800] =	vst v63  }
0x50: {  	_ =	swait.ge [sflag:s9], $0x800  }
0x51: {  	[sflag:s9] =	ssyncset.done $0x0  }
0x52: {  	[sflag:s9] =	ssyncadd.s32 $0xFFFFF800  }
0x53: {  	[spmem:s2] =	stream.indirect.scatter.add.f32 [tilespmem:s10], [sflag:$0x1], $0x10, s29, s13, $0xb8;
	[tilespmem:$0x8800] =	vst v63  }
0x54: {  	_ =	swait.ge [sflag:s9], $0x800  }
0x55: {  	[sflag:s9] =	ssyncset.done $0x0  }
0x56: {  	[sflag:s9] =	ssyncadd.s32 $0xFFFFF800  }
.LBB2_6:
0x57: {  	s30 =	sadd.s32 $0x1, s30  }
0x58: {  	p1 =	sne.s32 s30, s8  }
.Ltmp1:
0x59: {  	[bflag:$0x0] =	sbarrier.arrive $0xFFFF;
	(pc) =	sbr.rel @!p1 .LBB2_7-.Ltmp1, $4  }
0x5a: {  	[hbm:s7], [sflag:s11] =	dma.local [spmem:s12], $0x2800  }
0x5b: {  	_ =	swait.ge [sflag:s9], $0x2800  }
0x5c: {  	[sflag:s9] =	ssyncset.done $0x0  }
0x5d: {  	[sflag:s9] =	ssyncadd.s32 $0xFFFFD800  }
.LBB2_1:
0x5e: {  	[tilespmem:s3], [sflag:$0x1] =	stream.linear.gather [hbm4b:s5+s3], $0x1F00, $0x38;
	[tilespmem:$0x8800] =	vst v63  }
0x5f: {  	_ =	swait.ge [sflag:s9], $0x1F00  }
0x60: {  	[sflag:s9] =	ssyncset.done $0x0  }
0x61: {  	[sflag:s9] =	ssyncadd.s32 $0xFFFFE100  }
0x62: {  	[tilespmem:s10], [sflag:$0x1] =	stream.linear.gather [hbm4b:s4+s3], $0x4000, $0x38;
	[tilespmem:$0x8800] =	vst v63  }
0x63: {  	_ =	swait.ge [sflag:s9], $0x4000  }
0x64: {  	[sflag:s9] =	ssyncset.done $0x0  }
0x65: {  	[sflag:s9] =	ssyncadd.s32 $0xFFFFC000  }
0x66: {  	[spmem:s12], [sflag:s11] =	dma.local [hbm:s6], $0x2800  }
.Ltmp2:
0x67: {  	_ =	swait.ge [sflag:s9], $0x2800;
	(pc) =	sbr.rel @!p0 .LBB2_2-.Ltmp2, $3  }
0x68: {  	[sflag:s9] =	ssyncset.done $0x0  }
0x69: {  	[sflag:s9] =	ssyncadd.s32 $0xFFFFD800  }
0x6a: {  	[bflag:$0x0] =	sbarrier.arrive $0xFFFF;
	_ =	sdelay $0x1  }
0x6b: {  	s31 =	sshra.s32 s3, $0x2  }
0x6c: {  	[spmem:s2] =	stream.indirect.scatter.add.f32 [tilespmem:s10], [sflag:$0x1], $0x10, s31, s13, $0xb8;
	[tilespmem:$0x8800] =	vst v63  }
0x6d: {  	_ =	swait.ge [sflag:s9], $0x800  }
0x6e: {  	s31 =	sadd.s32 $0x200, s3;
	[sflag:s9] =	ssyncset.done $0x0  }
.LBB2_4:
0x6f: {  	s1 =	sshra.s32 s31, $0x2;
	[sflag:s9] =	ssyncadd.s32 $0xFFFFF800;
	p1 =	sne.s32 s31, $0x7A00  }
0x70: {  	[spmem:s2] =	stream.indirect.scatter.add.f32 [tilespmem:s10], [sflag:$0x1], $0x10, s1, s13, $0xb8;
	[tilespmem:$0x8800] =	vst v63  }
.Ltmp3:
0x71: {  	_ = 	snop;
	(pc) =	sbr.rel @p1 .LBB2_4-.Ltmp3, $4  }
0x72: {  	_ = 	snop  }
0x73: {  	s31 =	sadd.s32 $0x200, s31  }
0x74: {  	_ =	swait.ge [sflag:s9], $0x800  }
0x75: {  	[sflag:s9] =	ssyncset.done $0x0  }
.Ltmp4:
0x76: {  	(pc) =	sbr.rel .LBB2_6-.Ltmp4, $2  }
0x77: {  	_ =	sdelay $0x2  }
0x78: {  	[sflag:s9] =	ssyncadd.s32 $0xFFFFF800  }
.LBB2_7:
0x79: {  	_ =	sfence.sel $0x180000  }
0x7a: {  	[bflag:$0x0] =	sbarrier.arrive $0xFFFF  }
0x7b: {  	_ =	strace $0x90000047  }
0x7c: {  	[bflag:$0x2] =	sbarrier.arrive $0xFFFF  }
0x7d: {  	p0 =	sne.s32 s0, $0x0;
	s0 =	rddreg [dreg:$0x2]  }
0x7e: {  	s0 =	sadd.s32 @!p0 $0x100000, s0  }
0x7f: {  	[sflag:s0] =	ssyncadd.tile.s32 @!p0 $0x1;
	_ =	shalt  }
.Lfunc_end2:
_tile_overlayer_lowered:
.L_overlay_start_2:
0x80: {  	(tag) =	ssettag $0x2  }
0x81: {  	s0 =	rddreg [dreg:$0x0];
	s2 =	stileid.u32  }
0x82: {  	s1 =	rddreg [dreg:$0x1];
	p0 =	sne.s32 s2, $0x0  }
0x83: {  	s3 =	rddreg [dreg:$0x2];
	[bflag:$0x3] =	sbarrier.arrive $0xFFFF;
	s2 =	simm.s32 @!p0 $0x1C01  }
0x84: {  	[timem:s3], [sflag:s2] =	dma.local @!p0 [hbm:s0], s1  }
0x85: {  	s0 =	simm.s32 @!p0 $0x1  }
0x86: {  	_ =	swait.ge @!p0 [sflag:s0], s1  }
0x87: {  	s1 =	ssub.s32 @!p0 $0x0, s1;
	[sflag:s0] =	ssyncset.done @!p0 $0x0  }
0x88: {  	[sflag:s0] =	ssyncadd.s32 @!p0 s1  }
0x89: {  	[bflag:$0x3] =	sbarrier.arrive $0xFFFF  }
0x8a: {  	_ =	shalt  }

// kernel: kernel.15.cloned.1.call-start
scs
__scs_entry_jumppad:
0x0: {  	(pc) =	sbr.rel $0x88, $3  }
0x1: {  	(tag) =	ssettag $0x0;
	lr =	simm.s32 $0x1  }
0x2: {  	[smem:$0x3F93] =	sst lr;
	_ =	strace $0xD0000000  }
0x3: {  	_ = 	snop  }
0x4: {  	_ = 	snop  }
0x5: {  	_ = 	snop  }
0x6: {  	_ = 	snop  }
0x7: {  	_ = 	snop  }
__scs_overlays_trampoline_lowered:
0x8: {  	[smem:$0x3FA2] =	sst s0  }
0x9: {  	[smem:$0x3FA3] =	sst s1  }
0xa: {  	[smem:$0x3FA4] =	sst s2  }
0xb: {  	[smem:$0x3FA5] =	sst s3  }
0xc: {  	[smem:$0x3FA6] =	sst s4  }
0xd: {  	[smem:$0x3FA7] =	sst s5  }
0xe: {  	[smem:$0x3FA8] =	sst s6  }
0xf: {  	[smem:$0x3FA9] =	sst s7  }
0x10: {  	[smem:$0x3FAA] =	sst s8  }
0x11: {  	[smem:$0x3FAB] =	sst s9;
	s0 =	simm.s32 @!p0 $0x0  }
0x12: {  	s1 =	sld [smem:$0x3F91];
	s0 =	simm.s32 @p0 $0x1  }
0x13: {  	[smem:$0x3FAC] =	sst s0;
	s0 =	simm.s32 @!p1 $0x0  }
0x14: {  	s2 =	sld [smem:$0x3F90];
	s0 =	simm.s32 @p1 $0x1  }
0x15: {  	[smem:$0x3FAD] =	sst s0;
	s0 =	simm.s32 @!p2 $0x0  }
0x16: {  	s3 =	sld [smem:$0x3FDB];
	s0 =	simm.s32 @p2 $0x1  }
0x17: {  	s4 =	simm.s32 $0x1BF5;
	[smem:$0x3FAF] =	sst s0  }
0x18: {  	s0 =	sld [smem:$0x3F92];
	_ =	swait.ge [sflag:s4], $0x0  }
0x19: {  	s7 =	sld [smem:$0x3F93]  }
0x1a: {  	s8 =	sadd.s32 $0xFFFFE003, lr  }
0x1b: {  	s9 =	sadd.s32 $0xFFFFFEF7, lr;
	s5 =	simm.s32 $0xFFFFFFFF;
	p2 =	slt.u32 s8, $0xFFFFF086  }
0x1c: {  	p1 =	slt.u32 s9, $0xF7A;
	s5 =	simm.s32 @!p2 $0x0  }
0x1d: {  	s5 =	simm.s32 @p1 $0x1;
	p0 =	seq.s32 s7, s2  }
0x1e: {  	s7 =	smul.u32 @!p0 $0xF7A, s2;
	p2 =	seq.s32 @!p0 s5, $0x0  }
0x1f: {  	s9 =	smul.u32 $0xF7A, s1;
	s8 =	simm.s32 @!p0 $0x1BF5;
	p2 =	por !p2, p0  }
0x20: {  	[sflag:s8] =	ssyncset.s32 @!p0 $0xFFFFF086;
	s6 =	sadd.s32 @!p0 s3, s7;
	s7 =	simm.s32 @!p0 $0x108  }
0x21: {  	s3 =	sadd.s32 s3, s9;
	s6 =	sadd.s32 @!p0 $0x88, s6;
	s7 =	simm.s32 @p2 $0x1082  }
0x22: {  	[simem:s7], [sflag:s8] =	dma.local @!p0 [hbm:s6], $0xF7A  }
0x23: {  	s9 =	sor.u32 $0xD0000000, s2;
	s6 =	simm.s32 $0x108;
	_ =	swait.ge @!p0 [sflag:s8], $0x0  }
0x24: {  	s3 =	sadd.s32 $0x88, s3;
	s6 =	simm.s32 @!p1 $0x1082;
	[sflag:s4] =	ssyncset.s32 $0xFFFFF086  }
0x25: {  	[simem:s6], [sflag:s4] =	dma.local [hbm:s3], $0xF7A  }
0x26: {  	[smem:$0x3F93] =	sst s1;
	(tag) =	ssettag s2;
	_ =	strace s9  }
0x27: {  	s1 =	sld [smem:$0x3FA3]  }
0x28: {  	s2 =	sld [smem:$0x3FA4]  }
0x29: {  	s4 =	sld [smem:$0x3FA6]  }
0x2a: {  	p0 =	seq.s32 s5, $0x0;
	s5 =	sld [smem:$0x3FA7]  }
0x2b: {  	s6 =	sld [smem:$0x3FA8]  }
0x2c: {  	s7 =	sld [smem:$0x3FA9]  }
0x2d: {  	s3 =	simm.s32 $0x108;
	s8 =	sld [smem:$0x3FAA]  }
0x2e: {  	s3 =	simm.s32 @!p0 $0x1082;
	s9 =	sld [smem:$0x3FAB]  }
0x2f: {  	lr =	sadd.s32 s0, s3;
	s0 =	sld [smem:$0x3FA2]  }
0x30: {  	s3 =	sld [smem:$0x3FA5]  }
0x31: {  	[smem:$0x3FAE] =	sst s10  }
0x32: {  	s10 =	sld [smem:$0x3FAC];
	_ =	sdelay $0x3  }
0x33: {  	p0 =	seq.s32 s10, $0x1;
	s10 =	sld [smem:$0x3FAE];
	_ =	sdelay $0x3  }
0x34: {  	[smem:$0x3FAE] =	sst s10  }
0x35: {  	s10 =	sld [smem:$0x3FAD];
	_ =	sdelay $0x3  }
0x36: {  	p1 =	seq.s32 s10, $0x1;
	s10 =	sld [smem:$0x3FAE];
	_ =	sdelay $0x3  }
0x37: {  	[smem:$0x3FAE] =	sst s10  }
0x38: {  	s10 =	sld [smem:$0x3FAF]  }
0x39: {  	_ = 	snop;
	(pc) =	sbr.ind lr, $3  }
0x3a: {  	_ = 	snop  }
0x3b: {  	_ = 	snop  }
0x3c: {  	p2 =	seq.s32 s10, $0x1;
	s10 =	sld [smem:$0x3FAE]  }
0x3d: {  	_ =	shalt  }
0x3e: {  	_ =	shalt  }
0x3f: {  	_ =	shalt  }
0x40: {  	_ =	shalt  }
0x41: {  	_ =	shalt  }
0x42: {  	_ =	shalt  }
0x43: {  	_ =	shalt  }
0x44: {  	_ =	shalt  }
0x45: {  	_ =	shalt  }
0x46: {  	_ =	shalt  }
0x47: {  	_ =	shalt  }
0x48: {  	_ =	shalt  }
0x49: {  	_ =	shalt  }
0x4a: {  	_ =	shalt  }
0x4b: {  	_ =	shalt  }
0x4c: {  	_ =	shalt  }
0x4d: {  	_ =	shalt  }
0x4e: {  	_ =	shalt  }
0x4f: {  	_ =	shalt  }
0x50: {  	_ =	shalt  }
0x51: {  	_ =	shalt  }
0x52: {  	_ =	shalt  }
0x53: {  	_ =	shalt  }
0x54: {  	_ =	shalt  }
0x55: {  	_ =	shalt  }
0x56: {  	_ =	shalt  }
0x57: {  	_ =	shalt  }
0x58: {  	_ =	shalt  }
0x59: {  	_ =	shalt  }
0x5a: {  	_ =	shalt  }
0x5b: {  	_ =	shalt  }
0x5c: {  	_ =	shalt  }
0x5d: {  	_ =	shalt  }
0x5e: {  	_ =	shalt  }
0x5f: {  	_ =	shalt  }
0x60: {  	_ =	shalt  }
0x61: {  	_ =	shalt  }
0x62: {  	_ =	shalt  }
0x63: {  	_ =	shalt  }
0x64: {  	_ =	shalt  }
0x65: {  	_ =	shalt  }
0x66: {  	_ =	shalt  }
0x67: {  	_ =	shalt  }
0x68: {  	_ =	shalt  }
0x69: {  	_ =	shalt  }
0x6a: {  	_ =	shalt  }
0x6b: {  	_ =	shalt  }
0x6c: {  	_ =	shalt  }
0x6d: {  	_ =	shalt  }
0x6e: {  	_ =	shalt  }
0x6f: {  	_ =	shalt  }
0x70: {  	_ =	shalt  }
0x71: {  	_ =	shalt  }
0x72: {  	_ =	shalt  }
0x73: {  	_ =	shalt  }
0x74: {  	_ =	shalt  }
0x75: {  	_ =	shalt  }
0x76: {  	_ =	shalt  }
0x77: {  	_ =	shalt  }
0x78: {  	_ =	shalt  }
0x79: {  	_ =	shalt  }
0x7a: {  	_ =	shalt  }
0x7b: {  	_ =	shalt  }
0x7c: {  	_ =	shalt  }
0x7d: {  	_ =	shalt  }
0x7e: {  	_ =	shalt  }
0x7f: {  	_ =	shalt  }
0x80: {  	_ =	shalt  }
0x81: {  	_ =	shalt  }
0x82: {  	_ =	shalt  }
0x83: {  	_ =	shalt  }
0x84: {  	_ =	shalt  }
0x85: {  	_ =	shalt  }
0x86: {  	_ =	shalt  }
0x87: {  	_ =	shalt  }
.Lfunc_end0:
.L_simem_size_0:
called_computation.1_lowered:
.L_overlay_start_0:
0x88: {  	s2 =	sld [smem:$0x3FD9]  }
0x89: {  	s3 =	sld [smem:$0x3FFE];
	_ =	sdelay $0x1  }
0x8a: {  	s1 =	srdreg.scid  }
0x8b: {  	s0 =	sand.u32 $0x1, s1  }
0x8c: {  	s16 =	sshll.u32 s0, $0xA;
	s2 =	sadd.s32 s3, s2  }
0x8d: {  	s2 =	sadd.s32 s2, s16  }
0x8e: {  	[smem:$0x3FBA] =	sst s2  }
0x8f: {  	_ = 	snop  }
0x90: {  	(tm) =	ssettm $0x1  }
0x91: {  	s17 =	sld [smem:$0x3FFB];
	_ =	sdelay $0x3  }
0x92: {  	_ =	strace s17  }
0x93: {  	s2 =	sld [smem:$0x3FFC];
	_ =	sdelay $0x3  }
0x94: {  	_ =	strace s2  }
0x95: {  	s2 =	sld [smem:$0x3FFD];
	_ =	sdelay $0x3  }
0x96: {  	_ =	strace s2  }
0x97: {  	_ =	strace $0x8FFFFFFF  }
0x98: {  	s18 =	sld [smem:$0x3FDB];
	_ =	sdelay $0x1  }
0x99: {  	s19 =	simm.s32 $_scs_section_size  }
0x9a: {  	s4 =	simm.s32 $_size__tile_overlayer_lowered;
	s5 =	simm.s32 $_tile_overlayer_lowered  }
0x9b: {  	s22 =	simm.s32 $0x1BFF;
	s21 =	sshll.u32 s5, $0x1;
	s2 =	sadd.s32 s19, s18  }
0x9c: {  	s6 =	simm.s32 $0x0;
	s20 =	sshll.u32 s4, $0x1;
	s4 =	sadd.s32 s21, s2  }
0x9d: {  	[timem:s6], [sflag:s22] =	dma.local [hbm:s4], s20  }
0x9e: {  	_ =	swait.ge [sflag:s22], s20  }
0x9f: {  	s3 =	ssub.s32 $0x0, s20;
	[sflag:s22] =	ssyncset.done $0x0  }
0xa0: {  	[sflag:s22] =	ssyncadd.s32 s3;
	_ =	sdelay $0x1  }
0xa1: {  	s23 =	simm.s32 $0x1B8B  }
0xa2: {  	_ =	swait.ge [sflag:s23], $0x1  }
0xa3: {  	[sflag:s23] =	ssyncset.done $0x0  }
0xa4: {  	s25 =	simm.s32 $0x1B8E;
	s24 =	sld [smem:$0x3FFE];
	[sflag:s23] =	ssyncadd.s32 $0xFFFFFFFF  }
0xa5: {  	s26 =	simm.s32 $execute0_lowered;
	[smem:$0x3FD2] =	sst s25  }
0xa6: {  	s4 =	sshll.u32 s26, $0x1;
	_ =	strace $0x80000049;
	[dreg:$0x1] =	wrdreg $0xFFFFFFFF  }
0xa7: {  	s28 =	simm.s32 $_size_execute0_lowered;
	s2 =	sadd.s32 s2, s4;
	[dreg:$0x0] =	wrdreg $0x0  }
0xa8: {  	s4 =	sshll.u32 s28, $0x1;
	[dreg:$0x2] =	wrdreg s2  }
0xa9: {  	[dreg:$0x3] =	wrdreg s4  }
0xaa: {  	[dreg:$0x4] =	wrdreg $0xC0  }
0xab: {  	_ =	task [dreg:s6], $0x5FFFF  }
0xac: {  	[dreg:$0x1] =	wrdreg $0xFFFFFFFF  }
0xad: {  	[dreg:$0x0] =	wrdreg $0x60  }
0xae: {  	[dreg:$0x2] =	wrdreg s24  }
0xaf: {  	[dreg:$0x3] =	wrdreg $0xC0000  }
0xb0: {  	[dreg:$0x4] =	wrdreg $0x9  }
0xb1: {  	_ =	task.clear_ibuf [dreg:s6], $0x5FFFF;
	_ =	strace $0x90000049  }
0xb2: {  	s29 =	simm.s32 $0x9;
	_ =	strace $0x8000004B  }
0xb3: {  	_ =	swait.ge [sflag:s29], $0x1  }
0xb4: {  	[sflag:s29] =	ssyncadd.s32 $0xFFFFFFFF  }
0xb5: {  	_ =	strace $0x9000004B  }
0xb6: {  	_ =	sfence  }
0xb7: {  	s30 =	sld [smem:$0x0];
	_ =	sdelay $0x2  }
0xb8: {  	s31 =	sshll.u32 s1, $0xD;
	s1 =	sshrl.u32 s1, $0x2  }
0xb9: {  	s3 =	sand.u32 $0x4000, s31;
	s1 =	sadd.s32 s1, s30  }
0xba: {  	s0 =	sor.u32 s3, s0;
	s1 =	sshll.u32 s1, $0x11  }
0xbb: {  	s0 =	sor.u32 s1, s0  }
0xbc: {  	s0 =	sadd.s32 $0x8F2B, s0  }
0xbd: {  	[sflag:s0] =	ssyncadd.remote.s32 $0x1  }
0xbe: {  	_ =	sfence.sel $0xFFFF  }
0xbf: {  	[dreg:$0x0] =	wrdreg $0xFFFFFFFF;
	(pc) =	sbr.abs _section_cstart, $3  }
0xc0: {  	[dreg:$0x1] =	wrdreg $0xFFFFFFFF  }
0xc1: {  	_ =	task.clear_ibuf [dreg:s6], $0x2FFFF;
	_ =	strace $0x9FFFFFFF  }
0xc2: {  	(tm) =	ssettm $0x7FFFFFFF  }
0xc3: {  	_ =	shalt  }
tec
execute0_lowered:
.L_overlay_start_1:
0x0: {  	(tag) =	ssettag $0x1  }
0x1: {  	s0 =	rddreg [dreg:$0x0]  }
0x2: {  	s2 =	rddreg [dreg:$0x1];
	s3 =	simm.s32 $0x0  }
0x3: {  	s1 =	srdreg.scid;
	s11 =	stileid.u32;
	s14 =	simm.s32 $0x80  }
0x4: {  	s15 =	simm.s32 $0x4000;
	s16 =	simm.s32 $0x8000;
	s17 =	simm.s32 $0x1  }
0x5: {  	s18 =	simm.s32 $0x4;
	s19 =	simm.s32 $0x2;
	s21 =	simm.s32 $0x700  }
0x6: {  	s22 =	simm.s32 $0x2680;
	s23 =	simm.s32 $0x780;
	s24 =	simm.s32 $0x2700  }
0x7: {  	s28 =	simm.s32 $0x2800;
	s29 =	simm.s32 $0x0;
	[smem:$0x7FF] =	sst s3  }
0x8: {  	s1 =	sand.u32 $0x1, s1;
	s7 =	smul.u32 $0x14000, s11;
	s6 =	sshll.u32 s11, $0xA  }
0x9: {  	s4 =	sadd.s32 $0x13000, s0;
	s10 =	smul.u32 $0x50000, s11;
	s31 =	sshll.u32 s11, $0x6  }
0xa: {  	s11 =	simm.s32 $0x2000;
	s5 =	sshll.u32 s1, $0xE;
	s8 =	smul.u32 $0x140000, s1  }
0xb: {  	_ =	strace $0x8000004A;
	s26 =	ssub.s32 $0x2, s1;
	p0 =	sne.s32 s1, $0x0  }
0xc: {  	s12 =	sor.u32 $0x1C03, s31;
	s5 =	sor.u32 s6, s5;
	s9 =	sshrl.u32 s26, $0x1  }
0xd: {  	s30 =	sshrl.u32 s10, $0x2;
	s10 =	simm.s32 $0x3;
	s6 =	sadd.s32 s5, s0  }
.Ltmp0:
0xe: {  	s25 =	sadd.s32 s7, s8;
	s9 =	ssub.s32 s26, s9;
	(pc) =	sbr.rel .LBB2_1-.Ltmp0, $4  }
0xf: {  	s7 =	sshrl.u32 s7, $0x3;
	s13 =	sadd.s32 s30, s2;
	s26 =	simm.s32 $0x2780  }
0x10: {  	s5 =	sshrl.u32 s25, $0x3;
	s7 =	sadd.s32 s4, s7;
	s9 =	smax.u32 s9, $0x1  }
0x11: {  	s13 =	sshrl.u32 s13, $0x3;
	s25 =	simm.s32 $0x800;
	s0 =	sadd.s32 s5, s0  }
0x12: {  	s5 =	sadd.s32 $0xB000, s6;
	s6 =	sadd.s32 $0x3000, s6;
	s8 =	sadd.s32 $0x3B000, s0  }
.LBB2_7:
0x13: {  	[tilespmem:s16], [sflag:$0x2] =	stream.indirect.gather [hbm4b:s4+s14], $0x80, s14, s14, $0xb8;
	v63 =	vld [tilespmem:$0x0]  }
0x14: {  	_ =	swait.ge [sflag:s17], $0x4000  }
0x15: {  	[sflag:s17] =	ssyncset.done $0x0  }
0x16: {  	s30 =	simm.s32 $0x4;
	[sflag:s17] =	ssyncadd.s32 $0xFFFFC000  }
0x17: {  	[spmem:s2] =	stream.indirect.scatter.add.f32 [tilespmem:s15], [sflag:$0x4], $0x80, s11, s14, $0xb8;
	v63 =	vld [tilespmem:$0x0]  }
0x18: {  	_ =	swait.ge [sflag:s30], $0x4000  }
0x19: {  	[sflag:s30] =	ssyncset.done $0x0  }
0x1a: {  	s0 =	simm.s32 $0x100;
	[sflag:s30] =	ssyncadd.s32 $0xFFFFC000  }
0x1b: {  	[tilespmem:s15], [sflag:$0x1] =	stream.indirect.gather [hbm4b:s4+s14], $0x80, s0, s14, $0xb8;
	v63 =	vld [tilespmem:$0x0]  }
0x1c: {  	_ =	swait.ge [sflag:s19], $0x4000  }
0x1d: {  	[sflag:s19] =	ssyncset.done $0x0  }
0x1e: {  	s20 =	simm.s32 $0x2080;
	[sflag:s19] =	ssyncadd.s32 $0xFFFFC000  }
0x1f: {  	[spmem:s2] =	stream.indirect.scatter.add.f32 [tilespmem:s16], [sflag:$0x3], $0x80, s20, s14, $0xb8;
	v63 =	vld [tilespmem:$0x0]  }
0x20: {  	_ =	swait.ge [sflag:s10], $0x4000  }
0x21: {  	[sflag:s10] =	ssyncset.done $0x0  }
0x22: {  	s31 =	simm.s32 $0x180;
	[sflag:s10] =	ssyncadd.s32 $0xFFFFC000  }
0x23: {  	[tilespmem:s16], [sflag:$0x2] =	stream.indirect.gather [hbm4b:s4+s14], $0x80, s31, s14, $0xb8;
	v63 =	vld [tilespmem:$0x0]  }
0x24: {  	_ =	swait.ge [sflag:s17], $0x4000  }
0x25: {  	[sflag:s17] =	ssyncset.done $0x0  }
0x26: {  	s1 =	simm.s32 $0x2100;
	[sflag:s17] =	ssyncadd.s32 $0xFFFFC000  }
0x27: {  	[spmem:s2] =	stream.indirect.scatter.add.f32 [tilespmem:s15], [sflag:$0x4], $0x80, s1, s14, $0xb8;
	v63 =	vld [tilespmem:$0x0]  }
0x28: {  	_ =	swait.ge [sflag:s30], $0x4000  }
0x29: {  	[sflag:s30] =	ssyncset.done $0x0  }
0x2a: {  	s20 =	simm.s32 $0x200;
	[sflag:s30] =	ssyncadd.s32 $0xFFFFC000  }
0x2b: {  	[tilespmem:s15], [sflag:$0x1] =	stream.indirect.gather [hbm4b:s4+s14], $0x80, s20, s14, $0xb8;
	v63 =	vld [tilespmem:$0x0]  }
0x2c: {  	_ =	swait.ge [sflag:s19], $0x4000  }
0x2d: {  	[sflag:s19] =	ssyncset.done $0x0  }
0x2e: {  	s31 =	simm.s32 $0x2180;
	[sflag:s19] =	ssyncadd.s32 $0xFFFFC000  }
0x2f: {  	[spmem:s2] =	stream.indirect.scatter.add.f32 [tilespmem:s16], [sflag:$0x3], $0x80, s31, s14, $0xb8;
	v63 =	vld [tilespmem:$0x0]  }
0x30: {  	_ =	swait.ge [sflag:s10], $0x4000  }
0x31: {  	[sflag:s10] =	ssyncset.done $0x0  }
0x32: {  	s1 =	simm.s32 $0x280;
	[sflag:s10] =	ssyncadd.s32 $0xFFFFC000  }
0x33: {  	[tilespmem:s16], [sflag:$0x2] =	stream.indirect.gather [hbm4b:s4+s14], $0x80, s1, s14, $0xb8;
	v63 =	vld [tilespmem:$0x0]  }
0x34: {  	_ =	swait.ge [sflag:s17], $0x4000  }
0x35: {  	[sflag:s17] =	ssyncset.done $0x0  }
0x36: {  	s20 =	simm.s32 $0x2200;
	[sflag:s17] =	ssyncadd.s32 $0xFFFFC000  }
0x37: {  	[spmem:s2] =	stream.indirect.scatter.add.f32 [tilespmem:s15], [sflag:$0x4], $0x80, s20, s14, $0xb8;
	v63 =	vld [tilespmem:$0x0]  }
0x38: {  	_ =	swait.ge [sflag:s30], $0x4000  }
0x39: {  	[sflag:s30] =	ssyncset.done $0x0  }
0x3a: {  	s31 =	simm.s32 $0x300;
	[sflag:s30] =	ssyncadd.s32 $0xFFFFC000  }
0x3b: {  	[tilespmem:s15], [sflag:$0x1] =	stream.indirect.gather [hbm4b:s4+s14], $0x80, s31, s14, $0xb8;
	v63 =	vld [tilespmem:$0x0]  }
0x3c: {  	_ =	swait.ge [sflag:s19], $0x4000  }
0x3d: {  	[sflag:s19] =	ssyncset.done $0x0  }
0x3e: {  	s1 =	simm.s32 $0x2280;
	[sflag:s19] =	ssyncadd.s32 $0xFFFFC000  }
0x3f: {  	[spmem:s2] =	stream.indirect.scatter.add.f32 [tilespmem:s16], [sflag:$0x3], $0x80, s1, s14, $0xb8;
	v63 =	vld [tilespmem:$0x0]  }
0x40: {  	_ =	swait.ge [sflag:s10], $0x4000  }
0x41: {  	[sflag:s10] =	ssyncset.done $0x0  }
0x42: {  	s20 =	simm.s32 $0x380;
	[sflag:s10] =	ssyncadd.s32 $0xFFFFC000  }
0x43: {  	[tilespmem:s16], [sflag:$0x2] =	stream.indirect.gather [hbm4b:s4+s14], $0x80, s20, s14, $0xb8;
	v63 =	vld [tilespmem:$0x0]  }
0x44: {  	_ =	swait.ge [sflag:s17], $0x4000  }
0x45: {  	[sflag:s17] =	ssyncset.done $0x0  }
0x46: {  	s31 =	simm.s32 $0x2300;
	[sflag:s17] =	ssyncadd.s32 $0xFFFFC000  }
0x47: {  	[spmem:s2] =	stream.indirect.scatter.add.f32 [tilespmem:s15], [sflag:$0x4], $0x80, s31, s14, $0xb8;
	v63 =	vld [tilespmem:$0x0]  }
0x48: {  	_ =	swait.ge [sflag:s30], $0x4000  }
0x49: {  	[sflag:s30] =	ssyncset.done $0x0  }
0x4a: {  	s1 =	simm.s32 $0x400;
	[sflag:s30] =	ssyncadd.s32 $0xFFFFC000  }
0x4b: {  	[tilespmem:s15], [sflag:$0x1] =	stream.indirect.gather [hbm4b:s4+s14], $0x80, s1, s14, $0xb8;
	v63 =	vld [tilespmem:$0x0]  }
0x4c: {  	_ =	swait.ge [sflag:s19], $0x4000  }
0x4d: {  	[sflag:s19] =	ssyncset.done $0x0  }
0x4e: {  	s20 =	simm.s32 $0x2380;
	[sflag:s19] =	ssyncadd.s32 $0xFFFFC000  }
0x4f: {  	[spmem:s2] =	stream.indirect.scatter.add.f32 [tilespmem:s16], [sflag:$0x3], $0x80, s20, s14, $0xb8;
	v63 =	vld [tilespmem:$0x0]  }
0x50: {  	_ =	swait.ge [sflag:s10], $0x4000  }
0x51: {  	[sflag:s10] =	ssyncset.done $0x0  }
0x52: {  	s31 =	simm.s32 $0x480;
	[sflag:s10] =	ssyncadd.s32 $0xFFFFC000  }
0x53: {  	[tilespmem:s16], [sflag:$0x2] =	stream.indirect.gather [hbm4b:s4+s14], $0x80, s31, s14, $0xb8;
	v63 =	vld [tilespmem:$0x0]  }
0x54: {  	_ =	swait.ge [sflag:s17], $0x4000  }
0x55: {  	[sflag:s17] =	ssyncset.done $0x0  }
0x56: {  	s1 =	simm.s32 $0x2400;
	[sflag:s17] =	ssyncadd.s32 $0xFFFFC000  }
0x57: {  	[spmem:s2] =	stream.indirect.scatter.add.f32 [tilespmem:s15], [sflag:$0x4], $0x80, s1, s14, $0xb8;
	v63 =	vld [tilespmem:$0x0]  }
0x58: {  	_ =	swait.ge [sflag:s30], $0x4000  }
0x59: {  	[sflag:s30] =	ssyncset.done $0x0  }
0x5a: {  	s20 =	simm.s32 $0x500;
	[sflag:s30] =	ssyncadd.s32 $0xFFFFC000  }
0x5b: {  	[tilespmem:s15], [sflag:$0x1] =	stream.indirect.gather [hbm4b:s4+s14], $0x80, s20, s14, $0xb8;
	v63 =	vld [tilespmem:$0x0]  }
0x5c: {  	_ =	swait.ge [sflag:s19], $0x4000  }
0x5d: {  	[sflag:s19] =	ssyncset.done $0x0  }
0x5e: {  	s31 =	simm.s32 $0x2480;
	[sflag:s19] =	ssyncadd.s32 $0xFFFFC000  }
0x5f: {  	[spmem:s2] =	stream.indirect.scatter.add.f32 [tilespmem:s16], [sflag:$0x3], $0x80, s31, s14, $0xb8;
	v63 =	vld [tilespmem:$0x0]  }
0x60: {  	_ =	swait.ge [sflag:s10], $0x4000  }
0x61: {  	[sflag:s10] =	ssyncset.done $0x0  }
0x62: {  	s1 =	simm.s32 $0x580;
	[sflag:s10] =	ssyncadd.s32 $0xFFFFC000  }
0x63: {  	[tilespmem:s16], [sflag:$0x2] =	stream.indirect.gather [hbm4b:s4+s14], $0x80, s1, s14, $0xb8;
	v63 =	vld [tilespmem:$0x0]  }
0x64: {  	_ =	swait.ge [sflag:s17], $0x4000  }
0x65: {  	[sflag:s17] =	ssyncset.done $0x0  }
0x66: {  	s20 =	simm.s32 $0x2500;
	[sflag:s17] =	ssyncadd.s32 $0xFFFFC000  }
0x67: {  	[spmem:s2] =	stream.indirect.scatter.add.f32 [tilespmem:s15], [sflag:$0x4], $0x80, s20, s14, $0xb8;
	v63 =	vld [tilespmem:$0x0]  }
0x68: {  	_ =	swait.ge [sflag:s30], $0x4000  }
0x69: {  	[sflag:s30] =	ssyncset.done $0x0  }
0x6a: {  	s31 =	simm.s32 $0x600;
	[sflag:s30] =	ssyncadd.s32 $0xFFFFC000  }
0x6b: {  	[tilespmem:s15], [sflag:$0x1] =	stream.indirect.gather [hbm4b:s4+s14], $0x80, s31, s14, $0xb8;
	v63 =	vld [tilespmem:$0x0]  }
0x6c: {  	_ =	swait.ge [sflag:s19], $0x4000  }
0x6d: {  	[sflag:s19] =	ssyncset.done $0x0  }
0x6e: {  	s1 =	simm.s32 $0x2580;
	[sflag:s19] =	ssyncadd.s32 $0xFFFFC000  }
0x6f: {  	[spmem:s2] =	stream.indirect.scatter.add.f32 [tilespmem:s16], [sflag:$0x3], $0x80, s1, s14, $0xb8;
	v63 =	vld [tilespmem:$0x0]  }
0x70: {  	_ =	swait.ge [sflag:s10], $0x4000  }
0x71: {  	[sflag:s10] =	ssyncset.done $0x0  }
0x72: {  	s20 =	simm.s32 $0x680;
	[sflag:s10] =	ssyncadd.s32 $0xFFFFC000  }
0x73: {  	[tilespmem:s16], [sflag:$0x2] =	stream.indirect.gather [hbm4b:s4+s14], $0x80, s20, s14, $0xb8;
	v63 =	vld [tilespmem:$0x0]  }
0x74: {  	_ =	swait.ge [sflag:s17], $0x4000  }
0x75: {  	[sflag:s17] =	ssyncset.done $0x0  }
0x76: {  	s31 =	simm.s32 $0x2600;
	[sflag:s17] =	ssyncadd.s32 $0xFFFFC000  }
0x77: {  	[spmem:s2] =	stream.indirect.scatter.add.f32 [tilespmem:s15], [sflag:$0x4], $0x80, s31, s14, $0xb8;
	v63 =	vld [tilespmem:$0x0]  }
0x78: {  	_ =	swait.ge [sflag:s30], $0x4000  }
0x79: {  	[sflag:s30] =	ssyncset.done $0x0  }
0x7a: {  	[sflag:s30] =	ssyncadd.s32 $0xFFFFC000  }
0x7b: {  	[tilespmem:s15], [sflag:$0x1] =	stream.indirect.gather [hbm4b:s4+s14], $0x80, s21, s14, $0xb8;
	v63 =	vld [tilespmem:$0x0]  }
0x7c: {  	_ =	swait.ge [sflag:s19], $0x4000  }
0x7d: {  	[sflag:s19] =	ssyncset.done $0x0  }
0x7e: {  	[sflag:s19] =	ssyncadd.s32 $0xFFFFC000  }
0x7f: {  	[spmem:s2] =	stream.indirect.scatter.add.f32 [tilespmem:s16], [sflag:$0x3], $0x80, s22, s14, $0xb8;
	v63 =	vld [tilespmem:$0x0]  }
0x80: {  	_ =	swait.ge [sflag:s10], $0x4000  }
0x81: {  	[sflag:s10] =	ssyncset.done $0x0  }
0x82: {  	[sflag:s10] =	ssyncadd.s32 $0xFFFFC000  }
0x83: {  	[tilespmem:s16], [sflag:$0x2] =	stream.indirect.gather [hbm4b:s4+s14], $0x80, s23, s14, $0xb8;
	v63 =	vld [tilespmem:$0x0]  }
0x84: {  	_ =	swait.ge [sflag:s17], $0x4000  }
0x85: {  	[sflag:s17] =	ssyncset.done $0x0  }
0x86: {  	[sflag:s17] =	ssyncadd.s32 $0xFFFFC000  }
0x87: {  	[spmem:s2] =	stream.indirect.scatter.add.f32 [tilespmem:s15], [sflag:$0x4], $0x80, s24, s14, $0xb8;
	v63 =	vld [tilespmem:$0x0]  }
0x88: {  	_ =	swait.ge [sflag:s30], $0x4000  }
0x89: {  	[sflag:s30] =	ssyncset.done $0x0  }
0x8a: {  	[sflag:s30] =	ssyncadd.s32 $0xFFFFC000  }
0x8b: {  	[tilespmem:s15], [sflag:$0x1] =	stream.indirect.gather [hbm4b:s4+s14], $0x80, s25, s14, $0xb8;
	v63 =	vld [tilespmem:$0x0]  }
0x8c: {  	_ =	swait.ge [sflag:s19], $0x4000  }
0x8d: {  	[sflag:s19] =	ssyncset.done $0x0  }
0x8e: {  	[sflag:s19] =	ssyncadd.s32 $0xFFFFC000  }
0x8f: {  	[spmem:s2] =	stream.indirect.scatter.add.f32 [tilespmem:s16], [sflag:$0x3], $0x80, s26, s14, $0xb8;
	v63 =	vld [tilespmem:$0x0]  }
0x90: {  	_ =	swait.ge [sflag:s10], $0x4000  }
0x91: {  	[sflag:s10] =	ssyncset.done $0x0  }
0x92: {  	[sflag:s10] =	ssyncadd.s32 $0xFFFFC000  }
0x93: {  	_ =	swait.ge [sflag:s17], $0x4000  }
0x94: {  	[sflag:s17] =	ssyncset.done $0x0  }
0x95: {  	[sflag:s17] =	ssyncadd.s32 $0xFFFFC000  }
0x96: {  	[spmem:s2] =	stream.indirect.scatter.add.f32 [tilespmem:s15], [sflag:$0x4], $0x80, s28, s14, $0xb8;
	v63 =	vld [tilespmem:$0x0]  }
.LBB2_5:
0x97: {  	_ =	swait.ge [sflag:s30], $0x4000  }
0x98: {  	s29 =	sadd.s32 $0x1, s29;
	[sflag:s30] =	ssyncset.done $0x0  }
0x99: {  	p1 =	sne.s32 s29, s9;
	[sflag:s30] =	ssyncadd.s32 $0xFFFFC000  }
.Ltmp1:
0x9a: {  	[bflag:$0x0] =	sbarrier.arrive $0xFFFF;
	(pc) =	sbr.rel @!p1 .LBB2_6-.Ltmp1, $4  }
0x9b: {  	[hbm:s8], [sflag:s12] =	dma.local [spmem:s13], $0x2800  }
0x9c: {  	_ =	swait.ge [sflag:s10], $0x2800  }
0x9d: {  	[sflag:s10] =	ssyncset.done $0x0  }
0x9e: {  	[sflag:s10] =	ssyncadd.s32 $0xFFFFD800  }
.LBB2_1:
0x9f: {  	[tilespmem:s3], [sflag:$0x3] =	stream.linear.gather [hbm4b:s5+s3], $0x1F00, $0x38;
	v63 =	vld [tilespmem:$0x0]  }
0xa0: {  	_ =	swait.ge [sflag:s10], $0x1F00  }
0xa1: {  	[sflag:s10] =	ssyncset.done $0x0  }
0xa2: {  	[sflag:s10] =	ssyncadd.s32 $0xFFFFE100  }
0xa3: {  	[tilespmem:s11], [sflag:$0x3] =	stream.linear.gather [hbm4b:s6+s3], $0x1F00, $0x38;
	v63 =	vld [tilespmem:$0x0]  }
0xa4: {  	_ =	swait.ge [sflag:s10], $0x1F00  }
0xa5: {  	[sflag:s10] =	ssyncset.done $0x0  }
0xa6: {  	[sflag:s10] =	ssyncadd.s32 $0xFFFFE100  }
0xa7: {  	[spmem:s13], [sflag:s12] =	dma.local [hbm:s7], $0x2800  }
0xa8: {  	_ =	swait.ge [sflag:s10], $0x2800  }
.Ltmp2:
0xa9: {  	[sflag:s10] =	ssyncset.done $0x0;
	(pc) =	sbr.rel @p0 .LBB2_7-.Ltmp2, $3  }
0xaa: {  	[sflag:s10] =	ssyncadd.s32 $0xFFFFD800  }
0xab: {  	[tilespmem:s15], [sflag:$0x1] =	stream.indirect.gather [hbm4b:s4+s14], $0x80, s3, s14, $0xb8;
	v63 =	vld [tilespmem:$0x0]  }
0xac: {  	[bflag:$0x0] =	sbarrier.arrive $0xFFFF;
	_ =	sdelay $0x1  }
0xad: {  	s30 =	simm.s32 $0x80  }
0xae: {  	[tilespmem:s16], [sflag:$0x2] =	stream.indirect.gather [hbm4b:s4+s14], $0x80, s30, s14, $0xb8;
	v63 =	vld [tilespmem:$0x0]  }
0xaf: {  	_ =	swait.ge [sflag:s17], $0x4000  }
0xb0: {  	[sflag:s17] =	ssyncset.done $0x0  }
0xb1: {  	s30 =	simm.s32 $0x2000;
	[sflag:s17] =	ssyncadd.s32 $0xFFFFC000  }
0xb2: {  	[spmem:s2] =	stream.indirect.scatter.add.f32 [tilespmem:s15], [sflag:$0x4], $0x80, s30, s14, $0xb8;
	v63 =	vld [tilespmem:$0x0]  }
0xb3: {  	_ =	swait.ge [sflag:s18], $0x4000  }
0xb4: {  	[sflag:s18] =	ssyncset.done $0x0  }
0xb5: {  	s30 =	simm.s32 $0x100;
	[sflag:s18] =	ssyncadd.s32 $0xFFFFC000  }
0xb6: {  	[tilespmem:s15], [sflag:$0x1] =	stream.indirect.gather [hbm4b:s4+s14], $0x80, s30, s14, $0xb8;
	v63 =	vld [tilespmem:$0x0]  }
0xb7: {  	_ =	swait.ge [sflag:s19], $0x4000  }
0xb8: {  	[sflag:s19] =	ssyncset.done $0x0  }
0xb9: {  	s30 =	simm.s32 $0x2080;
	[sflag:s19] =	ssyncadd.s32 $0xFFFFC000  }
0xba: {  	[spmem:s2] =	stream.indirect.scatter.add.f32 [tilespmem:s16], [sflag:$0x3], $0x80, s30, s14, $0xb8;
	v63 =	vld [tilespmem:$0x0]  }
0xbb: {  	_ =	swait.ge [sflag:s10], $0x4000  }
0xbc: {  	s31 =	simm.s32 $0x800;
	s30 =	simm.s32 $0x100;
	[sflag:s10] =	ssyncset.done $0x0  }
.LBB2_3:
0xbd: {  	s0 =	sadd.s32 $0x80, s30  }
0xbe: {  	[sflag:s10] =	ssyncadd.s32 $0xFFFFC000;
	s1 =	smov.u32 s31;
	s20 =	sadd.s32 $0x400, s31  }
0xbf: {  	[tilespmem:s16], [sflag:$0x2] =	stream.indirect.gather [hbm4b:s4+s14], $0x80, s0, s14, $0xb8;
	v63 =	vld [tilespmem:$0x0]  }
0xc0: {  	p1 =	seq.s32 s31, $0x7400;
	_ =	swait.ge [sflag:s17], $0x4000  }
0xc1: {  	[sflag:s17] =	ssyncset.done $0x0  }
0xc2: {  	s0 =	sadd.s32 $0x2000, s30;
	[sflag:s17] =	ssyncadd.s32 $0xFFFFC000  }
0xc3: {  	[spmem:s2] =	stream.indirect.scatter.add.f32 [tilespmem:s15], [sflag:$0x4], $0x80, s0, s14, $0xb8;
	v63 =	vld [tilespmem:$0x0]  }
0xc4: {  	_ =	swait.ge [sflag:s18], $0x4000  }
0xc5: {  	[sflag:s18] =	ssyncset.done $0x0  }
0xc6: {  	s0 =	sadd.s32 $0x100, s30;
	[sflag:s18] =	ssyncadd.s32 $0xFFFFC000  }
0xc7: {  	[tilespmem:s15], [sflag:$0x1] =	stream.indirect.gather [hbm4b:s4+s14], $0x80, s0, s14, $0xb8;
	v63 =	vld [tilespmem:$0x0]  }
0xc8: {  	_ =	swait.ge [sflag:s19], $0x4000  }
.Ltmp3:
0xc9: {  	[sflag:s19] =	ssyncset.done $0x0;
	(pc) =	sbr.rel @!p1 .LBB2_3-.Ltmp3, $4  }
0xca: {  	s0 =	sadd.s32 $0x2080, s30;
	[sflag:s19] =	ssyncadd.s32 $0xFFFFC000  }
0xcb: {  	[spmem:s2] =	stream.indirect.scatter.add.f32 [tilespmem:s16], [sflag:$0x3], $0x80, s0, s14, $0xb8;
	v63 =	vld [tilespmem:$0x0]  }
0xcc: {  	_ =	swait.ge [sflag:s10], $0x4000  }
0xcd: {  	s31 =	smov.u32 s20;
	s30 =	sshra.s32 s1, $0x2;
	[sflag:s10] =	ssyncset.done $0x0  }
0xce: {  	s0 =	sadd.s32 $0x80, s30;
	[sflag:s10] =	ssyncadd.s32 $0xFFFFC000  }
0xcf: {  	[tilespmem:s16], [sflag:$0x2] =	stream.indirect.gather [hbm4b:s4+s14], $0x80, s0, s14, $0xb8;
	v63 =	vld [tilespmem:$0x0]  }
0xd0: {  	_ =	swait.ge [sflag:s17], $0x4000  }
0xd1: {  	[sflag:s17] =	ssyncset.done $0x0  }
0xd2: {  	s1 =	sadd.s32 $0x2000, s30;
	[sflag:s17] =	ssyncadd.s32 $0xFFFFC000  }
0xd3: {  	[spmem:s2] =	stream.indirect.scatter.add.f32 [tilespmem:s15], [sflag:$0x4], $0x80, s1, s14, $0xb8;
	v63 =	vld [tilespmem:$0x0]  }
0xd4: {  	_ =	swait.ge [sflag:s18], $0x4000  }
0xd5: {  	[sflag:s18] =	ssyncset.done $0x0  }
0xd6: {  	s20 =	sadd.s32 $0x100, s30;
	[sflag:s18] =	ssyncadd.s32 $0xFFFFC000  }
0xd7: {  	[tilespmem:s15], [sflag:$0x1] =	stream.indirect.gather [hbm4b:s4+s14], $0x80, s20, s14, $0xb8;
	v63 =	vld [tilespmem:$0x0]  }
0xd8: {  	_ =	swait.ge [sflag:s19], $0x4000  }
0xd9: {  	[sflag:s19] =	ssyncset.done $0x0  }
0xda: {  	s31 =	sadd.s32 $0x2080, s30;
	[sflag:s19] =	ssyncadd.s32 $0xFFFFC000  }
0xdb: {  	[spmem:s2] =	stream.indirect.scatter.add.f32 [tilespmem:s16], [sflag:$0x3], $0x80, s31, s14, $0xb8;
	v63 =	vld [tilespmem:$0x0]  }
0xdc: {  	_ =	swait.ge [sflag:s10], $0x4000  }
0xdd: {  	[sflag:s10] =	ssyncset.done $0x0  }
0xde: {  	s1 =	simm.s32 $0x1E80;
	[sflag:s10] =	ssyncadd.s32 $0xFFFFC000  }
0xdf: {  	[tilespmem:s16], [sflag:$0x2] =	stream.indirect.gather [hbm4b:s4+s14], $0x80, s1, s14, $0xb8;
	v63 =	vld [tilespmem:$0x0]  }
0xe0: {  	_ =	swait.ge [sflag:s17], $0x4000  }
0xe1: {  	[sflag:s17] =	ssyncset.done $0x0  }
0xe2: {  	s20 =	simm.s32 $0x3E00;
	[sflag:s17] =	ssyncadd.s32 $0xFFFFC000  }
0xe3: {  	[spmem:s2] =	stream.indirect.scatter.add.f32 [tilespmem:s15], [sflag:$0x4], $0x80, s20, s14, $0xb8;
	v63 =	vld [tilespmem:$0x0]  }
0xe4: {  	_ =	swait.ge [sflag:s18], $0x4000  }
0xe5: {  	[sflag:s18] =	ssyncset.done $0x0  }
.Ltmp4:
0xe6: {  	[sflag:s18] =	ssyncadd.s32 $0xFFFFC000;
	(pc) =	sbr.rel .LBB2_5-.Ltmp4, $4  }
0xe7: {  	_ =	swait.ge [sflag:s19], $0x4000  }
0xe8: {  	[sflag:s19] =	ssyncset.done $0x0  }
0xe9: {  	s30 =	simm.s32 $0x3;
	s31 =	simm.s32 $0x3E80;
	[sflag:s19] =	ssyncadd.s32 $0xFFFFC000  }
0xea: {  	[spmem:s2] =	stream.indirect.scatter.add.f32 [tilespmem:s16], [sflag:$0x3], $0x80, s31, s14, $0xb8;
	v63 =	vld [tilespmem:$0x0]  }
.LBB2_6:
0xeb: {  	_ =	sfence.sel $0x180000  }
0xec: {  	[bflag:$0x0] =	sbarrier.arrive $0xFFFF  }
0xed: {  	_ =	strace $0x9000004A  }
0xee: {  	s0 =	stileid.u32;
	[bflag:$0x2] =	sbarrier.arrive $0xFFFF  }
0xef: {  	p0 =	sne.s32 s0, $0x0;
	s0 =	rddreg [dreg:$0x2]  }
0xf0: {  	s0 =	sadd.s32 @!p0 $0x100000, s0  }
0xf1: {  	[sflag:s0] =	ssyncadd.tile.s32 @!p0 $0x1;
	_ =	shalt  }
.Lfunc_end2:
_tile_overlayer_lowered:
.L_overlay_start_2:
0xf2: {  	(tag) =	ssettag $0x2  }
0xf3: {  	s0 =	rddreg [dreg:$0x0];
	s2 =	stileid.u32  }
0xf4: {  	s1 =	rddreg [dreg:$0x1];
	p0 =	sne.s32 s2, $0x0  }
0xf5: {  	s3 =	rddreg [dreg:$0x2];
	[bflag:$0x3] =	sbarrier.arrive $0xFFFF;
	s2 =	simm.s32 @!p0 $0x1C03  }
0xf6: {  	[timem:s3], [sflag:s2] =	dma.local @!p0 [hbm:s0], s1  }
0xf7: {  	s0 =	simm.s32 @!p0 $0x3  }
0xf8: {  	_ =	swait.ge @!p0 [sflag:s0], s1  }
0xf9: {  	s1 =	ssub.s32 @!p0 $0x0, s1;
	[sflag:s0] =	ssyncset.done @!p0 $0x0  }
0xfa: {  	[sflag:s0] =	ssyncadd.s32 @!p0 s1  }
0xfb: {  	[bflag:$0x3] =	sbarrier.arrive $0xFFFF  }
0xfc: {  	_ =	shalt  }

// kernel: kernel.18.cloned.1.call-start
scs
__scs_entry_jumppad:
0x0: {  	(pc) =	sbr.rel $0x88, $3  }
0x1: {  	(tag) =	ssettag $0x0;
	lr =	simm.s32 $0x1  }
0x2: {  	[smem:$0x3F93] =	sst lr;
	_ =	strace $0xD0000000  }
0x3: {  	_ = 	snop  }
0x4: {  	_ = 	snop  }
0x5: {  	_ = 	snop  }
0x6: {  	_ = 	snop  }
0x7: {  	_ = 	snop  }
__scs_overlays_trampoline_lowered:
0x8: {  	[smem:$0x3FA2] =	sst s0  }
0x9: {  	[smem:$0x3FA3] =	sst s1  }
0xa: {  	[smem:$0x3FA4] =	sst s2  }
0xb: {  	[smem:$0x3FA5] =	sst s3  }
0xc: {  	[smem:$0x3FA6] =	sst s4  }
0xd: {  	[smem:$0x3FA7] =	sst s5  }
0xe: {  	[smem:$0x3FA8] =	sst s6  }
0xf: {  	[smem:$0x3FA9] =	sst s7  }
0x10: {  	[smem:$0x3FAA] =	sst s8  }
0x11: {  	[smem:$0x3FAB] =	sst s9;
	s0 =	simm.s32 @!p0 $0x0  }
0x12: {  	s1 =	sld [smem:$0x3F91];
	s0 =	simm.s32 @p0 $0x1  }
0x13: {  	[smem:$0x3FAC] =	sst s0;
	s0 =	simm.s32 @!p1 $0x0  }
0x14: {  	s2 =	sld [smem:$0x3F90];
	s0 =	simm.s32 @p1 $0x1  }
0x15: {  	[smem:$0x3FAD] =	sst s0;
	s0 =	simm.s32 @!p2 $0x0  }
0x16: {  	s3 =	sld [smem:$0x3FDB];
	s0 =	simm.s32 @p2 $0x1  }
0x17: {  	s4 =	simm.s32 $0x1BF5;
	[smem:$0x3FAF] =	sst s0  }
0x18: {  	s0 =	sld [smem:$0x3F92];
	_ =	swait.ge [sflag:s4], $0x0  }
0x19: {  	s7 =	sld [smem:$0x3F93]  }
0x1a: {  	s8 =	sadd.s32 $0xFFFFE003, lr  }
0x1b: {  	s9 =	sadd.s32 $0xFFFFFEF7, lr;
	s5 =	simm.s32 $0xFFFFFFFF;
	p2 =	slt.u32 s8, $0xFFFFF086  }
0x1c: {  	p1 =	slt.u32 s9, $0xF7A;
	s5 =	simm.s32 @!p2 $0x0  }
0x1d: {  	s5 =	simm.s32 @p1 $0x1;
	p0 =	seq.s32 s7, s2  }
0x1e: {  	s7 =	smul.u32 @!p0 $0xF7A, s2;
	p2 =	seq.s32 @!p0 s5, $0x0  }
0x1f: {  	s9 =	smul.u32 $0xF7A, s1;
	s8 =	simm.s32 @!p0 $0x1BF5;
	p2 =	por !p2, p0  }
0x20: {  	[sflag:s8] =	ssyncset.s32 @!p0 $0xFFFFF086;
	s6 =	sadd.s32 @!p0 s3, s7;
	s7 =	simm.s32 @!p0 $0x108  }
0x21: {  	s3 =	sadd.s32 s3, s9;
	s6 =	sadd.s32 @!p0 $0x88, s6;
	s7 =	simm.s32 @p2 $0x1082  }
0x22: {  	[simem:s7], [sflag:s8] =	dma.local @!p0 [hbm:s6], $0xF7A  }
0x23: {  	s9 =	sor.u32 $0xD0000000, s2;
	s6 =	simm.s32 $0x108;
	_ =	swait.ge @!p0 [sflag:s8], $0x0  }
0x24: {  	s3 =	sadd.s32 $0x88, s3;
	s6 =	simm.s32 @!p1 $0x1082;
	[sflag:s4] =	ssyncset.s32 $0xFFFFF086  }
0x25: {  	[simem:s6], [sflag:s4] =	dma.local [hbm:s3], $0xF7A  }
0x26: {  	[smem:$0x3F93] =	sst s1;
	(tag) =	ssettag s2;
	_ =	strace s9  }
0x27: {  	s1 =	sld [smem:$0x3FA3]  }
0x28: {  	s2 =	sld [smem:$0x3FA4]  }
0x29: {  	s4 =	sld [smem:$0x3FA6]  }
0x2a: {  	p0 =	seq.s32 s5, $0x0;
	s5 =	sld [smem:$0x3FA7]  }
0x2b: {  	s6 =	sld [smem:$0x3FA8]  }
0x2c: {  	s7 =	sld [smem:$0x3FA9]  }
0x2d: {  	s3 =	simm.s32 $0x108;
	s8 =	sld [smem:$0x3FAA]  }
0x2e: {  	s3 =	simm.s32 @!p0 $0x1082;
	s9 =	sld [smem:$0x3FAB]  }
0x2f: {  	lr =	sadd.s32 s0, s3;
	s0 =	sld [smem:$0x3FA2]  }
0x30: {  	s3 =	sld [smem:$0x3FA5]  }
0x31: {  	[smem:$0x3FAE] =	sst s10  }
0x32: {  	s10 =	sld [smem:$0x3FAC];
	_ =	sdelay $0x3  }
0x33: {  	p0 =	seq.s32 s10, $0x1;
	s10 =	sld [smem:$0x3FAE];
	_ =	sdelay $0x3  }
0x34: {  	[smem:$0x3FAE] =	sst s10  }
0x35: {  	s10 =	sld [smem:$0x3FAD];
	_ =	sdelay $0x3  }
0x36: {  	p1 =	seq.s32 s10, $0x1;
	s10 =	sld [smem:$0x3FAE];
	_ =	sdelay $0x3  }
0x37: {  	[smem:$0x3FAE] =	sst s10  }
0x38: {  	s10 =	sld [smem:$0x3FAF]  }
0x39: {  	_ = 	snop;
	(pc) =	sbr.ind lr, $3  }
0x3a: {  	_ = 	snop  }
0x3b: {  	_ = 	snop  }
0x3c: {  	p2 =	seq.s32 s10, $0x1;
	s10 =	sld [smem:$0x3FAE]  }
0x3d: {  	_ =	shalt  }
0x3e: {  	_ =	shalt  }
0x3f: {  	_ =	shalt  }
0x40: {  	_ =	shalt  }
0x41: {  	_ =	shalt  }
0x42: {  	_ =	shalt  }
0x43: {  	_ =	shalt  }
0x44: {  	_ =	shalt  }
0x45: {  	_ =	shalt  }
0x46: {  	_ =	shalt  }
0x47: {  	_ =	shalt  }
0x48: {  	_ =	shalt  }
0x49: {  	_ =	shalt  }
0x4a: {  	_ =	shalt  }
0x4b: {  	_ =	shalt  }
0x4c: {  	_ =	shalt  }
0x4d: {  	_ =	shalt  }
0x4e: {  	_ =	shalt  }
0x4f: {  	_ =	shalt  }
0x50: {  	_ =	shalt  }
0x51: {  	_ =	shalt  }
0x52: {  	_ =	shalt  }
0x53: {  	_ =	shalt  }
0x54: {  	_ =	shalt  }
0x55: {  	_ =	shalt  }
0x56: {  	_ =	shalt  }
0x57: {  	_ =	shalt  }
0x58: {  	_ =	shalt  }
0x59: {  	_ =	shalt  }
0x5a: {  	_ =	shalt  }
0x5b: {  	_ =	shalt  }
0x5c: {  	_ =	shalt  }
0x5d: {  	_ =	shalt  }
0x5e: {  	_ =	shalt  }
0x5f: {  	_ =	shalt  }
0x60: {  	_ =	shalt  }
0x61: {  	_ =	shalt  }
0x62: {  	_ =	shalt  }
0x63: {  	_ =	shalt  }
0x64: {  	_ =	shalt  }
0x65: {  	_ =	shalt  }
0x66: {  	_ =	shalt  }
0x67: {  	_ =	shalt  }
0x68: {  	_ =	shalt  }
0x69: {  	_ =	shalt  }
0x6a: {  	_ =	shalt  }
0x6b: {  	_ =	shalt  }
0x6c: {  	_ =	shalt  }
0x6d: {  	_ =	shalt  }
0x6e: {  	_ =	shalt  }
0x6f: {  	_ =	shalt  }
0x70: {  	_ =	shalt  }
0x71: {  	_ =	shalt  }
0x72: {  	_ =	shalt  }
0x73: {  	_ =	shalt  }
0x74: {  	_ =	shalt  }
0x75: {  	_ =	shalt  }
0x76: {  	_ =	shalt  }
0x77: {  	_ =	shalt  }
0x78: {  	_ =	shalt  }
0x79: {  	_ =	shalt  }
0x7a: {  	_ =	shalt  }
0x7b: {  	_ =	shalt  }
0x7c: {  	_ =	shalt  }
0x7d: {  	_ =	shalt  }
0x7e: {  	_ =	shalt  }
0x7f: {  	_ =	shalt  }
0x80: {  	_ =	shalt  }
0x81: {  	_ =	shalt  }
0x82: {  	_ =	shalt  }
0x83: {  	_ =	shalt  }
0x84: {  	_ =	shalt  }
0x85: {  	_ =	shalt  }
0x86: {  	_ =	shalt  }
0x87: {  	_ =	shalt  }
.Lfunc_end0:
.L_simem_size_0:
called_computation.2_lowered:
.L_overlay_start_0:
0x88: {  	s2 =	sld [smem:$0x3FD9]  }
0x89: {  	s3 =	sld [smem:$0x3FFE];
	_ =	sdelay $0x1  }
0x8a: {  	s1 =	srdreg.scid  }
0x8b: {  	s0 =	sand.u32 $0x1, s1  }
0x8c: {  	s16 =	sshll.u32 s0, $0xA;
	s2 =	sadd.s32 s3, s2  }
0x8d: {  	s2 =	sadd.s32 s2, s16  }
0x8e: {  	[smem:$0x3FBA] =	sst s2  }
0x8f: {  	_ = 	snop  }
0x90: {  	(tm) =	ssettm $0x1  }
0x91: {  	s17 =	sld [smem:$0x3FFB];
	_ =	sdelay $0x3  }
0x92: {  	_ =	strace s17  }
0x93: {  	s2 =	sld [smem:$0x3FFC];
	_ =	sdelay $0x3  }
0x94: {  	_ =	strace s2  }
0x95: {  	s2 =	sld [smem:$0x3FFD];
	_ =	sdelay $0x3  }
0x96: {  	_ =	strace s2  }
0x97: {  	_ =	strace $0x8FFFFFFF  }
0x98: {  	s18 =	sld [smem:$0x3FDB];
	_ =	sdelay $0x1  }
0x99: {  	s19 =	simm.s32 $_scs_section_size  }
0x9a: {  	s4 =	simm.s32 $_size__tile_overlayer_lowered;
	s5 =	simm.s32 $_tile_overlayer_lowered  }
0x9b: {  	s22 =	simm.s32 $0x1BFF;
	s21 =	sshll.u32 s5, $0x1;
	s2 =	sadd.s32 s19, s18  }
0x9c: {  	s6 =	simm.s32 $0x0;
	s20 =	sshll.u32 s4, $0x1;
	s4 =	sadd.s32 s21, s2  }
0x9d: {  	[timem:s6], [sflag:s22] =	dma.local [hbm:s4], s20  }
0x9e: {  	_ =	swait.ge [sflag:s22], s20  }
0x9f: {  	s3 =	ssub.s32 $0x0, s20;
	[sflag:s22] =	ssyncset.done $0x0  }
0xa0: {  	[sflag:s22] =	ssyncadd.s32 s3;
	_ =	sdelay $0x1  }
0xa1: {  	s23 =	simm.s32 $0x1B8B  }
0xa2: {  	_ =	swait.ge [sflag:s23], $0x1  }
0xa3: {  	[sflag:s23] =	ssyncset.done $0x0  }
0xa4: {  	s25 =	simm.s32 $0x1B8E;
	s24 =	sld [smem:$0x3FFE];
	[sflag:s23] =	ssyncadd.s32 $0xFFFFFFFF  }
0xa5: {  	s26 =	simm.s32 $execute0_lowered;
	[smem:$0x3FD2] =	sst s25  }
0xa6: {  	s4 =	sshll.u32 s26, $0x1;
	_ =	strace $0x8000004C;
	[dreg:$0x1] =	wrdreg $0xFFFFFFFF  }
0xa7: {  	s28 =	simm.s32 $_size_execute0_lowered;
	s2 =	sadd.s32 s2, s4;
	[dreg:$0x0] =	wrdreg $0x0  }
0xa8: {  	s4 =	sshll.u32 s28, $0x1;
	[dreg:$0x2] =	wrdreg s2  }
0xa9: {  	[dreg:$0x3] =	wrdreg s4  }
0xaa: {  	[dreg:$0x4] =	wrdreg $0xC0  }
0xab: {  	_ =	task [dreg:s6], $0x5FFFF  }
0xac: {  	[dreg:$0x1] =	wrdreg $0xFFFFFFFF  }
0xad: {  	[dreg:$0x0] =	wrdreg $0x60  }
0xae: {  	[dreg:$0x2] =	wrdreg s24  }
0xaf: {  	[dreg:$0x3] =	wrdreg $0xC0000  }
0xb0: {  	[dreg:$0x4] =	wrdreg $0x9  }
0xb1: {  	_ =	task.clear_ibuf [dreg:s6], $0x5FFFF;
	_ =	strace $0x9000004C  }
0xb2: {  	s29 =	simm.s32 $0x9;
	_ =	strace $0x8000004E  }
0xb3: {  	_ =	swait.ge [sflag:s29], $0x1  }
0xb4: {  	[sflag:s29] =	ssyncadd.s32 $0xFFFFFFFF  }
0xb5: {  	_ =	strace $0x9000004E  }
0xb6: {  	_ =	sfence  }
0xb7: {  	s30 =	sld [smem:$0x0];
	_ =	sdelay $0x2  }
0xb8: {  	s31 =	sshll.u32 s1, $0xD;
	s1 =	sshrl.u32 s1, $0x2  }
0xb9: {  	s3 =	sand.u32 $0x4000, s31;
	s1 =	sadd.s32 s1, s30  }
0xba: {  	s0 =	sor.u32 s3, s0;
	s1 =	sshll.u32 s1, $0x11  }
0xbb: {  	s0 =	sor.u32 s1, s0  }
0xbc: {  	s0 =	sadd.s32 $0x8F2B, s0  }
0xbd: {  	[sflag:s0] =	ssyncadd.remote.s32 $0x1  }
0xbe: {  	_ =	sfence.sel $0xFFFF  }
0xbf: {  	[dreg:$0x0] =	wrdreg $0xFFFFFFFF;
	(pc) =	sbr.abs _section_cstart, $3  }
0xc0: {  	[dreg:$0x1] =	wrdreg $0xFFFFFFFF  }
0xc1: {  	_ =	task.clear_ibuf [dreg:s6], $0x2FFFF;
	_ =	strace $0x9FFFFFFF  }
0xc2: {  	(tm) =	ssettm $0x7FFFFFFF  }
0xc3: {  	_ =	shalt  }
tec
execute0_lowered:
.L_overlay_start_1:
0x0: {  	(tag) =	ssettag $0x1  }
0x1: {  	s0 =	rddreg [dreg:$0x0]  }
0x2: {  	s2 =	rddreg [dreg:$0x1];
	s3 =	simm.s32 $0x0  }
0x3: {  	s1 =	srdreg.scid;
	s11 =	stileid.u32;
	s14 =	simm.s32 $0x80  }
0x4: {  	s15 =	simm.s32 $0x4000;
	s16 =	simm.s32 $0x8000;
	s17 =	simm.s32 $0x1  }
0x5: {  	s18 =	simm.s32 $0x4;
	s19 =	simm.s32 $0x2;
	s21 =	simm.s32 $0x700  }
0x6: {  	s22 =	simm.s32 $0x2680;
	s23 =	simm.s32 $0x780;
	s24 =	simm.s32 $0x2700  }
0x7: {  	s28 =	simm.s32 $0x2800;
	s29 =	simm.s32 $0x0;
	[smem:$0x7FF] =	sst s3  }
0x8: {  	s1 =	sand.u32 $0x1, s1;
	s7 =	smul.u32 $0x14000, s11;
	s6 =	sshll.u32 s11, $0xA  }
0x9: {  	s4 =	sadd.s32 $0x13000, s0;
	s10 =	smul.u32 $0x50000, s11;
	s31 =	sshll.u32 s11, $0x6  }
0xa: {  	s11 =	simm.s32 $0x2000;
	s5 =	sshll.u32 s1, $0xE;
	s8 =	smul.u32 $0x140000, s1  }
0xb: {  	_ =	strace $0x8000004D;
	s26 =	ssub.s32 $0x2, s1;
	p0 =	sne.s32 s1, $0x0  }
0xc: {  	s12 =	sor.u32 $0x1C03, s31;
	s5 =	sor.u32 s6, s5;
	s9 =	sshrl.u32 s26, $0x1  }
0xd: {  	s30 =	sshrl.u32 s10, $0x2;
	s10 =	simm.s32 $0x3;
	s6 =	sadd.s32 s5, s0  }
.Ltmp0:
0xe: {  	s25 =	sadd.s32 s7, s8;
	s9 =	ssub.s32 s26, s9;
	(pc) =	sbr.rel .LBB2_1-.Ltmp0, $4  }
0xf: {  	s7 =	sshrl.u32 s7, $0x3;
	s13 =	sadd.s32 s30, s2;
	s26 =	simm.s32 $0x2780  }
0x10: {  	s5 =	sshrl.u32 s25, $0x3;
	s7 =	sadd.s32 s4, s7;
	s9 =	smax.u32 s9, $0x1  }
0x11: {  	s13 =	sshrl.u32 s13, $0x3;
	s25 =	simm.s32 $0x800;
	s0 =	sadd.s32 s5, s0  }
0x12: {  	s5 =	sadd.s32 $0xB000, s6;
	s6 =	sadd.s32 $0x3000, s6;
	s8 =	sadd.s32 $0x3B000, s0  }
.LBB2_7:
0x13: {  	[tilespmem:s16], [sflag:$0x2] =	stream.indirect.gather [hbm4b:s4+s14], $0x80, s14, s14, $0xb8;
	v63 =	vld [tilespmem:$0x0]  }
0x14: {  	_ =	swait.ge [sflag:s17], $0x4000  }
0x15: {  	[sflag:s17] =	ssyncset.done $0x0  }
0x16: {  	s30 =	simm.s32 $0x4;
	[sflag:s17] =	ssyncadd.s32 $0xFFFFC000  }
0x17: {  	[spmem:s2] =	stream.indirect.scatter.add.f32 [tilespmem:s15], [sflag:$0x4], $0x80, s11, s14, $0xb8;
	v63 =	vld [tilespmem:$0x0]  }
0x18: {  	_ =	swait.ge [sflag:s30], $0x4000  }
0x19: {  	[sflag:s30] =	ssyncset.done $0x0  }
0x1a: {  	s0 =	simm.s32 $0x100;
	[sflag:s30] =	ssyncadd.s32 $0xFFFFC000  }
0x1b: {  	[tilespmem:s15], [sflag:$0x1] =	stream.indirect.gather [hbm4b:s4+s14], $0x80, s0, s14, $0xb8;
	v63 =	vld [tilespmem:$0x0]  }
0x1c: {  	_ =	swait.ge [sflag:s19], $0x4000  }
0x1d: {  	[sflag:s19] =	ssyncset.done $0x0  }
0x1e: {  	s20 =	simm.s32 $0x2080;
	[sflag:s19] =	ssyncadd.s32 $0xFFFFC000  }
0x1f: {  	[spmem:s2] =	stream.indirect.scatter.add.f32 [tilespmem:s16], [sflag:$0x3], $0x80, s20, s14, $0xb8;
	v63 =	vld [tilespmem:$0x0]  }
0x20: {  	_ =	swait.ge [sflag:s10], $0x4000  }
0x21: {  	[sflag:s10] =	ssyncset.done $0x0  }
0x22: {  	s31 =	simm.s32 $0x180;
	[sflag:s10] =	ssyncadd.s32 $0xFFFFC000  }
0x23: {  	[tilespmem:s16], [sflag:$0x2] =	stream.indirect.gather [hbm4b:s4+s14], $0x80, s31, s14, $0xb8;
	v63 =	vld [tilespmem:$0x0]  }
0x24: {  	_ =	swait.ge [sflag:s17], $0x4000  }
0x25: {  	[sflag:s17] =	ssyncset.done $0x0  }
0x26: {  	s1 =	simm.s32 $0x2100;
	[sflag:s17] =	ssyncadd.s32 $0xFFFFC000  }
0x27: {  	[spmem:s2] =	stream.indirect.scatter.add.f32 [tilespmem:s15], [sflag:$0x4], $0x80, s1, s14, $0xb8;
	v63 =	vld [tilespmem:$0x0]  }
0x28: {  	_ =	swait.ge [sflag:s30], $0x4000  }
0x29: {  	[sflag:s30] =	ssyncset.done $0x0  }
0x2a: {  	s20 =	simm.s32 $0x200;
	[sflag:s30] =	ssyncadd.s32 $0xFFFFC000  }
0x2b: {  	[tilespmem:s15], [sflag:$0x1] =	stream.indirect.gather [hbm4b:s4+s14], $0x80, s20, s14, $0xb8;
	v63 =	vld [tilespmem:$0x0]  }
0x2c: {  	_ =	swait.ge [sflag:s19], $0x4000  }
0x2d: {  	[sflag:s19] =	ssyncset.done $0x0  }
0x2e: {  	s31 =	simm.s32 $0x2180;
	[sflag:s19] =	ssyncadd.s32 $0xFFFFC000  }
0x2f: {  	[spmem:s2] =	stream.indirect.scatter.add.f32 [tilespmem:s16], [sflag:$0x3], $0x80, s31, s14, $0xb8;
	v63 =	vld [tilespmem:$0x0]  }
0x30: {  	_ =	swait.ge [sflag:s10], $0x4000  }
0x31: {  	[sflag:s10] =	ssyncset.done $0x0  }
0x32: {  	s1 =	simm.s32 $0x280;
	[sflag:s10] =	ssyncadd.s32 $0xFFFFC000  }
0x33: {  	[tilespmem:s16], [sflag:$0x2] =	stream.indirect.gather [hbm4b:s4+s14], $0x80, s1, s14, $0xb8;
	v63 =	vld [tilespmem:$0x0]  }
0x34: {  	_ =	swait.ge [sflag:s17], $0x4000  }
0x35: {  	[sflag:s17] =	ssyncset.done $0x0  }
0x36: {  	s20 =	simm.s32 $0x2200;
	[sflag:s17] =	ssyncadd.s32 $0xFFFFC000  }
0x37: {  	[spmem:s2] =	stream.indirect.scatter.add.f32 [tilespmem:s15], [sflag:$0x4], $0x80, s20, s14, $0xb8;
	v63 =	vld [tilespmem:$0x0]  }
0x38: {  	_ =	swait.ge [sflag:s30], $0x4000  }
0x39: {  	[sflag:s30] =	ssyncset.done $0x0  }
0x3a: {  	s31 =	simm.s32 $0x300;
	[sflag:s30] =	ssyncadd.s32 $0xFFFFC000  }
0x3b: {  	[tilespmem:s15], [sflag:$0x1] =	stream.indirect.gather [hbm4b:s4+s14], $0x80, s31, s14, $0xb8;
	v63 =	vld [tilespmem:$0x0]  }
0x3c: {  	_ =	swait.ge [sflag:s19], $0x4000  }
0x3d: {  	[sflag:s19] =	ssyncset.done $0x0  }
0x3e: {  	s1 =	simm.s32 $0x2280;
	[sflag:s19] =	ssyncadd.s32 $0xFFFFC000  }
0x3f: {  	[spmem:s2] =	stream.indirect.scatter.add.f32 [tilespmem:s16], [sflag:$0x3], $0x80, s1, s14, $0xb8;
	v63 =	vld [tilespmem:$0x0]  }
0x40: {  	_ =	swait.ge [sflag:s10], $0x4000  }
0x41: {  	[sflag:s10] =	ssyncset.done $0x0  }
0x42: {  	s20 =	simm.s32 $0x380;
	[sflag:s10] =	ssyncadd.s32 $0xFFFFC000  }
0x43: {  	[tilespmem:s16], [sflag:$0x2] =	stream.indirect.gather [hbm4b:s4+s14], $0x80, s20, s14, $0xb8;
	v63 =	vld [tilespmem:$0x0]  }
0x44: {  	_ =	swait.ge [sflag:s17], $0x4000  }
0x45: {  	[sflag:s17] =	ssyncset.done $0x0  }
0x46: {  	s31 =	simm.s32 $0x2300;
	[sflag:s17] =	ssyncadd.s32 $0xFFFFC000  }
0x47: {  	[spmem:s2] =	stream.indirect.scatter.add.f32 [tilespmem:s15], [sflag:$0x4], $0x80, s31, s14, $0xb8;
	v63 =	vld [tilespmem:$0x0]  }
0x48: {  	_ =	swait.ge [sflag:s30], $0x4000  }
0x49: {  	[sflag:s30] =	ssyncset.done $0x0  }
0x4a: {  	s1 =	simm.s32 $0x400;
	[sflag:s30] =	ssyncadd.s32 $0xFFFFC000  }
0x4b: {  	[tilespmem:s15], [sflag:$0x1] =	stream.indirect.gather [hbm4b:s4+s14], $0x80, s1, s14, $0xb8;
	v63 =	vld [tilespmem:$0x0]  }
0x4c: {  	_ =	swait.ge [sflag:s19], $0x4000  }
0x4d: {  	[sflag:s19] =	ssyncset.done $0x0  }
0x4e: {  	s20 =	simm.s32 $0x2380;
	[sflag:s19] =	ssyncadd.s32 $0xFFFFC000  }
0x4f: {  	[spmem:s2] =	stream.indirect.scatter.add.f32 [tilespmem:s16], [sflag:$0x3], $0x80, s20, s14, $0xb8;
	v63 =	vld [tilespmem:$0x0]  }
0x50: {  	_ =	swait.ge [sflag:s10], $0x4000  }
0x51: {  	[sflag:s10] =	ssyncset.done $0x0  }
0x52: {  	s31 =	simm.s32 $0x480;
	[sflag:s10] =	ssyncadd.s32 $0xFFFFC000  }
0x53: {  	[tilespmem:s16], [sflag:$0x2] =	stream.indirect.gather [hbm4b:s4+s14], $0x80, s31, s14, $0xb8;
	v63 =	vld [tilespmem:$0x0]  }
0x54: {  	_ =	swait.ge [sflag:s17], $0x4000  }
0x55: {  	[sflag:s17] =	ssyncset.done $0x0  }
0x56: {  	s1 =	simm.s32 $0x2400;
	[sflag:s17] =	ssyncadd.s32 $0xFFFFC000  }
0x57: {  	[spmem:s2] =	stream.indirect.scatter.add.f32 [tilespmem:s15], [sflag:$0x4], $0x80, s1, s14, $0xb8;
	v63 =	vld [tilespmem:$0x0]  }
0x58: {  	_ =	swait.ge [sflag:s30], $0x4000  }
0x59: {  	[sflag:s30] =	ssyncset.done $0x0  }
0x5a: {  	s20 =	simm.s32 $0x500;
	[sflag:s30] =	ssyncadd.s32 $0xFFFFC000  }
0x5b: {  	[tilespmem:s15], [sflag:$0x1] =	stream.indirect.gather [hbm4b:s4+s14], $0x80, s20, s14, $0xb8;
	v63 =	vld [tilespmem:$0x0]  }
0x5c: {  	_ =	swait.ge [sflag:s19], $0x4000  }
0x5d: {  	[sflag:s19] =	ssyncset.done $0x0  }
0x5e: {  	s31 =	simm.s32 $0x2480;
	[sflag:s19] =	ssyncadd.s32 $0xFFFFC000  }
0x5f: {  	[spmem:s2] =	stream.indirect.scatter.add.f32 [tilespmem:s16], [sflag:$0x3], $0x80, s31, s14, $0xb8;
	v63 =	vld [tilespmem:$0x0]  }
0x60: {  	_ =	swait.ge [sflag:s10], $0x4000  }
0x61: {  	[sflag:s10] =	ssyncset.done $0x0  }
0x62: {  	s1 =	simm.s32 $0x580;
	[sflag:s10] =	ssyncadd.s32 $0xFFFFC000  }
0x63: {  	[tilespmem:s16], [sflag:$0x2] =	stream.indirect.gather [hbm4b:s4+s14], $0x80, s1, s14, $0xb8;
	v63 =	vld [tilespmem:$0x0]  }
0x64: {  	_ =	swait.ge [sflag:s17], $0x4000  }
0x65: {  	[sflag:s17] =	ssyncset.done $0x0  }
0x66: {  	s20 =	simm.s32 $0x2500;
	[sflag:s17] =	ssyncadd.s32 $0xFFFFC000  }
0x67: {  	[spmem:s2] =	stream.indirect.scatter.add.f32 [tilespmem:s15], [sflag:$0x4], $0x80, s20, s14, $0xb8;
	v63 =	vld [tilespmem:$0x0]  }
0x68: {  	_ =	swait.ge [sflag:s30], $0x4000  }
0x69: {  	[sflag:s30] =	ssyncset.done $0x0  }
0x6a: {  	s31 =	simm.s32 $0x600;
	[sflag:s30] =	ssyncadd.s32 $0xFFFFC000  }
0x6b: {  	[tilespmem:s15], [sflag:$0x1] =	stream.indirect.gather [hbm4b:s4+s14], $0x80, s31, s14, $0xb8;
	v63 =	vld [tilespmem:$0x0]  }
0x6c: {  	_ =	swait.ge [sflag:s19], $0x4000  }
0x6d: {  	[sflag:s19] =	ssyncset.done $0x0  }
0x6e: {  	s1 =	simm.s32 $0x2580;
	[sflag:s19] =	ssyncadd.s32 $0xFFFFC000  }
0x6f: {  	[spmem:s2] =	stream.indirect.scatter.add.f32 [tilespmem:s16], [sflag:$0x3], $0x80, s1, s14, $0xb8;
	v63 =	vld [tilespmem:$0x0]  }
0x70: {  	_ =	swait.ge [sflag:s10], $0x4000  }
0x71: {  	[sflag:s10] =	ssyncset.done $0x0  }
0x72: {  	s20 =	simm.s32 $0x680;
	[sflag:s10] =	ssyncadd.s32 $0xFFFFC000  }
0x73: {  	[tilespmem:s16], [sflag:$0x2] =	stream.indirect.gather [hbm4b:s4+s14], $0x80, s20, s14, $0xb8;
	v63 =	vld [tilespmem:$0x0]  }
0x74: {  	_ =	swait.ge [sflag:s17], $0x4000  }
0x75: {  	[sflag:s17] =	ssyncset.done $0x0  }
0x76: {  	s31 =	simm.s32 $0x2600;
	[sflag:s17] =	ssyncadd.s32 $0xFFFFC000  }
0x77: {  	[spmem:s2] =	stream.indirect.scatter.add.f32 [tilespmem:s15], [sflag:$0x4], $0x80, s31, s14, $0xb8;
	v63 =	vld [tilespmem:$0x0]  }
0x78: {  	_ =	swait.ge [sflag:s30], $0x4000  }
0x79: {  	[sflag:s30] =	ssyncset.done $0x0  }
0x7a: {  	[sflag:s30] =	ssyncadd.s32 $0xFFFFC000  }
0x7b: {  	[tilespmem:s15], [sflag:$0x1] =	stream.indirect.gather [hbm4b:s4+s14], $0x80, s21, s14, $0xb8;
	v63 =	vld [tilespmem:$0x0]  }
0x7c: {  	_ =	swait.ge [sflag:s19], $0x4000  }
0x7d: {  	[sflag:s19] =	ssyncset.done $0x0  }
0x7e: {  	[sflag:s19] =	ssyncadd.s32 $0xFFFFC000  }
0x7f: {  	[spmem:s2] =	stream.indirect.scatter.add.f32 [tilespmem:s16], [sflag:$0x3], $0x80, s22, s14, $0xb8;
	v63 =	vld [tilespmem:$0x0]  }
0x80: {  	_ =	swait.ge [sflag:s10], $0x4000  }
0x81: {  	[sflag:s10] =	ssyncset.done $0x0  }
0x82: {  	[sflag:s10] =	ssyncadd.s32 $0xFFFFC000  }
0x83: {  	[tilespmem:s16], [sflag:$0x2] =	stream.indirect.gather [hbm4b:s4+s14], $0x80, s23, s14, $0xb8;
	v63 =	vld [tilespmem:$0x0]  }
0x84: {  	_ =	swait.ge [sflag:s17], $0x4000  }
0x85: {  	[sflag:s17] =	ssyncset.done $0x0  }
0x86: {  	[sflag:s17] =	ssyncadd.s32 $0xFFFFC000  }
0x87: {  	[spmem:s2] =	stream.indirect.scatter.add.f32 [tilespmem:s15], [sflag:$0x4], $0x80, s24, s14, $0xb8;
	v63 =	vld [tilespmem:$0x0]  }
0x88: {  	_ =	swait.ge [sflag:s30], $0x4000  }
0x89: {  	[sflag:s30] =	ssyncset.done $0x0  }
0x8a: {  	[sflag:s30] =	ssyncadd.s32 $0xFFFFC000  }
0x8b: {  	[tilespmem:s15], [sflag:$0x1] =	stream.indirect.gather [hbm4b:s4+s14], $0x80, s25, s14, $0xb8;
	v63 =	vld [tilespmem:$0x0]  }
0x8c: {  	_ =	swait.ge [sflag:s19], $0x4000  }
0x8d: {  	[sflag:s19] =	ssyncset.done $0x0  }
0x8e: {  	[sflag:s19] =	ssyncadd.s32 $0xFFFFC000  }
0x8f: {  	[spmem:s2] =	stream.indirect.scatter.add.f32 [tilespmem:s16], [sflag:$0x3], $0x80, s26, s14, $0xb8;
	v63 =	vld [tilespmem:$0x0]  }
0x90: {  	_ =	swait.ge [sflag:s10], $0x4000  }
0x91: {  	[sflag:s10] =	ssyncset.done $0x0  }
0x92: {  	[sflag:s10] =	ssyncadd.s32 $0xFFFFC000  }
0x93: {  	_ =	swait.ge [sflag:s17], $0x4000  }
0x94: {  	[sflag:s17] =	ssyncset.done $0x0  }
0x95: {  	[sflag:s17] =	ssyncadd.s32 $0xFFFFC000  }
0x96: {  	[spmem:s2] =	stream.indirect.scatter.add.f32 [tilespmem:s15], [sflag:$0x4], $0x80, s28, s14, $0xb8;
	v63 =	vld [tilespmem:$0x0]  }
.LBB2_5:
0x97: {  	_ =	swait.ge [sflag:s30], $0x4000  }
0x98: {  	s29 =	sadd.s32 $0x1, s29;
	[sflag:s30] =	ssyncset.done $0x0  }
0x99: {  	p1 =	sne.s32 s29, s9;
	[sflag:s30] =	ssyncadd.s32 $0xFFFFC000  }
.Ltmp1:
0x9a: {  	[bflag:$0x0] =	sbarrier.arrive $0xFFFF;
	(pc) =	sbr.rel @!p1 .LBB2_6-.Ltmp1, $4  }
0x9b: {  	[hbm:s8], [sflag:s12] =	dma.local [spmem:s13], $0x2800  }
0x9c: {  	_ =	swait.ge [sflag:s10], $0x2800  }
0x9d: {  	[sflag:s10] =	ssyncset.done $0x0  }
0x9e: {  	[sflag:s10] =	ssyncadd.s32 $0xFFFFD800  }
.LBB2_1:
0x9f: {  	[tilespmem:s3], [sflag:$0x3] =	stream.linear.gather [hbm4b:s5+s3], $0x1F00, $0x38;
	v63 =	vld [tilespmem:$0x0]  }
0xa0: {  	_ =	swait.ge [sflag:s10], $0x1F00  }
0xa1: {  	[sflag:s10] =	ssyncset.done $0x0  }
0xa2: {  	[sflag:s10] =	ssyncadd.s32 $0xFFFFE100  }
0xa3: {  	[tilespmem:s11], [sflag:$0x3] =	stream.linear.gather [hbm4b:s6+s3], $0x1F00, $0x38;
	v63 =	vld [tilespmem:$0x0]  }
0xa4: {  	_ =	swait.ge [sflag:s10], $0x1F00  }
0xa5: {  	[sflag:s10] =	ssyncset.done $0x0  }
0xa6: {  	[sflag:s10] =	ssyncadd.s32 $0xFFFFE100  }
0xa7: {  	[spmem:s13], [sflag:s12] =	dma.local [hbm:s7], $0x2800  }
0xa8: {  	_ =	swait.ge [sflag:s10], $0x2800  }
.Ltmp2:
0xa9: {  	[sflag:s10] =	ssyncset.done $0x0;
	(pc) =	sbr.rel @p0 .LBB2_7-.Ltmp2, $3  }
0xaa: {  	[sflag:s10] =	ssyncadd.s32 $0xFFFFD800  }
0xab: {  	[tilespmem:s15], [sflag:$0x1] =	stream.indirect.gather [hbm4b:s4+s14], $0x80, s3, s14, $0xb8;
	v63 =	vld [tilespmem:$0x0]  }
0xac: {  	[bflag:$0x0] =	sbarrier.arrive $0xFFFF;
	_ =	sdelay $0x1  }
0xad: {  	s30 =	simm.s32 $0x80  }
0xae: {  	[tilespmem:s16], [sflag:$0x2] =	stream.indirect.gather [hbm4b:s4+s14], $0x80, s30, s14, $0xb8;
	v63 =	vld [tilespmem:$0x0]  }
0xaf: {  	_ =	swait.ge [sflag:s17], $0x4000  }
0xb0: {  	[sflag:s17] =	ssyncset.done $0x0  }
0xb1: {  	s30 =	simm.s32 $0x2000;
	[sflag:s17] =	ssyncadd.s32 $0xFFFFC000  }
0xb2: {  	[spmem:s2] =	stream.indirect.scatter.add.f32 [tilespmem:s15], [sflag:$0x4], $0x80, s30, s14, $0xb8;
	v63 =	vld [tilespmem:$0x0]  }
0xb3: {  	_ =	swait.ge [sflag:s18], $0x4000  }
0xb4: {  	[sflag:s18] =	ssyncset.done $0x0  }
0xb5: {  	s30 =	simm.s32 $0x100;
	[sflag:s18] =	ssyncadd.s32 $0xFFFFC000  }
0xb6: {  	[tilespmem:s15], [sflag:$0x1] =	stream.indirect.gather [hbm4b:s4+s14], $0x80, s30, s14, $0xb8;
	v63 =	vld [tilespmem:$0x0]  }
0xb7: {  	_ =	swait.ge [sflag:s19], $0x4000  }
0xb8: {  	[sflag:s19] =	ssyncset.done $0x0  }
0xb9: {  	s30 =	simm.s32 $0x2080;
	[sflag:s19] =	ssyncadd.s32 $0xFFFFC000  }
0xba: {  	[spmem:s2] =	stream.indirect.scatter.add.f32 [tilespmem:s16], [sflag:$0x3], $0x80, s30, s14, $0xb8;
	v63 =	vld [tilespmem:$0x0]  }
0xbb: {  	_ =	swait.ge [sflag:s10], $0x4000  }
0xbc: {  	s31 =	simm.s32 $0x800;
	s30 =	simm.s32 $0x100;
	[sflag:s10] =	ssyncset.done $0x0  }
.LBB2_3:
0xbd: {  	s0 =	sadd.s32 $0x80, s30  }
0xbe: {  	[sflag:s10] =	ssyncadd.s32 $0xFFFFC000;
	s1 =	smov.u32 s31;
	s20 =	sadd.s32 $0x400, s31  }
0xbf: {  	[tilespmem:s16], [sflag:$0x2] =	stream.indirect.gather [hbm4b:s4+s14], $0x80, s0, s14, $0xb8;
	v63 =	vld [tilespmem:$0x0]  }
0xc0: {  	p1 =	seq.s32 s31, $0x7400;
	_ =	swait.ge [sflag:s17], $0x4000  }
0xc1: {  	[sflag:s17] =	ssyncset.done $0x0  }
0xc2: {  	s0 =	sadd.s32 $0x2000, s30;
	[sflag:s17] =	ssyncadd.s32 $0xFFFFC000  }
0xc3: {  	[spmem:s2] =	stream.indirect.scatter.add.f32 [tilespmem:s15], [sflag:$0x4], $0x80, s0, s14, $0xb8;
	v63 =	vld [tilespmem:$0x0]  }
0xc4: {  	_ =	swait.ge [sflag:s18], $0x4000  }
0xc5: {  	[sflag:s18] =	ssyncset.done $0x0  }
0xc6: {  	s0 =	sadd.s32 $0x100, s30;
	[sflag:s18] =	ssyncadd.s32 $0xFFFFC000  }
0xc7: {  	[tilespmem:s15], [sflag:$0x1] =	stream.indirect.gather [hbm4b:s4+s14], $0x80, s0, s14, $0xb8;
	v63 =	vld [tilespmem:$0x0]  }
0xc8: {  	_ =	swait.ge [sflag:s19], $0x4000  }
.Ltmp3:
0xc9: {  	[sflag:s19] =	ssyncset.done $0x0;
	(pc) =	sbr.rel @!p1 .LBB2_3-.Ltmp3, $4  }
0xca: {  	s0 =	sadd.s32 $0x2080, s30;
	[sflag:s19] =	ssyncadd.s32 $0xFFFFC000  }
0xcb: {  	[spmem:s2] =	stream.indirect.scatter.add.f32 [tilespmem:s16], [sflag:$0x3], $0x80, s0, s14, $0xb8;
	v63 =	vld [tilespmem:$0x0]  }
0xcc: {  	_ =	swait.ge [sflag:s10], $0x4000  }
0xcd: {  	s31 =	smov.u32 s20;
	s30 =	sshra.s32 s1, $0x2;
	[sflag:s10] =	ssyncset.done $0x0  }
0xce: {  	s0 =	sadd.s32 $0x80, s30;
	[sflag:s10] =	ssyncadd.s32 $0xFFFFC000  }
0xcf: {  	[tilespmem:s16], [sflag:$0x2] =	stream.indirect.gather [hbm4b:s4+s14], $0x80, s0, s14, $0xb8;
	v63 =	vld [tilespmem:$0x0]  }
0xd0: {  	_ =	swait.ge [sflag:s17], $0x4000  }
0xd1: {  	[sflag:s17] =	ssyncset.done $0x0  }
0xd2: {  	s1 =	sadd.s32 $0x2000, s30;
	[sflag:s17] =	ssyncadd.s32 $0xFFFFC000  }
0xd3: {  	[spmem:s2] =	stream.indirect.scatter.add.f32 [tilespmem:s15], [sflag:$0x4], $0x80, s1, s14, $0xb8;
	v63 =	vld [tilespmem:$0x0]  }
0xd4: {  	_ =	swait.ge [sflag:s18], $0x4000  }
0xd5: {  	[sflag:s18] =	ssyncset.done $0x0  }
0xd6: {  	s20 =	sadd.s32 $0x100, s30;
	[sflag:s18] =	ssyncadd.s32 $0xFFFFC000  }
0xd7: {  	[tilespmem:s15], [sflag:$0x1] =	stream.indirect.gather [hbm4b:s4+s14], $0x80, s20, s14, $0xb8;
	v63 =	vld [tilespmem:$0x0]  }
0xd8: {  	_ =	swait.ge [sflag:s19], $0x4000  }
0xd9: {  	[sflag:s19] =	ssyncset.done $0x0  }
0xda: {  	s31 =	sadd.s32 $0x2080, s30;
	[sflag:s19] =	ssyncadd.s32 $0xFFFFC000  }
0xdb: {  	[spmem:s2] =	stream.indirect.scatter.add.f32 [tilespmem:s16], [sflag:$0x3], $0x80, s31, s14, $0xb8;
	v63 =	vld [tilespmem:$0x0]  }
0xdc: {  	_ =	swait.ge [sflag:s10], $0x4000  }
0xdd: {  	[sflag:s10] =	ssyncset.done $0x0  }
0xde: {  	s1 =	simm.s32 $0x1E80;
	[sflag:s10] =	ssyncadd.s32 $0xFFFFC000  }
0xdf: {  	[tilespmem:s16], [sflag:$0x2] =	stream.indirect.gather [hbm4b:s4+s14], $0x80, s1, s14, $0xb8;
	v63 =	vld [tilespmem:$0x0]  }
0xe0: {  	_ =	swait.ge [sflag:s17], $0x4000  }
0xe1: {  	[sflag:s17] =	ssyncset.done $0x0  }
0xe2: {  	s20 =	simm.s32 $0x3E00;
	[sflag:s17] =	ssyncadd.s32 $0xFFFFC000  }
0xe3: {  	[spmem:s2] =	stream.indirect.scatter.add.f32 [tilespmem:s15], [sflag:$0x4], $0x80, s20, s14, $0xb8;
	v63 =	vld [tilespmem:$0x0]  }
0xe4: {  	_ =	swait.ge [sflag:s18], $0x4000  }
0xe5: {  	[sflag:s18] =	ssyncset.done $0x0  }
.Ltmp4:
0xe6: {  	[sflag:s18] =	ssyncadd.s32 $0xFFFFC000;
	(pc) =	sbr.rel .LBB2_5-.Ltmp4, $4  }
0xe7: {  	_ =	swait.ge [sflag:s19], $0x4000  }
0xe8: {  	[sflag:s19] =	ssyncset.done $0x0  }
0xe9: {  	s30 =	simm.s32 $0x3;
	s31 =	simm.s32 $0x3E80;
	[sflag:s19] =	ssyncadd.s32 $0xFFFFC000  }
0xea: {  	[spmem:s2] =	stream.indirect.scatter.add.f32 [tilespmem:s16], [sflag:$0x3], $0x80, s31, s14, $0xb8;
	v63 =	vld [tilespmem:$0x0]  }
.LBB2_6:
0xeb: {  	_ =	sfence.sel $0x180000  }
0xec: {  	[bflag:$0x0] =	sbarrier.arrive $0xFFFF  }
0xed: {  	_ =	strace $0x9000004D  }
0xee: {  	s0 =	stileid.u32;
	[bflag:$0x2] =	sbarrier.arrive $0xFFFF  }
0xef: {  	p0 =	sne.s32 s0, $0x0;
	s0 =	rddreg [dreg:$0x2]  }
0xf0: {  	s0 =	sadd.s32 @!p0 $0x100000, s0  }
0xf1: {  	[sflag:s0] =	ssyncadd.tile.s32 @!p0 $0x1;
	_ =	shalt  }
.Lfunc_end2:
_tile_overlayer_lowered:
.L_overlay_start_2:
0xf2: {  	(tag) =	ssettag $0x2  }
0xf3: {  	s0 =	rddreg [dreg:$0x0];
	s2 =	stileid.u32  }
0xf4: {  	s1 =	rddreg [dreg:$0x1];
	p0 =	sne.s32 s2, $0x0  }
0xf5: {  	s3 =	rddreg [dreg:$0x2];
	[bflag:$0x3] =	sbarrier.arrive $0xFFFF;
	s2 =	simm.s32 @!p0 $0x1C03  }
0xf6: {  	[timem:s3], [sflag:s2] =	dma.local @!p0 [hbm:s0], s1  }
0xf7: {  	s0 =	simm.s32 @!p0 $0x3  }
0xf8: {  	_ =	swait.ge @!p0 [sflag:s0], s1  }
0xf9: {  	s1 =	ssub.s32 @!p0 $0x0, s1;
	[sflag:s0] =	ssyncset.done @!p0 $0x0  }
0xfa: {  	[sflag:s0] =	ssyncadd.s32 @!p0 s1  }
0xfb: {  	[bflag:$0x3] =	sbarrier.arrive $0xFFFF  }
0xfc: {  	_ =	shalt  }

// kernel: kernel.21.cloned.1.call-start
scs
__scs_entry_jumppad:
0x0: {  	(pc) =	sbr.rel $0x88, $3  }
0x1: {  	(tag) =	ssettag $0x0;
	lr =	simm.s32 $0x1  }
0x2: {  	[smem:$0x3F93] =	sst lr;
	_ =	strace $0xD0000000  }
0x3: {  	_ = 	snop  }
0x4: {  	_ = 	snop  }
0x5: {  	_ = 	snop  }
0x6: {  	_ = 	snop  }
0x7: {  	_ = 	snop  }
__scs_overlays_trampoline_lowered:
0x8: {  	[smem:$0x3FA2] =	sst s0  }
0x9: {  	[smem:$0x3FA3] =	sst s1  }
0xa: {  	[smem:$0x3FA4] =	sst s2  }
0xb: {  	[smem:$0x3FA5] =	sst s3  }
0xc: {  	[smem:$0x3FA6] =	sst s4  }
0xd: {  	[smem:$0x3FA7] =	sst s5  }
0xe: {  	[smem:$0x3FA8] =	sst s6  }
0xf: {  	[smem:$0x3FA9] =	sst s7  }
0x10: {  	[smem:$0x3FAA] =	sst s8  }
0x11: {  	[smem:$0x3FAB] =	sst s9;
	s0 =	simm.s32 @!p0 $0x0  }
0x12: {  	s1 =	sld [smem:$0x3F91];
	s0 =	simm.s32 @p0 $0x1  }
0x13: {  	[smem:$0x3FAC] =	sst s0;
	s0 =	simm.s32 @!p1 $0x0  }
0x14: {  	s2 =	sld [smem:$0x3F90];
	s0 =	simm.s32 @p1 $0x1  }
0x15: {  	[smem:$0x3FAD] =	sst s0;
	s0 =	simm.s32 @!p2 $0x0  }
0x16: {  	s3 =	sld [smem:$0x3FDB];
	s0 =	simm.s32 @p2 $0x1  }
0x17: {  	s4 =	simm.s32 $0x1BF5;
	[smem:$0x3FAF] =	sst s0  }
0x18: {  	s0 =	sld [smem:$0x3F92];
	_ =	swait.ge [sflag:s4], $0x0  }
0x19: {  	s7 =	sld [smem:$0x3F93]  }
0x1a: {  	s8 =	sadd.s32 $0xFFFFE003, lr  }
0x1b: {  	s9 =	sadd.s32 $0xFFFFFEF7, lr;
	s5 =	simm.s32 $0xFFFFFFFF;
	p2 =	slt.u32 s8, $0xFFFFF086  }
0x1c: {  	p1 =	slt.u32 s9, $0xF7A;
	s5 =	simm.s32 @!p2 $0x0  }
0x1d: {  	s5 =	simm.s32 @p1 $0x1;
	p0 =	seq.s32 s7, s2  }
0x1e: {  	s7 =	smul.u32 @!p0 $0xF7A, s2;
	p2 =	seq.s32 @!p0 s5, $0x0  }
0x1f: {  	s9 =	smul.u32 $0xF7A, s1;
	s8 =	simm.s32 @!p0 $0x1BF5;
	p2 =	por !p2, p0  }
0x20: {  	[sflag:s8] =	ssyncset.s32 @!p0 $0xFFFFF086;
	s6 =	sadd.s32 @!p0 s3, s7;
	s7 =	simm.s32 @!p0 $0x108  }
0x21: {  	s3 =	sadd.s32 s3, s9;
	s6 =	sadd.s32 @!p0 $0x88, s6;
	s7 =	simm.s32 @p2 $0x1082  }
0x22: {  	[simem:s7], [sflag:s8] =	dma.local @!p0 [hbm:s6], $0xF7A  }
0x23: {  	s9 =	sor.u32 $0xD0000000, s2;
	s6 =	simm.s32 $0x108;
	_ =	swait.ge @!p0 [sflag:s8], $0x0  }
0x24: {  	s3 =	sadd.s32 $0x88, s3;
	s6 =	simm.s32 @!p1 $0x1082;
	[sflag:s4] =	ssyncset.s32 $0xFFFFF086  }
0x25: {  	[simem:s6], [sflag:s4] =	dma.local [hbm:s3], $0xF7A  }
0x26: {  	[smem:$0x3F93] =	sst s1;
	(tag) =	ssettag s2;
	_ =	strace s9  }
0x27: {  	s1 =	sld [smem:$0x3FA3]  }
0x28: {  	s2 =	sld [smem:$0x3FA4]  }
0x29: {  	s4 =	sld [smem:$0x3FA6]  }
0x2a: {  	p0 =	seq.s32 s5, $0x0;
	s5 =	sld [smem:$0x3FA7]  }
0x2b: {  	s6 =	sld [smem:$0x3FA8]  }
0x2c: {  	s7 =	sld [smem:$0x3FA9]  }
0x2d: {  	s3 =	simm.s32 $0x108;
	s8 =	sld [smem:$0x3FAA]  }
0x2e: {  	s3 =	simm.s32 @!p0 $0x1082;
	s9 =	sld [smem:$0x3FAB]  }
0x2f: {  	lr =	sadd.s32 s0, s3;
	s0 =	sld [smem:$0x3FA2]  }
0x30: {  	s3 =	sld [smem:$0x3FA5]  }
0x31: {  	[smem:$0x3FAE] =	sst s10  }
0x32: {  	s10 =	sld [smem:$0x3FAC];
	_ =	sdelay $0x3  }
0x33: {  	p0 =	seq.s32 s10, $0x1;
	s10 =	sld [smem:$0x3FAE];
	_ =	sdelay $0x3  }
0x34: {  	[smem:$0x3FAE] =	sst s10  }
0x35: {  	s10 =	sld [smem:$0x3FAD];
	_ =	sdelay $0x3  }
0x36: {  	p1 =	seq.s32 s10, $0x1;
	s10 =	sld [smem:$0x3FAE];
	_ =	sdelay $0x3  }
0x37: {  	[smem:$0x3FAE] =	sst s10  }
0x38: {  	s10 =	sld [smem:$0x3FAF]  }
0x39: {  	_ = 	snop;
	(pc) =	sbr.ind lr, $3  }
0x3a: {  	_ = 	snop  }
0x3b: {  	_ = 	snop  }
0x3c: {  	p2 =	seq.s32 s10, $0x1;
	s10 =	sld [smem:$0x3FAE]  }
0x3d: {  	_ =	shalt  }
0x3e: {  	_ =	shalt  }
0x3f: {  	_ =	shalt  }
0x40: {  	_ =	shalt  }
0x41: {  	_ =	shalt  }
0x42: {  	_ =	shalt  }
0x43: {  	_ =	shalt  }
0x44: {  	_ =	shalt  }
0x45: {  	_ =	shalt  }
0x46: {  	_ =	shalt  }
0x47: {  	_ =	shalt  }
0x48: {  	_ =	shalt  }
0x49: {  	_ =	shalt  }
0x4a: {  	_ =	shalt  }
0x4b: {  	_ =	shalt  }
0x4c: {  	_ =	shalt  }
0x4d: {  	_ =	shalt  }
0x4e: {  	_ =	shalt  }
0x4f: {  	_ =	shalt  }
0x50: {  	_ =	shalt  }
0x51: {  	_ =	shalt  }
0x52: {  	_ =	shalt  }
0x53: {  	_ =	shalt  }
0x54: {  	_ =	shalt  }
0x55: {  	_ =	shalt  }
0x56: {  	_ =	shalt  }
0x57: {  	_ =	shalt  }
0x58: {  	_ =	shalt  }
0x59: {  	_ =	shalt  }
0x5a: {  	_ =	shalt  }
0x5b: {  	_ =	shalt  }
0x5c: {  	_ =	shalt  }
0x5d: {  	_ =	shalt  }
0x5e: {  	_ =	shalt  }
0x5f: {  	_ =	shalt  }
0x60: {  	_ =	shalt  }
0x61: {  	_ =	shalt  }
0x62: {  	_ =	shalt  }
0x63: {  	_ =	shalt  }
0x64: {  	_ =	shalt  }
0x65: {  	_ =	shalt  }
0x66: {  	_ =	shalt  }
0x67: {  	_ =	shalt  }
0x68: {  	_ =	shalt  }
0x69: {  	_ =	shalt  }
0x6a: {  	_ =	shalt  }
0x6b: {  	_ =	shalt  }
0x6c: {  	_ =	shalt  }
0x6d: {  	_ =	shalt  }
0x6e: {  	_ =	shalt  }
0x6f: {  	_ =	shalt  }
0x70: {  	_ =	shalt  }
0x71: {  	_ =	shalt  }
0x72: {  	_ =	shalt  }
0x73: {  	_ =	shalt  }
0x74: {  	_ =	shalt  }
0x75: {  	_ =	shalt  }
0x76: {  	_ =	shalt  }
0x77: {  	_ =	shalt  }
0x78: {  	_ =	shalt  }
0x79: {  	_ =	shalt  }
0x7a: {  	_ =	shalt  }
0x7b: {  	_ =	shalt  }
0x7c: {  	_ =	shalt  }
0x7d: {  	_ =	shalt  }
0x7e: {  	_ =	shalt  }
0x7f: {  	_ =	shalt  }
0x80: {  	_ =	shalt  }
0x81: {  	_ =	shalt  }
0x82: {  	_ =	shalt  }
0x83: {  	_ =	shalt  }
0x84: {  	_ =	shalt  }
0x85: {  	_ =	shalt  }
0x86: {  	_ =	shalt  }
0x87: {  	_ =	shalt  }
.Lfunc_end0:
.L_simem_size_0:
called_computation.3_lowered:
.L_overlay_start_0:
0x88: {  	s2 =	sld [smem:$0x3FD9]  }
0x89: {  	s3 =	sld [smem:$0x3FFE];
	_ =	sdelay $0x1  }
0x8a: {  	s1 =	srdreg.scid  }
0x8b: {  	s0 =	sand.u32 $0x1, s1  }
0x8c: {  	s16 =	sshll.u32 s0, $0xA;
	s2 =	sadd.s32 s3, s2  }
0x8d: {  	s2 =	sadd.s32 s2, s16  }
0x8e: {  	[smem:$0x3FBA] =	sst s2  }
0x8f: {  	_ = 	snop  }
0x90: {  	(tm) =	ssettm $0x1  }
0x91: {  	s17 =	sld [smem:$0x3FFB];
	_ =	sdelay $0x3  }
0x92: {  	_ =	strace s17  }
0x93: {  	s2 =	sld [smem:$0x3FFC];
	_ =	sdelay $0x3  }
0x94: {  	_ =	strace s2  }
0x95: {  	s2 =	sld [smem:$0x3FFD];
	_ =	sdelay $0x3  }
0x96: {  	_ =	strace s2  }
0x97: {  	_ =	strace $0x8FFFFFFF  }
0x98: {  	s18 =	sld [smem:$0x3FDB];
	_ =	sdelay $0x1  }
0x99: {  	s19 =	simm.s32 $_scs_section_size  }
0x9a: {  	s4 =	simm.s32 $_size__tile_overlayer_lowered;
	s5 =	simm.s32 $_tile_overlayer_lowered  }
0x9b: {  	s22 =	simm.s32 $0x1BFF;
	s21 =	sshll.u32 s5, $0x1;
	s2 =	sadd.s32 s19, s18  }
0x9c: {  	s6 =	simm.s32 $0x0;
	s20 =	sshll.u32 s4, $0x1;
	s4 =	sadd.s32 s21, s2  }
0x9d: {  	[timem:s6], [sflag:s22] =	dma.local [hbm:s4], s20  }
0x9e: {  	_ =	swait.ge [sflag:s22], s20  }
0x9f: {  	s3 =	ssub.s32 $0x0, s20;
	[sflag:s22] =	ssyncset.done $0x0  }
0xa0: {  	[sflag:s22] =	ssyncadd.s32 s3;
	_ =	sdelay $0x1  }
0xa1: {  	s23 =	simm.s32 $0x1B8B  }
0xa2: {  	_ =	swait.ge [sflag:s23], $0x1  }
0xa3: {  	[sflag:s23] =	ssyncset.done $0x0  }
0xa4: {  	s25 =	simm.s32 $0x1B8E;
	s24 =	sld [smem:$0x3FFE];
	[sflag:s23] =	ssyncadd.s32 $0xFFFFFFFF  }
0xa5: {  	s26 =	simm.s32 $execute0_lowered;
	[smem:$0x3FD2] =	sst s25  }
0xa6: {  	s4 =	sshll.u32 s26, $0x1;
	_ =	strace $0x8000004F;
	[dreg:$0x1] =	wrdreg $0xFFFFFFFF  }
0xa7: {  	s28 =	simm.s32 $_size_execute0_lowered;
	s2 =	sadd.s32 s2, s4;
	[dreg:$0x0] =	wrdreg $0x0  }
0xa8: {  	s4 =	sshll.u32 s28, $0x1;
	[dreg:$0x2] =	wrdreg s2  }
0xa9: {  	[dreg:$0x3] =	wrdreg s4  }
0xaa: {  	[dreg:$0x4] =	wrdreg $0xC0  }
0xab: {  	_ =	task [dreg:s6], $0x5FFFF  }
0xac: {  	[dreg:$0x1] =	wrdreg $0xFFFFFFFF  }
0xad: {  	[dreg:$0x0] =	wrdreg $0x60  }
0xae: {  	[dreg:$0x2] =	wrdreg s24  }
0xaf: {  	[dreg:$0x3] =	wrdreg $0xC0000  }
0xb0: {  	[dreg:$0x4] =	wrdreg $0x9  }
0xb1: {  	_ =	task.clear_ibuf [dreg:s6], $0x5FFFF;
	_ =	strace $0x9000004F  }
0xb2: {  	s29 =	simm.s32 $0x9;
	_ =	strace $0x80000051  }
0xb3: {  	_ =	swait.ge [sflag:s29], $0x1  }
0xb4: {  	[sflag:s29] =	ssyncadd.s32 $0xFFFFFFFF  }
0xb5: {  	_ =	strace $0x90000051  }
0xb6: {  	_ =	sfence  }
0xb7: {  	s30 =	sld [smem:$0x0];
	_ =	sdelay $0x2  }
0xb8: {  	s31 =	sshll.u32 s1, $0xD;
	s1 =	sshrl.u32 s1, $0x2  }
0xb9: {  	s3 =	sand.u32 $0x4000, s31;
	s1 =	sadd.s32 s1, s30  }
0xba: {  	s0 =	sor.u32 s3, s0;
	s1 =	sshll.u32 s1, $0x11  }
0xbb: {  	s0 =	sor.u32 s1, s0  }
0xbc: {  	s0 =	sadd.s32 $0x8F2B, s0  }
0xbd: {  	[sflag:s0] =	ssyncadd.remote.s32 $0x1  }
0xbe: {  	_ =	sfence.sel $0xFFFF  }
0xbf: {  	[dreg:$0x0] =	wrdreg $0xFFFFFFFF;
	(pc) =	sbr.abs _section_cstart, $3  }
0xc0: {  	[dreg:$0x1] =	wrdreg $0xFFFFFFFF  }
0xc1: {  	_ =	task.clear_ibuf [dreg:s6], $0x2FFFF;
	_ =	strace $0x9FFFFFFF  }
0xc2: {  	(tm) =	ssettm $0x7FFFFFFF  }
0xc3: {  	_ =	shalt  }
tec
execute0_lowered:
.L_overlay_start_1:
0x0: {  	(tag) =	ssettag $0x1  }
0x1: {  	s0 =	rddreg [dreg:$0x0]  }
0x2: {  	s2 =	rddreg [dreg:$0x1];
	s3 =	simm.s32 $0x0  }
0x3: {  	s1 =	srdreg.scid;
	s11 =	stileid.u32;
	s14 =	simm.s32 $0x80  }
0x4: {  	s15 =	simm.s32 $0x4000;
	s16 =	simm.s32 $0x8000;
	s17 =	simm.s32 $0x1  }
0x5: {  	s18 =	simm.s32 $0x4;
	s19 =	simm.s32 $0x2;
	s21 =	simm.s32 $0x700  }
0x6: {  	s22 =	simm.s32 $0x2680;
	s23 =	simm.s32 $0x780;
	s24 =	simm.s32 $0x2700  }
0x7: {  	s28 =	simm.s32 $0x2800;
	s29 =	simm.s32 $0x0;
	[smem:$0x7FF] =	sst s3  }
0x8: {  	s1 =	sand.u32 $0x1, s1;
	s7 =	smul.u32 $0x14000, s11;
	s6 =	sshll.u32 s11, $0xA  }
0x9: {  	s4 =	sadd.s32 $0x13000, s0;
	s10 =	smul.u32 $0x50000, s11;
	s31 =	sshll.u32 s11, $0x6  }
0xa: {  	s11 =	simm.s32 $0x2000;
	s5 =	sshll.u32 s1, $0xE;
	s8 =	smul.u32 $0x140000, s1  }
0xb: {  	_ =	strace $0x80000050;
	s26 =	ssub.s32 $0x2, s1;
	p0 =	sne.s32 s1, $0x0  }
0xc: {  	s12 =	sor.u32 $0x1C03, s31;
	s5 =	sor.u32 s6, s5;
	s9 =	sshrl.u32 s26, $0x1  }
0xd: {  	s30 =	sshrl.u32 s10, $0x2;
	s10 =	simm.s32 $0x3;
	s6 =	sadd.s32 s5, s0  }
.Ltmp0:
0xe: {  	s25 =	sadd.s32 s7, s8;
	s9 =	ssub.s32 s26, s9;
	(pc) =	sbr.rel .LBB2_1-.Ltmp0, $4  }
0xf: {  	s7 =	sshrl.u32 s7, $0x3;
	s13 =	sadd.s32 s30, s2;
	s26 =	simm.s32 $0x2780  }
0x10: {  	s5 =	sshrl.u32 s25, $0x3;
	s7 =	sadd.s32 s4, s7;
	s9 =	smax.u32 s9, $0x1  }
0x11: {  	s13 =	sshrl.u32 s13, $0x3;
	s25 =	simm.s32 $0x800;
	s0 =	sadd.s32 s5, s0  }
0x12: {  	s5 =	sadd.s32 $0xB000, s6;
	s6 =	sadd.s32 $0x3000, s6;
	s8 =	sadd.s32 $0x3B000, s0  }
.LBB2_7:
0x13: {  	[tilespmem:s16], [sflag:$0x2] =	stream.indirect.gather [hbm4b:s4+s14], $0x80, s14, s14, $0xb8;
	v63 =	vld [tilespmem:$0x0]  }
0x14: {  	_ =	swait.ge [sflag:s17], $0x4000  }
0x15: {  	[sflag:s17] =	ssyncset.done $0x0  }
0x16: {  	s30 =	simm.s32 $0x4;
	[sflag:s17] =	ssyncadd.s32 $0xFFFFC000  }
0x17: {  	[spmem:s2] =	stream.indirect.scatter.add.f32 [tilespmem:s15], [sflag:$0x4], $0x80, s11, s14, $0xb8;
	v63 =	vld [tilespmem:$0x0]  }
0x18: {  	_ =	swait.ge [sflag:s30], $0x4000  }
0x19: {  	[sflag:s30] =	ssyncset.done $0x0  }
0x1a: {  	s0 =	simm.s32 $0x100;
	[sflag:s30] =	ssyncadd.s32 $0xFFFFC000  }
0x1b: {  	[tilespmem:s15], [sflag:$0x1] =	stream.indirect.gather [hbm4b:s4+s14], $0x80, s0, s14, $0xb8;
	v63 =	vld [tilespmem:$0x0]  }
0x1c: {  	_ =	swait.ge [sflag:s19], $0x4000  }
0x1d: {  	[sflag:s19] =	ssyncset.done $0x0  }
0x1e: {  	s20 =	simm.s32 $0x2080;
	[sflag:s19] =	ssyncadd.s32 $0xFFFFC000  }
0x1f: {  	[spmem:s2] =	stream.indirect.scatter.add.f32 [tilespmem:s16], [sflag:$0x3], $0x80, s20, s14, $0xb8;
	v63 =	vld [tilespmem:$0x0]  }
0x20: {  	_ =	swait.ge [sflag:s10], $0x4000  }
0x21: {  	[sflag:s10] =	ssyncset.done $0x0  }
0x22: {  	s31 =	simm.s32 $0x180;
	[sflag:s10] =	ssyncadd.s32 $0xFFFFC000  }
0x23: {  	[tilespmem:s16], [sflag:$0x2] =	stream.indirect.gather [hbm4b:s4+s14], $0x80, s31, s14, $0xb8;
	v63 =	vld [tilespmem:$0x0]  }
0x24: {  	_ =	swait.ge [sflag:s17], $0x4000  }
0x25: {  	[sflag:s17] =	ssyncset.done $0x0  }
0x26: {  	s1 =	simm.s32 $0x2100;
	[sflag:s17] =	ssyncadd.s32 $0xFFFFC000  }
0x27: {  	[spmem:s2] =	stream.indirect.scatter.add.f32 [tilespmem:s15], [sflag:$0x4], $0x80, s1, s14, $0xb8;
	v63 =	vld [tilespmem:$0x0]  }
0x28: {  	_ =	swait.ge [sflag:s30], $0x4000  }
0x29: {  	[sflag:s30] =	ssyncset.done $0x0  }
0x2a: {  	s20 =	simm.s32 $0x200;
	[sflag:s30] =	ssyncadd.s32 $0xFFFFC000  }
0x2b: {  	[tilespmem:s15], [sflag:$0x1] =	stream.indirect.gather [hbm4b:s4+s14], $0x80, s20, s14, $0xb8;
	v63 =	vld [tilespmem:$0x0]  }
0x2c: {  	_ =	swait.ge [sflag:s19], $0x4000  }
0x2d: {  	[sflag:s19] =	ssyncset.done $0x0  }
0x2e: {  	s31 =	simm.s32 $0x2180;
	[sflag:s19] =	ssyncadd.s32 $0xFFFFC000  }
0x2f: {  	[spmem:s2] =	stream.indirect.scatter.add.f32 [tilespmem:s16], [sflag:$0x3], $0x80, s31, s14, $0xb8;
	v63 =	vld [tilespmem:$0x0]  }
0x30: {  	_ =	swait.ge [sflag:s10], $0x4000  }
0x31: {  	[sflag:s10] =	ssyncset.done $0x0  }
0x32: {  	s1 =	simm.s32 $0x280;
	[sflag:s10] =	ssyncadd.s32 $0xFFFFC000  }
0x33: {  	[tilespmem:s16], [sflag:$0x2] =	stream.indirect.gather [hbm4b:s4+s14], $0x80, s1, s14, $0xb8;
	v63 =	vld [tilespmem:$0x0]  }
0x34: {  	_ =	swait.ge [sflag:s17], $0x4000  }
0x35: {  	[sflag:s17] =	ssyncset.done $0x0  }
0x36: {  	s20 =	simm.s32 $0x2200;
	[sflag:s17] =	ssyncadd.s32 $0xFFFFC000  }
0x37: {  	[spmem:s2] =	stream.indirect.scatter.add.f32 [tilespmem:s15], [sflag:$0x4], $0x80, s20, s14, $0xb8;
	v63 =	vld [tilespmem:$0x0]  }
0x38: {  	_ =	swait.ge [sflag:s30], $0x4000  }
0x39: {  	[sflag:s30] =	ssyncset.done $0x0  }
0x3a: {  	s31 =	simm.s32 $0x300;
	[sflag:s30] =	ssyncadd.s32 $0xFFFFC000  }
0x3b: {  	[tilespmem:s15], [sflag:$0x1] =	stream.indirect.gather [hbm4b:s4+s14], $0x80, s31, s14, $0xb8;
	v63 =	vld [tilespmem:$0x0]  }
0x3c: {  	_ =	swait.ge [sflag:s19], $0x4000  }
0x3d: {  	[sflag:s19] =	ssyncset.done $0x0  }
0x3e: {  	s1 =	simm.s32 $0x2280;
	[sflag:s19] =	ssyncadd.s32 $0xFFFFC000  }
0x3f: {  	[spmem:s2] =	stream.indirect.scatter.add.f32 [tilespmem:s16], [sflag:$0x3], $0x80, s1, s14, $0xb8;
	v63 =	vld [tilespmem:$0x0]  }
0x40: {  	_ =	swait.ge [sflag:s10], $0x4000  }
0x41: {  	[sflag:s10] =	ssyncset.done $0x0  }
0x42: {  	s20 =	simm.s32 $0x380;
	[sflag:s10] =	ssyncadd.s32 $0xFFFFC000  }
0x43: {  	[tilespmem:s16], [sflag:$0x2] =	stream.indirect.gather [hbm4b:s4+s14], $0x80, s20, s14, $0xb8;
	v63 =	vld [tilespmem:$0x0]  }
0x44: {  	_ =	swait.ge [sflag:s17], $0x4000  }
0x45: {  	[sflag:s17] =	ssyncset.done $0x0  }
0x46: {  	s31 =	simm.s32 $0x2300;
	[sflag:s17] =	ssyncadd.s32 $0xFFFFC000  }
0x47: {  	[spmem:s2] =	stream.indirect.scatter.add.f32 [tilespmem:s15], [sflag:$0x4], $0x80, s31, s14, $0xb8;
	v63 =	vld [tilespmem:$0x0]  }
0x48: {  	_ =	swait.ge [sflag:s30], $0x4000  }
0x49: {  	[sflag:s30] =	ssyncset.done $0x0  }
0x4a: {  	s1 =	simm.s32 $0x400;
	[sflag:s30] =	ssyncadd.s32 $0xFFFFC000  }
0x4b: {  	[tilespmem:s15], [sflag:$0x1] =	stream.indirect.gather [hbm4b:s4+s14], $0x80, s1, s14, $0xb8;
	v63 =	vld [tilespmem:$0x0]  }
0x4c: {  	_ =	swait.ge [sflag:s19], $0x4000  }
0x4d: {  	[sflag:s19] =	ssyncset.done $0x0  }
0x4e: {  	s20 =	simm.s32 $0x2380;
	[sflag:s19] =	ssyncadd.s32 $0xFFFFC000  }
0x4f: {  	[spmem:s2] =	stream.indirect.scatter.add.f32 [tilespmem:s16], [sflag:$0x3], $0x80, s20, s14, $0xb8;
	v63 =	vld [tilespmem:$0x0]  }
0x50: {  	_ =	swait.ge [sflag:s10], $0x4000  }
0x51: {  	[sflag:s10] =	ssyncset.done $0x0  }
0x52: {  	s31 =	simm.s32 $0x480;
	[sflag:s10] =	ssyncadd.s32 $0xFFFFC000  }
0x53: {  	[tilespmem:s16], [sflag:$0x2] =	stream.indirect.gather [hbm4b:s4+s14], $0x80, s31, s14, $0xb8;
	v63 =	vld [tilespmem:$0x0]  }
0x54: {  	_ =	swait.ge [sflag:s17], $0x4000  }
0x55: {  	[sflag:s17] =	ssyncset.done $0x0  }
0x56: {  	s1 =	simm.s32 $0x2400;
	[sflag:s17] =	ssyncadd.s32 $0xFFFFC000  }
0x57: {  	[spmem:s2] =	stream.indirect.scatter.add.f32 [tilespmem:s15], [sflag:$0x4], $0x80, s1, s14, $0xb8;
	v63 =	vld [tilespmem:$0x0]  }
0x58: {  	_ =	swait.ge [sflag:s30], $0x4000  }
0x59: {  	[sflag:s30] =	ssyncset.done $0x0  }
0x5a: {  	s20 =	simm.s32 $0x500;
	[sflag:s30] =	ssyncadd.s32 $0xFFFFC000  }
0x5b: {  	[tilespmem:s15], [sflag:$0x1] =	stream.indirect.gather [hbm4b:s4+s14], $0x80, s20, s14, $0xb8;
	v63 =	vld [tilespmem:$0x0]  }
0x5c: {  	_ =	swait.ge [sflag:s19], $0x4000  }
0x5d: {  	[sflag:s19] =	ssyncset.done $0x0  }
0x5e: {  	s31 =	simm.s32 $0x2480;
	[sflag:s19] =	ssyncadd.s32 $0xFFFFC000  }
0x5f: {  	[spmem:s2] =	stream.indirect.scatter.add.f32 [tilespmem:s16], [sflag:$0x3], $0x80, s31, s14, $0xb8;
	v63 =	vld [tilespmem:$0x0]  }
0x60: {  	_ =	swait.ge [sflag:s10], $0x4000  }
0x61: {  	[sflag:s10] =	ssyncset.done $0x0  }
0x62: {  	s1 =	simm.s32 $0x580;
	[sflag:s10] =	ssyncadd.s32 $0xFFFFC000  }
0x63: {  	[tilespmem:s16], [sflag:$0x2] =	stream.indirect.gather [hbm4b:s4+s14], $0x80, s1, s14, $0xb8;
	v63 =	vld [tilespmem:$0x0]  }
0x64: {  	_ =	swait.ge [sflag:s17], $0x4000  }
0x65: {  	[sflag:s17] =	ssyncset.done $0x0  }
0x66: {  	s20 =	simm.s32 $0x2500;
	[sflag:s17] =	ssyncadd.s32 $0xFFFFC000  }
0x67: {  	[spmem:s2] =	stream.indirect.scatter.add.f32 [tilespmem:s15], [sflag:$0x4], $0x80, s20, s14, $0xb8;
	v63 =	vld [tilespmem:$0x0]  }
0x68: {  	_ =	swait.ge [sflag:s30], $0x4000  }
0x69: {  	[sflag:s30] =	ssyncset.done $0x0  }
0x6a: {  	s31 =	simm.s32 $0x600;
	[sflag:s30] =	ssyncadd.s32 $0xFFFFC000  }
0x6b: {  	[tilespmem:s15], [sflag:$0x1] =	stream.indirect.gather [hbm4b:s4+s14], $0x80, s31, s14, $0xb8;
	v63 =	vld [tilespmem:$0x0]  }
0x6c: {  	_ =	swait.ge [sflag:s19], $0x4000  }
0x6d: {  	[sflag:s19] =	ssyncset.done $0x0  }
0x6e: {  	s1 =	simm.s32 $0x2580;
	[sflag:s19] =	ssyncadd.s32 $0xFFFFC000  }
0x6f: {  	[spmem:s2] =	stream.indirect.scatter.add.f32 [tilespmem:s16], [sflag:$0x3], $0x80, s1, s14, $0xb8;
	v63 =	vld [tilespmem:$0x0]  }
0x70: {  	_ =	swait.ge [sflag:s10], $0x4000  }
0x71: {  	[sflag:s10] =	ssyncset.done $0x0  }
0x72: {  	s20 =	simm.s32 $0x680;
	[sflag:s10] =	ssyncadd.s32 $0xFFFFC000  }
0x73: {  	[tilespmem:s16], [sflag:$0x2] =	stream.indirect.gather [hbm4b:s4+s14], $0x80, s20, s14, $0xb8;
	v63 =	vld [tilespmem:$0x0]  }
0x74: {  	_ =	swait.ge [sflag:s17], $0x4000  }
0x75: {  	[sflag:s17] =	ssyncset.done $0x0  }
0x76: {  	s31 =	simm.s32 $0x2600;
	[sflag:s17] =	ssyncadd.s32 $0xFFFFC000  }
0x77: {  	[spmem:s2] =	stream.indirect.scatter.add.f32 [tilespmem:s15], [sflag:$0x4], $0x80, s31, s14, $0xb8;
	v63 =	vld [tilespmem:$0x0]  }
0x78: {  	_ =	swait.ge [sflag:s30], $0x4000  }
0x79: {  	[sflag:s30] =	ssyncset.done $0x0  }
0x7a: {  	[sflag:s30] =	ssyncadd.s32 $0xFFFFC000  }
0x7b: {  	[tilespmem:s15], [sflag:$0x1] =	stream.indirect.gather [hbm4b:s4+s14], $0x80, s21, s14, $0xb8;
	v63 =	vld [tilespmem:$0x0]  }
0x7c: {  	_ =	swait.ge [sflag:s19], $0x4000  }
0x7d: {  	[sflag:s19] =	ssyncset.done $0x0  }
0x7e: {  	[sflag:s19] =	ssyncadd.s32 $0xFFFFC000  }
0x7f: {  	[spmem:s2] =	stream.indirect.scatter.add.f32 [tilespmem:s16], [sflag:$0x3], $0x80, s22, s14, $0xb8;
	v63 =	vld [tilespmem:$0x0]  }
0x80: {  	_ =	swait.ge [sflag:s10], $0x4000  }
0x81: {  	[sflag:s10] =	ssyncset.done $0x0  }
0x82: {  	[sflag:s10] =	ssyncadd.s32 $0xFFFFC000  }
0x83: {  	[tilespmem:s16], [sflag:$0x2] =	stream.indirect.gather [hbm4b:s4+s14], $0x80, s23, s14, $0xb8;
	v63 =	vld [tilespmem:$0x0]  }
0x84: {  	_ =	swait.ge [sflag:s17], $0x4000  }
0x85: {  	[sflag:s17] =	ssyncset.done $0x0  }
0x86: {  	[sflag:s17] =	ssyncadd.s32 $0xFFFFC000  }
0x87: {  	[spmem:s2] =	stream.indirect.scatter.add.f32 [tilespmem:s15], [sflag:$0x4], $0x80, s24, s14, $0xb8;
	v63 =	vld [tilespmem:$0x0]  }
0x88: {  	_ =	swait.ge [sflag:s30], $0x4000  }
0x89: {  	[sflag:s30] =	ssyncset.done $0x0  }
0x8a: {  	[sflag:s30] =	ssyncadd.s32 $0xFFFFC000  }
0x8b: {  	[tilespmem:s15], [sflag:$0x1] =	stream.indirect.gather [hbm4b:s4+s14], $0x80, s25, s14, $0xb8;
	v63 =	vld [tilespmem:$0x0]  }
0x8c: {  	_ =	swait.ge [sflag:s19], $0x4000  }
0x8d: {  	[sflag:s19] =	ssyncset.done $0x0  }
0x8e: {  	[sflag:s19] =	ssyncadd.s32 $0xFFFFC000  }
0x8f: {  	[spmem:s2] =	stream.indirect.scatter.add.f32 [tilespmem:s16], [sflag:$0x3], $0x80, s26, s14, $0xb8;
	v63 =	vld [tilespmem:$0x0]  }
0x90: {  	_ =	swait.ge [sflag:s10], $0x4000  }
0x91: {  	[sflag:s10] =	ssyncset.done $0x0  }
0x92: {  	[sflag:s10] =	ssyncadd.s32 $0xFFFFC000  }
0x93: {  	_ =	swait.ge [sflag:s17], $0x4000  }
0x94: {  	[sflag:s17] =	ssyncset.done $0x0  }
0x95: {  	[sflag:s17] =	ssyncadd.s32 $0xFFFFC000  }
0x96: {  	[spmem:s2] =	stream.indirect.scatter.add.f32 [tilespmem:s15], [sflag:$0x4], $0x80, s28, s14, $0xb8;
	v63 =	vld [tilespmem:$0x0]  }
.LBB2_5:
0x97: {  	_ =	swait.ge [sflag:s30], $0x4000  }
0x98: {  	s29 =	sadd.s32 $0x1, s29;
	[sflag:s30] =	ssyncset.done $0x0  }
0x99: {  	p1 =	sne.s32 s29, s9;
	[sflag:s30] =	ssyncadd.s32 $0xFFFFC000  }
.Ltmp1:
0x9a: {  	[bflag:$0x0] =	sbarrier.arrive $0xFFFF;
	(pc) =	sbr.rel @!p1 .LBB2_6-.Ltmp1, $4  }
0x9b: {  	[hbm:s8], [sflag:s12] =	dma.local [spmem:s13], $0x2800  }
0x9c: {  	_ =	swait.ge [sflag:s10], $0x2800  }
0x9d: {  	[sflag:s10] =	ssyncset.done $0x0  }
0x9e: {  	[sflag:s10] =	ssyncadd.s32 $0xFFFFD800  }
.LBB2_1:
0x9f: {  	[tilespmem:s3], [sflag:$0x3] =	stream.linear.gather [hbm4b:s5+s3], $0x1F00, $0x38;
	v63 =	vld [tilespmem:$0x0]  }
0xa0: {  	_ =	swait.ge [sflag:s10], $0x1F00  }
0xa1: {  	[sflag:s10] =	ssyncset.done $0x0  }
0xa2: {  	[sflag:s10] =	ssyncadd.s32 $0xFFFFE100  }
0xa3: {  	[tilespmem:s11], [sflag:$0x3] =	stream.linear.gather [hbm4b:s6+s3], $0x1F00, $0x38;
	v63 =	vld [tilespmem:$0x0]  }
0xa4: {  	_ =	swait.ge [sflag:s10], $0x1F00  }
0xa5: {  	[sflag:s10] =	ssyncset.done $0x0  }
0xa6: {  	[sflag:s10] =	ssyncadd.s32 $0xFFFFE100  }
0xa7: {  	[spmem:s13], [sflag:s12] =	dma.local [hbm:s7], $0x2800  }
0xa8: {  	_ =	swait.ge [sflag:s10], $0x2800  }
.Ltmp2:
0xa9: {  	[sflag:s10] =	ssyncset.done $0x0;
	(pc) =	sbr.rel @p0 .LBB2_7-.Ltmp2, $3  }
0xaa: {  	[sflag:s10] =	ssyncadd.s32 $0xFFFFD800  }
0xab: {  	[tilespmem:s15], [sflag:$0x1] =	stream.indirect.gather [hbm4b:s4+s14], $0x80, s3, s14, $0xb8;
	v63 =	vld [tilespmem:$0x0]  }
0xac: {  	[bflag:$0x0] =	sbarrier.arrive $0xFFFF;
	_ =	sdelay $0x1  }
0xad: {  	s30 =	simm.s32 $0x80  }
0xae: {  	[tilespmem:s16], [sflag:$0x2] =	stream.indirect.gather [hbm4b:s4+s14], $0x80, s30, s14, $0xb8;
	v63 =	vld [tilespmem:$0x0]  }
0xaf: {  	_ =	swait.ge [sflag:s17], $0x4000  }
0xb0: {  	[sflag:s17] =	ssyncset.done $0x0  }
0xb1: {  	s30 =	simm.s32 $0x2000;
	[sflag:s17] =	ssyncadd.s32 $0xFFFFC000  }
0xb2: {  	[spmem:s2] =	stream.indirect.scatter.add.f32 [tilespmem:s15], [sflag:$0x4], $0x80, s30, s14, $0xb8;
	v63 =	vld [tilespmem:$0x0]  }
0xb3: {  	_ =	swait.ge [sflag:s18], $0x4000  }
0xb4: {  	[sflag:s18] =	ssyncset.done $0x0  }
0xb5: {  	s30 =	simm.s32 $0x100;
	[sflag:s18] =	ssyncadd.s32 $0xFFFFC000  }
0xb6: {  	[tilespmem:s15], [sflag:$0x1] =	stream.indirect.gather [hbm4b:s4+s14], $0x80, s30, s14, $0xb8;
	v63 =	vld [tilespmem:$0x0]  }
0xb7: {  	_ =	swait.ge [sflag:s19], $0x4000  }
0xb8: {  	[sflag:s19] =	ssyncset.done $0x0  }
0xb9: {  	s30 =	simm.s32 $0x2080;
	[sflag:s19] =	ssyncadd.s32 $0xFFFFC000  }
0xba: {  	[spmem:s2] =	stream.indirect.scatter.add.f32 [tilespmem:s16], [sflag:$0x3], $0x80, s30, s14, $0xb8;
	v63 =	vld [tilespmem:$0x0]  }
0xbb: {  	_ =	swait.ge [sflag:s10], $0x4000  }
0xbc: {  	s31 =	simm.s32 $0x800;
	s30 =	simm.s32 $0x100;
	[sflag:s10] =	ssyncset.done $0x0  }
.LBB2_3:
0xbd: {  	s0 =	sadd.s32 $0x80, s30  }
0xbe: {  	[sflag:s10] =	ssyncadd.s32 $0xFFFFC000;
	s1 =	smov.u32 s31;
	s20 =	sadd.s32 $0x400, s31  }
0xbf: {  	[tilespmem:s16], [sflag:$0x2] =	stream.indirect.gather [hbm4b:s4+s14], $0x80, s0, s14, $0xb8;
	v63 =	vld [tilespmem:$0x0]  }
0xc0: {  	p1 =	seq.s32 s31, $0x7400;
	_ =	swait.ge [sflag:s17], $0x4000  }
0xc1: {  	[sflag:s17] =	ssyncset.done $0x0  }
0xc2: {  	s0 =	sadd.s32 $0x2000, s30;
	[sflag:s17] =	ssyncadd.s32 $0xFFFFC000  }
0xc3: {  	[spmem:s2] =	stream.indirect.scatter.add.f32 [tilespmem:s15], [sflag:$0x4], $0x80, s0, s14, $0xb8;
	v63 =	vld [tilespmem:$0x0]  }
0xc4: {  	_ =	swait.ge [sflag:s18], $0x4000  }
0xc5: {  	[sflag:s18] =	ssyncset.done $0x0  }
0xc6: {  	s0 =	sadd.s32 $0x100, s30;
	[sflag:s18] =	ssyncadd.s32 $0xFFFFC000  }
0xc7: {  	[tilespmem:s15], [sflag:$0x1] =	stream.indirect.gather [hbm4b:s4+s14], $0x80, s0, s14, $0xb8;
	v63 =	vld [tilespmem:$0x0]  }
0xc8: {  	_ =	swait.ge [sflag:s19], $0x4000  }
.Ltmp3:
0xc9: {  	[sflag:s19] =	ssyncset.done $0x0;
	(pc) =	sbr.rel @!p1 .LBB2_3-.Ltmp3, $4  }
0xca: {  	s0 =	sadd.s32 $0x2080, s30;
	[sflag:s19] =	ssyncadd.s32 $0xFFFFC000  }
0xcb: {  	[spmem:s2] =	stream.indirect.scatter.add.f32 [tilespmem:s16], [sflag:$0x3], $0x80, s0, s14, $0xb8;
	v63 =	vld [tilespmem:$0x0]  }
0xcc: {  	_ =	swait.ge [sflag:s10], $0x4000  }
0xcd: {  	s31 =	smov.u32 s20;
	s30 =	sshra.s32 s1, $0x2;
	[sflag:s10] =	ssyncset.done $0x0  }
0xce: {  	s0 =	sadd.s32 $0x80, s30;
	[sflag:s10] =	ssyncadd.s32 $0xFFFFC000  }
0xcf: {  	[tilespmem:s16], [sflag:$0x2] =	stream.indirect.gather [hbm4b:s4+s14], $0x80, s0, s14, $0xb8;
	v63 =	vld [tilespmem:$0x0]  }
0xd0: {  	_ =	swait.ge [sflag:s17], $0x4000  }
0xd1: {  	[sflag:s17] =	ssyncset.done $0x0  }
0xd2: {  	s1 =	sadd.s32 $0x2000, s30;
	[sflag:s17] =	ssyncadd.s32 $0xFFFFC000  }
0xd3: {  	[spmem:s2] =	stream.indirect.scatter.add.f32 [tilespmem:s15], [sflag:$0x4], $0x80, s1, s14, $0xb8;
	v63 =	vld [tilespmem:$0x0]  }
0xd4: {  	_ =	swait.ge [sflag:s18], $0x4000  }
0xd5: {  	[sflag:s18] =	ssyncset.done $0x0  }
0xd6: {  	s20 =	sadd.s32 $0x100, s30;
	[sflag:s18] =	ssyncadd.s32 $0xFFFFC000  }
0xd7: {  	[tilespmem:s15], [sflag:$0x1] =	stream.indirect.gather [hbm4b:s4+s14], $0x80, s20, s14, $0xb8;
	v63 =	vld [tilespmem:$0x0]  }
0xd8: {  	_ =	swait.ge [sflag:s19], $0x4000  }
0xd9: {  	[sflag:s19] =	ssyncset.done $0x0  }
0xda: {  	s31 =	sadd.s32 $0x2080, s30;
	[sflag:s19] =	ssyncadd.s32 $0xFFFFC000  }
0xdb: {  	[spmem:s2] =	stream.indirect.scatter.add.f32 [tilespmem:s16], [sflag:$0x3], $0x80, s31, s14, $0xb8;
	v63 =	vld [tilespmem:$0x0]  }
0xdc: {  	_ =	swait.ge [sflag:s10], $0x4000  }
0xdd: {  	[sflag:s10] =	ssyncset.done $0x0  }
0xde: {  	s1 =	simm.s32 $0x1E80;
	[sflag:s10] =	ssyncadd.s32 $0xFFFFC000  }
0xdf: {  	[tilespmem:s16], [sflag:$0x2] =	stream.indirect.gather [hbm4b:s4+s14], $0x80, s1, s14, $0xb8;
	v63 =	vld [tilespmem:$0x0]  }
0xe0: {  	_ =	swait.ge [sflag:s17], $0x4000  }
0xe1: {  	[sflag:s17] =	ssyncset.done $0x0  }
0xe2: {  	s20 =	simm.s32 $0x3E00;
	[sflag:s17] =	ssyncadd.s32 $0xFFFFC000  }
0xe3: {  	[spmem:s2] =	stream.indirect.scatter.add.f32 [tilespmem:s15], [sflag:$0x4], $0x80, s20, s14, $0xb8;
	v63 =	vld [tilespmem:$0x0]  }
0xe4: {  	_ =	swait.ge [sflag:s18], $0x4000  }
0xe5: {  	[sflag:s18] =	ssyncset.done $0x0  }
.Ltmp4:
0xe6: {  	[sflag:s18] =	ssyncadd.s32 $0xFFFFC000;
	(pc) =	sbr.rel .LBB2_5-.Ltmp4, $4  }
0xe7: {  	_ =	swait.ge [sflag:s19], $0x4000  }
0xe8: {  	[sflag:s19] =	ssyncset.done $0x0  }
0xe9: {  	s30 =	simm.s32 $0x3;
	s31 =	simm.s32 $0x3E80;
	[sflag:s19] =	ssyncadd.s32 $0xFFFFC000  }
0xea: {  	[spmem:s2] =	stream.indirect.scatter.add.f32 [tilespmem:s16], [sflag:$0x3], $0x80, s31, s14, $0xb8;
	v63 =	vld [tilespmem:$0x0]  }
.LBB2_6:
0xeb: {  	_ =	sfence.sel $0x180000  }
0xec: {  	[bflag:$0x0] =	sbarrier.arrive $0xFFFF  }
0xed: {  	_ =	strace $0x90000050  }
0xee: {  	s0 =	stileid.u32;
	[bflag:$0x2] =	sbarrier.arrive $0xFFFF  }
0xef: {  	p0 =	sne.s32 s0, $0x0;
	s0 =	rddreg [dreg:$0x2]  }
0xf0: {  	s0 =	sadd.s32 @!p0 $0x100000, s0  }
0xf1: {  	[sflag:s0] =	ssyncadd.tile.s32 @!p0 $0x1;
	_ =	shalt  }
.Lfunc_end2:
_tile_overlayer_lowered:
.L_overlay_start_2:
0xf2: {  	(tag) =	ssettag $0x2  }
0xf3: {  	s0 =	rddreg [dreg:$0x0];
	s2 =	stileid.u32  }
0xf4: {  	s1 =	rddreg [dreg:$0x1];
	p0 =	sne.s32 s2, $0x0  }
0xf5: {  	s3 =	rddreg [dreg:$0x2];
	[bflag:$0x3] =	sbarrier.arrive $0xFFFF;
	s2 =	simm.s32 @!p0 $0x1C03  }
0xf6: {  	[timem:s3], [sflag:s2] =	dma.local @!p0 [hbm:s0], s1  }
0xf7: {  	s0 =	simm.s32 @!p0 $0x3  }
0xf8: {  	_ =	swait.ge @!p0 [sflag:s0], s1  }
0xf9: {  	s1 =	ssub.s32 @!p0 $0x0, s1;
	[sflag:s0] =	ssyncset.done @!p0 $0x0  }
0xfa: {  	[sflag:s0] =	ssyncadd.s32 @!p0 s1  }
0xfb: {  	[bflag:$0x3] =	sbarrier.arrive $0xFFFF  }
0xfc: {  	_ =	shalt  }

// kernel: kernel.24.cloned.1.call-start
scs
__scs_entry_jumppad:
0x0: {  	(pc) =	sbr.rel $0x88, $3  }
0x1: {  	(tag) =	ssettag $0x0;
	lr =	simm.s32 $0x1  }
0x2: {  	[smem:$0x3F93] =	sst lr;
	_ =	strace $0xD0000000  }
0x3: {  	_ = 	snop  }
0x4: {  	_ = 	snop  }
0x5: {  	_ = 	snop  }
0x6: {  	_ = 	snop  }
0x7: {  	_ = 	snop  }
__scs_overlays_trampoline_lowered:
0x8: {  	[smem:$0x3FA2] =	sst s0  }
0x9: {  	[smem:$0x3FA3] =	sst s1  }
0xa: {  	[smem:$0x3FA4] =	sst s2  }
0xb: {  	[smem:$0x3FA5] =	sst s3  }
0xc: {  	[smem:$0x3FA6] =	sst s4  }
0xd: {  	[smem:$0x3FA7] =	sst s5  }
0xe: {  	[smem:$0x3FA8] =	sst s6  }
0xf: {  	[smem:$0x3FA9] =	sst s7  }
0x10: {  	[smem:$0x3FAA] =	sst s8  }
0x11: {  	[smem:$0x3FAB] =	sst s9;
	s0 =	simm.s32 @!p0 $0x0  }
0x12: {  	s1 =	sld [smem:$0x3F91];
	s0 =	simm.s32 @p0 $0x1  }
0x13: {  	[smem:$0x3FAC] =	sst s0;
	s0 =	simm.s32 @!p1 $0x0  }
0x14: {  	s2 =	sld [smem:$0x3F90];
	s0 =	simm.s32 @p1 $0x1  }
0x15: {  	[smem:$0x3FAD] =	sst s0;
	s0 =	simm.s32 @!p2 $0x0  }
0x16: {  	s3 =	sld [smem:$0x3FDB];
	s0 =	simm.s32 @p2 $0x1  }
0x17: {  	s4 =	simm.s32 $0x1BF5;
	[smem:$0x3FAF] =	sst s0  }
0x18: {  	s0 =	sld [smem:$0x3F92];
	_ =	swait.ge [sflag:s4], $0x0  }
0x19: {  	s7 =	sld [smem:$0x3F93]  }
0x1a: {  	s8 =	sadd.s32 $0xFFFFE003, lr  }
0x1b: {  	s9 =	sadd.s32 $0xFFFFFEF7, lr;
	s5 =	simm.s32 $0xFFFFFFFF;
	p2 =	slt.u32 s8, $0xFFFFF086  }
0x1c: {  	p1 =	slt.u32 s9, $0xF7A;
	s5 =	simm.s32 @!p2 $0x0  }
0x1d: {  	s5 =	simm.s32 @p1 $0x1;
	p0 =	seq.s32 s7, s2  }
0x1e: {  	s7 =	smul.u32 @!p0 $0xF7A, s2;
	p2 =	seq.s32 @!p0 s5, $0x0  }
0x1f: {  	s9 =	smul.u32 $0xF7A, s1;
	s8 =	simm.s32 @!p0 $0x1BF5;
	p2 =	por !p2, p0  }
0x20: {  	[sflag:s8] =	ssyncset.s32 @!p0 $0xFFFFF086;
	s6 =	sadd.s32 @!p0 s3, s7;
	s7 =	simm.s32 @!p0 $0x108  }
0x21: {  	s3 =	sadd.s32 s3, s9;
	s6 =	sadd.s32 @!p0 $0x88, s6;
	s7 =	simm.s32 @p2 $0x1082  }
0x22: {  	[simem:s7], [sflag:s8] =	dma.local @!p0 [hbm:s6], $0xF7A  }
0x23: {  	s9 =	sor.u32 $0xD0000000, s2;
	s6 =	simm.s32 $0x108;
	_ =	swait.ge @!p0 [sflag:s8], $0x0  }
0x24: {  	s3 =	sadd.s32 $0x88, s3;
	s6 =	simm.s32 @!p1 $0x1082;
	[sflag:s4] =	ssyncset.s32 $0xFFFFF086  }
0x25: {  	[simem:s6], [sflag:s4] =	dma.local [hbm:s3], $0xF7A  }
0x26: {  	[smem:$0x3F93] =	sst s1;
	(tag) =	ssettag s2;
	_ =	strace s9  }
0x27: {  	s1 =	sld [smem:$0x3FA3]  }
0x28: {  	s2 =	sld [smem:$0x3FA4]  }
0x29: {  	s4 =	sld [smem:$0x3FA6]  }
0x2a: {  	p0 =	seq.s32 s5, $0x0;
	s5 =	sld [smem:$0x3FA7]  }
0x2b: {  	s6 =	sld [smem:$0x3FA8]  }
0x2c: {  	s7 =	sld [smem:$0x3FA9]  }
0x2d: {  	s3 =	simm.s32 $0x108;
	s8 =	sld [smem:$0x3FAA]  }
0x2e: {  	s3 =	simm.s32 @!p0 $0x1082;
	s9 =	sld [smem:$0x3FAB]  }
0x2f: {  	lr =	sadd.s32 s0, s3;
	s0 =	sld [smem:$0x3FA2]  }
0x30: {  	s3 =	sld [smem:$0x3FA5]  }
0x31: {  	[smem:$0x3FAE] =	sst s10  }
0x32: {  	s10 =	sld [smem:$0x3FAC];
	_ =	sdelay $0x3  }
0x33: {  	p0 =	seq.s32 s10, $0x1;
	s10 =	sld [smem:$0x3FAE];
	_ =	sdelay $0x3  }
0x34: {  	[smem:$0x3FAE] =	sst s10  }
0x35: {  	s10 =	sld [smem:$0x3FAD];
	_ =	sdelay $0x3  }
0x36: {  	p1 =	seq.s32 s10, $0x1;
	s10 =	sld [smem:$0x3FAE];
	_ =	sdelay $0x3  }
0x37: {  	[smem:$0x3FAE] =	sst s10  }
0x38: {  	s10 =	sld [smem:$0x3FAF]  }
0x39: {  	_ = 	snop;
	(pc) =	sbr.ind lr, $3  }
0x3a: {  	_ = 	snop  }
0x3b: {  	_ = 	snop  }
0x3c: {  	p2 =	seq.s32 s10, $0x1;
	s10 =	sld [smem:$0x3FAE]  }
0x3d: {  	_ =	shalt  }
0x3e: {  	_ =	shalt  }
0x3f: {  	_ =	shalt  }
0x40: {  	_ =	shalt  }
0x41: {  	_ =	shalt  }
0x42: {  	_ =	shalt  }
0x43: {  	_ =	shalt  }
0x44: {  	_ =	shalt  }
0x45: {  	_ =	shalt  }
0x46: {  	_ =	shalt  }
0x47: {  	_ =	shalt  }
0x48: {  	_ =	shalt  }
0x49: {  	_ =	shalt  }
0x4a: {  	_ =	shalt  }
0x4b: {  	_ =	shalt  }
0x4c: {  	_ =	shalt  }
0x4d: {  	_ =	shalt  }
0x4e: {  	_ =	shalt  }
0x4f: {  	_ =	shalt  }
0x50: {  	_ =	shalt  }
0x51: {  	_ =	shalt  }
0x52: {  	_ =	shalt  }
0x53: {  	_ =	shalt  }
0x54: {  	_ =	shalt  }
0x55: {  	_ =	shalt  }
0x56: {  	_ =	shalt  }
0x57: {  	_ =	shalt  }
0x58: {  	_ =	shalt  }
0x59: {  	_ =	shalt  }
0x5a: {  	_ =	shalt  }
0x5b: {  	_ =	shalt  }
0x5c: {  	_ =	shalt  }
0x5d: {  	_ =	shalt  }
0x5e: {  	_ =	shalt  }
0x5f: {  	_ =	shalt  }
0x60: {  	_ =	shalt  }
0x61: {  	_ =	shalt  }
0x62: {  	_ =	shalt  }
0x63: {  	_ =	shalt  }
0x64: {  	_ =	shalt  }
0x65: {  	_ =	shalt  }
0x66: {  	_ =	shalt  }
0x67: {  	_ =	shalt  }
0x68: {  	_ =	shalt  }
0x69: {  	_ =	shalt  }
0x6a: {  	_ =	shalt  }
0x6b: {  	_ =	shalt  }
0x6c: {  	_ =	shalt  }
0x6d: {  	_ =	shalt  }
0x6e: {  	_ =	shalt  }
0x6f: {  	_ =	shalt  }
0x70: {  	_ =	shalt  }
0x71: {  	_ =	shalt  }
0x72: {  	_ =	shalt  }
0x73: {  	_ =	shalt  }
0x74: {  	_ =	shalt  }
0x75: {  	_ =	shalt  }
0x76: {  	_ =	shalt  }
0x77: {  	_ =	shalt  }
0x78: {  	_ =	shalt  }
0x79: {  	_ =	shalt  }
0x7a: {  	_ =	shalt  }
0x7b: {  	_ =	shalt  }
0x7c: {  	_ =	shalt  }
0x7d: {  	_ =	shalt  }
0x7e: {  	_ =	shalt  }
0x7f: {  	_ =	shalt  }
0x80: {  	_ =	shalt  }
0x81: {  	_ =	shalt  }
0x82: {  	_ =	shalt  }
0x83: {  	_ =	shalt  }
0x84: {  	_ =	shalt  }
0x85: {  	_ =	shalt  }
0x86: {  	_ =	shalt  }
0x87: {  	_ =	shalt  }
.Lfunc_end0:
.L_simem_size_0:
called_computation.4_lowered:
.L_overlay_start_0:
0x88: {  	s2 =	sld [smem:$0x3FD9]  }
0x89: {  	s3 =	sld [smem:$0x3FFE];
	_ =	sdelay $0x1  }
0x8a: {  	s1 =	srdreg.scid  }
0x8b: {  	s0 =	sand.u32 $0x1, s1  }
0x8c: {  	s16 =	sshll.u32 s0, $0xA;
	s2 =	sadd.s32 s3, s2  }
0x8d: {  	s2 =	sadd.s32 s2, s16  }
0x8e: {  	[smem:$0x3FBA] =	sst s2  }
0x8f: {  	_ = 	snop  }
0x90: {  	(tm) =	ssettm $0x1  }
0x91: {  	s17 =	sld [smem:$0x3FFB];
	_ =	sdelay $0x3  }
0x92: {  	_ =	strace s17  }
0x93: {  	s2 =	sld [smem:$0x3FFC];
	_ =	sdelay $0x3  }
0x94: {  	_ =	strace s2  }
0x95: {  	s2 =	sld [smem:$0x3FFD];
	_ =	sdelay $0x3  }
0x96: {  	_ =	strace s2  }
0x97: {  	_ =	strace $0x8FFFFFFF  }
0x98: {  	s18 =	sld [smem:$0x3FDB];
	_ =	sdelay $0x1  }
0x99: {  	s19 =	simm.s32 $_scs_section_size  }
0x9a: {  	s4 =	simm.s32 $_size__tile_overlayer_lowered;
	s5 =	simm.s32 $_tile_overlayer_lowered  }
0x9b: {  	s22 =	simm.s32 $0x1BFF;
	s21 =	sshll.u32 s5, $0x1;
	s2 =	sadd.s32 s19, s18  }
0x9c: {  	s6 =	simm.s32 $0x0;
	s20 =	sshll.u32 s4, $0x1;
	s4 =	sadd.s32 s21, s2  }
0x9d: {  	[timem:s6], [sflag:s22] =	dma.local [hbm:s4], s20  }
0x9e: {  	_ =	swait.ge [sflag:s22], s20  }
0x9f: {  	s3 =	ssub.s32 $0x0, s20;
	[sflag:s22] =	ssyncset.done $0x0  }
0xa0: {  	[sflag:s22] =	ssyncadd.s32 s3;
	_ =	sdelay $0x1  }
0xa1: {  	s23 =	simm.s32 $0x1B8B  }
0xa2: {  	_ =	swait.ge [sflag:s23], $0x1  }
0xa3: {  	[sflag:s23] =	ssyncset.done $0x0  }
0xa4: {  	s25 =	simm.s32 $0x1B8E;
	s24 =	sld [smem:$0x3FFE];
	[sflag:s23] =	ssyncadd.s32 $0xFFFFFFFF  }
0xa5: {  	s26 =	simm.s32 $execute0_lowered;
	[smem:$0x3FD2] =	sst s25  }
0xa6: {  	s4 =	sshll.u32 s26, $0x1;
	_ =	strace $0x80000052;
	[dreg:$0x1] =	wrdreg $0xFFFFFFFF  }
0xa7: {  	s28 =	simm.s32 $_size_execute0_lowered;
	s2 =	sadd.s32 s2, s4;
	[dreg:$0x0] =	wrdreg $0x0  }
0xa8: {  	s4 =	sshll.u32 s28, $0x1;
	[dreg:$0x2] =	wrdreg s2  }
0xa9: {  	[dreg:$0x3] =	wrdreg s4  }
0xaa: {  	[dreg:$0x4] =	wrdreg $0xC0  }
0xab: {  	_ =	task [dreg:s6], $0x5FFFF  }
0xac: {  	[dreg:$0x1] =	wrdreg $0xFFFFFFFF  }
0xad: {  	[dreg:$0x0] =	wrdreg $0x60  }
0xae: {  	[dreg:$0x2] =	wrdreg s24  }
0xaf: {  	[dreg:$0x3] =	wrdreg $0xC0000  }
0xb0: {  	[dreg:$0x4] =	wrdreg $0x9  }
0xb1: {  	_ =	task.clear_ibuf [dreg:s6], $0x5FFFF;
	_ =	strace $0x90000052  }
0xb2: {  	s29 =	simm.s32 $0x9;
	_ =	strace $0x80000054  }
0xb3: {  	_ =	swait.ge [sflag:s29], $0x1  }
0xb4: {  	[sflag:s29] =	ssyncadd.s32 $0xFFFFFFFF  }
0xb5: {  	_ =	strace $0x90000054  }
0xb6: {  	_ =	sfence  }
0xb7: {  	s30 =	sld [smem:$0x0];
	_ =	sdelay $0x2  }
0xb8: {  	s31 =	sshll.u32 s1, $0xD;
	s1 =	sshrl.u32 s1, $0x2  }
0xb9: {  	s3 =	sand.u32 $0x4000, s31;
	s1 =	sadd.s32 s1, s30  }
0xba: {  	s0 =	sor.u32 s3, s0;
	s1 =	sshll.u32 s1, $0x11  }
0xbb: {  	s0 =	sor.u32 s1, s0  }
0xbc: {  	s0 =	sadd.s32 $0x8F2B, s0  }
0xbd: {  	[sflag:s0] =	ssyncadd.remote.s32 $0x1  }
0xbe: {  	_ =	sfence.sel $0xFFFF  }
0xbf: {  	[dreg:$0x0] =	wrdreg $0xFFFFFFFF;
	(pc) =	sbr.abs _section_cstart, $3  }
0xc0: {  	[dreg:$0x1] =	wrdreg $0xFFFFFFFF  }
0xc1: {  	_ =	task.clear_ibuf [dreg:s6], $0x2FFFF;
	_ =	strace $0x9FFFFFFF  }
0xc2: {  	(tm) =	ssettm $0x7FFFFFFF  }
0xc3: {  	_ =	shalt  }
tec
execute0_lowered:
.L_overlay_start_1:
0x0: {  	(tag) =	ssettag $0x1  }
0x1: {  	s0 =	rddreg [dreg:$0x0]  }
0x2: {  	s2 =	rddreg [dreg:$0x1];
	s3 =	simm.s32 $0x0  }
0x3: {  	s1 =	srdreg.scid;
	s11 =	stileid.u32;
	s14 =	simm.s32 $0x80  }
0x4: {  	s15 =	simm.s32 $0x4000;
	s16 =	simm.s32 $0x8000;
	s17 =	simm.s32 $0x1  }
0x5: {  	s18 =	simm.s32 $0x4;
	s19 =	simm.s32 $0x2;
	s21 =	simm.s32 $0x700  }
0x6: {  	s22 =	simm.s32 $0x2680;
	s23 =	simm.s32 $0x780;
	s24 =	simm.s32 $0x2700  }
0x7: {  	s28 =	simm.s32 $0x2800;
	s29 =	simm.s32 $0x0;
	[smem:$0x7FF] =	sst s3  }
0x8: {  	s1 =	sand.u32 $0x1, s1;
	s7 =	smul.u32 $0x14000, s11;
	s6 =	sshll.u32 s11, $0xA  }
0x9: {  	s4 =	sadd.s32 $0x13000, s0;
	s10 =	smul.u32 $0x50000, s11;
	s31 =	sshll.u32 s11, $0x6  }
0xa: {  	s11 =	simm.s32 $0x2000;
	s5 =	sshll.u32 s1, $0xE;
	s8 =	smul.u32 $0x140000, s1  }
0xb: {  	_ =	strace $0x80000053;
	s26 =	ssub.s32 $0x2, s1;
	p0 =	sne.s32 s1, $0x0  }
0xc: {  	s12 =	sor.u32 $0x1C03, s31;
	s5 =	sor.u32 s6, s5;
	s9 =	sshrl.u32 s26, $0x1  }
0xd: {  	s30 =	sshrl.u32 s10, $0x2;
	s10 =	simm.s32 $0x3;
	s6 =	sadd.s32 s5, s0  }
.Ltmp0:
0xe: {  	s25 =	sadd.s32 s7, s8;
	s9 =	ssub.s32 s26, s9;
	(pc) =	sbr.rel .LBB2_1-.Ltmp0, $4  }
0xf: {  	s7 =	sshrl.u32 s7, $0x3;
	s13 =	sadd.s32 s30, s2;
	s26 =	simm.s32 $0x2780  }
0x10: {  	s5 =	sshrl.u32 s25, $0x3;
	s7 =	sadd.s32 s4, s7;
	s9 =	smax.u32 s9, $0x1  }
0x11: {  	s13 =	sshrl.u32 s13, $0x3;
	s25 =	simm.s32 $0x800;
	s0 =	sadd.s32 s5, s0  }
0x12: {  	s5 =	sadd.s32 $0xB000, s6;
	s6 =	sadd.s32 $0x3000, s6;
	s8 =	sadd.s32 $0x3B000, s0  }
.LBB2_7:
0x13: {  	[tilespmem:s16], [sflag:$0x2] =	stream.indirect.gather [hbm4b:s4+s14], $0x80, s14, s14, $0xb8;
	v63 =	vld [tilespmem:$0x0]  }
0x14: {  	_ =	swait.ge [sflag:s17], $0x4000  }
0x15: {  	[sflag:s17] =	ssyncset.done $0x0  }
0x16: {  	s30 =	simm.s32 $0x4;
	[sflag:s17] =	ssyncadd.s32 $0xFFFFC000  }
0x17: {  	[spmem:s2] =	stream.indirect.scatter.add.f32 [tilespmem:s15], [sflag:$0x4], $0x80, s11, s14, $0xb8;
	v63 =	vld [tilespmem:$0x0]  }
0x18: {  	_ =	swait.ge [sflag:s30], $0x4000  }
0x19: {  	[sflag:s30] =	ssyncset.done $0x0  }
0x1a: {  	s0 =	simm.s32 $0x100;
	[sflag:s30] =	ssyncadd.s32 $0xFFFFC000  }
0x1b: {  	[tilespmem:s15], [sflag:$0x1] =	stream.indirect.gather [hbm4b:s4+s14], $0x80, s0, s14, $0xb8;
	v63 =	vld [tilespmem:$0x0]  }
0x1c: {  	_ =	swait.ge [sflag:s19], $0x4000  }
0x1d: {  	[sflag:s19] =	ssyncset.done $0x0  }
0x1e: {  	s20 =	simm.s32 $0x2080;
	[sflag:s19] =	ssyncadd.s32 $0xFFFFC000  }
0x1f: {  	[spmem:s2] =	stream.indirect.scatter.add.f32 [tilespmem:s16], [sflag:$0x3], $0x80, s20, s14, $0xb8;
	v63 =	vld [tilespmem:$0x0]  }
0x20: {  	_ =	swait.ge [sflag:s10], $0x4000  }
0x21: {  	[sflag:s10] =	ssyncset.done $0x0  }
0x22: {  	s31 =	simm.s32 $0x180;
	[sflag:s10] =	ssyncadd.s32 $0xFFFFC000  }
0x23: {  	[tilespmem:s16], [sflag:$0x2] =	stream.indirect.gather [hbm4b:s4+s14], $0x80, s31, s14, $0xb8;
	v63 =	vld [tilespmem:$0x0]  }
0x24: {  	_ =	swait.ge [sflag:s17], $0x4000  }
0x25: {  	[sflag:s17] =	ssyncset.done $0x0  }
0x26: {  	s1 =	simm.s32 $0x2100;
	[sflag:s17] =	ssyncadd.s32 $0xFFFFC000  }
0x27: {  	[spmem:s2] =	stream.indirect.scatter.add.f32 [tilespmem:s15], [sflag:$0x4], $0x80, s1, s14, $0xb8;
	v63 =	vld [tilespmem:$0x0]  }
0x28: {  	_ =	swait.ge [sflag:s30], $0x4000  }
0x29: {  	[sflag:s30] =	ssyncset.done $0x0  }
0x2a: {  	s20 =	simm.s32 $0x200;
	[sflag:s30] =	ssyncadd.s32 $0xFFFFC000  }
0x2b: {  	[tilespmem:s15], [sflag:$0x1] =	stream.indirect.gather [hbm4b:s4+s14], $0x80, s20, s14, $0xb8;
	v63 =	vld [tilespmem:$0x0]  }
0x2c: {  	_ =	swait.ge [sflag:s19], $0x4000  }
0x2d: {  	[sflag:s19] =	ssyncset.done $0x0  }
0x2e: {  	s31 =	simm.s32 $0x2180;
	[sflag:s19] =	ssyncadd.s32 $0xFFFFC000  }
0x2f: {  	[spmem:s2] =	stream.indirect.scatter.add.f32 [tilespmem:s16], [sflag:$0x3], $0x80, s31, s14, $0xb8;
	v63 =	vld [tilespmem:$0x0]  }
0x30: {  	_ =	swait.ge [sflag:s10], $0x4000  }
0x31: {  	[sflag:s10] =	ssyncset.done $0x0  }
0x32: {  	s1 =	simm.s32 $0x280;
	[sflag:s10] =	ssyncadd.s32 $0xFFFFC000  }
0x33: {  	[tilespmem:s16], [sflag:$0x2] =	stream.indirect.gather [hbm4b:s4+s14], $0x80, s1, s14, $0xb8;
	v63 =	vld [tilespmem:$0x0]  }
0x34: {  	_ =	swait.ge [sflag:s17], $0x4000  }
0x35: {  	[sflag:s17] =	ssyncset.done $0x0  }
0x36: {  	s20 =	simm.s32 $0x2200;
	[sflag:s17] =	ssyncadd.s32 $0xFFFFC000  }
0x37: {  	[spmem:s2] =	stream.indirect.scatter.add.f32 [tilespmem:s15], [sflag:$0x4], $0x80, s20, s14, $0xb8;
	v63 =	vld [tilespmem:$0x0]  }
0x38: {  	_ =	swait.ge [sflag:s30], $0x4000  }
0x39: {  	[sflag:s30] =	ssyncset.done $0x0  }
0x3a: {  	s31 =	simm.s32 $0x300;
	[sflag:s30] =	ssyncadd.s32 $0xFFFFC000  }
0x3b: {  	[tilespmem:s15], [sflag:$0x1] =	stream.indirect.gather [hbm4b:s4+s14], $0x80, s31, s14, $0xb8;
	v63 =	vld [tilespmem:$0x0]  }
0x3c: {  	_ =	swait.ge [sflag:s19], $0x4000  }
0x3d: {  	[sflag:s19] =	ssyncset.done $0x0  }
0x3e: {  	s1 =	simm.s32 $0x2280;
	[sflag:s19] =	ssyncadd.s32 $0xFFFFC000  }
0x3f: {  	[spmem:s2] =	stream.indirect.scatter.add.f32 [tilespmem:s16], [sflag:$0x3], $0x80, s1, s14, $0xb8;
	v63 =	vld [tilespmem:$0x0]  }
0x40: {  	_ =	swait.ge [sflag:s10], $0x4000  }
0x41: {  	[sflag:s10] =	ssyncset.done $0x0  }
0x42: {  	s20 =	simm.s32 $0x380;
	[sflag:s10] =	ssyncadd.s32 $0xFFFFC000  }
0x43: {  	[tilespmem:s16], [sflag:$0x2] =	stream.indirect.gather [hbm4b:s4+s14], $0x80, s20, s14, $0xb8;
	v63 =	vld [tilespmem:$0x0]  }
0x44: {  	_ =	swait.ge [sflag:s17], $0x4000  }
0x45: {  	[sflag:s17] =	ssyncset.done $0x0  }
0x46: {  	s31 =	simm.s32 $0x2300;
	[sflag:s17] =	ssyncadd.s32 $0xFFFFC000  }
0x47: {  	[spmem:s2] =	stream.indirect.scatter.add.f32 [tilespmem:s15], [sflag:$0x4], $0x80, s31, s14, $0xb8;
	v63 =	vld [tilespmem:$0x0]  }
0x48: {  	_ =	swait.ge [sflag:s30], $0x4000  }
0x49: {  	[sflag:s30] =	ssyncset.done $0x0  }
0x4a: {  	s1 =	simm.s32 $0x400;
	[sflag:s30] =	ssyncadd.s32 $0xFFFFC000  }
0x4b: {  	[tilespmem:s15], [sflag:$0x1] =	stream.indirect.gather [hbm4b:s4+s14], $0x80, s1, s14, $0xb8;
	v63 =	vld [tilespmem:$0x0]  }
0x4c: {  	_ =	swait.ge [sflag:s19], $0x4000  }
0x4d: {  	[sflag:s19] =	ssyncset.done $0x0  }
0x4e: {  	s20 =	simm.s32 $0x2380;
	[sflag:s19] =	ssyncadd.s32 $0xFFFFC000  }
0x4f: {  	[spmem:s2] =	stream.indirect.scatter.add.f32 [tilespmem:s16], [sflag:$0x3], $0x80, s20, s14, $0xb8;
	v63 =	vld [tilespmem:$0x0]  }
0x50: {  	_ =	swait.ge [sflag:s10], $0x4000  }
0x51: {  	[sflag:s10] =	ssyncset.done $0x0  }
0x52: {  	s31 =	simm.s32 $0x480;
	[sflag:s10] =	ssyncadd.s32 $0xFFFFC000  }
0x53: {  	[tilespmem:s16], [sflag:$0x2] =	stream.indirect.gather [hbm4b:s4+s14], $0x80, s31, s14, $0xb8;
	v63 =	vld [tilespmem:$0x0]  }
0x54: {  	_ =	swait.ge [sflag:s17], $0x4000  }
0x55: {  	[sflag:s17] =	ssyncset.done $0x0  }
0x56: {  	s1 =	simm.s32 $0x2400;
	[sflag:s17] =	ssyncadd.s32 $0xFFFFC000  }
0x57: {  	[spmem:s2] =	stream.indirect.scatter.add.f32 [tilespmem:s15], [sflag:$0x4], $0x80, s1, s14, $0xb8;
	v63 =	vld [tilespmem:$0x0]  }
0x58: {  	_ =	swait.ge [sflag:s30], $0x4000  }
0x59: {  	[sflag:s30] =	ssyncset.done $0x0  }
0x5a: {  	s20 =	simm.s32 $0x500;
	[sflag:s30] =	ssyncadd.s32 $0xFFFFC000  }
0x5b: {  	[tilespmem:s15], [sflag:$0x1] =	stream.indirect.gather [hbm4b:s4+s14], $0x80, s20, s14, $0xb8;
	v63 =	vld [tilespmem:$0x0]  }
0x5c: {  	_ =	swait.ge [sflag:s19], $0x4000  }
0x5d: {  	[sflag:s19] =	ssyncset.done $0x0  }
0x5e: {  	s31 =	simm.s32 $0x2480;
	[sflag:s19] =	ssyncadd.s32 $0xFFFFC000  }
0x5f: {  	[spmem:s2] =	stream.indirect.scatter.add.f32 [tilespmem:s16], [sflag:$0x3], $0x80, s31, s14, $0xb8;
	v63 =	vld [tilespmem:$0x0]  }
0x60: {  	_ =	swait.ge [sflag:s10], $0x4000  }
0x61: {  	[sflag:s10] =	ssyncset.done $0x0  }
0x62: {  	s1 =	simm.s32 $0x580;
	[sflag:s10] =	ssyncadd.s32 $0xFFFFC000  }
0x63: {  	[tilespmem:s16], [sflag:$0x2] =	stream.indirect.gather [hbm4b:s4+s14], $0x80, s1, s14, $0xb8;
	v63 =	vld [tilespmem:$0x0]  }
0x64: {  	_ =	swait.ge [sflag:s17], $0x4000  }
0x65: {  	[sflag:s17] =	ssyncset.done $0x0  }
0x66: {  	s20 =	simm.s32 $0x2500;
	[sflag:s17] =	ssyncadd.s32 $0xFFFFC000  }
0x67: {  	[spmem:s2] =	stream.indirect.scatter.add.f32 [tilespmem:s15], [sflag:$0x4], $0x80, s20, s14, $0xb8;
	v63 =	vld [tilespmem:$0x0]  }
0x68: {  	_ =	swait.ge [sflag:s30], $0x4000  }
0x69: {  	[sflag:s30] =	ssyncset.done $0x0  }
0x6a: {  	s31 =	simm.s32 $0x600;
	[sflag:s30] =	ssyncadd.s32 $0xFFFFC000  }
0x6b: {  	[tilespmem:s15], [sflag:$0x1] =	stream.indirect.gather [hbm4b:s4+s14], $0x80, s31, s14, $0xb8;
	v63 =	vld [tilespmem:$0x0]  }
0x6c: {  	_ =	swait.ge [sflag:s19], $0x4000  }
0x6d: {  	[sflag:s19] =	ssyncset.done $0x0  }
0x6e: {  	s1 =	simm.s32 $0x2580;
	[sflag:s19] =	ssyncadd.s32 $0xFFFFC000  }
0x6f: {  	[spmem:s2] =	stream.indirect.scatter.add.f32 [tilespmem:s16], [sflag:$0x3], $0x80, s1, s14, $0xb8;
	v63 =	vld [tilespmem:$0x0]  }
0x70: {  	_ =	swait.ge [sflag:s10], $0x4000  }
0x71: {  	[sflag:s10] =	ssyncset.done $0x0  }
0x72: {  	s20 =	simm.s32 $0x680;
	[sflag:s10] =	ssyncadd.s32 $0xFFFFC000  }
0x73: {  	[tilespmem:s16], [sflag:$0x2] =	stream.indirect.gather [hbm4b:s4+s14], $0x80, s20, s14, $0xb8;
	v63 =	vld [tilespmem:$0x0]  }
0x74: {  	_ =	swait.ge [sflag:s17], $0x4000  }
0x75: {  	[sflag:s17] =	ssyncset.done $0x0  }
0x76: {  	s31 =	simm.s32 $0x2600;
	[sflag:s17] =	ssyncadd.s32 $0xFFFFC000  }
0x77: {  	[spmem:s2] =	stream.indirect.scatter.add.f32 [tilespmem:s15], [sflag:$0x4], $0x80, s31, s14, $0xb8;
	v63 =	vld [tilespmem:$0x0]  }
0x78: {  	_ =	swait.ge [sflag:s30], $0x4000  }
0x79: {  	[sflag:s30] =	ssyncset.done $0x0  }
0x7a: {  	[sflag:s30] =	ssyncadd.s32 $0xFFFFC000  }
0x7b: {  	[tilespmem:s15], [sflag:$0x1] =	stream.indirect.gather [hbm4b:s4+s14], $0x80, s21, s14, $0xb8;
	v63 =	vld [tilespmem:$0x0]  }
0x7c: {  	_ =	swait.ge [sflag:s19], $0x4000  }
0x7d: {  	[sflag:s19] =	ssyncset.done $0x0  }
0x7e: {  	[sflag:s19] =	ssyncadd.s32 $0xFFFFC000  }
0x7f: {  	[spmem:s2] =	stream.indirect.scatter.add.f32 [tilespmem:s16], [sflag:$0x3], $0x80, s22, s14, $0xb8;
	v63 =	vld [tilespmem:$0x0]  }
0x80: {  	_ =	swait.ge [sflag:s10], $0x4000  }
0x81: {  	[sflag:s10] =	ssyncset.done $0x0  }
0x82: {  	[sflag:s10] =	ssyncadd.s32 $0xFFFFC000  }
0x83: {  	[tilespmem:s16], [sflag:$0x2] =	stream.indirect.gather [hbm4b:s4+s14], $0x80, s23, s14, $0xb8;
	v63 =	vld [tilespmem:$0x0]  }
0x84: {  	_ =	swait.ge [sflag:s17], $0x4000  }
0x85: {  	[sflag:s17] =	ssyncset.done $0x0  }
0x86: {  	[sflag:s17] =	ssyncadd.s32 $0xFFFFC000  }
0x87: {  	[spmem:s2] =	stream.indirect.scatter.add.f32 [tilespmem:s15], [sflag:$0x4], $0x80, s24, s14, $0xb8;
	v63 =	vld [tilespmem:$0x0]  }
0x88: {  	_ =	swait.ge [sflag:s30], $0x4000  }
0x89: {  	[sflag:s30] =	ssyncset.done $0x0  }
0x8a: {  	[sflag:s30] =	ssyncadd.s32 $0xFFFFC000  }
0x8b: {  	[tilespmem:s15], [sflag:$0x1] =	stream.indirect.gather [hbm4b:s4+s14], $0x80, s25, s14, $0xb8;
	v63 =	vld [tilespmem:$0x0]  }
0x8c: {  	_ =	swait.ge [sflag:s19], $0x4000  }
0x8d: {  	[sflag:s19] =	ssyncset.done $0x0  }
0x8e: {  	[sflag:s19] =	ssyncadd.s32 $0xFFFFC000  }
0x8f: {  	[spmem:s2] =	stream.indirect.scatter.add.f32 [tilespmem:s16], [sflag:$0x3], $0x80, s26, s14, $0xb8;
	v63 =	vld [tilespmem:$0x0]  }
0x90: {  	_ =	swait.ge [sflag:s10], $0x4000  }
0x91: {  	[sflag:s10] =	ssyncset.done $0x0  }
0x92: {  	[sflag:s10] =	ssyncadd.s32 $0xFFFFC000  }
0x93: {  	_ =	swait.ge [sflag:s17], $0x4000  }
0x94: {  	[sflag:s17] =	ssyncset.done $0x0  }
0x95: {  	[sflag:s17] =	ssyncadd.s32 $0xFFFFC000  }
0x96: {  	[spmem:s2] =	stream.indirect.scatter.add.f32 [tilespmem:s15], [sflag:$0x4], $0x80, s28, s14, $0xb8;
	v63 =	vld [tilespmem:$0x0]  }
.LBB2_5:
0x97: {  	_ =	swait.ge [sflag:s30], $0x4000  }
0x98: {  	s29 =	sadd.s32 $0x1, s29;
	[sflag:s30] =	ssyncset.done $0x0  }
0x99: {  	p1 =	sne.s32 s29, s9;
	[sflag:s30] =	ssyncadd.s32 $0xFFFFC000  }
.Ltmp1:
0x9a: {  	[bflag:$0x0] =	sbarrier.arrive $0xFFFF;
	(pc) =	sbr.rel @!p1 .LBB2_6-.Ltmp1, $4  }
0x9b: {  	[hbm:s8], [sflag:s12] =	dma.local [spmem:s13], $0x2800  }
0x9c: {  	_ =	swait.ge [sflag:s10], $0x2800  }
0x9d: {  	[sflag:s10] =	ssyncset.done $0x0  }
0x9e: {  	[sflag:s10] =	ssyncadd.s32 $0xFFFFD800  }
.LBB2_1:
0x9f: {  	[tilespmem:s3], [sflag:$0x3] =	stream.linear.gather [hbm4b:s5+s3], $0x1F00, $0x38;
	v63 =	vld [tilespmem:$0x0]  }
0xa0: {  	_ =	swait.ge [sflag:s10], $0x1F00  }
0xa1: {  	[sflag:s10] =	ssyncset.done $0x0  }
0xa2: {  	[sflag:s10] =	ssyncadd.s32 $0xFFFFE100  }
0xa3: {  	[tilespmem:s11], [sflag:$0x3] =	stream.linear.gather [hbm4b:s6+s3], $0x1F00, $0x38;
	v63 =	vld [tilespmem:$0x0]  }
0xa4: {  	_ =	swait.ge [sflag:s10], $0x1F00  }
0xa5: {  	[sflag:s10] =	ssyncset.done $0x0  }
0xa6: {  	[sflag:s10] =	ssyncadd.s32 $0xFFFFE100  }
0xa7: {  	[spmem:s13], [sflag:s12] =	dma.local [hbm:s7], $0x2800  }
0xa8: {  	_ =	swait.ge [sflag:s10], $0x2800  }
.Ltmp2:
0xa9: {  	[sflag:s10] =	ssyncset.done $0x0;
	(pc) =	sbr.rel @p0 .LBB2_7-.Ltmp2, $3  }
0xaa: {  	[sflag:s10] =	ssyncadd.s32 $0xFFFFD800  }
0xab: {  	[tilespmem:s15], [sflag:$0x1] =	stream.indirect.gather [hbm4b:s4+s14], $0x80, s3, s14, $0xb8;
	v63 =	vld [tilespmem:$0x0]  }
0xac: {  	[bflag:$0x0] =	sbarrier.arrive $0xFFFF;
	_ =	sdelay $0x1  }
0xad: {  	s30 =	simm.s32 $0x80  }
0xae: {  	[tilespmem:s16], [sflag:$0x2] =	stream.indirect.gather [hbm4b:s4+s14], $0x80, s30, s14, $0xb8;
	v63 =	vld [tilespmem:$0x0]  }
0xaf: {  	_ =	swait.ge [sflag:s17], $0x4000  }
0xb0: {  	[sflag:s17] =	ssyncset.done $0x0  }
0xb1: {  	s30 =	simm.s32 $0x2000;
	[sflag:s17] =	ssyncadd.s32 $0xFFFFC000  }
0xb2: {  	[spmem:s2] =	stream.indirect.scatter.add.f32 [tilespmem:s15], [sflag:$0x4], $0x80, s30, s14, $0xb8;
	v63 =	vld [tilespmem:$0x0]  }
0xb3: {  	_ =	swait.ge [sflag:s18], $0x4000  }
0xb4: {  	[sflag:s18] =	ssyncset.done $0x0  }
0xb5: {  	s30 =	simm.s32 $0x100;
	[sflag:s18] =	ssyncadd.s32 $0xFFFFC000  }
0xb6: {  	[tilespmem:s15], [sflag:$0x1] =	stream.indirect.gather [hbm4b:s4+s14], $0x80, s30, s14, $0xb8;
	v63 =	vld [tilespmem:$0x0]  }
0xb7: {  	_ =	swait.ge [sflag:s19], $0x4000  }
0xb8: {  	[sflag:s19] =	ssyncset.done $0x0  }
0xb9: {  	s30 =	simm.s32 $0x2080;
	[sflag:s19] =	ssyncadd.s32 $0xFFFFC000  }
0xba: {  	[spmem:s2] =	stream.indirect.scatter.add.f32 [tilespmem:s16], [sflag:$0x3], $0x80, s30, s14, $0xb8;
	v63 =	vld [tilespmem:$0x0]  }
0xbb: {  	_ =	swait.ge [sflag:s10], $0x4000  }
0xbc: {  	s31 =	simm.s32 $0x800;
	s30 =	simm.s32 $0x100;
	[sflag:s10] =	ssyncset.done $0x0  }
.LBB2_3:
0xbd: {  	s0 =	sadd.s32 $0x80, s30  }
0xbe: {  	[sflag:s10] =	ssyncadd.s32 $0xFFFFC000;
	s1 =	smov.u32 s31;
	s20 =	sadd.s32 $0x400, s31  }
0xbf: {  	[tilespmem:s16], [sflag:$0x2] =	stream.indirect.gather [hbm4b:s4+s14], $0x80, s0, s14, $0xb8;
	v63 =	vld [tilespmem:$0x0]  }
0xc0: {  	p1 =	seq.s32 s31, $0x7400;
	_ =	swait.ge [sflag:s17], $0x4000  }
0xc1: {  	[sflag:s17] =	ssyncset.done $0x0  }
0xc2: {  	s0 =	sadd.s32 $0x2000, s30;
	[sflag:s17] =	ssyncadd.s32 $0xFFFFC000  }
0xc3: {  	[spmem:s2] =	stream.indirect.scatter.add.f32 [tilespmem:s15], [sflag:$0x4], $0x80, s0, s14, $0xb8;
	v63 =	vld [tilespmem:$0x0]  }
0xc4: {  	_ =	swait.ge [sflag:s18], $0x4000  }
0xc5: {  	[sflag:s18] =	ssyncset.done $0x0  }
0xc6: {  	s0 =	sadd.s32 $0x100, s30;
	[sflag:s18] =	ssyncadd.s32 $0xFFFFC000  }
0xc7: {  	[tilespmem:s15], [sflag:$0x1] =	stream.indirect.gather [hbm4b:s4+s14], $0x80, s0, s14, $0xb8;
	v63 =	vld [tilespmem:$0x0]  }
0xc8: {  	_ =	swait.ge [sflag:s19], $0x4000  }
.Ltmp3:
0xc9: {  	[sflag:s19] =	ssyncset.done $0x0;
	(pc) =	sbr.rel @!p1 .LBB2_3-.Ltmp3, $4  }
0xca: {  	s0 =	sadd.s32 $0x2080, s30;
	[sflag:s19] =	ssyncadd.s32 $0xFFFFC000  }
0xcb: {  	[spmem:s2] =	stream.indirect.scatter.add.f32 [tilespmem:s16], [sflag:$0x3], $0x80, s0, s14, $0xb8;
	v63 =	vld [tilespmem:$0x0]  }
0xcc: {  	_ =	swait.ge [sflag:s10], $0x4000  }
0xcd: {  	s31 =	smov.u32 s20;
	s30 =	sshra.s32 s1, $0x2;
	[sflag:s10] =	ssyncset.done $0x0  }
0xce: {  	s0 =	sadd.s32 $0x80, s30;
	[sflag:s10] =	ssyncadd.s32 $0xFFFFC000  }
0xcf: {  	[tilespmem:s16], [sflag:$0x2] =	stream.indirect.gather [hbm4b:s4+s14], $0x80, s0, s14, $0xb8;
	v63 =	vld [tilespmem:$0x0]  }
0xd0: {  	_ =	swait.ge [sflag:s17], $0x4000  }
0xd1: {  	[sflag:s17] =	ssyncset.done $0x0  }
0xd2: {  	s1 =	sadd.s32 $0x2000, s30;
	[sflag:s17] =	ssyncadd.s32 $0xFFFFC000  }
0xd3: {  	[spmem:s2] =	stream.indirect.scatter.add.f32 [tilespmem:s15], [sflag:$0x4], $0x80, s1, s14, $0xb8;
	v63 =	vld [tilespmem:$0x0]  }
0xd4: {  	_ =	swait.ge [sflag:s18], $0x4000  }
0xd5: {  	[sflag:s18] =	ssyncset.done $0x0  }
0xd6: {  	s20 =	sadd.s32 $0x100, s30;
	[sflag:s18] =	ssyncadd.s32 $0xFFFFC000  }
0xd7: {  	[tilespmem:s15], [sflag:$0x1] =	stream.indirect.gather [hbm4b:s4+s14], $0x80, s20, s14, $0xb8;
	v63 =	vld [tilespmem:$0x0]  }
0xd8: {  	_ =	swait.ge [sflag:s19], $0x4000  }
0xd9: {  	[sflag:s19] =	ssyncset.done $0x0  }
0xda: {  	s31 =	sadd.s32 $0x2080, s30;
	[sflag:s19] =	ssyncadd.s32 $0xFFFFC000  }
0xdb: {  	[spmem:s2] =	stream.indirect.scatter.add.f32 [tilespmem:s16], [sflag:$0x3], $0x80, s31, s14, $0xb8;
	v63 =	vld [tilespmem:$0x0]  }
0xdc: {  	_ =	swait.ge [sflag:s10], $0x4000  }
0xdd: {  	[sflag:s10] =	ssyncset.done $0x0  }
0xde: {  	s1 =	simm.s32 $0x1E80;
	[sflag:s10] =	ssyncadd.s32 $0xFFFFC000  }
0xdf: {  	[tilespmem:s16], [sflag:$0x2] =	stream.indirect.gather [hbm4b:s4+s14], $0x80, s1, s14, $0xb8;
	v63 =	vld [tilespmem:$0x0]  }
0xe0: {  	_ =	swait.ge [sflag:s17], $0x4000  }
0xe1: {  	[sflag:s17] =	ssyncset.done $0x0  }
0xe2: {  	s20 =	simm.s32 $0x3E00;
	[sflag:s17] =	ssyncadd.s32 $0xFFFFC000  }
0xe3: {  	[spmem:s2] =	stream.indirect.scatter.add.f32 [tilespmem:s15], [sflag:$0x4], $0x80, s20, s14, $0xb8;
	v63 =	vld [tilespmem:$0x0]  }
0xe4: {  	_ =	swait.ge [sflag:s18], $0x4000  }
0xe5: {  	[sflag:s18] =	ssyncset.done $0x0  }
.Ltmp4:
0xe6: {  	[sflag:s18] =	ssyncadd.s32 $0xFFFFC000;
	(pc) =	sbr.rel .LBB2_5-.Ltmp4, $4  }
0xe7: {  	_ =	swait.ge [sflag:s19], $0x4000  }
0xe8: {  	[sflag:s19] =	ssyncset.done $0x0  }
0xe9: {  	s30 =	simm.s32 $0x3;
	s31 =	simm.s32 $0x3E80;
	[sflag:s19] =	ssyncadd.s32 $0xFFFFC000  }
0xea: {  	[spmem:s2] =	stream.indirect.scatter.add.f32 [tilespmem:s16], [sflag:$0x3], $0x80, s31, s14, $0xb8;
	v63 =	vld [tilespmem:$0x0]  }
.LBB2_6:
0xeb: {  	_ =	sfence.sel $0x180000  }
0xec: {  	[bflag:$0x0] =	sbarrier.arrive $0xFFFF  }
0xed: {  	_ =	strace $0x90000053  }
0xee: {  	s0 =	stileid.u32;
	[bflag:$0x2] =	sbarrier.arrive $0xFFFF  }
0xef: {  	p0 =	sne.s32 s0, $0x0;
	s0 =	rddreg [dreg:$0x2]  }
0xf0: {  	s0 =	sadd.s32 @!p0 $0x100000, s0  }
0xf1: {  	[sflag:s0] =	ssyncadd.tile.s32 @!p0 $0x1;
	_ =	shalt  }
.Lfunc_end2:
_tile_overlayer_lowered:
.L_overlay_start_2:
0xf2: {  	(tag) =	ssettag $0x2  }
0xf3: {  	s0 =	rddreg [dreg:$0x0];
	s2 =	stileid.u32  }
0xf4: {  	s1 =	rddreg [dreg:$0x1];
	p0 =	sne.s32 s2, $0x0  }
0xf5: {  	s3 =	rddreg [dreg:$0x2];
	[bflag:$0x3] =	sbarrier.arrive $0xFFFF;
	s2 =	simm.s32 @!p0 $0x1C03  }
0xf6: {  	[timem:s3], [sflag:s2] =	dma.local @!p0 [hbm:s0], s1  }
0xf7: {  	s0 =	simm.s32 @!p0 $0x3  }
0xf8: {  	_ =	swait.ge @!p0 [sflag:s0], s1  }
0xf9: {  	s1 =	ssub.s32 @!p0 $0x0, s1;
	[sflag:s0] =	ssyncset.done @!p0 $0x0  }
0xfa: {  	[sflag:s0] =	ssyncadd.s32 @!p0 s1  }
0xfb: {  	[bflag:$0x3] =	sbarrier.arrive $0xFFFF  }
0xfc: {  	_ =	shalt  }

</sc_bundles>
